<compile_context>
chip_gen: v7x
topology: tpu7x:2x2x1
jax: 0.10.2.dev20260603
libtpu: 0.0.44.dev20260713+nightly
codegen_flags: <defaults>
</compile_context>

<pallas_src>
import functools

import jax
import jax.numpy as jnp
from jax import lax
from jax.experimental import pallas as pl
from jax.experimental.pallas import tpu as pltpu
from jax.experimental.pallas import tpu_sc as plsc

N = 10000
E = 320000
D = 128
H = 256
C = 10

NPAD = 10112
RB = NPAD // 16
KD = 80
DROWS = E // KD
K = 80
EROWS = E // K

NC = 2
NS = 16
NCH = EROWS // NS


def _f32(shape):
  return jax.ShapeDtypeStruct(shape, jnp.float32)


@functools.lru_cache(maxsize=None)
def _sc_mesh():
  return plsc.VectorSubcoreMesh(
      core_axis_name="c", subcore_axis_name="s", num_cores=NC, num_subcores=NS)


DEGW = 8


def _sc_degree_body(dst_hbm, zeros_hbm, ones_hbm, out_hbm, dstv, onesv, acc,
                    dsem):
  c = lax.axis_index("c")
  s = lax.axis_index("s")
  nch = DROWS // (NC * NS)
  row0 = s * RB
  pltpu.sync_copy(zeros_hbm.at[pl.ds(row0, RB)], acc.at[pl.ds(row0, RB)])
  pltpu.sync_copy(ones_hbm, onesv)
  pltpu.sync_copy(dst_hbm.at[c * NS + s], dstv)
  plsc.subcore_barrier()

  grp = 25

  def body(i, carry):
    j = grp * i
    cps = [
        pltpu.async_copy(onesv, acc.at[dstv.at[j + b]], dsem, add=True)
        for b in range(grp)
    ]
    for cp in cps:
      cp.wait()
    return carry

  lax.fori_loop(0, nch // grp, body, 0)
  plsc.subcore_barrier()
  pltpu.sync_copy(acc.at[pl.ds(row0, RB)], out_hbm.at[c].at[pl.ds(row0, RB)])


@functools.lru_cache(maxsize=None)
def _sc_degree(w=DEGW):
  return pl.kernel(
      _sc_degree_body,
      out_type=_f32((NC, NPAD, w)),
      mesh=_sc_mesh(),
      scratch_types=[
          pltpu.VMEM((DROWS // (NC * NS), KD), jnp.int32),
          pltpu.VMEM((KD, w), jnp.float32),
          pltpu.VMEM_SHARED((NPAD, w), jnp.float32),
          pltpu.SemaphoreType.DMA,
      ],
      compiler_params=pltpu.CompilerParams(use_tc_tiling_on_sc=False),
  )


NBUF = 5


def _spmv_pass(gq, outq, srcv, dstv, rowbuf, acc, gsem, ssem, row0):
  pltpu.sync_copy(gq.at[pl.ds(row0, RB)], acc.at[pl.ds(row0, RB)])
  plsc.subcore_barrier()

  ng = NCH // NBUF

  def body(i, carry):
    j = NBUF * i
    for b in range(NBUF):
      @pl.when(i > 0)
      def _():
        pltpu.make_async_copy(rowbuf.at[b], acc.at[dstv.at[j + b]],
                              ssem.at[b]).wait()
      pltpu.async_copy(gq.at[srcv.at[j + b]], rowbuf.at[b], gsem.at[b])
    for b in range(NBUF):
      pltpu.make_async_copy(gq.at[srcv.at[j + b]], rowbuf.at[b],
                            gsem.at[b]).wait()
      pltpu.async_copy(rowbuf.at[b], acc.at[dstv.at[j + b]], ssem.at[b],
                       add=True)
    return carry

  lax.fori_loop(0, ng, body, 0)
  for b in range(NBUF):
    pltpu.make_async_copy(rowbuf.at[b], acc.at[dstv.at[0]], ssem.at[b]).wait()
  plsc.subcore_barrier()
  pltpu.sync_copy(acc.at[pl.ds(row0, RB)], outq.at[pl.ds(row0, RB)])


def _sc_spmv_body(g_hbm, src_hbm, dst_hbm, out_hbm, srcv, dstv, rowbuf, acc,
                  gsem, ssem):
  c = lax.axis_index("c")
  s = lax.axis_index("s")
  row0 = s * RB
  pltpu.sync_copy(src_hbm.at[s], srcv)
  pltpu.sync_copy(dst_hbm.at[s], dstv)
  _spmv_pass(g_hbm.at[c], out_hbm.at[c], srcv, dstv, rowbuf, acc, gsem, ssem,
             row0)


@functools.lru_cache(maxsize=None)
def _sc_spmv(w):
  return pl.kernel(
      _sc_spmv_body,
      out_type=_f32((NC, NPAD, w)),
      mesh=_sc_mesh(),
      scratch_types=[
          pltpu.VMEM((NCH, K), jnp.int32),
          pltpu.VMEM((NCH, K), jnp.int32),
          pltpu.VMEM((NBUF, K, w), jnp.float32),
          pltpu.VMEM_SHARED((NPAD, w), jnp.float32),
          pltpu.SemaphoreType.DMA((NBUF,)),
          pltpu.SemaphoreType.DMA((NBUF,)),
      ],
      compiler_params=pltpu.CompilerParams(use_tc_tiling_on_sc=False),
  )


def _sc_spmv4_body(g_hbm, src_hbm, dst_hbm, out_hbm, srcv, dstv, rowbuf, acc,
                   gsem, ssem):
  c = lax.axis_index("c")
  s = lax.axis_index("s")
  row0 = s * RB
  pltpu.sync_copy(src_hbm.at[s], srcv)
  pltpu.sync_copy(dst_hbm.at[s], dstv)
  for q in range(2):
    qq = 2 * q + c
    _spmv_pass(g_hbm.at[qq], out_hbm.at[qq], srcv, dstv, rowbuf, acc, gsem,
               ssem, row0)


@functools.lru_cache(maxsize=None)
def _sc_spmv4(w):
  return pl.kernel(
      _sc_spmv4_body,
      out_type=_f32((4, NPAD, w)),
      mesh=_sc_mesh(),
      scratch_types=[
          pltpu.VMEM((NCH, K), jnp.int32),
          pltpu.VMEM((NCH, K), jnp.int32),
          pltpu.VMEM((NBUF, K, w), jnp.float32),
          pltpu.VMEM_SHARED((NPAD, w), jnp.float32),
          pltpu.SemaphoreType.DMA((NBUF,)),
          pltpu.SemaphoreType.DMA((NBUF,)),
      ],
      compiler_params=pltpu.CompilerParams(use_tc_tiling_on_sc=False),
  )


def _tc_prep_body(deg_ref, x_ref, dinv_ref, xs_ref):
  deg = deg_ref[0, :, :1] + deg_ref[1, :, :1] + 1.0
  dinv = lax.rsqrt(jnp.maximum(deg, 1.0))
  dinv_ref[...] = dinv
  xs = dinv * x_ref[...]
  xs_ref[0] = xs[:, : D // 2]
  xs_ref[1] = xs[:, D // 2 :]


def _tc_prep(deg2, x_pad):
  return pl.pallas_call(
      _tc_prep_body,
      grid=(16,),
      in_specs=[
          pl.BlockSpec((NC, RB, DEGW), lambda i: (0, i, 0)),
          pl.BlockSpec((RB, D), lambda i: (i, 0)),
      ],
      out_specs=[
          pl.BlockSpec((RB, 1), lambda i: (i, 0)),
          pl.BlockSpec((NC, RB, D // 2), lambda i: (0, i, 0)),
      ],
      out_shape=[_f32((NPAD, 1)), _f32((NC, NPAD, D // 2))],
  )(deg2, x_pad)


def _tc_conv1_body(u_ref, dinv_ref, w1_ref, b1_ref, g_ref):
  dinv = dinv_ref[...]
  t1 = dinv * jnp.concatenate([u_ref[0], u_ref[1]], axis=1)
  h = jnp.dot(t1, w1_ref[...], preferred_element_type=jnp.float32)
  g = dinv * jnp.maximum(h + b1_ref[...], 0.0)
  g_ref[0] = g[:, : D // 2]
  g_ref[1] = g[:, D // 2 : D]
  g_ref[2] = g[:, D : 3 * D // 2]
  g_ref[3] = g[:, 3 * D // 2 :]


def _tc_conv1(u1, dinv, W1, b1):
  return pl.pallas_call(
      _tc_conv1_body,
      grid=(16,),
      in_specs=[
          pl.BlockSpec((NC, RB, D // 2), lambda i: (0, i, 0)),
          pl.BlockSpec((RB, 1), lambda i: (i, 0)),
          pl.BlockSpec((D, H), lambda i: (0, 0)),
          pl.BlockSpec((1, H), lambda i: (0, 0)),
      ],
      out_specs=pl.BlockSpec((4, RB, D // 2), lambda i: (0, i, 0)),
      out_shape=_f32((4, NPAD, D // 2)),
  )(u1, dinv, W1, b1)


def _tc_conv2_body(u_ref, dinv_ref, w2_ref, b2_ref, wh_ref, bh_ref,
                   out_ref, acc_ref):
  i = pl.program_id(0)
  dinv = dinv_ref[...]
  t2 = dinv * jnp.concatenate(
      [u_ref[0], u_ref[1], u_ref[2], u_ref[3]], axis=1)
  g2 = jnp.maximum(
      jnp.dot(t2, w2_ref[...], preferred_element_type=jnp.float32)
      + b2_ref[...], 0.0)
  rows = i * RB + lax.broadcasted_iota(jnp.int32, (RB, 1), 0)
  g2 = jnp.where(rows < N, g2, 0.0)
  part = jnp.sum(g2, axis=0, keepdims=True)

  @pl.when(i == 0)
  def _():
    acc_ref[...] = jnp.zeros_like(acc_ref)

  acc_ref[...] += part

  @pl.when(i == 15)
  def _():
    out_ref[...] = (
        jnp.dot(acc_ref[...], wh_ref[...], preferred_element_type=jnp.float32)
        + bh_ref[...])


def _tc_conv2(u2, dinv, W2, b2, Wh, bh):
  return pl.pallas_call(
      _tc_conv2_body,
      grid=(16,),
      in_specs=[
          pl.BlockSpec((4, RB, D // 2), lambda i: (0, i, 0)),
          pl.BlockSpec((RB, 1), lambda i: (i, 0)),
          pl.BlockSpec((H, H), lambda i: (0, 0)),
          pl.BlockSpec((1, H), lambda i: (0, 0)),
          pl.BlockSpec((H, C), lambda i: (0, 0)),
          pl.BlockSpec((1, C), lambda i: (0, 0)),
      ],
      out_specs=pl.BlockSpec((1, C), lambda i: (0, 0)),
      out_shape=_f32((1, C)),
      scratch_shapes=[pltpu.VMEM((1, H), jnp.float32)],
  )(u2, dinv, W2, b2, Wh, bh)


def kernel(x, edge_index, W1, b1, W2, b2, Wh, bh):
  dst1 = edge_index[1].reshape(NC * NS, DROWS // (NC * NS), KD)
  src2 = edge_index[0].reshape(NS, NCH, K)
  dst2 = edge_index[1].reshape(NS, NCH, K)
  x_pad = jnp.pad(x, ((0, NPAD - N), (0, 0)))
  zeros_col = jnp.zeros((NPAD, DEGW), jnp.float32)
  ones_col = jnp.ones((KD, DEGW), jnp.float32)

  deg2 = _sc_degree()(dst1, zeros_col, ones_col)
  dinv, xs2 = _tc_prep(deg2, x_pad)
  u1 = _sc_spmv(D // 2)(xs2, src2, dst2)
  g1s4 = _tc_conv1(u1, dinv, W1, b1.reshape(1, H))
  u2 = _sc_spmv4(D // 2)(g1s4, src2, dst2)
  return _tc_conv2(u2, dinv, W2, b2.reshape(1, H), Wh, bh.reshape(1, C))

# --- scband reference (transcript-rebuilt; emitter-appended) ---
"""Pipeline reference for scband-gcngraph-classifier-14740327760543 (READ-ONLY COPY).

The authoritative reference and input builder live on the scoring server;
editing this copy changes nothing except your own understanding.
"""

import jax, jax.numpy as jnp
import numpy as np

N = 10000
E = 320000
D = 128
H = 256
C = 10


def setup_inputs(seed: int = 0) -> dict:
    key = jax.random.key(seed)
    ks = jax.random.split(key, 8)
    x = jax.random.normal(ks[0], (N, D), dtype=jnp.float32)
    edge_index = jax.random.randint(ks[1], (2, E), 0, N, dtype=jnp.int32)
    W1 = jax.random.normal(ks[2], (D, H), dtype=jnp.float32) * (1.0 / np.sqrt(D))
    b1 = jnp.zeros((H,), dtype=jnp.float32)
    W2 = jax.random.normal(ks[3], (H, H), dtype=jnp.float32) * (1.0 / np.sqrt(H))
    b2 = jnp.zeros((H,), dtype=jnp.float32)
    Wh = jax.random.normal(ks[4], (H, C), dtype=jnp.float32) * (1.0 / np.sqrt(H))
    bh = jnp.zeros((C,), dtype=jnp.float32)
    return {"x": x, "edge_index": edge_index, "W1": W1, "b1": b1, "W2": W2, "b2": b2, "Wh": Wh, "bh": bh}


def _gcn_conv(x, edge_index, W, b):
    # GraphConv with self_loops=True, normalize=True (symmetric GCN norm), relu activation
    n = x.shape[0]
    src = edge_index[0]
    dst = edge_index[1]
    loop = jnp.arange(n, dtype=src.dtype)
    src = jnp.concatenate([src, loop], axis=0)
    dst = jnp.concatenate([dst, loop], axis=0)
    deg = jax.ops.segment_sum(jnp.ones(src.shape[0], dtype=jnp.float32), dst, num_segments=n)
    dinv = 1.0 / jnp.sqrt(jnp.maximum(deg, 1.0))
    norm = dinv[src] * dinv[dst]
    h = x @ W
    msg = jnp.take(h, src, axis=0) * norm[:, None]
    agg = jax.ops.segment_sum(msg, dst, num_segments=n)
    return jax.nn.relu(agg + b)


def reference(x, edge_index, W1, b1, W2, b2, Wh, bh):
    # conv1 -> dropout(inference: identity) -> conv2 -> global sum pool -> head
    g1 = _gcn_conv(x, edge_index, W1, b1)
    g2 = _gcn_conv(g1, edge_index, W2, b2)
    pooled = jnp.sum(g2, axis=0, keepdims=True)  # GlobalPool(mode='sum')
    logits = pooled @ Wh + bh
    return logits

if __name__ == "__main__":
    import jax
    _d = setup_inputs()
    print(jax.jit(kernel)(*tuple(_d.values())))

</pallas_src>

<mosaic_0001>
#map = affine_map<(d0, d1) -> (0, 0, 0)>
#map1 = affine_map<(d0, d1) -> (0, 0)>
module attributes {stable_mosaic.version = 14 : i64} {
  func.func @_sc_degree_body(%arg0: i32, %arg1: i32, %arg2: memref<32x125x80xi32, #tpu.memory_space<hbm>>, %arg3: memref<10112x8xf32, #tpu.memory_space<hbm>>, %arg4: memref<80x8xf32, #tpu.memory_space<hbm>>, %arg5: memref<2x10112x8xf32, #tpu.memory_space<hbm>>, %arg6: memref<125x80xi32, #tpu.memory_space<vmem>>, %arg7: memref<80x8xf32, #tpu.memory_space<vmem>>, %arg8: memref<10112x8xf32, #tpu.memory_space<vmem_shared>>, %arg9: memref<!tpu.dma_semaphore, #tpu.memory_space<semaphore_mem>>) attributes {dimension_semantics = [#tpu.dimension_semantics<core_parallel>, #tpu.dimension_semantics<subcore_parallel>], iteration_bounds = array<i64: 2, 16>, scalar_prefetch = 0 : i64, scratch_operands = 4 : i64, tpu.core_type = #tpu.core_type<sc_vector_subcore>, window_params = [{transform_indices = #map}, {transform_indices = #map1}, {transform_indices = #map1}, {transform_indices = #map}]} {
    %mul3A = arith.constant 632 : i32
    %mul3A_0 = arith.muli %arg1, %mul3A : i32
    "tpu.region"() ({
      %run_scoped3A = tpu.sem_alloc : memref<!tpu.dma_semaphore, #tpu.memory_space<semaphore_mem>>
      %dma_start3A = arith.constant 0 : i32
      %dma_start3A_9 = tpu.memref_slice %arg8[%mul3A_0, %dma_start3A] : memref<10112x8xf32, #tpu.memory_space<vmem_shared>> -> memref<632x8xf32, #tpu.memory_space<vmem_shared>>
      %dma_start3A_10 = arith.constant 0 : i32
      %dma_start3A_11 = tpu.memref_slice %arg3[%mul3A_0, %dma_start3A_10] : memref<10112x8xf32, #tpu.memory_space<hbm>> -> memref<632x8xf32, #tpu.memory_space<hbm>>
      tpu.enqueue_dma source(%dma_start3A_11 : memref<632x8xf32, #tpu.memory_space<hbm>>) target(%dma_start3A_9 : memref<632x8xf32, #tpu.memory_space<vmem_shared>>) target_semaphore(%run_scoped3A : memref<!tpu.dma_semaphore, #tpu.memory_space<semaphore_mem>>)
      %dma_wait3A = arith.constant 0 : i32
      %dma_wait3A_12 = tpu.memref_slice %arg8[%mul3A_0, %dma_wait3A] : memref<10112x8xf32, #tpu.memory_space<vmem_shared>> -> memref<632x8xf32, #tpu.memory_space<vmem_shared>>
      %dma_wait3A_13 = arith.constant 0 : i32
      %dma_wait3A_14 = tpu.memref_slice %arg3[%mul3A_0, %dma_wait3A_13] : memref<10112x8xf32, #tpu.memory_space<hbm>> -> memref<632x8xf32, #tpu.memory_space<hbm>>
      tpu.wait_dma2 semaphore(%run_scoped3A : memref<!tpu.dma_semaphore, #tpu.memory_space<semaphore_mem>>) src(%dma_wait3A_14 : memref<632x8xf32, #tpu.memory_space<hbm>>) dst(%dma_wait3A_12 : memref<632x8xf32, #tpu.memory_space<vmem_shared>>)
      tpu.yield
    }) : () -> ()
    "tpu.region"() ({
      %run_scoped3A = tpu.sem_alloc : memref<!tpu.dma_semaphore, #tpu.memory_space<semaphore_mem>>
      tpu.enqueue_dma source(%arg4 : memref<80x8xf32, #tpu.memory_space<hbm>>) target(%arg7 : memref<80x8xf32, #tpu.memory_space<vmem>>) target_semaphore(%run_scoped3A : memref<!tpu.dma_semaphore, #tpu.memory_space<semaphore_mem>>)
      tpu.wait_dma2 semaphore(%run_scoped3A : memref<!tpu.dma_semaphore, #tpu.memory_space<semaphore_mem>>) src(%arg4 : memref<80x8xf32, #tpu.memory_space<hbm>>) dst(%arg7 : memref<80x8xf32, #tpu.memory_space<vmem>>)
      tpu.yield
    }) : () -> ()
    %mul3A_1 = arith.constant 16 : i32
    %mul3A_2 = arith.muli %arg0, %mul3A_1 : i32
    %add3A = arith.addi %mul3A_2, %arg1 : i32
    "tpu.region"() ({
      %run_scoped3A = tpu.sem_alloc : memref<!tpu.dma_semaphore, #tpu.memory_space<semaphore_mem>>
      %dma_start3A = arith.constant 0 : i32
      %dma_start3A_9 = arith.constant 0 : i32
      %dma_start3A_10 = tpu.memref_slice %arg2[%add3A, %dma_start3A, %dma_start3A_9] : memref<32x125x80xi32, #tpu.memory_space<hbm>> -> memref<1x125x80xi32, #tpu.memory_space<hbm>>
      %dma_start3A_11 = tpu.memref_squeeze %dma_start3A_10 : memref<1x125x80xi32, #tpu.memory_space<hbm>> -> memref<125x80xi32, #tpu.memory_space<hbm>>
      %dma_start3A_12 = arith.constant 0 : i32
      %dma_start3A_13 = arith.constant 0 : i32
      %dma_start3A_14 = tpu.memref_slice %arg2[%add3A, %dma_start3A_12, %dma_start3A_13] : memref<32x125x80xi32, #tpu.memory_space<hbm>> -> memref<1x125x80xi32, #tpu.memory_space<hbm>>
      %dma_start3A_15 = tpu.memref_squeeze %dma_start3A_14 : memref<1x125x80xi32, #tpu.memory_space<hbm>> -> memref<125x80xi32, #tpu.memory_space<hbm>>
      tpu.enqueue_dma source(%dma_start3A_15 : memref<125x80xi32, #tpu.memory_space<hbm>>) target(%arg6 : memref<125x80xi32, #tpu.memory_space<vmem>>) target_semaphore(%run_scoped3A : memref<!tpu.dma_semaphore, #tpu.memory_space<semaphore_mem>>)
      %dma_wait3A = arith.constant 0 : i32
      %dma_wait3A_16 = arith.constant 0 : i32
      %dma_wait3A_17 = tpu.memref_slice %arg2[%add3A, %dma_wait3A, %dma_wait3A_16] : memref<32x125x80xi32, #tpu.memory_space<hbm>> -> memref<1x125x80xi32, #tpu.memory_space<hbm>>
      %dma_wait3A_18 = tpu.memref_squeeze %dma_wait3A_17 : memref<1x125x80xi32, #tpu.memory_space<hbm>> -> memref<125x80xi32, #tpu.memory_space<hbm>>
      %dma_wait3A_19 = arith.constant 0 : i32
      %dma_wait3A_20 = arith.constant 0 : i32
      %dma_wait3A_21 = tpu.memref_slice %arg2[%add3A, %dma_wait3A_19, %dma_wait3A_20] : memref<32x125x80xi32, #tpu.memory_space<hbm>> -> memref<1x125x80xi32, #tpu.memory_space<hbm>>
      %dma_wait3A_22 = tpu.memref_squeeze %dma_wait3A_21 : memref<1x125x80xi32, #tpu.memory_space<hbm>> -> memref<125x80xi32, #tpu.memory_space<hbm>>
      tpu.wait_dma2 semaphore(%run_scoped3A : memref<!tpu.dma_semaphore, #tpu.memory_space<semaphore_mem>>) src(%dma_wait3A_22 : memref<125x80xi32, #tpu.memory_space<hbm>>) dst(%arg6 : memref<125x80xi32, #tpu.memory_space<vmem>>)
      tpu.yield
    }) : () -> ()
    %barrier3A = arith.constant 0 : index
    tpu.barrier barrier_id(%barrier3A)
    %scan3A = arith.constant 0 : i32
    %scan3A_3 = arith.constant 0 : i32
    %scan3A_4 = arith.constant 5 : i32
    %scan3A_5 = arith.addi %scan3A_3, %scan3A_4 : i32
    %scan3A_6 = arith.constant 1 : i32
    scf.for %scan3A_9 = %scan3A_3 to %scan3A_5 step %scan3A_6  : i32 {
      %mul3A_10 = arith.constant 25 : i32
      %mul3A_11 = arith.muli %mul3A_10, %scan3A_9 : i32
      %add3A_12 = arith.constant 0 : i32
      %add3A_13 = arith.addi %mul3A_11, %add3A_12 : i32
      %dma_start3A = arith.constant 0 : i32
      %dma_start3A_14 = tpu.memref_slice %arg6[%add3A_13, %dma_start3A] : memref<125x80xi32, #tpu.memory_space<vmem>> -> memref<1x80xi32, #tpu.memory_space<vmem>>
      %dma_start3A_15 = tpu.memref_squeeze %dma_start3A_14 : memref<1x80xi32, #tpu.memory_space<vmem>> -> memref<80xi32, #tpu.memory_space<vmem>>
      %dma_start3A_16 = arith.constant 0 : i32
      %dma_start3A_17 = arith.constant 0 : i32
      %dma_start3A_18 = tpu.memref_slice %arg8[%dma_start3A_16, %dma_start3A_17] : memref<10112x8xf32, #tpu.memory_space<vmem_shared>> -> memref<10112x8xf32, #tpu.memory_space<vmem_shared>>
      tpu.enqueue_indirect_dma source(%arg7 : memref<80x8xf32, #tpu.memory_space<vmem>>) target(%dma_start3A_18 : memref<10112x8xf32, #tpu.memory_space<vmem_shared>>) offsets(%dma_start3A_15 : memref<80xi32, #tpu.memory_space<vmem>>) semaphore(%arg9 : memref<!tpu.dma_semaphore, #tpu.memory_space<semaphore_mem>>) {add = true}
      %add3A_19 = arith.constant 1 : i32
      %add3A_20 = arith.addi %mul3A_11, %add3A_19 : i32
      %dma_start3A_21 = arith.constant 0 : i32
      %dma_start3A_22 = tpu.memref_slice %arg6[%add3A_20, %dma_start3A_21] : memref<125x80xi32, #tpu.memory_space<vmem>> -> memref<1x80xi32, #tpu.memory_space<vmem>>
      %dma_start3A_23 = tpu.memref_squeeze %dma_start3A_22 : memref<1x80xi32, #tpu.memory_space<vmem>> -> memref<80xi32, #tpu.memory_space<vmem>>
      %dma_start3A_24 = arith.constant 0 : i32
      %dma_start3A_25 = arith.constant 0 : i32
      %dma_start3A_26 = tpu.memref_slice %arg8[%dma_start3A_24, %dma_start3A_25] : memref<10112x8xf32, #tpu.memory_space<vmem_shared>> -> memref<10112x8xf32, #tpu.memory_space<vmem_shared>>
      tpu.enqueue_indirect_dma source(%arg7 : memref<80x8xf32, #tpu.memory_space<vmem>>) target(%dma_start3A_26 : memref<10112x8xf32, #tpu.memory_space<vmem_shared>>) offsets(%dma_start3A_23 : memref<80xi32, #tpu.memory_space<vmem>>) semaphore(%arg9 : memref<!tpu.dma_semaphore, #tpu.memory_space<semaphore_mem>>) {add = true}
      %add3A_27 = arith.constant 2 : i32
      %add3A_28 = arith.addi %mul3A_11, %add3A_27 : i32
      %dma_start3A_29 = arith.constant 0 : i32
      %dma_start3A_30 = tpu.memref_slice %arg6[%add3A_28, %dma_start3A_29] : memref<125x80xi32, #tpu.memory_space<vmem>> -> memref<1x80xi32, #tpu.memory_space<vmem>>
      %dma_start3A_31 = tpu.memref_squeeze %dma_start3A_30 : memref<1x80xi32, #tpu.memory_space<vmem>> -> memref<80xi32, #tpu.memory_space<vmem>>
      %dma_start3A_32 = arith.constant 0 : i32
      %dma_start3A_33 = arith.constant 0 : i32
      %dma_start3A_34 = tpu.memref_slice %arg8[%dma_start3A_32, %dma_start3A_33] : memref<10112x8xf32, #tpu.memory_space<vmem_shared>> -> memref<10112x8xf32, #tpu.memory_space<vmem_shared>>
      tpu.enqueue_indirect_dma source(%arg7 : memref<80x8xf32, #tpu.memory_space<vmem>>) target(%dma_start3A_34 : memref<10112x8xf32, #tpu.memory_space<vmem_shared>>) offsets(%dma_start3A_31 : memref<80xi32, #tpu.memory_space<vmem>>) semaphore(%arg9 : memref<!tpu.dma_semaphore, #tpu.memory_space<semaphore_mem>>) {add = true}
      %add3A_35 = arith.constant 3 : i32
      %add3A_36 = arith.addi %mul3A_11, %add3A_35 : i32
      %dma_start3A_37 = arith.constant 0 : i32
      %dma_start3A_38 = tpu.memref_slice %arg6[%add3A_36, %dma_start3A_37] : memref<125x80xi32, #tpu.memory_space<vmem>> -> memref<1x80xi32, #tpu.memory_space<vmem>>
      %dma_start3A_39 = tpu.memref_squeeze %dma_start3A_38 : memref<1x80xi32, #tpu.memory_space<vmem>> -> memref<80xi32, #tpu.memory_space<vmem>>
      %dma_start3A_40 = arith.constant 0 : i32
      %dma_start3A_41 = arith.constant 0 : i32
      %dma_start3A_42 = tpu.memref_slice %arg8[%dma_start3A_40, %dma_start3A_41] : memref<10112x8xf32, #tpu.memory_space<vmem_shared>> -> memref<10112x8xf32, #tpu.memory_space<vmem_shared>>
      tpu.enqueue_indirect_dma source(%arg7 : memref<80x8xf32, #tpu.memory_space<vmem>>) target(%dma_start3A_42 : memref<10112x8xf32, #tpu.memory_space<vmem_shared>>) offsets(%dma_start3A_39 : memref<80xi32, #tpu.memory_space<vmem>>) semaphore(%arg9 : memref<!tpu.dma_semaphore, #tpu.memory_space<semaphore_mem>>) {add = true}
      %add3A_43 = arith.constant 4 : i32
      %add3A_44 = arith.addi %mul3A_11, %add3A_43 : i32
      %dma_start3A_45 = arith.constant 0 : i32
      %dma_start3A_46 = tpu.memref_slice %arg6[%add3A_44, %dma_start3A_45] : memref<125x80xi32, #tpu.memory_space<vmem>> -> memref<1x80xi32, #tpu.memory_space<vmem>>
      %dma_start3A_47 = tpu.memref_squeeze %dma_start3A_46 : memref<1x80xi32, #tpu.memory_space<vmem>> -> memref<80xi32, #tpu.memory_space<vmem>>
      %dma_start3A_48 = arith.constant 0 : i32
      %dma_start3A_49 = arith.constant 0 : i32
      %dma_start3A_50 = tpu.memref_slice %arg8[%dma_start3A_48, %dma_start3A_49] : memref<10112x8xf32, #tpu.memory_space<vmem_shared>> -> memref<10112x8xf32, #tpu.memory_space<vmem_shared>>
      tpu.enqueue_indirect_dma source(%arg7 : memref<80x8xf32, #tpu.memory_space<vmem>>) target(%dma_start3A_50 : memref<10112x8xf32, #tpu.memory_space<vmem_shared>>) offsets(%dma_start3A_47 : memref<80xi32, #tpu.memory_space<vmem>>) semaphore(%arg9 : memref<!tpu.dma_semaphore, #tpu.memory_space<semaphore_mem>>) {add = true}
      %add3A_51 = arith.constant 5 : i32
      %add3A_52 = arith.addi %mul3A_11, %add3A_51 : i32
      %dma_start3A_53 = arith.constant 0 : i32
      %dma_start3A_54 = tpu.memref_slice %arg6[%add3A_52, %dma_start3A_53] : memref<125x80xi32, #tpu.memory_space<vmem>> -> memref<1x80xi32, #tpu.memory_space<vmem>>
      %dma_start3A_55 = tpu.memref_squeeze %dma_start3A_54 : memref<1x80xi32, #tpu.memory_space<vmem>> -> memref<80xi32, #tpu.memory_space<vmem>>
      %dma_start3A_56 = arith.constant 0 : i32
      %dma_start3A_57 = arith.constant 0 : i32
      %dma_start3A_58 = tpu.memref_slice %arg8[%dma_start3A_56, %dma_start3A_57] : memref<10112x8xf32, #tpu.memory_space<vmem_shared>> -> memref<10112x8xf32, #tpu.memory_space<vmem_shared>>
      tpu.enqueue_indirect_dma source(%arg7 : memref<80x8xf32, #tpu.memory_space<vmem>>) target(%dma_start3A_58 : memref<10112x8xf32, #tpu.memory_space<vmem_shared>>) offsets(%dma_start3A_55 : memref<80xi32, #tpu.memory_space<vmem>>) semaphore(%arg9 : memref<!tpu.dma_semaphore, #tpu.memory_space<semaphore_mem>>) {add = true}
      %add3A_59 = arith.constant 6 : i32
      %add3A_60 = arith.addi %mul3A_11, %add3A_59 : i32
      %dma_start3A_61 = arith.constant 0 : i32
      %dma_start3A_62 = tpu.memref_slice %arg6[%add3A_60, %dma_start3A_61] : memref<125x80xi32, #tpu.memory_space<vmem>> -> memref<1x80xi32, #tpu.memory_space<vmem>>
      %dma_start3A_63 = tpu.memref_squeeze %dma_start3A_62 : memref<1x80xi32, #tpu.memory_space<vmem>> -> memref<80xi32, #tpu.memory_space<vmem>>
      %dma_start3A_64 = arith.constant 0 : i32
      %dma_start3A_65 = arith.constant 0 : i32
      %dma_start3A_66 = tpu.memref_slice %arg8[%dma_start3A_64, %dma_start3A_65] : memref<10112x8xf32, #tpu.memory_space<vmem_shared>> -> memref<10112x8xf32, #tpu.memory_space<vmem_shared>>
      tpu.enqueue_indirect_dma source(%arg7 : memref<80x8xf32, #tpu.memory_space<vmem>>) target(%dma_start3A_66 : memref<10112x8xf32, #tpu.memory_space<vmem_shared>>) offsets(%dma_start3A_63 : memref<80xi32, #tpu.memory_space<vmem>>) semaphore(%arg9 : memref<!tpu.dma_semaphore, #tpu.memory_space<semaphore_mem>>) {add = true}
      %add3A_67 = arith.constant 7 : i32
      %add3A_68 = arith.addi %mul3A_11, %add3A_67 : i32
      %dma_start3A_69 = arith.constant 0 : i32
      %dma_start3A_70 = tpu.memref_slice %arg6[%add3A_68, %dma_start3A_69] : memref<125x80xi32, #tpu.memory_space<vmem>> -> memref<1x80xi32, #tpu.memory_space<vmem>>
      %dma_start3A_71 = tpu.memref_squeeze %dma_start3A_70 : memref<1x80xi32, #tpu.memory_space<vmem>> -> memref<80xi32, #tpu.memory_space<vmem>>
      %dma_start3A_72 = arith.constant 0 : i32
      %dma_start3A_73 = arith.constant 0 : i32
      %dma_start3A_74 = tpu.memref_slice %arg8[%dma_start3A_72, %dma_start3A_73] : memref<10112x8xf32, #tpu.memory_space<vmem_shared>> -> memref<10112x8xf32, #tpu.memory_space<vmem_shared>>
      tpu.enqueue_indirect_dma source(%arg7 : memref<80x8xf32, #tpu.memory_space<vmem>>) target(%dma_start3A_74 : memref<10112x8xf32, #tpu.memory_space<vmem_shared>>) offsets(%dma_start3A_71 : memref<80xi32, #tpu.memory_space<vmem>>) semaphore(%arg9 : memref<!tpu.dma_semaphore, #tpu.memory_space<semaphore_mem>>) {add = true}
      %add3A_75 = arith.constant 8 : i32
      %add3A_76 = arith.addi %mul3A_11, %add3A_75 : i32
      %dma_start3A_77 = arith.constant 0 : i32
      %dma_start3A_78 = tpu.memref_slice %arg6[%add3A_76, %dma_start3A_77] : memref<125x80xi32, #tpu.memory_space<vmem>> -> memref<1x80xi32, #tpu.memory_space<vmem>>
      %dma_start3A_79 = tpu.memref_squeeze %dma_start3A_78 : memref<1x80xi32, #tpu.memory_space<vmem>> -> memref<80xi32, #tpu.memory_space<vmem>>
      %dma_start3A_80 = arith.constant 0 : i32
      %dma_start3A_81 = arith.constant 0 : i32
      %dma_start3A_82 = tpu.memref_slice %arg8[%dma_start3A_80, %dma_start3A_81] : memref<10112x8xf32, #tpu.memory_space<vmem_shared>> -> memref<10112x8xf32, #tpu.memory_space<vmem_shared>>
      tpu.enqueue_indirect_dma source(%arg7 : memref<80x8xf32, #tpu.memory_space<vmem>>) target(%dma_start3A_82 : memref<10112x8xf32, #tpu.memory_space<vmem_shared>>) offsets(%dma_start3A_79 : memref<80xi32, #tpu.memory_space<vmem>>) semaphore(%arg9 : memref<!tpu.dma_semaphore, #tpu.memory_space<semaphore_mem>>) {add = true}
      %add3A_83 = arith.constant 9 : i32
      %add3A_84 = arith.addi %mul3A_11, %add3A_83 : i32
      %dma_start3A_85 = arith.constant 0 : i32
      %dma_start3A_86 = tpu.memref_slice %arg6[%add3A_84, %dma_start3A_85] : memref<125x80xi32, #tpu.memory_space<vmem>> -> memref<1x80xi32, #tpu.memory_space<vmem>>
      %dma_start3A_87 = tpu.memref_squeeze %dma_start3A_86 : memref<1x80xi32, #tpu.memory_space<vmem>> -> memref<80xi32, #tpu.memory_space<vmem>>
      %dma_start3A_88 = arith.constant 0 : i32
      %dma_start3A_89 = arith.constant 0 : i32
      %dma_start3A_90 = tpu.memref_slice %arg8[%dma_start3A_88, %dma_start3A_89] : memref<10112x8xf32, #tpu.memory_space<vmem_shared>> -> memref<10112x8xf32, #tpu.memory_space<vmem_shared>>
      tpu.enqueue_indirect_dma source(%arg7 : memref<80x8xf32, #tpu.memory_space<vmem>>) target(%dma_start3A_90 : memref<10112x8xf32, #tpu.memory_space<vmem_shared>>) offsets(%dma_start3A_87 : memref<80xi32, #tpu.memory_space<vmem>>) semaphore(%arg9 : memref<!tpu.dma_semaphore, #tpu.memory_space<semaphore_mem>>) {add = true}
      %add3A_91 = arith.constant 10 : i32
      %add3A_92 = arith.addi %mul3A_11, %add3A_91 : i32
      %dma_start3A_93 = arith.constant 0 : i32
      %dma_start3A_94 = tpu.memref_slice %arg6[%add3A_92, %dma_start3A_93] : memref<125x80xi32, #tpu.memory_space<vmem>> -> memref<1x80xi32, #tpu.memory_space<vmem>>
      %dma_start3A_95 = tpu.memref_squeeze %dma_start3A_94 : memref<1x80xi32, #tpu.memory_space<vmem>> -> memref<80xi32, #tpu.memory_space<vmem>>
      %dma_start3A_96 = arith.constant 0 : i32
      %dma_start3A_97 = arith.constant 0 : i32
      %dma_start3A_98 = tpu.memref_slice %arg8[%dma_start3A_96, %dma_start3A_97] : memref<10112x8xf32, #tpu.memory_space<vmem_shared>> -> memref<10112x8xf32, #tpu.memory_space<vmem_shared>>
      tpu.enqueue_indirect_dma source(%arg7 : memref<80x8xf32, #tpu.memory_space<vmem>>) target(%dma_start3A_98 : memref<10112x8xf32, #tpu.memory_space<vmem_shared>>) offsets(%dma_start3A_95 : memref<80xi32, #tpu.memory_space<vmem>>) semaphore(%arg9 : memref<!tpu.dma_semaphore, #tpu.memory_space<semaphore_mem>>) {add = true}
      %add3A_99 = arith.constant 11 : i32
      %add3A_100 = arith.addi %mul3A_11, %add3A_99 : i32
      %dma_start3A_101 = arith.constant 0 : i32
      %dma_start3A_102 = tpu.memref_slice %arg6[%add3A_100, %dma_start3A_101] : memref<125x80xi32, #tpu.memory_space<vmem>> -> memref<1x80xi32, #tpu.memory_space<vmem>>
      %dma_start3A_103 = tpu.memref_squeeze %dma_start3A_102 : memref<1x80xi32, #tpu.memory_space<vmem>> -> memref<80xi32, #tpu.memory_space<vmem>>
      %dma_start3A_104 = arith.constant 0 : i32
      %dma_start3A_105 = arith.constant 0 : i32
      %dma_start3A_106 = tpu.memref_slice %arg8[%dma_start3A_104, %dma_start3A_105] : memref<10112x8xf32, #tpu.memory_space<vmem_shared>> -> memref<10112x8xf32, #tpu.memory_space<vmem_shared>>
      tpu.enqueue_indirect_dma source(%arg7 : memref<80x8xf32, #tpu.memory_space<vmem>>) target(%dma_start3A_106 : memref<10112x8xf32, #tpu.memory_space<vmem_shared>>) offsets(%dma_start3A_103 : memref<80xi32, #tpu.memory_space<vmem>>) semaphore(%arg9 : memref<!tpu.dma_semaphore, #tpu.memory_space<semaphore_mem>>) {add = true}
      %add3A_107 = arith.constant 12 : i32
      %add3A_108 = arith.addi %mul3A_11, %add3A_107 : i32
      %dma_start3A_109 = arith.constant 0 : i32
      %dma_start3A_110 = tpu.memref_slice %arg6[%add3A_108, %dma_start3A_109] : memref<125x80xi32, #tpu.memory_space<vmem>> -> memref<1x80xi32, #tpu.memory_space<vmem>>
      %dma_start3A_111 = tpu.memref_squeeze %dma_start3A_110 : memref<1x80xi32, #tpu.memory_space<vmem>> -> memref<80xi32, #tpu.memory_space<vmem>>
      %dma_start3A_112 = arith.constant 0 : i32
      %dma_start3A_113 = arith.constant 0 : i32
      %dma_start3A_114 = tpu.memref_slice %arg8[%dma_start3A_112, %dma_start3A_113] : memref<10112x8xf32, #tpu.memory_space<vmem_shared>> -> memref<10112x8xf32, #tpu.memory_space<vmem_shared>>
      tpu.enqueue_indirect_dma source(%arg7 : memref<80x8xf32, #tpu.memory_space<vmem>>) target(%dma_start3A_114 : memref<10112x8xf32, #tpu.memory_space<vmem_shared>>) offsets(%dma_start3A_111 : memref<80xi32, #tpu.memory_space<vmem>>) semaphore(%arg9 : memref<!tpu.dma_semaphore, #tpu.memory_space<semaphore_mem>>) {add = true}
      %add3A_115 = arith.constant 13 : i32
      %add3A_116 = arith.addi %mul3A_11, %add3A_115 : i32
      %dma_start3A_117 = arith.constant 0 : i32
      %dma_start3A_118 = tpu.memref_slice %arg6[%add3A_116, %dma_start3A_117] : memref<125x80xi32, #tpu.memory_space<vmem>> -> memref<1x80xi32, #tpu.memory_space<vmem>>
      %dma_start3A_119 = tpu.memref_squeeze %dma_start3A_118 : memref<1x80xi32, #tpu.memory_space<vmem>> -> memref<80xi32, #tpu.memory_space<vmem>>
      %dma_start3A_120 = arith.constant 0 : i32
      %dma_start3A_121 = arith.constant 0 : i32
      %dma_start3A_122 = tpu.memref_slice %arg8[%dma_start3A_120, %dma_start3A_121] : memref<10112x8xf32, #tpu.memory_space<vmem_shared>> -> memref<10112x8xf32, #tpu.memory_space<vmem_shared>>
      tpu.enqueue_indirect_dma source(%arg7 : memref<80x8xf32, #tpu.memory_space<vmem>>) target(%dma_start3A_122 : memref<10112x8xf32, #tpu.memory_space<vmem_shared>>) offsets(%dma_start3A_119 : memref<80xi32, #tpu.memory_space<vmem>>) semaphore(%arg9 : memref<!tpu.dma_semaphore, #tpu.memory_space<semaphore_mem>>) {add = true}
      %add3A_123 = arith.constant 14 : i32
      %add3A_124 = arith.addi %mul3A_11, %add3A_123 : i32
      %dma_start3A_125 = arith.constant 0 : i32
      %dma_start3A_126 = tpu.memref_slice %arg6[%add3A_124, %dma_start3A_125] : memref<125x80xi32, #tpu.memory_space<vmem>> -> memref<1x80xi32, #tpu.memory_space<vmem>>
      %dma_start3A_127 = tpu.memref_squeeze %dma_start3A_126 : memref<1x80xi32, #tpu.memory_space<vmem>> -> memref<80xi32, #tpu.memory_space<vmem>>
      %dma_start3A_128 = arith.constant 0 : i32
      %dma_start3A_129 = arith.constant 0 : i32
      %dma_start3A_130 = tpu.memref_slice %arg8[%dma_start3A_128, %dma_start3A_129] : memref<10112x8xf32, #tpu.memory_space<vmem_shared>> -> memref<10112x8xf32, #tpu.memory_space<vmem_shared>>
      tpu.enqueue_indirect_dma source(%arg7 : memref<80x8xf32, #tpu.memory_space<vmem>>) target(%dma_start3A_130 : memref<10112x8xf32, #tpu.memory_space<vmem_shared>>) offsets(%dma_start3A_127 : memref<80xi32, #tpu.memory_space<vmem>>) semaphore(%arg9 : memref<!tpu.dma_semaphore, #tpu.memory_space<semaphore_mem>>) {add = true}
      %add3A_131 = arith.constant 15 : i32
      %add3A_132 = arith.addi %mul3A_11, %add3A_131 : i32
      %dma_start3A_133 = arith.constant 0 : i32
      %dma_start3A_134 = tpu.memref_slice %arg6[%add3A_132, %dma_start3A_133] : memref<125x80xi32, #tpu.memory_space<vmem>> -> memref<1x80xi32, #tpu.memory_space<vmem>>
      %dma_start3A_135 = tpu.memref_squeeze %dma_start3A_134 : memref<1x80xi32, #tpu.memory_space<vmem>> -> memref<80xi32, #tpu.memory_space<vmem>>
      %dma_start3A_136 = arith.constant 0 : i32
      %dma_start3A_137 = arith.constant 0 : i32
      %dma_start3A_138 = tpu.memref_slice %arg8[%dma_start3A_136, %dma_start3A_137] : memref<10112x8xf32, #tpu.memory_space<vmem_shared>> -> memref<10112x8xf32, #tpu.memory_space<vmem_shared>>
      tpu.enqueue_indirect_dma source(%arg7 : memref<80x8xf32, #tpu.memory_space<vmem>>) target(%dma_start3A_138 : memref<10112x8xf32, #tpu.memory_space<vmem_shared>>) offsets(%dma_start3A_135 : memref<80xi32, #tpu.memory_space<vmem>>) semaphore(%arg9 : memref<!tpu.dma_semaphore, #tpu.memory_space<semaphore_mem>>) {add = true}
      %add3A_139 = arith.constant 16 : i32
      %add3A_140 = arith.addi %mul3A_11, %add3A_139 : i32
      %dma_start3A_141 = arith.constant 0 : i32
      %dma_start3A_142 = tpu.memref_slice %arg6[%add3A_140, %dma_start3A_141] : memref<125x80xi32, #tpu.memory_space<vmem>> -> memref<1x80xi32, #tpu.memory_space<vmem>>
      %dma_start3A_143 = tpu.memref_squeeze %dma_start3A_142 : memref<1x80xi32, #tpu.memory_space<vmem>> -> memref<80xi32, #tpu.memory_space<vmem>>
      %dma_start3A_144 = arith.constant 0 : i32
      %dma_start3A_145 = arith.constant 0 : i32
      %dma_start3A_146 = tpu.memref_slice %arg8[%dma_start3A_144, %dma_start3A_145] : memref<10112x8xf32, #tpu.memory_space<vmem_shared>> -> memref<10112x8xf32, #tpu.memory_space<vmem_shared>>
      tpu.enqueue_indirect_dma source(%arg7 : memref<80x8xf32, #tpu.memory_space<vmem>>) target(%dma_start3A_146 : memref<10112x8xf32, #tpu.memory_space<vmem_shared>>) offsets(%dma_start3A_143 : memref<80xi32, #tpu.memory_space<vmem>>) semaphore(%arg9 : memref<!tpu.dma_semaphore, #tpu.memory_space<semaphore_mem>>) {add = true}
      %add3A_147 = arith.constant 17 : i32
      %add3A_148 = arith.addi %mul3A_11, %add3A_147 : i32
      %dma_start3A_149 = arith.constant 0 : i32
      %dma_start3A_150 = tpu.memref_slice %arg6[%add3A_148, %dma_start3A_149] : memref<125x80xi32, #tpu.memory_space<vmem>> -> memref<1x80xi32, #tpu.memory_space<vmem>>
      %dma_start3A_151 = tpu.memref_squeeze %dma_start3A_150 : memref<1x80xi32, #tpu.memory_space<vmem>> -> memref<80xi32, #tpu.memory_space<vmem>>
      %dma_start3A_152 = arith.constant 0 : i32
      %dma_start3A_153 = arith.constant 0 : i32
      %dma_start3A_154 = tpu.memref_slice %arg8[%dma_start3A_152, %dma_start3A_153] : memref<10112x8xf32, #tpu.memory_space<vmem_shared>> -> memref<10112x8xf32, #tpu.memory_space<vmem_shared>>
      tpu.enqueue_indirect_dma source(%arg7 : memref<80x8xf32, #tpu.memory_space<vmem>>) target(%dma_start3A_154 : memref<10112x8xf32, #tpu.memory_space<vmem_shared>>) offsets(%dma_start3A_151 : memref<80xi32, #tpu.memory_space<vmem>>) semaphore(%arg9 : memref<!tpu.dma_semaphore, #tpu.memory_space<semaphore_mem>>) {add = true}
      %add3A_155 = arith.constant 18 : i32
      %add3A_156 = arith.addi %mul3A_11, %add3A_155 : i32
      %dma_start3A_157 = arith.constant 0 : i32
      %dma_start3A_158 = tpu.memref_slice %arg6[%add3A_156, %dma_start3A_157] : memref<125x80xi32, #tpu.memory_space<vmem>> -> memref<1x80xi32, #tpu.memory_space<vmem>>
      %dma_start3A_159 = tpu.memref_squeeze %dma_start3A_158 : memref<1x80xi32, #tpu.memory_space<vmem>> -> memref<80xi32, #tpu.memory_space<vmem>>
      %dma_start3A_160 = arith.constant 0 : i32
      %dma_start3A_161 = arith.constant 0 : i32
      %dma_start3A_162 = tpu.memref_slice %arg8[%dma_start3A_160, %dma_start3A_161] : memref<10112x8xf32, #tpu.memory_space<vmem_shared>> -> memref<10112x8xf32, #tpu.memory_space<vmem_shared>>
      tpu.enqueue_indirect_dma source(%arg7 : memref<80x8xf32, #tpu.memory_space<vmem>>) target(%dma_start3A_162 : memref<10112x8xf32, #tpu.memory_space<vmem_shared>>) offsets(%dma_start3A_159 : memref<80xi32, #tpu.memory_space<vmem>>) semaphore(%arg9 : memref<!tpu.dma_semaphore, #tpu.memory_space<semaphore_mem>>) {add = true}
      %add3A_163 = arith.constant 19 : i32
      %add3A_164 = arith.addi %mul3A_11, %add3A_163 : i32
      %dma_start3A_165 = arith.constant 0 : i32
      %dma_start3A_166 = tpu.memref_slice %arg6[%add3A_164, %dma_start3A_165] : memref<125x80xi32, #tpu.memory_space<vmem>> -> memref<1x80xi32, #tpu.memory_space<vmem>>
      %dma_start3A_167 = tpu.memref_squeeze %dma_start3A_166 : memref<1x80xi32, #tpu.memory_space<vmem>> -> memref<80xi32, #tpu.memory_space<vmem>>
      %dma_start3A_168 = arith.constant 0 : i32
      %dma_start3A_169 = arith.constant 0 : i32
      %dma_start3A_170 = tpu.memref_slice %arg8[%dma_start3A_168, %dma_start3A_169] : memref<10112x8xf32, #tpu.memory_space<vmem_shared>> -> memref<10112x8xf32, #tpu.memory_space<vmem_shared>>
      tpu.enqueue_indirect_dma source(%arg7 : memref<80x8xf32, #tpu.memory_space<vmem>>) target(%dma_start3A_170 : memref<10112x8xf32, #tpu.memory_space<vmem_shared>>) offsets(%dma_start3A_167 : memref<80xi32, #tpu.memory_space<vmem>>) semaphore(%arg9 : memref<!tpu.dma_semaphore, #tpu.memory_space<semaphore_mem>>) {add = true}
      %add3A_171 = arith.constant 20 : i32
      %add3A_172 = arith.addi %mul3A_11, %add3A_171 : i32
      %dma_start3A_173 = arith.constant 0 : i32
      %dma_start3A_174 = tpu.memref_slice %arg6[%add3A_172, %dma_start3A_173] : memref<125x80xi32, #tpu.memory_space<vmem>> -> memref<1x80xi32, #tpu.memory_space<vmem>>
      %dma_start3A_175 = tpu.memref_squeeze %dma_start3A_174 : memref<1x80xi32, #tpu.memory_space<vmem>> -> memref<80xi32, #tpu.memory_space<vmem>>
      %dma_start3A_176 = arith.constant 0 : i32
      %dma_start3A_177 = arith.constant 0 : i32
      %dma_start3A_178 = tpu.memref_slice %arg8[%dma_start3A_176, %dma_start3A_177] : memref<10112x8xf32, #tpu.memory_space<vmem_shared>> -> memref<10112x8xf32, #tpu.memory_space<vmem_shared>>
      tpu.enqueue_indirect_dma source(%arg7 : memref<80x8xf32, #tpu.memory_space<vmem>>) target(%dma_start3A_178 : memref<10112x8xf32, #tpu.memory_space<vmem_shared>>) offsets(%dma_start3A_175 : memref<80xi32, #tpu.memory_space<vmem>>) semaphore(%arg9 : memref<!tpu.dma_semaphore, #tpu.memory_space<semaphore_mem>>) {add = true}
      %add3A_179 = arith.constant 21 : i32
      %add3A_180 = arith.addi %mul3A_11, %add3A_179 : i32
      %dma_start3A_181 = arith.constant 0 : i32
      %dma_start3A_182 = tpu.memref_slice %arg6[%add3A_180, %dma_start3A_181] : memref<125x80xi32, #tpu.memory_space<vmem>> -> memref<1x80xi32, #tpu.memory_space<vmem>>
      %dma_start3A_183 = tpu.memref_squeeze %dma_start3A_182 : memref<1x80xi32, #tpu.memory_space<vmem>> -> memref<80xi32, #tpu.memory_space<vmem>>
      %dma_start3A_184 = arith.constant 0 : i32
      %dma_start3A_185 = arith.constant 0 : i32
      %dma_start3A_186 = tpu.memref_slice %arg8[%dma_start3A_184, %dma_start3A_185] : memref<10112x8xf32, #tpu.memory_space<vmem_shared>> -> memref<10112x8xf32, #tpu.memory_space<vmem_shared>>
      tpu.enqueue_indirect_dma source(%arg7 : memref<80x8xf32, #tpu.memory_space<vmem>>) target(%dma_start3A_186 : memref<10112x8xf32, #tpu.memory_space<vmem_shared>>) offsets(%dma_start3A_183 : memref<80xi32, #tpu.memory_space<vmem>>) semaphore(%arg9 : memref<!tpu.dma_semaphore, #tpu.memory_space<semaphore_mem>>) {add = true}
      %add3A_187 = arith.constant 22 : i32
      %add3A_188 = arith.addi %mul3A_11, %add3A_187 : i32
      %dma_start3A_189 = arith.constant 0 : i32
      %dma_start3A_190 = tpu.memref_slice %arg6[%add3A_188, %dma_start3A_189] : memref<125x80xi32, #tpu.memory_space<vmem>> -> memref<1x80xi32, #tpu.memory_space<vmem>>
      %dma_start3A_191 = tpu.memref_squeeze %dma_start3A_190 : memref<1x80xi32, #tpu.memory_space<vmem>> -> memref<80xi32, #tpu.memory_space<vmem>>
      %dma_start3A_192 = arith.constant 0 : i32
      %dma_start3A_193 = arith.constant 0 : i32
      %dma_start3A_194 = tpu.memref_slice %arg8[%dma_start3A_192, %dma_start3A_193] : memref<10112x8xf32, #tpu.memory_space<vmem_shared>> -> memref<10112x8xf32, #tpu.memory_space<vmem_shared>>
      tpu.enqueue_indirect_dma source(%arg7 : memref<80x8xf32, #tpu.memory_space<vmem>>) target(%dma_start3A_194 : memref<10112x8xf32, #tpu.memory_space<vmem_shared>>) offsets(%dma_start3A_191 : memref<80xi32, #tpu.memory_space<vmem>>) semaphore(%arg9 : memref<!tpu.dma_semaphore, #tpu.memory_space<semaphore_mem>>) {add = true}
      %add3A_195 = arith.constant 23 : i32
      %add3A_196 = arith.addi %mul3A_11, %add3A_195 : i32
      %dma_start3A_197 = arith.constant 0 : i32
      %dma_start3A_198 = tpu.memref_slice %arg6[%add3A_196, %dma_start3A_197] : memref<125x80xi32, #tpu.memory_space<vmem>> -> memref<1x80xi32, #tpu.memory_space<vmem>>
      %dma_start3A_199 = tpu.memref_squeeze %dma_start3A_198 : memref<1x80xi32, #tpu.memory_space<vmem>> -> memref<80xi32, #tpu.memory_space<vmem>>
      %dma_start3A_200 = arith.constant 0 : i32
      %dma_start3A_201 = arith.constant 0 : i32
      %dma_start3A_202 = tpu.memref_slice %arg8[%dma_start3A_200, %dma_start3A_201] : memref<10112x8xf32, #tpu.memory_space<vmem_shared>> -> memref<10112x8xf32, #tpu.memory_space<vmem_shared>>
      tpu.enqueue_indirect_dma source(%arg7 : memref<80x8xf32, #tpu.memory_space<vmem>>) target(%dma_start3A_202 : memref<10112x8xf32, #tpu.memory_space<vmem_shared>>) offsets(%dma_start3A_199 : memref<80xi32, #tpu.memory_space<vmem>>) semaphore(%arg9 : memref<!tpu.dma_semaphore, #tpu.memory_space<semaphore_mem>>) {add = true}
      %add3A_203 = arith.constant 24 : i32
      %add3A_204 = arith.addi %mul3A_11, %add3A_203 : i32
      %dma_start3A_205 = arith.constant 0 : i32
      %dma_start3A_206 = tpu.memref_slice %arg6[%add3A_204, %dma_start3A_205] : memref<125x80xi32, #tpu.memory_space<vmem>> -> memref<1x80xi32, #tpu.memory_space<vmem>>
      %dma_start3A_207 = tpu.memref_squeeze %dma_start3A_206 : memref<1x80xi32, #tpu.memory_space<vmem>> -> memref<80xi32, #tpu.memory_space<vmem>>
      %dma_start3A_208 = arith.constant 0 : i32
      %dma_start3A_209 = arith.constant 0 : i32
      %dma_start3A_210 = tpu.memref_slice %arg8[%dma_start3A_208, %dma_start3A_209] : memref<10112x8xf32, #tpu.memory_space<vmem_shared>> -> memref<10112x8xf32, #tpu.memory_space<vmem_shared>>
      tpu.enqueue_indirect_dma source(%arg7 : memref<80x8xf32, #tpu.memory_space<vmem>>) target(%dma_start3A_210 : memref<10112x8xf32, #tpu.memory_space<vmem_shared>>) offsets(%dma_start3A_207 : memref<80xi32, #tpu.memory_space<vmem>>) semaphore(%arg9 : memref<!tpu.dma_semaphore, #tpu.memory_space<semaphore_mem>>) {add = true}
      %dma_wait3A = arith.constant 0 : i32
      %dma_wait3A_211 = tpu.memref_slice %arg6[%add3A_13, %dma_wait3A] : memref<125x80xi32, #tpu.memory_space<vmem>> -> memref<1x80xi32, #tpu.memory_space<vmem>>
      %dma_wait3A_212 = tpu.memref_squeeze %dma_wait3A_211 : memref<1x80xi32, #tpu.memory_space<vmem>> -> memref<80xi32, #tpu.memory_space<vmem>>
      %dma_wait3A_213 = arith.constant 0 : i32
      %dma_wait3A_214 = arith.constant 0 : i32
      %dma_wait3A_215 = tpu.memref_slice %arg8[%dma_wait3A_213, %dma_wait3A_214] : memref<10112x8xf32, #tpu.memory_space<vmem_shared>> -> memref<10112x8xf32, #tpu.memory_space<vmem_shared>>
      tpu.wait_indirect_dma semaphore(%arg9 : memref<!tpu.dma_semaphore, #tpu.memory_space<semaphore_mem>>) src(%arg7 : memref<80x8xf32, #tpu.memory_space<vmem>>) dst(%dma_wait3A_215 : memref<10112x8xf32, #tpu.memory_space<vmem_shared>>)
      %dma_wait3A_216 = arith.constant 0 : i32
      %dma_wait3A_217 = tpu.memref_slice %arg6[%add3A_20, %dma_wait3A_216] : memref<125x80xi32, #tpu.memory_space<vmem>> -> memref<1x80xi32, #tpu.memory_space<vmem>>
      %dma_wait3A_218 = tpu.memref_squeeze %dma_wait3A_217 : memref<1x80xi32, #tpu.memory_space<vmem>> -> memref<80xi32, #tpu.memory_space<vmem>>
      %dma_wait3A_219 = arith.constant 0 : i32
      %dma_wait3A_220 = arith.constant 0 : i32
      %dma_wait3A_221 = tpu.memref_slice %arg8[%dma_wait3A_219, %dma_wait3A_220] : memref<10112x8xf32, #tpu.memory_space<vmem_shared>> -> memref<10112x8xf32, #tpu.memory_space<vmem_shared>>
      tpu.wait_indirect_dma semaphore(%arg9 : memref<!tpu.dma_semaphore, #tpu.memory_space<semaphore_mem>>) src(%arg7 : memref<80x8xf32, #tpu.memory_space<vmem>>) dst(%dma_wait3A_221 : memref<10112x8xf32, #tpu.memory_space<vmem_shared>>)
      %dma_wait3A_222 = arith.constant 0 : i32
      %dma_wait3A_223 = tpu.memref_slice %arg6[%add3A_28, %dma_wait3A_222] : memref<125x80xi32, #tpu.memory_space<vmem>> -> memref<1x80xi32, #tpu.memory_space<vmem>>
      %dma_wait3A_224 = tpu.memref_squeeze %dma_wait3A_223 : memref<1x80xi32, #tpu.memory_space<vmem>> -> memref<80xi32, #tpu.memory_space<vmem>>
      %dma_wait3A_225 = arith.constant 0 : i32
      %dma_wait3A_226 = arith.constant 0 : i32
      %dma_wait3A_227 = tpu.memref_slice %arg8[%dma_wait3A_225, %dma_wait3A_226] : memref<10112x8xf32, #tpu.memory_space<vmem_shared>> -> memref<10112x8xf32, #tpu.memory_space<vmem_shared>>
      tpu.wait_indirect_dma semaphore(%arg9 : memref<!tpu.dma_semaphore, #tpu.memory_space<semaphore_mem>>) src(%arg7 : memref<80x8xf32, #tpu.memory_space<vmem>>) dst(%dma_wait3A_227 : memref<10112x8xf32, #tpu.memory_space<vmem_shared>>)
      %dma_wait3A_228 = arith.constant 0 : i32
      %dma_wait3A_229 = tpu.memref_slice %arg6[%add3A_36, %dma_wait3A_228] : memref<125x80xi32, #tpu.memory_space<vmem>> -> memref<1x80xi32, #tpu.memory_space<vmem>>
      %dma_wait3A_230 = tpu.memref_squeeze %dma_wait3A_229 : memref<1x80xi32, #tpu.memory_space<vmem>> -> memref<80xi32, #tpu.memory_space<vmem>>
      %dma_wait3A_231 = arith.constant 0 : i32
      %dma_wait3A_232 = arith.constant 0 : i32
      %dma_wait3A_233 = tpu.memref_slice %arg8[%dma_wait3A_231, %dma_wait3A_232] : memref<10112x8xf32, #tpu.memory_space<vmem_shared>> -> memref<10112x8xf32, #tpu.memory_space<vmem_shared>>
      tpu.wait_indirect_dma semaphore(%arg9 : memref<!tpu.dma_semaphore, #tpu.memory_space<semaphore_mem>>) src(%arg7 : memref<80x8xf32, #tpu.memory_space<vmem>>) dst(%dma_wait3A_233 : memref<10112x8xf32, #tpu.memory_space<vmem_shared>>)
      %dma_wait3A_234 = arith.constant 0 : i32
      %dma_wait3A_235 = tpu.memref_slice %arg6[%add3A_44, %dma_wait3A_234] : memref<125x80xi32, #tpu.memory_space<vmem>> -> memref<1x80xi32, #tpu.memory_space<vmem>>
      %dma_wait3A_236 = tpu.memref_squeeze %dma_wait3A_235 : memref<1x80xi32, #tpu.memory_space<vmem>> -> memref<80xi32, #tpu.memory_space<vmem>>
      %dma_wait3A_237 = arith.constant 0 : i32
      %dma_wait3A_238 = arith.constant 0 : i32
      %dma_wait3A_239 = tpu.memref_slice %arg8[%dma_wait3A_237, %dma_wait3A_238] : memref<10112x8xf32, #tpu.memory_space<vmem_shared>> -> memref<10112x8xf32, #tpu.memory_space<vmem_shared>>
      tpu.wait_indirect_dma semaphore(%arg9 : memref<!tpu.dma_semaphore, #tpu.memory_space<semaphore_mem>>) src(%arg7 : memref<80x8xf32, #tpu.memory_space<vmem>>) dst(%dma_wait3A_239 : memref<10112x8xf32, #tpu.memory_space<vmem_shared>>)
      %dma_wait3A_240 = arith.constant 0 : i32
      %dma_wait3A_241 = tpu.memref_slice %arg6[%add3A_52, %dma_wait3A_240] : memref<125x80xi32, #tpu.memory_space<vmem>> -> memref<1x80xi32, #tpu.memory_space<vmem>>
      %dma_wait3A_242 = tpu.memref_squeeze %dma_wait3A_241 : memref<1x80xi32, #tpu.memory_space<vmem>> -> memref<80xi32, #tpu.memory_space<vmem>>
      %dma_wait3A_243 = arith.constant 0 : i32
      %dma_wait3A_244 = arith.constant 0 : i32
      %dma_wait3A_245 = tpu.memref_slice %arg8[%dma_wait3A_243, %dma_wait3A_244] : memref<10112x8xf32, #tpu.memory_space<vmem_shared>> -> memref<10112x8xf32, #tpu.memory_space<vmem_shared>>
      tpu.wait_indirect_dma semaphore(%arg9 : memref<!tpu.dma_semaphore, #tpu.memory_space<semaphore_mem>>) src(%arg7 : memref<80x8xf32, #tpu.memory_space<vmem>>) dst(%dma_wait3A_245 : memref<10112x8xf32, #tpu.memory_space<vmem_shared>>)
      %dma_wait3A_246 = arith.constant 0 : i32
      %dma_wait3A_247 = tpu.memref_slice %arg6[%add3A_60, %dma_wait3A_246] : memref<125x80xi32, #tpu.memory_space<vmem>> -> memref<1x80xi32, #tpu.memory_space<vmem>>
      %dma_wait3A_248 = tpu.memref_squeeze %dma_wait3A_247 : memref<1x80xi32, #tpu.memory_space<vmem>> -> memref<80xi32, #tpu.memory_space<vmem>>
      %dma_wait3A_249 = arith.constant 0 : i32
      %dma_wait3A_250 = arith.constant 0 : i32
      %dma_wait3A_251 = tpu.memref_slice %arg8[%dma_wait3A_249, %dma_wait3A_250] : memref<10112x8xf32, #tpu.memory_space<vmem_shared>> -> memref<10112x8xf32, #tpu.memory_space<vmem_shared>>
      tpu.wait_indirect_dma semaphore(%arg9 : memref<!tpu.dma_semaphore, #tpu.memory_space<semaphore_mem>>) src(%arg7 : memref<80x8xf32, #tpu.memory_space<vmem>>) dst(%dma_wait3A_251 : memref<10112x8xf32, #tpu.memory_space<vmem_shared>>)
      %dma_wait3A_252 = arith.constant 0 : i32
      %dma_wait3A_253 = tpu.memref_slice %arg6[%add3A_68, %dma_wait3A_252] : memref<125x80xi32, #tpu.memory_space<vmem>> -> memref<1x80xi32, #tpu.memory_space<vmem>>
      %dma_wait3A_254 = tpu.memref_squeeze %dma_wait3A_253 : memref<1x80xi32, #tpu.memory_space<vmem>> -> memref<80xi32, #tpu.memory_space<vmem>>
      %dma_wait3A_255 = arith.constant 0 : i32
      %dma_wait3A_256 = arith.constant 0 : i32
      %dma_wait3A_257 = tpu.memref_slice %arg8[%dma_wait3A_255, %dma_wait3A_256] : memref<10112x8xf32, #tpu.memory_space<vmem_shared>> -> memref<10112x8xf32, #tpu.memory_space<vmem_shared>>
      tpu.wait_indirect_dma semaphore(%arg9 : memref<!tpu.dma_semaphore, #tpu.memory_space<semaphore_mem>>) src(%arg7 : memref<80x8xf32, #tpu.memory_space<vmem>>) dst(%dma_wait3A_257 : memref<10112x8xf32, #tpu.memory_space<vmem_shared>>)
      %dma_wait3A_258 = arith.constant 0 : i32
      %dma_wait3A_259 = tpu.memref_slice %arg6[%add3A_76, %dma_wait3A_258] : memref<125x80xi32, #tpu.memory_space<vmem>> -> memref<1x80xi32, #tpu.memory_space<vmem>>
      %dma_wait3A_260 = tpu.memref_squeeze %dma_wait3A_259 : memref<1x80xi32, #tpu.memory_space<vmem>> -> memref<80xi32, #tpu.memory_space<vmem>>
      %dma_wait3A_261 = arith.constant 0 : i32
      %dma_wait3A_262 = arith.constant 0 : i32
      %dma_wait3A_263 = tpu.memref_slice %arg8[%dma_wait3A_261, %dma_wait3A_262] : memref<10112x8xf32, #tpu.memory_space<vmem_shared>> -> memref<10112x8xf32, #tpu.memory_space<vmem_shared>>
      tpu.wait_indirect_dma semaphore(%arg9 : memref<!tpu.dma_semaphore, #tpu.memory_space<semaphore_mem>>) src(%arg7 : memref<80x8xf32, #tpu.memory_space<vmem>>) dst(%dma_wait3A_263 : memref<10112x8xf32, #tpu.memory_space<vmem_shared>>)
      %dma_wait3A_264 = arith.constant 0 : i32
      %dma_wait3A_265 = tpu.memref_slice %arg6[%add3A_84, %dma_wait3A_264] : memref<125x80xi32, #tpu.memory_space<vmem>> -> memref<1x80xi32, #tpu.memory_space<vmem>>
      %dma_wait3A_266 = tpu.memref_squeeze %dma_wait3A_265 : memref<1x80xi32, #tpu.memory_space<vmem>> -> memref<80xi32, #tpu.memory_space<vmem>>
      %dma_wait3A_267 = arith.constant 0 : i32
      %dma_wait3A_268 = arith.constant 0 : i32
      %dma_wait3A_269 = tpu.memref_slice %arg8[%dma_wait3A_267, %dma_wait3A_268] : memref<10112x8xf32, #tpu.memory_space<vmem_shared>> -> memref<10112x8xf32, #tpu.memory_space<vmem_shared>>
      tpu.wait_indirect_dma semaphore(%arg9 : memref<!tpu.dma_semaphore, #tpu.memory_space<semaphore_mem>>) src(%arg7 : memref<80x8xf32, #tpu.memory_space<vmem>>) dst(%dma_wait3A_269 : memref<10112x8xf32, #tpu.memory_space<vmem_shared>>)
      %dma_wait3A_270 = arith.constant 0 : i32
      %dma_wait3A_271 = tpu.memref_slice %arg6[%add3A_92, %dma_wait3A_270] : memref<125x80xi32, #tpu.memory_space<vmem>> -> memref<1x80xi32, #tpu.memory_space<vmem>>
      %dma_wait3A_272 = tpu.memref_squeeze %dma_wait3A_271 : memref<1x80xi32, #tpu.memory_space<vmem>> -> memref<80xi32, #tpu.memory_space<vmem>>
      %dma_wait3A_273 = arith.constant 0 : i32
      %dma_wait3A_274 = arith.constant 0 : i32
      %dma_wait3A_275 = tpu.memref_slice %arg8[%dma_wait3A_273, %dma_wait3A_274] : memref<10112x8xf32, #tpu.memory_space<vmem_shared>> -> memref<10112x8xf32, #tpu.memory_space<vmem_shared>>
      tpu.wait_indirect_dma semaphore(%arg9 : memref<!tpu.dma_semaphore, #tpu.memory_space<semaphore_mem>>) src(%arg7 : memref<80x8xf32, #tpu.memory_space<vmem>>) dst(%dma_wait3A_275 : memref<10112x8xf32, #tpu.memory_space<vmem_shared>>)
      %dma_wait3A_276 = arith.constant 0 : i32
      %dma_wait3A_277 = tpu.memref_slice %arg6[%add3A_100, %dma_wait3A_276] : memref<125x80xi32, #tpu.memory_space<vmem>> -> memref<1x80xi32, #tpu.memory_space<vmem>>
      %dma_wait3A_278 = tpu.memref_squeeze %dma_wait3A_277 : memref<1x80xi32, #tpu.memory_space<vmem>> -> memref<80xi32, #tpu.memory_space<vmem>>
      %dma_wait3A_279 = arith.constant 0 : i32
      %dma_wait3A_280 = arith.constant 0 : i32
      %dma_wait3A_281 = tpu.memref_slice %arg8[%dma_wait3A_279, %dma_wait3A_280] : memref<10112x8xf32, #tpu.memory_space<vmem_shared>> -> memref<10112x8xf32, #tpu.memory_space<vmem_shared>>
      tpu.wait_indirect_dma semaphore(%arg9 : memref<!tpu.dma_semaphore, #tpu.memory_space<semaphore_mem>>) src(%arg7 : memref<80x8xf32, #tpu.memory_space<vmem>>) dst(%dma_wait3A_281 : memref<10112x8xf32, #tpu.memory_space<vmem_shared>>)
      %dma_wait3A_282 = arith.constant 0 : i32
      %dma_wait3A_283 = tpu.memref_slice %arg6[%add3A_108, %dma_wait3A_282] : memref<125x80xi32, #tpu.memory_space<vmem>> -> memref<1x80xi32, #tpu.memory_space<vmem>>
      %dma_wait3A_284 = tpu.memref_squeeze %dma_wait3A_283 : memref<1x80xi32, #tpu.memory_space<vmem>> -> memref<80xi32, #tpu.memory_space<vmem>>
      %dma_wait3A_285 = arith.constant 0 : i32
      %dma_wait3A_286 = arith.constant 0 : i32
      %dma_wait3A_287 = tpu.memref_slice %arg8[%dma_wait3A_285, %dma_wait3A_286] : memref<10112x8xf32, #tpu.memory_space<vmem_shared>> -> memref<10112x8xf32, #tpu.memory_space<vmem_shared>>
      tpu.wait_indirect_dma semaphore(%arg9 : memref<!tpu.dma_semaphore, #tpu.memory_space<semaphore_mem>>) src(%arg7 : memref<80x8xf32, #tpu.memory_space<vmem>>) dst(%dma_wait3A_287 : memref<10112x8xf32, #tpu.memory_space<vmem_shared>>)
      %dma_wait3A_288 = arith.constant 0 : i32
      %dma_wait3A_289 = tpu.memref_slice %arg6[%add3A_116, %dma_wait3A_288] : memref<125x80xi32, #tpu.memory_space<vmem>> -> memref<1x80xi32, #tpu.memory_space<vmem>>
      %dma_wait3A_290 = tpu.memref_squeeze %dma_wait3A_289 : memref<1x80xi32, #tpu.memory_space<vmem>> -> memref<80xi32, #tpu.memory_space<vmem>>
      %dma_wait3A_291 = arith.constant 0 : i32
      %dma_wait3A_292 = arith.constant 0 : i32
      %dma_wait3A_293 = tpu.memref_slice %arg8[%dma_wait3A_291, %dma_wait3A_292] : memref<10112x8xf32, #tpu.memory_space<vmem_shared>> -> memref<10112x8xf32, #tpu.memory_space<vmem_shared>>
      tpu.wait_indirect_dma semaphore(%arg9 : memref<!tpu.dma_semaphore, #tpu.memory_space<semaphore_mem>>) src(%arg7 : memref<80x8xf32, #tpu.memory_space<vmem>>) dst(%dma_wait3A_293 : memref<10112x8xf32, #tpu.memory_space<vmem_shared>>)
      %dma_wait3A_294 = arith.constant 0 : i32
      %dma_wait3A_295 = tpu.memref_slice %arg6[%add3A_124, %dma_wait3A_294] : memref<125x80xi32, #tpu.memory_space<vmem>> -> memref<1x80xi32, #tpu.memory_space<vmem>>
      %dma_wait3A_296 = tpu.memref_squeeze %dma_wait3A_295 : memref<1x80xi32, #tpu.memory_space<vmem>> -> memref<80xi32, #tpu.memory_space<vmem>>
      %dma_wait3A_297 = arith.constant 0 : i32
      %dma_wait3A_298 = arith.constant 0 : i32
      %dma_wait3A_299 = tpu.memref_slice %arg8[%dma_wait3A_297, %dma_wait3A_298] : memref<10112x8xf32, #tpu.memory_space<vmem_shared>> -> memref<10112x8xf32, #tpu.memory_space<vmem_shared>>
      tpu.wait_indirect_dma semaphore(%arg9 : memref<!tpu.dma_semaphore, #tpu.memory_space<semaphore_mem>>) src(%arg7 : memref<80x8xf32, #tpu.memory_space<vmem>>) dst(%dma_wait3A_299 : memref<10112x8xf32, #tpu.memory_space<vmem_shared>>)
      %dma_wait3A_300 = arith.constant 0 : i32
      %dma_wait3A_301 = tpu.memref_slice %arg6[%add3A_132, %dma_wait3A_300] : memref<125x80xi32, #tpu.memory_space<vmem>> -> memref<1x80xi32, #tpu.memory_space<vmem>>
      %dma_wait3A_302 = tpu.memref_squeeze %dma_wait3A_301 : memref<1x80xi32, #tpu.memory_space<vmem>> -> memref<80xi32, #tpu.memory_space<vmem>>
      %dma_wait3A_303 = arith.constant 0 : i32
      %dma_wait3A_304 = arith.constant 0 : i32
      %dma_wait3A_305 = tpu.memref_slice %arg8[%dma_wait3A_303, %dma_wait3A_304] : memref<10112x8xf32, #tpu.memory_space<vmem_shared>> -> memref<10112x8xf32, #tpu.memory_space<vmem_shared>>
      tpu.wait_indirect_dma semaphore(%arg9 : memref<!tpu.dma_semaphore, #tpu.memory_space<semaphore_mem>>) src(%arg7 : memref<80x8xf32, #tpu.memory_space<vmem>>) dst(%dma_wait3A_305 : memref<10112x8xf32, #tpu.memory_space<vmem_shared>>)
      %dma_wait3A_306 = arith.constant 0 : i32
      %dma_wait3A_307 = tpu.memref_slice %arg6[%add3A_140, %dma_wait3A_306] : memref<125x80xi32, #tpu.memory_space<vmem>> -> memref<1x80xi32, #tpu.memory_space<vmem>>
      %dma_wait3A_308 = tpu.memref_squeeze %dma_wait3A_307 : memref<1x80xi32, #tpu.memory_space<vmem>> -> memref<80xi32, #tpu.memory_space<vmem>>
      %dma_wait3A_309 = arith.constant 0 : i32
      %dma_wait3A_310 = arith.constant 0 : i32
      %dma_wait3A_311 = tpu.memref_slice %arg8[%dma_wait3A_309, %dma_wait3A_310] : memref<10112x8xf32, #tpu.memory_space<vmem_shared>> -> memref<10112x8xf32, #tpu.memory_space<vmem_shared>>
      tpu.wait_indirect_dma semaphore(%arg9 : memref<!tpu.dma_semaphore, #tpu.memory_space<semaphore_mem>>) src(%arg7 : memref<80x8xf32, #tpu.memory_space<vmem>>) dst(%dma_wait3A_311 : memref<10112x8xf32, #tpu.memory_space<vmem_shared>>)
      %dma_wait3A_312 = arith.constant 0 : i32
      %dma_wait3A_313 = tpu.memref_slice %arg6[%add3A_148, %dma_wait3A_312] : memref<125x80xi32, #tpu.memory_space<vmem>> -> memref<1x80xi32, #tpu.memory_space<vmem>>
      %dma_wait3A_314 = tpu.memref_squeeze %dma_wait3A_313 : memref<1x80xi32, #tpu.memory_space<vmem>> -> memref<80xi32, #tpu.memory_space<vmem>>
      %dma_wait3A_315 = arith.constant 0 : i32
      %dma_wait3A_316 = arith.constant 0 : i32
      %dma_wait3A_317 = tpu.memref_slice %arg8[%dma_wait3A_315, %dma_wait3A_316] : memref<10112x8xf32, #tpu.memory_space<vmem_shared>> -> memref<10112x8xf32, #tpu.memory_space<vmem_shared>>
      tpu.wait_indirect_dma semaphore(%arg9 : memref<!tpu.dma_semaphore, #tpu.memory_space<semaphore_mem>>) src(%arg7 : memref<80x8xf32, #tpu.memory_space<vmem>>) dst(%dma_wait3A_317 : memref<10112x8xf32, #tpu.memory_space<vmem_shared>>)
      %dma_wait3A_318 = arith.constant 0 : i32
      %dma_wait3A_319 = tpu.memref_slice %arg6[%add3A_156, %dma_wait3A_318] : memref<125x80xi32, #tpu.memory_space<vmem>> -> memref<1x80xi32, #tpu.memory_space<vmem>>
      %dma_wait3A_320 = tpu.memref_squeeze %dma_wait3A_319 : memref<1x80xi32, #tpu.memory_space<vmem>> -> memref<80xi32, #tpu.memory_space<vmem>>
      %dma_wait3A_321 = arith.constant 0 : i32
      %dma_wait3A_322 = arith.constant 0 : i32
      %dma_wait3A_323 = tpu.memref_slice %arg8[%dma_wait3A_321, %dma_wait3A_322] : memref<10112x8xf32, #tpu.memory_space<vmem_shared>> -> memref<10112x8xf32, #tpu.memory_space<vmem_shared>>
      tpu.wait_indirect_dma semaphore(%arg9 : memref<!tpu.dma_semaphore, #tpu.memory_space<semaphore_mem>>) src(%arg7 : memref<80x8xf32, #tpu.memory_space<vmem>>) dst(%dma_wait3A_323 : memref<10112x8xf32, #tpu.memory_space<vmem_shared>>)
      %dma_wait3A_324 = arith.constant 0 : i32
      %dma_wait3A_325 = tpu.memref_slice %arg6[%add3A_164, %dma_wait3A_324] : memref<125x80xi32, #tpu.memory_space<vmem>> -> memref<1x80xi32, #tpu.memory_space<vmem>>
      %dma_wait3A_326 = tpu.memref_squeeze %dma_wait3A_325 : memref<1x80xi32, #tpu.memory_space<vmem>> -> memref<80xi32, #tpu.memory_space<vmem>>
      %dma_wait3A_327 = arith.constant 0 : i32
      %dma_wait3A_328 = arith.constant 0 : i32
      %dma_wait3A_329 = tpu.memref_slice %arg8[%dma_wait3A_327, %dma_wait3A_328] : memref<10112x8xf32, #tpu.memory_space<vmem_shared>> -> memref<10112x8xf32, #tpu.memory_space<vmem_shared>>
      tpu.wait_indirect_dma semaphore(%arg9 : memref<!tpu.dma_semaphore, #tpu.memory_space<semaphore_mem>>) src(%arg7 : memref<80x8xf32, #tpu.memory_space<vmem>>) dst(%dma_wait3A_329 : memref<10112x8xf32, #tpu.memory_space<vmem_shared>>)
      %dma_wait3A_330 = arith.constant 0 : i32
      %dma_wait3A_331 = tpu.memref_slice %arg6[%add3A_172, %dma_wait3A_330] : memref<125x80xi32, #tpu.memory_space<vmem>> -> memref<1x80xi32, #tpu.memory_space<vmem>>
      %dma_wait3A_332 = tpu.memref_squeeze %dma_wait3A_331 : memref<1x80xi32, #tpu.memory_space<vmem>> -> memref<80xi32, #tpu.memory_space<vmem>>
      %dma_wait3A_333 = arith.constant 0 : i32
      %dma_wait3A_334 = arith.constant 0 : i32
      %dma_wait3A_335 = tpu.memref_slice %arg8[%dma_wait3A_333, %dma_wait3A_334] : memref<10112x8xf32, #tpu.memory_space<vmem_shared>> -> memref<10112x8xf32, #tpu.memory_space<vmem_shared>>
      tpu.wait_indirect_dma semaphore(%arg9 : memref<!tpu.dma_semaphore, #tpu.memory_space<semaphore_mem>>) src(%arg7 : memref<80x8xf32, #tpu.memory_space<vmem>>) dst(%dma_wait3A_335 : memref<10112x8xf32, #tpu.memory_space<vmem_shared>>)
      %dma_wait3A_336 = arith.constant 0 : i32
      %dma_wait3A_337 = tpu.memref_slice %arg6[%add3A_180, %dma_wait3A_336] : memref<125x80xi32, #tpu.memory_space<vmem>> -> memref<1x80xi32, #tpu.memory_space<vmem>>
      %dma_wait3A_338 = tpu.memref_squeeze %dma_wait3A_337 : memref<1x80xi32, #tpu.memory_space<vmem>> -> memref<80xi32, #tpu.memory_space<vmem>>
      %dma_wait3A_339 = arith.constant 0 : i32
      %dma_wait3A_340 = arith.constant 0 : i32
      %dma_wait3A_341 = tpu.memref_slice %arg8[%dma_wait3A_339, %dma_wait3A_340] : memref<10112x8xf32, #tpu.memory_space<vmem_shared>> -> memref<10112x8xf32, #tpu.memory_space<vmem_shared>>
      tpu.wait_indirect_dma semaphore(%arg9 : memref<!tpu.dma_semaphore, #tpu.memory_space<semaphore_mem>>) src(%arg7 : memref<80x8xf32, #tpu.memory_space<vmem>>) dst(%dma_wait3A_341 : memref<10112x8xf32, #tpu.memory_space<vmem_shared>>)
      %dma_wait3A_342 = arith.constant 0 : i32
      %dma_wait3A_343 = tpu.memref_slice %arg6[%add3A_188, %dma_wait3A_342] : memref<125x80xi32, #tpu.memory_space<vmem>> -> memref<1x80xi32, #tpu.memory_space<vmem>>
      %dma_wait3A_344 = tpu.memref_squeeze %dma_wait3A_343 : memref<1x80xi32, #tpu.memory_space<vmem>> -> memref<80xi32, #tpu.memory_space<vmem>>
      %dma_wait3A_345 = arith.constant 0 : i32
      %dma_wait3A_346 = arith.constant 0 : i32
      %dma_wait3A_347 = tpu.memref_slice %arg8[%dma_wait3A_345, %dma_wait3A_346] : memref<10112x8xf32, #tpu.memory_space<vmem_shared>> -> memref<10112x8xf32, #tpu.memory_space<vmem_shared>>
      tpu.wait_indirect_dma semaphore(%arg9 : memref<!tpu.dma_semaphore, #tpu.memory_space<semaphore_mem>>) src(%arg7 : memref<80x8xf32, #tpu.memory_space<vmem>>) dst(%dma_wait3A_347 : memref<10112x8xf32, #tpu.memory_space<vmem_shared>>)
      %dma_wait3A_348 = arith.constant 0 : i32
      %dma_wait3A_349 = tpu.memref_slice %arg6[%add3A_196, %dma_wait3A_348] : memref<125x80xi32, #tpu.memory_space<vmem>> -> memref<1x80xi32, #tpu.memory_space<vmem>>
      %dma_wait3A_350 = tpu.memref_squeeze %dma_wait3A_349 : memref<1x80xi32, #tpu.memory_space<vmem>> -> memref<80xi32, #tpu.memory_space<vmem>>
      %dma_wait3A_351 = arith.constant 0 : i32
      %dma_wait3A_352 = arith.constant 0 : i32
      %dma_wait3A_353 = tpu.memref_slice %arg8[%dma_wait3A_351, %dma_wait3A_352] : memref<10112x8xf32, #tpu.memory_space<vmem_shared>> -> memref<10112x8xf32, #tpu.memory_space<vmem_shared>>
      tpu.wait_indirect_dma semaphore(%arg9 : memref<!tpu.dma_semaphore, #tpu.memory_space<semaphore_mem>>) src(%arg7 : memref<80x8xf32, #tpu.memory_space<vmem>>) dst(%dma_wait3A_353 : memref<10112x8xf32, #tpu.memory_space<vmem_shared>>)
      %dma_wait3A_354 = arith.constant 0 : i32
      %dma_wait3A_355 = tpu.memref_slice %arg6[%add3A_204, %dma_wait3A_354] : memref<125x80xi32, #tpu.memory_space<vmem>> -> memref<1x80xi32, #tpu.memory_space<vmem>>
      %dma_wait3A_356 = tpu.memref_squeeze %dma_wait3A_355 : memref<1x80xi32, #tpu.memory_space<vmem>> -> memref<80xi32, #tpu.memory_space<vmem>>
      %dma_wait3A_357 = arith.constant 0 : i32
      %dma_wait3A_358 = arith.constant 0 : i32
      %dma_wait3A_359 = tpu.memref_slice %arg8[%dma_wait3A_357, %dma_wait3A_358] : memref<10112x8xf32, #tpu.memory_space<vmem_shared>> -> memref<10112x8xf32, #tpu.memory_space<vmem_shared>>
      tpu.wait_indirect_dma semaphore(%arg9 : memref<!tpu.dma_semaphore, #tpu.memory_space<semaphore_mem>>) src(%arg7 : memref<80x8xf32, #tpu.memory_space<vmem>>) dst(%dma_wait3A_359 : memref<10112x8xf32, #tpu.memory_space<vmem_shared>>)
    }
    %scan3A_7 = arith.constant 5 : i32
    %barrier3A_8 = arith.constant 0 : index
    tpu.barrier barrier_id(%barrier3A_8)
    "tpu.region"() ({
      %run_scoped3A = tpu.sem_alloc : memref<!tpu.dma_semaphore, #tpu.memory_space<semaphore_mem>>
      %dma_start3A = arith.constant 0 : i32
      %dma_start3A_9 = arith.constant 0 : i32
      %dma_start3A_10 = tpu.memref_slice %arg5[%arg0, %dma_start3A, %dma_start3A_9] : memref<2x10112x8xf32, #tpu.memory_space<hbm>> -> memref<1x10112x8xf32, #tpu.memory_space<hbm>>
      %dma_start3A_11 = tpu.memref_squeeze %dma_start3A_10 : memref<1x10112x8xf32, #tpu.memory_space<hbm>> -> memref<10112x8xf32, #tpu.memory_space<hbm>>
      %dma_start3A_12 = arith.constant 0 : i32
      %dma_start3A_13 = tpu.memref_slice %dma_start3A_11[%mul3A_0, %dma_start3A_12] : memref<10112x8xf32, #tpu.memory_space<hbm>> -> memref<632x8xf32, #tpu.memory_space<hbm>>
      %dma_start3A_14 = arith.constant 0 : i32
      %dma_start3A_15 = tpu.memref_slice %arg8[%mul3A_0, %dma_start3A_14] : memref<10112x8xf32, #tpu.memory_space<vmem_shared>> -> memref<632x8xf32, #tpu.memory_space<vmem_shared>>
      tpu.enqueue_dma source(%dma_start3A_15 : memref<632x8xf32, #tpu.memory_space<vmem_shared>>) target(%dma_start3A_13 : memref<632x8xf32, #tpu.memory_space<hbm>>) target_semaphore(%run_scoped3A : memref<!tpu.dma_semaphore, #tpu.memory_space<semaphore_mem>>)
      %dma_wait3A = arith.constant 0 : i32
      %dma_wait3A_16 = arith.constant 0 : i32
      %dma_wait3A_17 = tpu.memref_slice %arg5[%arg0, %dma_wait3A, %dma_wait3A_16] : memref<2x10112x8xf32, #tpu.memory_space<hbm>> -> memref<1x10112x8xf32, #tpu.memory_space<hbm>>
      %dma_wait3A_18 = tpu.memref_squeeze %dma_wait3A_17 : memref<1x10112x8xf32, #tpu.memory_space<hbm>> -> memref<10112x8xf32, #tpu.memory_space<hbm>>
      %dma_wait3A_19 = arith.constant 0 : i32
      %dma_wait3A_20 = tpu.memref_slice %dma_wait3A_18[%mul3A_0, %dma_wait3A_19] : memref<10112x8xf32, #tpu.memory_space<hbm>> -> memref<632x8xf32, #tpu.memory_space<hbm>>
      %dma_wait3A_21 = arith.constant 0 : i32
      %dma_wait3A_22 = tpu.memref_slice %arg8[%mul3A_0, %dma_wait3A_21] : memref<10112x8xf32, #tpu.memory_space<vmem_shared>> -> memref<632x8xf32, #tpu.memory_space<vmem_shared>>
      tpu.wait_dma2 semaphore(%run_scoped3A : memref<!tpu.dma_semaphore, #tpu.memory_space<semaphore_mem>>) src(%dma_wait3A_22 : memref<632x8xf32, #tpu.memory_space<vmem_shared>>) dst(%dma_wait3A_20 : memref<632x8xf32, #tpu.memory_space<hbm>>)
      tpu.yield
    }) : () -> ()
    return
  }
}

#map = affine_map<(d0, d1) -> (0, 0, 0)>
module attributes {stable_mosaic.version = 14 : i64} {
  func.func @_sc_spmv4_body(%arg0: i32, %arg1: i32, %arg2: memref<4x10112x64xf32, #tpu.memory_space<hbm>>, %arg3: memref<16x250x80xi32, #tpu.memory_space<hbm>>, %arg4: memref<16x250x80xi32, #tpu.memory_space<hbm>>, %arg5: memref<4x10112x64xf32, #tpu.memory_space<hbm>>, %arg6: memref<250x80xi32, #tpu.memory_space<vmem>>, %arg7: memref<250x80xi32, #tpu.memory_space<vmem>>, %arg8: memref<5x80x64xf32, #tpu.memory_space<vmem>>, %arg9: memref<10112x64xf32, #tpu.memory_space<vmem_shared>>, %arg10: memref<5x!tpu.dma_semaphore, #tpu.memory_space<semaphore_mem>>, %arg11: memref<5x!tpu.dma_semaphore, #tpu.memory_space<semaphore_mem>>) attributes {dimension_semantics = [#tpu.dimension_semantics<core_parallel>, #tpu.dimension_semantics<subcore_parallel>], iteration_bounds = array<i64: 2, 16>, scalar_prefetch = 0 : i64, scratch_operands = 6 : i64, tpu.core_type = #tpu.core_type<sc_vector_subcore>, window_params = [{transform_indices = #map}, {transform_indices = #map}, {transform_indices = #map}, {transform_indices = #map}]} {
    %mul3A = arith.constant 632 : i32
    %mul3A_0 = arith.muli %arg1, %mul3A : i32
    "tpu.region"() ({
      %run_scoped3A = tpu.sem_alloc : memref<!tpu.dma_semaphore, #tpu.memory_space<semaphore_mem>>
      %dma_start3A = arith.constant 0 : i32
      %dma_start3A_167 = arith.constant 0 : i32
      %dma_start3A_168 = tpu.memref_slice %arg3[%arg1, %dma_start3A, %dma_start3A_167] : memref<16x250x80xi32, #tpu.memory_space<hbm>> -> memref<1x250x80xi32, #tpu.memory_space<hbm>>
      %dma_start3A_169 = tpu.memref_squeeze %dma_start3A_168 : memref<1x250x80xi32, #tpu.memory_space<hbm>> -> memref<250x80xi32, #tpu.memory_space<hbm>>
      %dma_start3A_170 = arith.constant 0 : i32
      %dma_start3A_171 = arith.constant 0 : i32
      %dma_start3A_172 = tpu.memref_slice %arg3[%arg1, %dma_start3A_170, %dma_start3A_171] : memref<16x250x80xi32, #tpu.memory_space<hbm>> -> memref<1x250x80xi32, #tpu.memory_space<hbm>>
      %dma_start3A_173 = tpu.memref_squeeze %dma_start3A_172 : memref<1x250x80xi32, #tpu.memory_space<hbm>> -> memref<250x80xi32, #tpu.memory_space<hbm>>
      tpu.enqueue_dma source(%dma_start3A_173 : memref<250x80xi32, #tpu.memory_space<hbm>>) target(%arg6 : memref<250x80xi32, #tpu.memory_space<vmem>>) target_semaphore(%run_scoped3A : memref<!tpu.dma_semaphore, #tpu.memory_space<semaphore_mem>>)
      %dma_wait3A_174 = arith.constant 0 : i32
      %dma_wait3A_175 = arith.constant 0 : i32
      %dma_wait3A_176 = tpu.memref_slice %arg3[%arg1, %dma_wait3A_174, %dma_wait3A_175] : memref<16x250x80xi32, #tpu.memory_space<hbm>> -> memref<1x250x80xi32, #tpu.memory_space<hbm>>
      %dma_wait3A_177 = tpu.memref_squeeze %dma_wait3A_176 : memref<1x250x80xi32, #tpu.memory_space<hbm>> -> memref<250x80xi32, #tpu.memory_space<hbm>>
      %dma_wait3A_178 = arith.constant 0 : i32
      %dma_wait3A_179 = arith.constant 0 : i32
      %dma_wait3A_180 = tpu.memref_slice %arg3[%arg1, %dma_wait3A_178, %dma_wait3A_179] : memref<16x250x80xi32, #tpu.memory_space<hbm>> -> memref<1x250x80xi32, #tpu.memory_space<hbm>>
      %dma_wait3A_181 = tpu.memref_squeeze %dma_wait3A_180 : memref<1x250x80xi32, #tpu.memory_space<hbm>> -> memref<250x80xi32, #tpu.memory_space<hbm>>
      tpu.wait_dma2 semaphore(%run_scoped3A : memref<!tpu.dma_semaphore, #tpu.memory_space<semaphore_mem>>) src(%dma_wait3A_181 : memref<250x80xi32, #tpu.memory_space<hbm>>) dst(%arg6 : memref<250x80xi32, #tpu.memory_space<vmem>>)
      tpu.yield
    }) : () -> ()
    "tpu.region"() ({
      %run_scoped3A = tpu.sem_alloc : memref<!tpu.dma_semaphore, #tpu.memory_space<semaphore_mem>>
      %dma_start3A = arith.constant 0 : i32
      %dma_start3A_167 = arith.constant 0 : i32
      %dma_start3A_168 = tpu.memref_slice %arg4[%arg1, %dma_start3A, %dma_start3A_167] : memref<16x250x80xi32, #tpu.memory_space<hbm>> -> memref<1x250x80xi32, #tpu.memory_space<hbm>>
      %dma_start3A_169 = tpu.memref_squeeze %dma_start3A_168 : memref<1x250x80xi32, #tpu.memory_space<hbm>> -> memref<250x80xi32, #tpu.memory_space<hbm>>
      %dma_start3A_170 = arith.constant 0 : i32
      %dma_start3A_171 = arith.constant 0 : i32
      %dma_start3A_172 = tpu.memref_slice %arg4[%arg1, %dma_start3A_170, %dma_start3A_171] : memref<16x250x80xi32, #tpu.memory_space<hbm>> -> memref<1x250x80xi32, #tpu.memory_space<hbm>>
      %dma_start3A_173 = tpu.memref_squeeze %dma_start3A_172 : memref<1x250x80xi32, #tpu.memory_space<hbm>> -> memref<250x80xi32, #tpu.memory_space<hbm>>
      tpu.enqueue_dma source(%dma_start3A_173 : memref<250x80xi32, #tpu.memory_space<hbm>>) target(%arg7 : memref<250x80xi32, #tpu.memory_space<vmem>>) target_semaphore(%run_scoped3A : memref<!tpu.dma_semaphore, #tpu.memory_space<semaphore_mem>>)
      %dma_wait3A_174 = arith.constant 0 : i32
      %dma_wait3A_175 = arith.constant 0 : i32
      %dma_wait3A_176 = tpu.memref_slice %arg4[%arg1, %dma_wait3A_174, %dma_wait3A_175] : memref<16x250x80xi32, #tpu.memory_space<hbm>> -> memref<1x250x80xi32, #tpu.memory_space<hbm>>
      %dma_wait3A_177 = tpu.memref_squeeze %dma_wait3A_176 : memref<1x250x80xi32, #tpu.memory_space<hbm>> -> memref<250x80xi32, #tpu.memory_space<hbm>>
      %dma_wait3A_178 = arith.constant 0 : i32
      %dma_wait3A_179 = arith.constant 0 : i32
      %dma_wait3A_180 = tpu.memref_slice %arg4[%arg1, %dma_wait3A_178, %dma_wait3A_179] : memref<16x250x80xi32, #tpu.memory_space<hbm>> -> memref<1x250x80xi32, #tpu.memory_space<hbm>>
      %dma_wait3A_181 = tpu.memref_squeeze %dma_wait3A_180 : memref<1x250x80xi32, #tpu.memory_space<hbm>> -> memref<250x80xi32, #tpu.memory_space<hbm>>
      tpu.wait_dma2 semaphore(%run_scoped3A : memref<!tpu.dma_semaphore, #tpu.memory_space<semaphore_mem>>) src(%dma_wait3A_181 : memref<250x80xi32, #tpu.memory_space<hbm>>) dst(%arg7 : memref<250x80xi32, #tpu.memory_space<vmem>>)
      tpu.yield
    }) : () -> ()
    %add3A = arith.constant 0 : i32
    %add3A_1 = arith.addi %add3A, %arg0 : i32
    "tpu.region"() ({
      %run_scoped3A = tpu.sem_alloc : memref<!tpu.dma_semaphore, #tpu.memory_space<semaphore_mem>>
      %dma_start3A = arith.constant 0 : i32
      %dma_start3A_167 = tpu.memref_slice %arg9[%mul3A_0, %dma_start3A] : memref<10112x64xf32, #tpu.memory_space<vmem_shared>> -> memref<632x64xf32, #tpu.memory_space<vmem_shared>>
      %dma_start3A_168 = arith.constant 0 : i32
      %dma_start3A_169 = arith.constant 0 : i32
      %dma_start3A_170 = tpu.memref_slice %arg2[%add3A_1, %dma_start3A_168, %dma_start3A_169] : memref<4x10112x64xf32, #tpu.memory_space<hbm>> -> memref<1x10112x64xf32, #tpu.memory_space<hbm>>
      %dma_start3A_171 = tpu.memref_squeeze %dma_start3A_170 : memref<1x10112x64xf32, #tpu.memory_space<hbm>> -> memref<10112x64xf32, #tpu.memory_space<hbm>>
      %dma_start3A_172 = arith.constant 0 : i32
      %dma_start3A_173 = tpu.memref_slice %dma_start3A_171[%mul3A_0, %dma_start3A_172] : memref<10112x64xf32, #tpu.memory_space<hbm>> -> memref<632x64xf32, #tpu.memory_space<hbm>>
      tpu.enqueue_dma source(%dma_start3A_173 : memref<632x64xf32, #tpu.memory_space<hbm>>) target(%dma_start3A_167 : memref<632x64xf32, #tpu.memory_space<vmem_shared>>) target_semaphore(%run_scoped3A : memref<!tpu.dma_semaphore, #tpu.memory_space<semaphore_mem>>)
      %dma_wait3A_174 = arith.constant 0 : i32
      %dma_wait3A_175 = tpu.memref_slice %arg9[%mul3A_0, %dma_wait3A_174] : memref<10112x64xf32, #tpu.memory_space<vmem_shared>> -> memref<632x64xf32, #tpu.memory_space<vmem_shared>>
      %dma_wait3A_176 = arith.constant 0 : i32
      %dma_wait3A_177 = arith.constant 0 : i32
      %dma_wait3A_178 = tpu.memref_slice %arg2[%add3A_1, %dma_wait3A_176, %dma_wait3A_177] : memref<4x10112x64xf32, #tpu.memory_space<hbm>> -> memref<1x10112x64xf32, #tpu.memory_space<hbm>>
      %dma_wait3A_179 = tpu.memref_squeeze %dma_wait3A_178 : memref<1x10112x64xf32, #tpu.memory_space<hbm>> -> memref<10112x64xf32, #tpu.memory_space<hbm>>
      %dma_wait3A_180 = arith.constant 0 : i32
      %dma_wait3A_181 = tpu.memref_slice %dma_wait3A_179[%mul3A_0, %dma_wait3A_180] : memref<10112x64xf32, #tpu.memory_space<hbm>> -> memref<632x64xf32, #tpu.memory_space<hbm>>
      tpu.wait_dma2 semaphore(%run_scoped3A : memref<!tpu.dma_semaphore, #tpu.memory_space<semaphore_mem>>) src(%dma_wait3A_181 : memref<632x64xf32, #tpu.memory_space<hbm>>) dst(%dma_wait3A_175 : memref<632x64xf32, #tpu.memory_space<vmem_shared>>)
      tpu.yield
    }) : () -> ()
    %barrier3A = arith.constant 0 : index
    tpu.barrier barrier_id(%barrier3A)
    %scan3A = arith.constant 0 : i32
    %scan3A_2 = arith.constant 0 : i32
    %scan3A_3 = arith.constant 50 : i32
    %scan3A_4 = arith.addi %scan3A_2, %scan3A_3 : i32
    %scan3A_5 = arith.constant 1 : i32
    scf.for %scan3A_167 = %scan3A_2 to %scan3A_4 step %scan3A_5  : i32 {
      %mul3A_168 = arith.constant 5 : i32
      %mul3A_169 = arith.muli %mul3A_168, %scan3A_167 : i32
      %gt3A = arith.constant 0 : i32
      %gt3A_170 = arith.cmpi sgt, %scan3A_167, %gt3A : i32
      %convert_element_type3A = arith.extui %gt3A_170 : i1 to i32
      %cond3A = arith.constant 0 : i32
      %cond3A_171 = arith.cmpi ne, %convert_element_type3A, %cond3A : i32
      scf.if %cond3A_171 {
        %add3A_471 = arith.constant 0 : i32
        %add3A_472 = arith.addi %mul3A_169, %add3A_471 : i32
        %dma_wait3A_473 = arith.constant 0 : i32
        %dma_wait3A_474 = arith.constant 0 : i32
        %dma_wait3A_475 = arith.constant 0 : i32
        %dma_wait3A_476 = arith.constant 0 : i32
        %dma_wait3A_477 = tpu.memref_slice %arg8[%dma_wait3A_473, %dma_wait3A_475, %dma_wait3A_476] : memref<5x80x64xf32, #tpu.memory_space<vmem>> -> memref<1x80x64xf32, #tpu.memory_space<vmem>>
        %dma_wait3A_478 = tpu.memref_squeeze %dma_wait3A_477 : memref<1x80x64xf32, #tpu.memory_space<vmem>> -> memref<80x64xf32, #tpu.memory_space<vmem>>
        %dma_wait3A_479 = arith.constant 0 : i32
        %dma_wait3A_480 = tpu.memref_slice %arg7[%add3A_472, %dma_wait3A_479] : memref<250x80xi32, #tpu.memory_space<vmem>> -> memref<1x80xi32, #tpu.memory_space<vmem>>
        %dma_wait3A_481 = tpu.memref_squeeze %dma_wait3A_480 : memref<1x80xi32, #tpu.memory_space<vmem>> -> memref<80xi32, #tpu.memory_space<vmem>>
        %dma_wait3A_482 = arith.constant 0 : i32
        %dma_wait3A_483 = arith.constant 0 : i32
        %dma_wait3A_484 = tpu.memref_slice %arg9[%dma_wait3A_482, %dma_wait3A_483] : memref<10112x64xf32, #tpu.memory_space<vmem_shared>> -> memref<10112x64xf32, #tpu.memory_space<vmem_shared>>
        %dma_wait3A_485 = tpu.memref_slice %arg11[%dma_wait3A_474] : memref<5x!tpu.dma_semaphore, #tpu.memory_space<semaphore_mem>> -> memref<1x!tpu.dma_semaphore, #tpu.memory_space<semaphore_mem>>
        %dma_wait3A_486 = tpu.memref_squeeze %dma_wait3A_485 : memref<1x!tpu.dma_semaphore, #tpu.memory_space<semaphore_mem>> -> memref<!tpu.dma_semaphore, #tpu.memory_space<semaphore_mem>>
        tpu.wait_indirect_dma semaphore(%dma_wait3A_486 : memref<!tpu.dma_semaphore, #tpu.memory_space<semaphore_mem>>) src(%dma_wait3A_478 : memref<80x64xf32, #tpu.memory_space<vmem>>) dst(%dma_wait3A_484 : memref<10112x64xf32, #tpu.memory_space<vmem_shared>>)
      } else {
      }
      %add3A_172 = arith.constant 0 : i32
      %add3A_173 = arith.addi %mul3A_169, %add3A_172 : i32
      %dma_start3A = arith.constant 0 : i32
      %dma_start3A_174 = arith.constant 0 : i32
      %dma_start3A_175 = arith.constant 0 : i32
      %dma_start3A_176 = arith.constant 0 : i32
      %dma_start3A_177 = tpu.memref_slice %arg8[%dma_start3A, %dma_start3A_175, %dma_start3A_176] : memref<5x80x64xf32, #tpu.memory_space<vmem>> -> memref<1x80x64xf32, #tpu.memory_space<vmem>>
      %dma_start3A_178 = tpu.memref_squeeze %dma_start3A_177 : memref<1x80x64xf32, #tpu.memory_space<vmem>> -> memref<80x64xf32, #tpu.memory_space<vmem>>
      %dma_start3A_179 = arith.constant 0 : i32
      %dma_start3A_180 = tpu.memref_slice %arg6[%add3A_173, %dma_start3A_179] : memref<250x80xi32, #tpu.memory_space<vmem>> -> memref<1x80xi32, #tpu.memory_space<vmem>>
      %dma_start3A_181 = tpu.memref_squeeze %dma_start3A_180 : memref<1x80xi32, #tpu.memory_space<vmem>> -> memref<80xi32, #tpu.memory_space<vmem>>
      %dma_start3A_182 = arith.constant 0 : i32
      %dma_start3A_183 = arith.constant 0 : i32
      %dma_start3A_184 = tpu.memref_slice %arg2[%add3A_1, %dma_start3A_182, %dma_start3A_183] : memref<4x10112x64xf32, #tpu.memory_space<hbm>> -> memref<1x10112x64xf32, #tpu.memory_space<hbm>>
      %dma_start3A_185 = tpu.memref_squeeze %dma_start3A_184 : memref<1x10112x64xf32, #tpu.memory_space<hbm>> -> memref<10112x64xf32, #tpu.memory_space<hbm>>
      %dma_start3A_186 = arith.constant 0 : i32
      %dma_start3A_187 = arith.constant 0 : i32
      %dma_start3A_188 = tpu.memref_slice %dma_start3A_185[%dma_start3A_186, %dma_start3A_187] : memref<10112x64xf32, #tpu.memory_space<hbm>> -> memref<10112x64xf32, #tpu.memory_space<hbm>>
      %dma_start3A_189 = tpu.memref_slice %arg10[%dma_start3A_174] : memref<5x!tpu.dma_semaphore, #tpu.memory_space<semaphore_mem>> -> memref<1x!tpu.dma_semaphore, #tpu.memory_space<semaphore_mem>>
      %dma_start3A_190 = tpu.memref_squeeze %dma_start3A_189 : memref<1x!tpu.dma_semaphore, #tpu.memory_space<semaphore_mem>> -> memref<!tpu.dma_semaphore, #tpu.memory_space<semaphore_mem>>
      tpu.enqueue_indirect_dma source(%dma_start3A_188 : memref<10112x64xf32, #tpu.memory_space<hbm>>) target(%dma_start3A_178 : memref<80x64xf32, #tpu.memory_space<vmem>>) offsets(%dma_start3A_181 : memref<80xi32, #tpu.memory_space<vmem>>) semaphore(%dma_start3A_190 : memref<!tpu.dma_semaphore, #tpu.memory_space<semaphore_mem>>)
      %gt3A_191 = arith.constant 0 : i32
      %gt3A_192 = arith.cmpi sgt, %scan3A_167, %gt3A_191 : i32
      %convert_element_type3A_193 = arith.extui %gt3A_192 : i1 to i32
      %cond3A_194 = arith.constant 0 : i32
      %cond3A_195 = arith.cmpi ne, %convert_element_type3A_193, %cond3A_194 : i32
      scf.if %cond3A_195 {
        %add3A_471 = arith.constant 1 : i32
        %add3A_472 = arith.addi %mul3A_169, %add3A_471 : i32
        %dma_wait3A_473 = arith.constant 1 : i32
        %dma_wait3A_474 = arith.constant 1 : i32
        %dma_wait3A_475 = arith.constant 0 : i32
        %dma_wait3A_476 = arith.constant 0 : i32
        %dma_wait3A_477 = tpu.memref_slice %arg8[%dma_wait3A_473, %dma_wait3A_475, %dma_wait3A_476] : memref<5x80x64xf32, #tpu.memory_space<vmem>> -> memref<1x80x64xf32, #tpu.memory_space<vmem>>
        %dma_wait3A_478 = tpu.memref_squeeze %dma_wait3A_477 : memref<1x80x64xf32, #tpu.memory_space<vmem>> -> memref<80x64xf32, #tpu.memory_space<vmem>>
        %dma_wait3A_479 = arith.constant 0 : i32
        %dma_wait3A_480 = tpu.memref_slice %arg7[%add3A_472, %dma_wait3A_479] : memref<250x80xi32, #tpu.memory_space<vmem>> -> memref<1x80xi32, #tpu.memory_space<vmem>>
        %dma_wait3A_481 = tpu.memref_squeeze %dma_wait3A_480 : memref<1x80xi32, #tpu.memory_space<vmem>> -> memref<80xi32, #tpu.memory_space<vmem>>
        %dma_wait3A_482 = arith.constant 0 : i32
        %dma_wait3A_483 = arith.constant 0 : i32
        %dma_wait3A_484 = tpu.memref_slice %arg9[%dma_wait3A_482, %dma_wait3A_483] : memref<10112x64xf32, #tpu.memory_space<vmem_shared>> -> memref<10112x64xf32, #tpu.memory_space<vmem_shared>>
        %dma_wait3A_485 = tpu.memref_slice %arg11[%dma_wait3A_474] : memref<5x!tpu.dma_semaphore, #tpu.memory_space<semaphore_mem>> -> memref<1x!tpu.dma_semaphore, #tpu.memory_space<semaphore_mem>>
        %dma_wait3A_486 = tpu.memref_squeeze %dma_wait3A_485 : memref<1x!tpu.dma_semaphore, #tpu.memory_space<semaphore_mem>> -> memref<!tpu.dma_semaphore, #tpu.memory_space<semaphore_mem>>
        tpu.wait_indirect_dma semaphore(%dma_wait3A_486 : memref<!tpu.dma_semaphore, #tpu.memory_space<semaphore_mem>>) src(%dma_wait3A_478 : memref<80x64xf32, #tpu.memory_space<vmem>>) dst(%dma_wait3A_484 : memref<10112x64xf32, #tpu.memory_space<vmem_shared>>)
      } else {
      }
      %add3A_196 = arith.constant 1 : i32
      %add3A_197 = arith.addi %mul3A_169, %add3A_196 : i32
      %dma_start3A_198 = arith.constant 1 : i32
      %dma_start3A_199 = arith.constant 1 : i32
      %dma_start3A_200 = arith.constant 0 : i32
      %dma_start3A_201 = arith.constant 0 : i32
      %dma_start3A_202 = tpu.memref_slice %arg8[%dma_start3A_198, %dma_start3A_200, %dma_start3A_201] : memref<5x80x64xf32, #tpu.memory_space<vmem>> -> memref<1x80x64xf32, #tpu.memory_space<vmem>>
      %dma_start3A_203 = tpu.memref_squeeze %dma_start3A_202 : memref<1x80x64xf32, #tpu.memory_space<vmem>> -> memref<80x64xf32, #tpu.memory_space<vmem>>
      %dma_start3A_204 = arith.constant 0 : i32
      %dma_start3A_205 = tpu.memref_slice %arg6[%add3A_197, %dma_start3A_204] : memref<250x80xi32, #tpu.memory_space<vmem>> -> memref<1x80xi32, #tpu.memory_space<vmem>>
      %dma_start3A_206 = tpu.memref_squeeze %dma_start3A_205 : memref<1x80xi32, #tpu.memory_space<vmem>> -> memref<80xi32, #tpu.memory_space<vmem>>
      %dma_start3A_207 = arith.constant 0 : i32
      %dma_start3A_208 = arith.constant 0 : i32
      %dma_start3A_209 = tpu.memref_slice %arg2[%add3A_1, %dma_start3A_207, %dma_start3A_208] : memref<4x10112x64xf32, #tpu.memory_space<hbm>> -> memref<1x10112x64xf32, #tpu.memory_space<hbm>>
      %dma_start3A_210 = tpu.memref_squeeze %dma_start3A_209 : memref<1x10112x64xf32, #tpu.memory_space<hbm>> -> memref<10112x64xf32, #tpu.memory_space<hbm>>
      %dma_start3A_211 = arith.constant 0 : i32
      %dma_start3A_212 = arith.constant 0 : i32
      %dma_start3A_213 = tpu.memref_slice %dma_start3A_210[%dma_start3A_211, %dma_start3A_212] : memref<10112x64xf32, #tpu.memory_space<hbm>> -> memref<10112x64xf32, #tpu.memory_space<hbm>>
      %dma_start3A_214 = tpu.memref_slice %arg10[%dma_start3A_199] : memref<5x!tpu.dma_semaphore, #tpu.memory_space<semaphore_mem>> -> memref<1x!tpu.dma_semaphore, #tpu.memory_space<semaphore_mem>>
      %dma_start3A_215 = tpu.memref_squeeze %dma_start3A_214 : memref<1x!tpu.dma_semaphore, #tpu.memory_space<semaphore_mem>> -> memref<!tpu.dma_semaphore, #tpu.memory_space<semaphore_mem>>
      tpu.enqueue_indirect_dma source(%dma_start3A_213 : memref<10112x64xf32, #tpu.memory_space<hbm>>) target(%dma_start3A_203 : memref<80x64xf32, #tpu.memory_space<vmem>>) offsets(%dma_start3A_206 : memref<80xi32, #tpu.memory_space<vmem>>) semaphore(%dma_start3A_215 : memref<!tpu.dma_semaphore, #tpu.memory_space<semaphore_mem>>)
      %gt3A_216 = arith.constant 0 : i32
      %gt3A_217 = arith.cmpi sgt, %scan3A_167, %gt3A_216 : i32
      %convert_element_type3A_218 = arith.extui %gt3A_217 : i1 to i32
      %cond3A_219 = arith.constant 0 : i32
      %cond3A_220 = arith.cmpi ne, %convert_element_type3A_218, %cond3A_219 : i32
      scf.if %cond3A_220 {
        %add3A_471 = arith.constant 2 : i32
        %add3A_472 = arith.addi %mul3A_169, %add3A_471 : i32
        %dma_wait3A_473 = arith.constant 2 : i32
        %dma_wait3A_474 = arith.constant 2 : i32
        %dma_wait3A_475 = arith.constant 0 : i32
        %dma_wait3A_476 = arith.constant 0 : i32
        %dma_wait3A_477 = tpu.memref_slice %arg8[%dma_wait3A_473, %dma_wait3A_475, %dma_wait3A_476] : memref<5x80x64xf32, #tpu.memory_space<vmem>> -> memref<1x80x64xf32, #tpu.memory_space<vmem>>
        %dma_wait3A_478 = tpu.memref_squeeze %dma_wait3A_477 : memref<1x80x64xf32, #tpu.memory_space<vmem>> -> memref<80x64xf32, #tpu.memory_space<vmem>>
        %dma_wait3A_479 = arith.constant 0 : i32
        %dma_wait3A_480 = tpu.memref_slice %arg7[%add3A_472, %dma_wait3A_479] : memref<250x80xi32, #tpu.memory_space<vmem>> -> memref<1x80xi32, #tpu.memory_space<vmem>>
        %dma_wait3A_481 = tpu.memref_squeeze %dma_wait3A_480 : memref<1x80xi32, #tpu.memory_space<vmem>> -> memref<80xi32, #tpu.memory_space<vmem>>
        %dma_wait3A_482 = arith.constant 0 : i32
        %dma_wait3A_483 = arith.constant 0 : i32
        %dma_wait3A_484 = tpu.memref_slice %arg9[%dma_wait3A_482, %dma_wait3A_483] : memref<10112x64xf32, #tpu.memory_space<vmem_shared>> -> memref<10112x64xf32, #tpu.memory_space<vmem_shared>>
        %dma_wait3A_485 = tpu.memref_slice %arg11[%dma_wait3A_474] : memref<5x!tpu.dma_semaphore, #tpu.memory_space<semaphore_mem>> -> memref<1x!tpu.dma_semaphore, #tpu.memory_space<semaphore_mem>>
        %dma_wait3A_486 = tpu.memref_squeeze %dma_wait3A_485 : memref<1x!tpu.dma_semaphore, #tpu.memory_space<semaphore_mem>> -> memref<!tpu.dma_semaphore, #tpu.memory_space<semaphore_mem>>
        tpu.wait_indirect_dma semaphore(%dma_wait3A_486 : memref<!tpu.dma_semaphore, #tpu.memory_space<semaphore_mem>>) src(%dma_wait3A_478 : memref<80x64xf32, #tpu.memory_space<vmem>>) dst(%dma_wait3A_484 : memref<10112x64xf32, #tpu.memory_space<vmem_shared>>)
      } else {
      }
      %add3A_221 = arith.constant 2 : i32
      %add3A_222 = arith.addi %mul3A_169, %add3A_221 : i32
      %dma_start3A_223 = arith.constant 2 : i32
      %dma_start3A_224 = arith.constant 2 : i32
      %dma_start3A_225 = arith.constant 0 : i32
      %dma_start3A_226 = arith.constant 0 : i32
      %dma_start3A_227 = tpu.memref_slice %arg8[%dma_start3A_223, %dma_start3A_225, %dma_start3A_226] : memref<5x80x64xf32, #tpu.memory_space<vmem>> -> memref<1x80x64xf32, #tpu.memory_space<vmem>>
      %dma_start3A_228 = tpu.memref_squeeze %dma_start3A_227 : memref<1x80x64xf32, #tpu.memory_space<vmem>> -> memref<80x64xf32, #tpu.memory_space<vmem>>
      %dma_start3A_229 = arith.constant 0 : i32
      %dma_start3A_230 = tpu.memref_slice %arg6[%add3A_222, %dma_start3A_229] : memref<250x80xi32, #tpu.memory_space<vmem>> -> memref<1x80xi32, #tpu.memory_space<vmem>>
      %dma_start3A_231 = tpu.memref_squeeze %dma_start3A_230 : memref<1x80xi32, #tpu.memory_space<vmem>> -> memref<80xi32, #tpu.memory_space<vmem>>
      %dma_start3A_232 = arith.constant 0 : i32
      %dma_start3A_233 = arith.constant 0 : i32
      %dma_start3A_234 = tpu.memref_slice %arg2[%add3A_1, %dma_start3A_232, %dma_start3A_233] : memref<4x10112x64xf32, #tpu.memory_space<hbm>> -> memref<1x10112x64xf32, #tpu.memory_space<hbm>>
      %dma_start3A_235 = tpu.memref_squeeze %dma_start3A_234 : memref<1x10112x64xf32, #tpu.memory_space<hbm>> -> memref<10112x64xf32, #tpu.memory_space<hbm>>
      %dma_start3A_236 = arith.constant 0 : i32
      %dma_start3A_237 = arith.constant 0 : i32
      %dma_start3A_238 = tpu.memref_slice %dma_start3A_235[%dma_start3A_236, %dma_start3A_237] : memref<10112x64xf32, #tpu.memory_space<hbm>> -> memref<10112x64xf32, #tpu.memory_space<hbm>>
      %dma_start3A_239 = tpu.memref_slice %arg10[%dma_start3A_224] : memref<5x!tpu.dma_semaphore, #tpu.memory_space<semaphore_mem>> -> memref<1x!tpu.dma_semaphore, #tpu.memory_space<semaphore_mem>>
      %dma_start3A_240 = tpu.memref_squeeze %dma_start3A_239 : memref<1x!tpu.dma_semaphore, #tpu.memory_space<semaphore_mem>> -> memref<!tpu.dma_semaphore, #tpu.memory_space<semaphore_mem>>
      tpu.enqueue_indirect_dma source(%dma_start3A_238 : memref<10112x64xf32, #tpu.memory_space<hbm>>) target(%dma_start3A_228 : memref<80x64xf32, #tpu.memory_space<vmem>>) offsets(%dma_start3A_231 : memref<80xi32, #tpu.memory_space<vmem>>) semaphore(%dma_start3A_240 : memref<!tpu.dma_semaphore, #tpu.memory_space<semaphore_mem>>)
      %gt3A_241 = arith.constant 0 : i32
      %gt3A_242 = arith.cmpi sgt, %scan3A_167, %gt3A_241 : i32
      %convert_element_type3A_243 = arith.extui %gt3A_242 : i1 to i32
      %cond3A_244 = arith.constant 0 : i32
      %cond3A_245 = arith.cmpi ne, %convert_element_type3A_243, %cond3A_244 : i32
      scf.if %cond3A_245 {
        %add3A_471 = arith.constant 3 : i32
        %add3A_472 = arith.addi %mul3A_169, %add3A_471 : i32
        %dma_wait3A_473 = arith.constant 3 : i32
        %dma_wait3A_474 = arith.constant 3 : i32
        %dma_wait3A_475 = arith.constant 0 : i32
        %dma_wait3A_476 = arith.constant 0 : i32
        %dma_wait3A_477 = tpu.memref_slice %arg8[%dma_wait3A_473, %dma_wait3A_475, %dma_wait3A_476] : memref<5x80x64xf32, #tpu.memory_space<vmem>> -> memref<1x80x64xf32, #tpu.memory_space<vmem>>
        %dma_wait3A_478 = tpu.memref_squeeze %dma_wait3A_477 : memref<1x80x64xf32, #tpu.memory_space<vmem>> -> memref<80x64xf32, #tpu.memory_space<vmem>>
        %dma_wait3A_479 = arith.constant 0 : i32
        %dma_wait3A_480 = tpu.memref_slice %arg7[%add3A_472, %dma_wait3A_479] : memref<250x80xi32, #tpu.memory_space<vmem>> -> memref<1x80xi32, #tpu.memory_space<vmem>>
        %dma_wait3A_481 = tpu.memref_squeeze %dma_wait3A_480 : memref<1x80xi32, #tpu.memory_space<vmem>> -> memref<80xi32, #tpu.memory_space<vmem>>
        %dma_wait3A_482 = arith.constant 0 : i32
        %dma_wait3A_483 = arith.constant 0 : i32
        %dma_wait3A_484 = tpu.memref_slice %arg9[%dma_wait3A_482, %dma_wait3A_483] : memref<10112x64xf32, #tpu.memory_space<vmem_shared>> -> memref<10112x64xf32, #tpu.memory_space<vmem_shared>>
        %dma_wait3A_485 = tpu.memref_slice %arg11[%dma_wait3A_474] : memref<5x!tpu.dma_semaphore, #tpu.memory_space<semaphore_mem>> -> memref<1x!tpu.dma_semaphore, #tpu.memory_space<semaphore_mem>>
        %dma_wait3A_486 = tpu.memref_squeeze %dma_wait3A_485 : memref<1x!tpu.dma_semaphore, #tpu.memory_space<semaphore_mem>> -> memref<!tpu.dma_semaphore, #tpu.memory_space<semaphore_mem>>
        tpu.wait_indirect_dma semaphore(%dma_wait3A_486 : memref<!tpu.dma_semaphore, #tpu.memory_space<semaphore_mem>>) src(%dma_wait3A_478 : memref<80x64xf32, #tpu.memory_space<vmem>>) dst(%dma_wait3A_484 : memref<10112x64xf32, #tpu.memory_space<vmem_shared>>)
      } else {
      }
      %add3A_246 = arith.constant 3 : i32
      %add3A_247 = arith.addi %mul3A_169, %add3A_246 : i32
      %dma_start3A_248 = arith.constant 3 : i32
      %dma_start3A_249 = arith.constant 3 : i32
      %dma_start3A_250 = arith.constant 0 : i32
      %dma_start3A_251 = arith.constant 0 : i32
      %dma_start3A_252 = tpu.memref_slice %arg8[%dma_start3A_248, %dma_start3A_250, %dma_start3A_251] : memref<5x80x64xf32, #tpu.memory_space<vmem>> -> memref<1x80x64xf32, #tpu.memory_space<vmem>>
      %dma_start3A_253 = tpu.memref_squeeze %dma_start3A_252 : memref<1x80x64xf32, #tpu.memory_space<vmem>> -> memref<80x64xf32, #tpu.memory_space<vmem>>
      %dma_start3A_254 = arith.constant 0 : i32
      %dma_start3A_255 = tpu.memref_slice %arg6[%add3A_247, %dma_start3A_254] : memref<250x80xi32, #tpu.memory_space<vmem>> -> memref<1x80xi32, #tpu.memory_space<vmem>>
      %dma_start3A_256 = tpu.memref_squeeze %dma_start3A_255 : memref<1x80xi32, #tpu.memory_space<vmem>> -> memref<80xi32, #tpu.memory_space<vmem>>
      %dma_start3A_257 = arith.constant 0 : i32
      %dma_start3A_258 = arith.constant 0 : i32
      %dma_start3A_259 = tpu.memref_slice %arg2[%add3A_1, %dma_start3A_257, %dma_start3A_258] : memref<4x10112x64xf32, #tpu.memory_space<hbm>> -> memref<1x10112x64xf32, #tpu.memory_space<hbm>>
      %dma_start3A_260 = tpu.memref_squeeze %dma_start3A_259 : memref<1x10112x64xf32, #tpu.memory_space<hbm>> -> memref<10112x64xf32, #tpu.memory_space<hbm>>
      %dma_start3A_261 = arith.constant 0 : i32
      %dma_start3A_262 = arith.constant 0 : i32
      %dma_start3A_263 = tpu.memref_slice %dma_start3A_260[%dma_start3A_261, %dma_start3A_262] : memref<10112x64xf32, #tpu.memory_space<hbm>> -> memref<10112x64xf32, #tpu.memory_space<hbm>>
      %dma_start3A_264 = tpu.memref_slice %arg10[%dma_start3A_249] : memref<5x!tpu.dma_semaphore, #tpu.memory_space<semaphore_mem>> -> memref<1x!tpu.dma_semaphore, #tpu.memory_space<semaphore_mem>>
      %dma_start3A_265 = tpu.memref_squeeze %dma_start3A_264 : memref<1x!tpu.dma_semaphore, #tpu.memory_space<semaphore_mem>> -> memref<!tpu.dma_semaphore, #tpu.memory_space<semaphore_mem>>
      tpu.enqueue_indirect_dma source(%dma_start3A_263 : memref<10112x64xf32, #tpu.memory_space<hbm>>) target(%dma_start3A_253 : memref<80x64xf32, #tpu.memory_space<vmem>>) offsets(%dma_start3A_256 : memref<80xi32, #tpu.memory_space<vmem>>) semaphore(%dma_start3A_265 : memref<!tpu.dma_semaphore, #tpu.memory_space<semaphore_mem>>)
      %gt3A_266 = arith.constant 0 : i32
      %gt3A_267 = arith.cmpi sgt, %scan3A_167, %gt3A_266 : i32
      %convert_element_type3A_268 = arith.extui %gt3A_267 : i1 to i32
      %cond3A_269 = arith.constant 0 : i32
      %cond3A_270 = arith.cmpi ne, %convert_element_type3A_268, %cond3A_269 : i32
      scf.if %cond3A_270 {
        %add3A_471 = arith.constant 4 : i32
        %add3A_472 = arith.addi %mul3A_169, %add3A_471 : i32
        %dma_wait3A_473 = arith.constant 4 : i32
        %dma_wait3A_474 = arith.constant 4 : i32
        %dma_wait3A_475 = arith.constant 0 : i32
        %dma_wait3A_476 = arith.constant 0 : i32
        %dma_wait3A_477 = tpu.memref_slice %arg8[%dma_wait3A_473, %dma_wait3A_475, %dma_wait3A_476] : memref<5x80x64xf32, #tpu.memory_space<vmem>> -> memref<1x80x64xf32, #tpu.memory_space<vmem>>
        %dma_wait3A_478 = tpu.memref_squeeze %dma_wait3A_477 : memref<1x80x64xf32, #tpu.memory_space<vmem>> -> memref<80x64xf32, #tpu.memory_space<vmem>>
        %dma_wait3A_479 = arith.constant 0 : i32
        %dma_wait3A_480 = tpu.memref_slice %arg7[%add3A_472, %dma_wait3A_479] : memref<250x80xi32, #tpu.memory_space<vmem>> -> memref<1x80xi32, #tpu.memory_space<vmem>>
        %dma_wait3A_481 = tpu.memref_squeeze %dma_wait3A_480 : memref<1x80xi32, #tpu.memory_space<vmem>> -> memref<80xi32, #tpu.memory_space<vmem>>
        %dma_wait3A_482 = arith.constant 0 : i32
        %dma_wait3A_483 = arith.constant 0 : i32
        %dma_wait3A_484 = tpu.memref_slice %arg9[%dma_wait3A_482, %dma_wait3A_483] : memref<10112x64xf32, #tpu.memory_space<vmem_shared>> -> memref<10112x64xf32, #tpu.memory_space<vmem_shared>>
        %dma_wait3A_485 = tpu.memref_slice %arg11[%dma_wait3A_474] : memref<5x!tpu.dma_semaphore, #tpu.memory_space<semaphore_mem>> -> memref<1x!tpu.dma_semaphore, #tpu.memory_space<semaphore_mem>>
        %dma_wait3A_486 = tpu.memref_squeeze %dma_wait3A_485 : memref<1x!tpu.dma_semaphore, #tpu.memory_space<semaphore_mem>> -> memref<!tpu.dma_semaphore, #tpu.memory_space<semaphore_mem>>
        tpu.wait_indirect_dma semaphore(%dma_wait3A_486 : memref<!tpu.dma_semaphore, #tpu.memory_space<semaphore_mem>>) src(%dma_wait3A_478 : memref<80x64xf32, #tpu.memory_space<vmem>>) dst(%dma_wait3A_484 : memref<10112x64xf32, #tpu.memory_space<vmem_shared>>)
      } else {
      }
      %add3A_271 = arith.constant 4 : i32
      %add3A_272 = arith.addi %mul3A_169, %add3A_271 : i32
      %dma_start3A_273 = arith.constant 4 : i32
      %dma_start3A_274 = arith.constant 4 : i32
      %dma_start3A_275 = arith.constant 0 : i32
      %dma_start3A_276 = arith.constant 0 : i32
      %dma_start3A_277 = tpu.memref_slice %arg8[%dma_start3A_273, %dma_start3A_275, %dma_start3A_276] : memref<5x80x64xf32, #tpu.memory_space<vmem>> -> memref<1x80x64xf32, #tpu.memory_space<vmem>>
      %dma_start3A_278 = tpu.memref_squeeze %dma_start3A_277 : memref<1x80x64xf32, #tpu.memory_space<vmem>> -> memref<80x64xf32, #tpu.memory_space<vmem>>
      %dma_start3A_279 = arith.constant 0 : i32
      %dma_start3A_280 = tpu.memref_slice %arg6[%add3A_272, %dma_start3A_279] : memref<250x80xi32, #tpu.memory_space<vmem>> -> memref<1x80xi32, #tpu.memory_space<vmem>>
      %dma_start3A_281 = tpu.memref_squeeze %dma_start3A_280 : memref<1x80xi32, #tpu.memory_space<vmem>> -> memref<80xi32, #tpu.memory_space<vmem>>
      %dma_start3A_282 = arith.constant 0 : i32
      %dma_start3A_283 = arith.constant 0 : i32
      %dma_start3A_284 = tpu.memref_slice %arg2[%add3A_1, %dma_start3A_282, %dma_start3A_283] : memref<4x10112x64xf32, #tpu.memory_space<hbm>> -> memref<1x10112x64xf32, #tpu.memory_space<hbm>>
      %dma_start3A_285 = tpu.memref_squeeze %dma_start3A_284 : memref<1x10112x64xf32, #tpu.memory_space<hbm>> -> memref<10112x64xf32, #tpu.memory_space<hbm>>
      %dma_start3A_286 = arith.constant 0 : i32
      %dma_start3A_287 = arith.constant 0 : i32
      %dma_start3A_288 = tpu.memref_slice %dma_start3A_285[%dma_start3A_286, %dma_start3A_287] : memref<10112x64xf32, #tpu.memory_space<hbm>> -> memref<10112x64xf32, #tpu.memory_space<hbm>>
      %dma_start3A_289 = tpu.memref_slice %arg10[%dma_start3A_274] : memref<5x!tpu.dma_semaphore, #tpu.memory_space<semaphore_mem>> -> memref<1x!tpu.dma_semaphore, #tpu.memory_space<semaphore_mem>>
      %dma_start3A_290 = tpu.memref_squeeze %dma_start3A_289 : memref<1x!tpu.dma_semaphore, #tpu.memory_space<semaphore_mem>> -> memref<!tpu.dma_semaphore, #tpu.memory_space<semaphore_mem>>
      tpu.enqueue_indirect_dma source(%dma_start3A_288 : memref<10112x64xf32, #tpu.memory_space<hbm>>) target(%dma_start3A_278 : memref<80x64xf32, #tpu.memory_space<vmem>>) offsets(%dma_start3A_281 : memref<80xi32, #tpu.memory_space<vmem>>) semaphore(%dma_start3A_290 : memref<!tpu.dma_semaphore, #tpu.memory_space<semaphore_mem>>)
      %add3A_291 = arith.constant 0 : i32
      %add3A_292 = arith.addi %mul3A_169, %add3A_291 : i32
      %dma_wait3A_293 = arith.constant 0 : i32
      %dma_wait3A_294 = arith.constant 0 : i32
      %dma_wait3A_295 = arith.constant 0 : i32
      %dma_wait3A_296 = arith.constant 0 : i32
      %dma_wait3A_297 = tpu.memref_slice %arg8[%dma_wait3A_293, %dma_wait3A_295, %dma_wait3A_296] : memref<5x80x64xf32, #tpu.memory_space<vmem>> -> memref<1x80x64xf32, #tpu.memory_space<vmem>>
      %dma_wait3A_298 = tpu.memref_squeeze %dma_wait3A_297 : memref<1x80x64xf32, #tpu.memory_space<vmem>> -> memref<80x64xf32, #tpu.memory_space<vmem>>
      %dma_wait3A_299 = arith.constant 0 : i32
      %dma_wait3A_300 = tpu.memref_slice %arg6[%add3A_292, %dma_wait3A_299] : memref<250x80xi32, #tpu.memory_space<vmem>> -> memref<1x80xi32, #tpu.memory_space<vmem>>
      %dma_wait3A_301 = tpu.memref_squeeze %dma_wait3A_300 : memref<1x80xi32, #tpu.memory_space<vmem>> -> memref<80xi32, #tpu.memory_space<vmem>>
      %dma_wait3A_302 = arith.constant 0 : i32
      %dma_wait3A_303 = arith.constant 0 : i32
      %dma_wait3A_304 = tpu.memref_slice %arg2[%add3A_1, %dma_wait3A_302, %dma_wait3A_303] : memref<4x10112x64xf32, #tpu.memory_space<hbm>> -> memref<1x10112x64xf32, #tpu.memory_space<hbm>>
      %dma_wait3A_305 = tpu.memref_squeeze %dma_wait3A_304 : memref<1x10112x64xf32, #tpu.memory_space<hbm>> -> memref<10112x64xf32, #tpu.memory_space<hbm>>
      %dma_wait3A_306 = arith.constant 0 : i32
      %dma_wait3A_307 = arith.constant 0 : i32
      %dma_wait3A_308 = tpu.memref_slice %dma_wait3A_305[%dma_wait3A_306, %dma_wait3A_307] : memref<10112x64xf32, #tpu.memory_space<hbm>> -> memref<10112x64xf32, #tpu.memory_space<hbm>>
      %dma_wait3A_309 = tpu.memref_slice %arg10[%dma_wait3A_294] : memref<5x!tpu.dma_semaphore, #tpu.memory_space<semaphore_mem>> -> memref<1x!tpu.dma_semaphore, #tpu.memory_space<semaphore_mem>>
      %dma_wait3A_310 = tpu.memref_squeeze %dma_wait3A_309 : memref<1x!tpu.dma_semaphore, #tpu.memory_space<semaphore_mem>> -> memref<!tpu.dma_semaphore, #tpu.memory_space<semaphore_mem>>
      tpu.wait_indirect_dma semaphore(%dma_wait3A_310 : memref<!tpu.dma_semaphore, #tpu.memory_space<semaphore_mem>>) src(%dma_wait3A_308 : memref<10112x64xf32, #tpu.memory_space<hbm>>) dst(%dma_wait3A_298 : memref<80x64xf32, #tpu.memory_space<vmem>>)
      %add3A_311 = arith.constant 0 : i32
      %add3A_312 = arith.addi %mul3A_169, %add3A_311 : i32
      %dma_start3A_313 = arith.constant 0 : i32
      %dma_start3A_314 = arith.constant 0 : i32
      %dma_start3A_315 = arith.constant 0 : i32
      %dma_start3A_316 = arith.constant 0 : i32
      %dma_start3A_317 = tpu.memref_slice %arg8[%dma_start3A_313, %dma_start3A_315, %dma_start3A_316] : memref<5x80x64xf32, #tpu.memory_space<vmem>> -> memref<1x80x64xf32, #tpu.memory_space<vmem>>
      %dma_start3A_318 = tpu.memref_squeeze %dma_start3A_317 : memref<1x80x64xf32, #tpu.memory_space<vmem>> -> memref<80x64xf32, #tpu.memory_space<vmem>>
      %dma_start3A_319 = arith.constant 0 : i32
      %dma_start3A_320 = tpu.memref_slice %arg7[%add3A_312, %dma_start3A_319] : memref<250x80xi32, #tpu.memory_space<vmem>> -> memref<1x80xi32, #tpu.memory_space<vmem>>
      %dma_start3A_321 = tpu.memref_squeeze %dma_start3A_320 : memref<1x80xi32, #tpu.memory_space<vmem>> -> memref<80xi32, #tpu.memory_space<vmem>>
      %dma_start3A_322 = arith.constant 0 : i32
      %dma_start3A_323 = arith.constant 0 : i32
      %dma_start3A_324 = tpu.memref_slice %arg9[%dma_start3A_322, %dma_start3A_323] : memref<10112x64xf32, #tpu.memory_space<vmem_shared>> -> memref<10112x64xf32, #tpu.memory_space<vmem_shared>>
      %dma_start3A_325 = tpu.memref_slice %arg11[%dma_start3A_314] : memref<5x!tpu.dma_semaphore, #tpu.memory_space<semaphore_mem>> -> memref<1x!tpu.dma_semaphore, #tpu.memory_space<semaphore_mem>>
      %dma_start3A_326 = tpu.memref_squeeze %dma_start3A_325 : memref<1x!tpu.dma_semaphore, #tpu.memory_space<semaphore_mem>> -> memref<!tpu.dma_semaphore, #tpu.memory_space<semaphore_mem>>
      tpu.enqueue_indirect_dma source(%dma_start3A_318 : memref<80x64xf32, #tpu.memory_space<vmem>>) target(%dma_start3A_324 : memref<10112x64xf32, #tpu.memory_space<vmem_shared>>) offsets(%dma_start3A_321 : memref<80xi32, #tpu.memory_space<vmem>>) semaphore(%dma_start3A_326 : memref<!tpu.dma_semaphore, #tpu.memory_space<semaphore_mem>>) {add = true}
      %add3A_327 = arith.constant 1 : i32
      %add3A_328 = arith.addi %mul3A_169, %add3A_327 : i32
      %dma_wait3A_329 = arith.constant 1 : i32
      %dma_wait3A_330 = arith.constant 1 : i32
      %dma_wait3A_331 = arith.constant 0 : i32
      %dma_wait3A_332 = arith.constant 0 : i32
      %dma_wait3A_333 = tpu.memref_slice %arg8[%dma_wait3A_329, %dma_wait3A_331, %dma_wait3A_332] : memref<5x80x64xf32, #tpu.memory_space<vmem>> -> memref<1x80x64xf32, #tpu.memory_space<vmem>>
      %dma_wait3A_334 = tpu.memref_squeeze %dma_wait3A_333 : memref<1x80x64xf32, #tpu.memory_space<vmem>> -> memref<80x64xf32, #tpu.memory_space<vmem>>
      %dma_wait3A_335 = arith.constant 0 : i32
      %dma_wait3A_336 = tpu.memref_slice %arg6[%add3A_328, %dma_wait3A_335] : memref<250x80xi32, #tpu.memory_space<vmem>> -> memref<1x80xi32, #tpu.memory_space<vmem>>
      %dma_wait3A_337 = tpu.memref_squeeze %dma_wait3A_336 : memref<1x80xi32, #tpu.memory_space<vmem>> -> memref<80xi32, #tpu.memory_space<vmem>>
      %dma_wait3A_338 = arith.constant 0 : i32
      %dma_wait3A_339 = arith.constant 0 : i32
      %dma_wait3A_340 = tpu.memref_slice %arg2[%add3A_1, %dma_wait3A_338, %dma_wait3A_339] : memref<4x10112x64xf32, #tpu.memory_space<hbm>> -> memref<1x10112x64xf32, #tpu.memory_space<hbm>>
      %dma_wait3A_341 = tpu.memref_squeeze %dma_wait3A_340 : memref<1x10112x64xf32, #tpu.memory_space<hbm>> -> memref<10112x64xf32, #tpu.memory_space<hbm>>
      %dma_wait3A_342 = arith.constant 0 : i32
      %dma_wait3A_343 = arith.constant 0 : i32
      %dma_wait3A_344 = tpu.memref_slice %dma_wait3A_341[%dma_wait3A_342, %dma_wait3A_343] : memref<10112x64xf32, #tpu.memory_space<hbm>> -> memref<10112x64xf32, #tpu.memory_space<hbm>>
      %dma_wait3A_345 = tpu.memref_slice %arg10[%dma_wait3A_330] : memref<5x!tpu.dma_semaphore, #tpu.memory_space<semaphore_mem>> -> memref<1x!tpu.dma_semaphore, #tpu.memory_space<semaphore_mem>>
      %dma_wait3A_346 = tpu.memref_squeeze %dma_wait3A_345 : memref<1x!tpu.dma_semaphore, #tpu.memory_space<semaphore_mem>> -> memref<!tpu.dma_semaphore, #tpu.memory_space<semaphore_mem>>
      tpu.wait_indirect_dma semaphore(%dma_wait3A_346 : memref<!tpu.dma_semaphore, #tpu.memory_space<semaphore_mem>>) src(%dma_wait3A_344 : memref<10112x64xf32, #tpu.memory_space<hbm>>) dst(%dma_wait3A_334 : memref<80x64xf32, #tpu.memory_space<vmem>>)
      %add3A_347 = arith.constant 1 : i32
      %add3A_348 = arith.addi %mul3A_169, %add3A_347 : i32
      %dma_start3A_349 = arith.constant 1 : i32
      %dma_start3A_350 = arith.constant 1 : i32
      %dma_start3A_351 = arith.constant 0 : i32
      %dma_start3A_352 = arith.constant 0 : i32
      %dma_start3A_353 = tpu.memref_slice %arg8[%dma_start3A_349, %dma_start3A_351, %dma_start3A_352] : memref<5x80x64xf32, #tpu.memory_space<vmem>> -> memref<1x80x64xf32, #tpu.memory_space<vmem>>
      %dma_start3A_354 = tpu.memref_squeeze %dma_start3A_353 : memref<1x80x64xf32, #tpu.memory_space<vmem>> -> memref<80x64xf32, #tpu.memory_space<vmem>>
      %dma_start3A_355 = arith.constant 0 : i32
      %dma_start3A_356 = tpu.memref_slice %arg7[%add3A_348, %dma_start3A_355] : memref<250x80xi32, #tpu.memory_space<vmem>> -> memref<1x80xi32, #tpu.memory_space<vmem>>
      %dma_start3A_357 = tpu.memref_squeeze %dma_start3A_356 : memref<1x80xi32, #tpu.memory_space<vmem>> -> memref<80xi32, #tpu.memory_space<vmem>>
      %dma_start3A_358 = arith.constant 0 : i32
      %dma_start3A_359 = arith.constant 0 : i32
      %dma_start3A_360 = tpu.memref_slice %arg9[%dma_start3A_358, %dma_start3A_359] : memref<10112x64xf32, #tpu.memory_space<vmem_shared>> -> memref<10112x64xf32, #tpu.memory_space<vmem_shared>>
      %dma_start3A_361 = tpu.memref_slice %arg11[%dma_start3A_350] : memref<5x!tpu.dma_semaphore, #tpu.memory_space<semaphore_mem>> -> memref<1x!tpu.dma_semaphore, #tpu.memory_space<semaphore_mem>>
      %dma_start3A_362 = tpu.memref_squeeze %dma_start3A_361 : memref<1x!tpu.dma_semaphore, #tpu.memory_space<semaphore_mem>> -> memref<!tpu.dma_semaphore, #tpu.memory_space<semaphore_mem>>
      tpu.enqueue_indirect_dma source(%dma_start3A_354 : memref<80x64xf32, #tpu.memory_space<vmem>>) target(%dma_start3A_360 : memref<10112x64xf32, #tpu.memory_space<vmem_shared>>) offsets(%dma_start3A_357 : memref<80xi32, #tpu.memory_space<vmem>>) semaphore(%dma_start3A_362 : memref<!tpu.dma_semaphore, #tpu.memory_space<semaphore_mem>>) {add = true}
      %add3A_363 = arith.constant 2 : i32
      %add3A_364 = arith.addi %mul3A_169, %add3A_363 : i32
      %dma_wait3A_365 = arith.constant 2 : i32
      %dma_wait3A_366 = arith.constant 2 : i32
      %dma_wait3A_367 = arith.constant 0 : i32
      %dma_wait3A_368 = arith.constant 0 : i32
      %dma_wait3A_369 = tpu.memref_slice %arg8[%dma_wait3A_365, %dma_wait3A_367, %dma_wait3A_368] : memref<5x80x64xf32, #tpu.memory_space<vmem>> -> memref<1x80x64xf32, #tpu.memory_space<vmem>>
      %dma_wait3A_370 = tpu.memref_squeeze %dma_wait3A_369 : memref<1x80x64xf32, #tpu.memory_space<vmem>> -> memref<80x64xf32, #tpu.memory_space<vmem>>
      %dma_wait3A_371 = arith.constant 0 : i32
      %dma_wait3A_372 = tpu.memref_slice %arg6[%add3A_364, %dma_wait3A_371] : memref<250x80xi32, #tpu.memory_space<vmem>> -> memref<1x80xi32, #tpu.memory_space<vmem>>
      %dma_wait3A_373 = tpu.memref_squeeze %dma_wait3A_372 : memref<1x80xi32, #tpu.memory_space<vmem>> -> memref<80xi32, #tpu.memory_space<vmem>>
      %dma_wait3A_374 = arith.constant 0 : i32
      %dma_wait3A_375 = arith.constant 0 : i32
      %dma_wait3A_376 = tpu.memref_slice %arg2[%add3A_1, %dma_wait3A_374, %dma_wait3A_375] : memref<4x10112x64xf32, #tpu.memory_space<hbm>> -> memref<1x10112x64xf32, #tpu.memory_space<hbm>>
      %dma_wait3A_377 = tpu.memref_squeeze %dma_wait3A_376 : memref<1x10112x64xf32, #tpu.memory_space<hbm>> -> memref<10112x64xf32, #tpu.memory_space<hbm>>
      %dma_wait3A_378 = arith.constant 0 : i32
      %dma_wait3A_379 = arith.constant 0 : i32
      %dma_wait3A_380 = tpu.memref_slice %dma_wait3A_377[%dma_wait3A_378, %dma_wait3A_379] : memref<10112x64xf32, #tpu.memory_space<hbm>> -> memref<10112x64xf32, #tpu.memory_space<hbm>>
      %dma_wait3A_381 = tpu.memref_slice %arg10[%dma_wait3A_366] : memref<5x!tpu.dma_semaphore, #tpu.memory_space<semaphore_mem>> -> memref<1x!tpu.dma_semaphore, #tpu.memory_space<semaphore_mem>>
      %dma_wait3A_382 = tpu.memref_squeeze %dma_wait3A_381 : memref<1x!tpu.dma_semaphore, #tpu.memory_space<semaphore_mem>> -> memref<!tpu.dma_semaphore, #tpu.memory_space<semaphore_mem>>
      tpu.wait_indirect_dma semaphore(%dma_wait3A_382 : memref<!tpu.dma_semaphore, #tpu.memory_space<semaphore_mem>>) src(%dma_wait3A_380 : memref<10112x64xf32, #tpu.memory_space<hbm>>) dst(%dma_wait3A_370 : memref<80x64xf32, #tpu.memory_space<vmem>>)
      %add3A_383 = arith.constant 2 : i32
      %add3A_384 = arith.addi %mul3A_169, %add3A_383 : i32
      %dma_start3A_385 = arith.constant 2 : i32
      %dma_start3A_386 = arith.constant 2 : i32
      %dma_start3A_387 = arith.constant 0 : i32
      %dma_start3A_388 = arith.constant 0 : i32
      %dma_start3A_389 = tpu.memref_slice %arg8[%dma_start3A_385, %dma_start3A_387, %dma_start3A_388] : memref<5x80x64xf32, #tpu.memory_space<vmem>> -> memref<1x80x64xf32, #tpu.memory_space<vmem>>
      %dma_start3A_390 = tpu.memref_squeeze %dma_start3A_389 : memref<1x80x64xf32, #tpu.memory_space<vmem>> -> memref<80x64xf32, #tpu.memory_space<vmem>>
      %dma_start3A_391 = arith.constant 0 : i32
      %dma_start3A_392 = tpu.memref_slice %arg7[%add3A_384, %dma_start3A_391] : memref<250x80xi32, #tpu.memory_space<vmem>> -> memref<1x80xi32, #tpu.memory_space<vmem>>
      %dma_start3A_393 = tpu.memref_squeeze %dma_start3A_392 : memref<1x80xi32, #tpu.memory_space<vmem>> -> memref<80xi32, #tpu.memory_space<vmem>>
      %dma_start3A_394 = arith.constant 0 : i32
      %dma_start3A_395 = arith.constant 0 : i32
      %dma_start3A_396 = tpu.memref_slice %arg9[%dma_start3A_394, %dma_start3A_395] : memref<10112x64xf32, #tpu.memory_space<vmem_shared>> -> memref<10112x64xf32, #tpu.memory_space<vmem_shared>>
      %dma_start3A_397 = tpu.memref_slice %arg11[%dma_start3A_386] : memref<5x!tpu.dma_semaphore, #tpu.memory_space<semaphore_mem>> -> memref<1x!tpu.dma_semaphore, #tpu.memory_space<semaphore_mem>>
      %dma_start3A_398 = tpu.memref_squeeze %dma_start3A_397 : memref<1x!tpu.dma_semaphore, #tpu.memory_space<semaphore_mem>> -> memref<!tpu.dma_semaphore, #tpu.memory_space<semaphore_mem>>
      tpu.enqueue_indirect_dma source(%dma_start3A_390 : memref<80x64xf32, #tpu.memory_space<vmem>>) target(%dma_start3A_396 : memref<10112x64xf32, #tpu.memory_space<vmem_shared>>) offsets(%dma_start3A_393 : memref<80xi32, #tpu.memory_space<vmem>>) semaphore(%dma_start3A_398 : memref<!tpu.dma_semaphore, #tpu.memory_space<semaphore_mem>>) {add = true}
      %add3A_399 = arith.constant 3 : i32
      %add3A_400 = arith.addi %mul3A_169, %add3A_399 : i32
      %dma_wait3A_401 = arith.constant 3 : i32
      %dma_wait3A_402 = arith.constant 3 : i32
      %dma_wait3A_403 = arith.constant 0 : i32
      %dma_wait3A_404 = arith.constant 0 : i32
      %dma_wait3A_405 = tpu.memref_slice %arg8[%dma_wait3A_401, %dma_wait3A_403, %dma_wait3A_404] : memref<5x80x64xf32, #tpu.memory_space<vmem>> -> memref<1x80x64xf32, #tpu.memory_space<vmem>>
      %dma_wait3A_406 = tpu.memref_squeeze %dma_wait3A_405 : memref<1x80x64xf32, #tpu.memory_space<vmem>> -> memref<80x64xf32, #tpu.memory_space<vmem>>
      %dma_wait3A_407 = arith.constant 0 : i32
      %dma_wait3A_408 = tpu.memref_slice %arg6[%add3A_400, %dma_wait3A_407] : memref<250x80xi32, #tpu.memory_space<vmem>> -> memref<1x80xi32, #tpu.memory_space<vmem>>
      %dma_wait3A_409 = tpu.memref_squeeze %dma_wait3A_408 : memref<1x80xi32, #tpu.memory_space<vmem>> -> memref<80xi32, #tpu.memory_space<vmem>>
      %dma_wait3A_410 = arith.constant 0 : i32
      %dma_wait3A_411 = arith.constant 0 : i32
      %dma_wait3A_412 = tpu.memref_slice %arg2[%add3A_1, %dma_wait3A_410, %dma_wait3A_411] : memref<4x10112x64xf32, #tpu.memory_space<hbm>> -> memref<1x10112x64xf32, #tpu.memory_space<hbm>>
      %dma_wait3A_413 = tpu.memref_squeeze %dma_wait3A_412 : memref<1x10112x64xf32, #tpu.memory_space<hbm>> -> memref<10112x64xf32, #tpu.memory_space<hbm>>
      %dma_wait3A_414 = arith.constant 0 : i32
      %dma_wait3A_415 = arith.constant 0 : i32
      %dma_wait3A_416 = tpu.memref_slice %dma_wait3A_413[%dma_wait3A_414, %dma_wait3A_415] : memref<10112x64xf32, #tpu.memory_space<hbm>> -> memref<10112x64xf32, #tpu.memory_space<hbm>>
      %dma_wait3A_417 = tpu.memref_slice %arg10[%dma_wait3A_402] : memref<5x!tpu.dma_semaphore, #tpu.memory_space<semaphore_mem>> -> memref<1x!tpu.dma_semaphore, #tpu.memory_space<semaphore_mem>>
      %dma_wait3A_418 = tpu.memref_squeeze %dma_wait3A_417 : memref<1x!tpu.dma_semaphore, #tpu.memory_space<semaphore_mem>> -> memref<!tpu.dma_semaphore, #tpu.memory_space<semaphore_mem>>
      tpu.wait_indirect_dma semaphore(%dma_wait3A_418 : memref<!tpu.dma_semaphore, #tpu.memory_space<semaphore_mem>>) src(%dma_wait3A_416 : memref<10112x64xf32, #tpu.memory_space<hbm>>) dst(%dma_wait3A_406 : memref<80x64xf32, #tpu.memory_space<vmem>>)
      %add3A_419 = arith.constant 3 : i32
      %add3A_420 = arith.addi %mul3A_169, %add3A_419 : i32
      %dma_start3A_421 = arith.constant 3 : i32
      %dma_start3A_422 = arith.constant 3 : i32
      %dma_start3A_423 = arith.constant 0 : i32
      %dma_start3A_424 = arith.constant 0 : i32
      %dma_start3A_425 = tpu.memref_slice %arg8[%dma_start3A_421, %dma_start3A_423, %dma_start3A_424] : memref<5x80x64xf32, #tpu.memory_space<vmem>> -> memref<1x80x64xf32, #tpu.memory_space<vmem>>
      %dma_start3A_426 = tpu.memref_squeeze %dma_start3A_425 : memref<1x80x64xf32, #tpu.memory_space<vmem>> -> memref<80x64xf32, #tpu.memory_space<vmem>>
      %dma_start3A_427 = arith.constant 0 : i32
      %dma_start3A_428 = tpu.memref_slice %arg7[%add3A_420, %dma_start3A_427] : memref<250x80xi32, #tpu.memory_space<vmem>> -> memref<1x80xi32, #tpu.memory_space<vmem>>
      %dma_start3A_429 = tpu.memref_squeeze %dma_start3A_428 : memref<1x80xi32, #tpu.memory_space<vmem>> -> memref<80xi32, #tpu.memory_space<vmem>>
      %dma_start3A_430 = arith.constant 0 : i32
      %dma_start3A_431 = arith.constant 0 : i32
      %dma_start3A_432 = tpu.memref_slice %arg9[%dma_start3A_430, %dma_start3A_431] : memref<10112x64xf32, #tpu.memory_space<vmem_shared>> -> memref<10112x64xf32, #tpu.memory_space<vmem_shared>>
      %dma_start3A_433 = tpu.memref_slice %arg11[%dma_start3A_422] : memref<5x!tpu.dma_semaphore, #tpu.memory_space<semaphore_mem>> -> memref<1x!tpu.dma_semaphore, #tpu.memory_space<semaphore_mem>>
      %dma_start3A_434 = tpu.memref_squeeze %dma_start3A_433 : memref<1x!tpu.dma_semaphore, #tpu.memory_space<semaphore_mem>> -> memref<!tpu.dma_semaphore, #tpu.memory_space<semaphore_mem>>
      tpu.enqueue_indirect_dma source(%dma_start3A_426 : memref<80x64xf32, #tpu.memory_space<vmem>>) target(%dma_start3A_432 : memref<10112x64xf32, #tpu.memory_space<vmem_shared>>) offsets(%dma_start3A_429 : memref<80xi32, #tpu.memory_space<vmem>>) semaphore(%dma_start3A_434 : memref<!tpu.dma_semaphore, #tpu.memory_space<semaphore_mem>>) {add = true}
      %add3A_435 = arith.constant 4 : i32
      %add3A_436 = arith.addi %mul3A_169, %add3A_435 : i32
      %dma_wait3A_437 = arith.constant 4 : i32
      %dma_wait3A_438 = arith.constant 4 : i32
      %dma_wait3A_439 = arith.constant 0 : i32
      %dma_wait3A_440 = arith.constant 0 : i32
      %dma_wait3A_441 = tpu.memref_slice %arg8[%dma_wait3A_437, %dma_wait3A_439, %dma_wait3A_440] : memref<5x80x64xf32, #tpu.memory_space<vmem>> -> memref<1x80x64xf32, #tpu.memory_space<vmem>>
      %dma_wait3A_442 = tpu.memref_squeeze %dma_wait3A_441 : memref<1x80x64xf32, #tpu.memory_space<vmem>> -> memref<80x64xf32, #tpu.memory_space<vmem>>
      %dma_wait3A_443 = arith.constant 0 : i32
      %dma_wait3A_444 = tpu.memref_slice %arg6[%add3A_436, %dma_wait3A_443] : memref<250x80xi32, #tpu.memory_space<vmem>> -> memref<1x80xi32, #tpu.memory_space<vmem>>
      %dma_wait3A_445 = tpu.memref_squeeze %dma_wait3A_444 : memref<1x80xi32, #tpu.memory_space<vmem>> -> memref<80xi32, #tpu.memory_space<vmem>>
      %dma_wait3A_446 = arith.constant 0 : i32
      %dma_wait3A_447 = arith.constant 0 : i32
      %dma_wait3A_448 = tpu.memref_slice %arg2[%add3A_1, %dma_wait3A_446, %dma_wait3A_447] : memref<4x10112x64xf32, #tpu.memory_space<hbm>> -> memref<1x10112x64xf32, #tpu.memory_space<hbm>>
      %dma_wait3A_449 = tpu.memref_squeeze %dma_wait3A_448 : memref<1x10112x64xf32, #tpu.memory_space<hbm>> -> memref<10112x64xf32, #tpu.memory_space<hbm>>
      %dma_wait3A_450 = arith.constant 0 : i32
      %dma_wait3A_451 = arith.constant 0 : i32
      %dma_wait3A_452 = tpu.memref_slice %dma_wait3A_449[%dma_wait3A_450, %dma_wait3A_451] : memref<10112x64xf32, #tpu.memory_space<hbm>> -> memref<10112x64xf32, #tpu.memory_space<hbm>>
      %dma_wait3A_453 = tpu.memref_slice %arg10[%dma_wait3A_438] : memref<5x!tpu.dma_semaphore, #tpu.memory_space<semaphore_mem>> -> memref<1x!tpu.dma_semaphore, #tpu.memory_space<semaphore_mem>>
      %dma_wait3A_454 = tpu.memref_squeeze %dma_wait3A_453 : memref<1x!tpu.dma_semaphore, #tpu.memory_space<semaphore_mem>> -> memref<!tpu.dma_semaphore, #tpu.memory_space<semaphore_mem>>
      tpu.wait_indirect_dma semaphore(%dma_wait3A_454 : memref<!tpu.dma_semaphore, #tpu.memory_space<semaphore_mem>>) src(%dma_wait3A_452 : memref<10112x64xf32, #tpu.memory_space<hbm>>) dst(%dma_wait3A_442 : memref<80x64xf32, #tpu.memory_space<vmem>>)
      %add3A_455 = arith.constant 4 : i32
      %add3A_456 = arith.addi %mul3A_169, %add3A_455 : i32
      %dma_start3A_457 = arith.constant 4 : i32
      %dma_start3A_458 = arith.constant 4 : i32
      %dma_start3A_459 = arith.constant 0 : i32
      %dma_start3A_460 = arith.constant 0 : i32
      %dma_start3A_461 = tpu.memref_slice %arg8[%dma_start3A_457, %dma_start3A_459, %dma_start3A_460] : memref<5x80x64xf32, #tpu.memory_space<vmem>> -> memref<1x80x64xf32, #tpu.memory_space<vmem>>
      %dma_start3A_462 = tpu.memref_squeeze %dma_start3A_461 : memref<1x80x64xf32, #tpu.memory_space<vmem>> -> memref<80x64xf32, #tpu.memory_space<vmem>>
      %dma_start3A_463 = arith.constant 0 : i32
      %dma_start3A_464 = tpu.memref_slice %arg7[%add3A_456, %dma_start3A_463] : memref<250x80xi32, #tpu.memory_space<vmem>> -> memref<1x80xi32, #tpu.memory_space<vmem>>
      %dma_start3A_465 = tpu.memref_squeeze %dma_start3A_464 : memref<1x80xi32, #tpu.memory_space<vmem>> -> memref<80xi32, #tpu.memory_space<vmem>>
      %dma_start3A_466 = arith.constant 0 : i32
      %dma_start3A_467 = arith.constant 0 : i32
      %dma_start3A_468 = tpu.memref_slice %arg9[%dma_start3A_466, %dma_start3A_467] : memref<10112x64xf32, #tpu.memory_space<vmem_shared>> -> memref<10112x64xf32, #tpu.memory_space<vmem_shared>>
      %dma_start3A_469 = tpu.memref_slice %arg11[%dma_start3A_458] : memref<5x!tpu.dma_semaphore, #tpu.memory_space<semaphore_mem>> -> memref<1x!tpu.dma_semaphore, #tpu.memory_space<semaphore_mem>>
      %dma_start3A_470 = tpu.memref_squeeze %dma_start3A_469 : memref<1x!tpu.dma_semaphore, #tpu.memory_space<semaphore_mem>> -> memref<!tpu.dma_semaphore, #tpu.memory_space<semaphore_mem>>
      tpu.enqueue_indirect_dma source(%dma_start3A_462 : memref<80x64xf32, #tpu.memory_space<vmem>>) target(%dma_start3A_468 : memref<10112x64xf32, #tpu.memory_space<vmem_shared>>) offsets(%dma_start3A_465 : memref<80xi32, #tpu.memory_space<vmem>>) semaphore(%dma_start3A_470 : memref<!tpu.dma_semaphore, #tpu.memory_space<semaphore_mem>>) {add = true}
    }
    %scan3A_6 = arith.constant 50 : i32
    %dma_wait3A = arith.constant 0 : i32
    %dma_wait3A_7 = arith.constant 0 : i32
    %dma_wait3A_8 = arith.constant 0 : i32
    %dma_wait3A_9 = arith.constant 0 : i32
    %dma_wait3A_10 = arith.constant 0 : i32
    %dma_wait3A_11 = tpu.memref_slice %arg8[%dma_wait3A, %dma_wait3A_9, %dma_wait3A_10] : memref<5x80x64xf32, #tpu.memory_space<vmem>> -> memref<1x80x64xf32, #tpu.memory_space<vmem>>
    %dma_wait3A_12 = tpu.memref_squeeze %dma_wait3A_11 : memref<1x80x64xf32, #tpu.memory_space<vmem>> -> memref<80x64xf32, #tpu.memory_space<vmem>>
    %dma_wait3A_13 = arith.constant 0 : i32
    %dma_wait3A_14 = tpu.memref_slice %arg7[%dma_wait3A_7, %dma_wait3A_13] : memref<250x80xi32, #tpu.memory_space<vmem>> -> memref<1x80xi32, #tpu.memory_space<vmem>>
    %dma_wait3A_15 = tpu.memref_squeeze %dma_wait3A_14 : memref<1x80xi32, #tpu.memory_space<vmem>> -> memref<80xi32, #tpu.memory_space<vmem>>
    %dma_wait3A_16 = arith.constant 0 : i32
    %dma_wait3A_17 = arith.constant 0 : i32
    %dma_wait3A_18 = tpu.memref_slice %arg9[%dma_wait3A_16, %dma_wait3A_17] : memref<10112x64xf32, #tpu.memory_space<vmem_shared>> -> memref<10112x64xf32, #tpu.memory_space<vmem_shared>>
    %dma_wait3A_19 = tpu.memref_slice %arg11[%dma_wait3A_8] : memref<5x!tpu.dma_semaphore, #tpu.memory_space<semaphore_mem>> -> memref<1x!tpu.dma_semaphore, #tpu.memory_space<semaphore_mem>>
    %dma_wait3A_20 = tpu.memref_squeeze %dma_wait3A_19 : memref<1x!tpu.dma_semaphore, #tpu.memory_space<semaphore_mem>> -> memref<!tpu.dma_semaphore, #tpu.memory_space<semaphore_mem>>
    tpu.wait_indirect_dma semaphore(%dma_wait3A_20 : memref<!tpu.dma_semaphore, #tpu.memory_space<semaphore_mem>>) src(%dma_wait3A_12 : memref<80x64xf32, #tpu.memory_space<vmem>>) dst(%dma_wait3A_18 : memref<10112x64xf32, #tpu.memory_space<vmem_shared>>)
    %dma_wait3A_21 = arith.constant 1 : i32
    %dma_wait3A_22 = arith.constant 0 : i32
    %dma_wait3A_23 = arith.constant 1 : i32
    %dma_wait3A_24 = arith.constant 0 : i32
    %dma_wait3A_25 = arith.constant 0 : i32
    %dma_wait3A_26 = tpu.memref_slice %arg8[%dma_wait3A_21, %dma_wait3A_24, %dma_wait3A_25] : memref<5x80x64xf32, #tpu.memory_space<vmem>> -> memref<1x80x64xf32, #tpu.memory_space<vmem>>
    %dma_wait3A_27 = tpu.memref_squeeze %dma_wait3A_26 : memref<1x80x64xf32, #tpu.memory_space<vmem>> -> memref<80x64xf32, #tpu.memory_space<vmem>>
    %dma_wait3A_28 = arith.constant 0 : i32
    %dma_wait3A_29 = tpu.memref_slice %arg7[%dma_wait3A_22, %dma_wait3A_28] : memref<250x80xi32, #tpu.memory_space<vmem>> -> memref<1x80xi32, #tpu.memory_space<vmem>>
    %dma_wait3A_30 = tpu.memref_squeeze %dma_wait3A_29 : memref<1x80xi32, #tpu.memory_space<vmem>> -> memref<80xi32, #tpu.memory_space<vmem>>
    %dma_wait3A_31 = arith.constant 0 : i32
    %dma_wait3A_32 = arith.constant 0 : i32
    %dma_wait3A_33 = tpu.memref_slice %arg9[%dma_wait3A_31, %dma_wait3A_32] : memref<10112x64xf32, #tpu.memory_space<vmem_shared>> -> memref<10112x64xf32, #tpu.memory_space<vmem_shared>>
    %dma_wait3A_34 = tpu.memref_slice %arg11[%dma_wait3A_23] : memref<5x!tpu.dma_semaphore, #tpu.memory_space<semaphore_mem>> -> memref<1x!tpu.dma_semaphore, #tpu.memory_space<semaphore_mem>>
    %dma_wait3A_35 = tpu.memref_squeeze %dma_wait3A_34 : memref<1x!tpu.dma_semaphore, #tpu.memory_space<semaphore_mem>> -> memref<!tpu.dma_semaphore, #tpu.memory_space<semaphore_mem>>
    tpu.wait_indirect_dma semaphore(%dma_wait3A_35 : memref<!tpu.dma_semaphore, #tpu.memory_space<semaphore_mem>>) src(%dma_wait3A_27 : memref<80x64xf32, #tpu.memory_space<vmem>>) dst(%dma_wait3A_33 : memref<10112x64xf32, #tpu.memory_space<vmem_shared>>)
    %dma_wait3A_36 = arith.constant 2 : i32
    %dma_wait3A_37 = arith.constant 0 : i32
    %dma_wait3A_38 = arith.constant 2 : i32
    %dma_wait3A_39 = arith.constant 0 : i32
    %dma_wait3A_40 = arith.constant 0 : i32
    %dma_wait3A_41 = tpu.memref_slice %arg8[%dma_wait3A_36, %dma_wait3A_39, %dma_wait3A_40] : memref<5x80x64xf32, #tpu.memory_space<vmem>> -> memref<1x80x64xf32, #tpu.memory_space<vmem>>
    %dma_wait3A_42 = tpu.memref_squeeze %dma_wait3A_41 : memref<1x80x64xf32, #tpu.memory_space<vmem>> -> memref<80x64xf32, #tpu.memory_space<vmem>>
    %dma_wait3A_43 = arith.constant 0 : i32
    %dma_wait3A_44 = tpu.memref_slice %arg7[%dma_wait3A_37, %dma_wait3A_43] : memref<250x80xi32, #tpu.memory_space<vmem>> -> memref<1x80xi32, #tpu.memory_space<vmem>>
    %dma_wait3A_45 = tpu.memref_squeeze %dma_wait3A_44 : memref<1x80xi32, #tpu.memory_space<vmem>> -> memref<80xi32, #tpu.memory_space<vmem>>
    %dma_wait3A_46 = arith.constant 0 : i32
    %dma_wait3A_47 = arith.constant 0 : i32
    %dma_wait3A_48 = tpu.memref_slice %arg9[%dma_wait3A_46, %dma_wait3A_47] : memref<10112x64xf32, #tpu.memory_space<vmem_shared>> -> memref<10112x64xf32, #tpu.memory_space<vmem_shared>>
    %dma_wait3A_49 = tpu.memref_slice %arg11[%dma_wait3A_38] : memref<5x!tpu.dma_semaphore, #tpu.memory_space<semaphore_mem>> -> memref<1x!tpu.dma_semaphore, #tpu.memory_space<semaphore_mem>>
    %dma_wait3A_50 = tpu.memref_squeeze %dma_wait3A_49 : memref<1x!tpu.dma_semaphore, #tpu.memory_space<semaphore_mem>> -> memref<!tpu.dma_semaphore, #tpu.memory_space<semaphore_mem>>
    tpu.wait_indirect_dma semaphore(%dma_wait3A_50 : memref<!tpu.dma_semaphore, #tpu.memory_space<semaphore_mem>>) src(%dma_wait3A_42 : memref<80x64xf32, #tpu.memory_space<vmem>>) dst(%dma_wait3A_48 : memref<10112x64xf32, #tpu.memory_space<vmem_shared>>)
    %dma_wait3A_51 = arith.constant 3 : i32
    %dma_wait3A_52 = arith.constant 0 : i32
    %dma_wait3A_53 = arith.constant 3 : i32
    %dma_wait3A_54 = arith.constant 0 : i32
    %dma_wait3A_55 = arith.constant 0 : i32
    %dma_wait3A_56 = tpu.memref_slice %arg8[%dma_wait3A_51, %dma_wait3A_54, %dma_wait3A_55] : memref<5x80x64xf32, #tpu.memory_space<vmem>> -> memref<1x80x64xf32, #tpu.memory_space<vmem>>
    %dma_wait3A_57 = tpu.memref_squeeze %dma_wait3A_56 : memref<1x80x64xf32, #tpu.memory_space<vmem>> -> memref<80x64xf32, #tpu.memory_space<vmem>>
    %dma_wait3A_58 = arith.constant 0 : i32
    %dma_wait3A_59 = tpu.memref_slice %arg7[%dma_wait3A_52, %dma_wait3A_58] : memref<250x80xi32, #tpu.memory_space<vmem>> -> memref<1x80xi32, #tpu.memory_space<vmem>>
    %dma_wait3A_60 = tpu.memref_squeeze %dma_wait3A_59 : memref<1x80xi32, #tpu.memory_space<vmem>> -> memref<80xi32, #tpu.memory_space<vmem>>
    %dma_wait3A_61 = arith.constant 0 : i32
    %dma_wait3A_62 = arith.constant 0 : i32
    %dma_wait3A_63 = tpu.memref_slice %arg9[%dma_wait3A_61, %dma_wait3A_62] : memref<10112x64xf32, #tpu.memory_space<vmem_shared>> -> memref<10112x64xf32, #tpu.memory_space<vmem_shared>>
    %dma_wait3A_64 = tpu.memref_slice %arg11[%dma_wait3A_53] : memref<5x!tpu.dma_semaphore, #tpu.memory_space<semaphore_mem>> -> memref<1x!tpu.dma_semaphore, #tpu.memory_space<semaphore_mem>>
    %dma_wait3A_65 = tpu.memref_squeeze %dma_wait3A_64 : memref<1x!tpu.dma_semaphore, #tpu.memory_space<semaphore_mem>> -> memref<!tpu.dma_semaphore, #tpu.memory_space<semaphore_mem>>
    tpu.wait_indirect_dma semaphore(%dma_wait3A_65 : memref<!tpu.dma_semaphore, #tpu.memory_space<semaphore_mem>>) src(%dma_wait3A_57 : memref<80x64xf32, #tpu.memory_space<vmem>>) dst(%dma_wait3A_63 : memref<10112x64xf32, #tpu.memory_space<vmem_shared>>)
    %dma_wait3A_66 = arith.constant 4 : i32
    %dma_wait3A_67 = arith.constant 0 : i32
    %dma_wait3A_68 = arith.constant 4 : i32
    %dma_wait3A_69 = arith.constant 0 : i32
    %dma_wait3A_70 = arith.constant 0 : i32
    %dma_wait3A_71 = tpu.memref_slice %arg8[%dma_wait3A_66, %dma_wait3A_69, %dma_wait3A_70] : memref<5x80x64xf32, #tpu.memory_space<vmem>> -> memref<1x80x64xf32, #tpu.memory_space<vmem>>
    %dma_wait3A_72 = tpu.memref_squeeze %dma_wait3A_71 : memref<1x80x64xf32, #tpu.memory_space<vmem>> -> memref<80x64xf32, #tpu.memory_space<vmem>>
    %dma_wait3A_73 = arith.constant 0 : i32
    %dma_wait3A_74 = tpu.memref_slice %arg7[%dma_wait3A_67, %dma_wait3A_73] : memref<250x80xi32, #tpu.memory_space<vmem>> -> memref<1x80xi32, #tpu.memory_space<vmem>>
    %dma_wait3A_75 = tpu.memref_squeeze %dma_wait3A_74 : memref<1x80xi32, #tpu.memory_space<vmem>> -> memref<80xi32, #tpu.memory_space<vmem>>
    %dma_wait3A_76 = arith.constant 0 : i32
    %dma_wait3A_77 = arith.constant 0 : i32
    %dma_wait3A_78 = tpu.memref_slice %arg9[%dma_wait3A_76, %dma_wait3A_77] : memref<10112x64xf32, #tpu.memory_space<vmem_shared>> -> memref<10112x64xf32, #tpu.memory_space<vmem_shared>>
    %dma_wait3A_79 = tpu.memref_slice %arg11[%dma_wait3A_68] : memref<5x!tpu.dma_semaphore, #tpu.memory_space<semaphore_mem>> -> memref<1x!tpu.dma_semaphore, #tpu.memory_space<semaphore_mem>>
    %dma_wait3A_80 = tpu.memref_squeeze %dma_wait3A_79 : memref<1x!tpu.dma_semaphore, #tpu.memory_space<semaphore_mem>> -> memref<!tpu.dma_semaphore, #tpu.memory_space<semaphore_mem>>
    tpu.wait_indirect_dma semaphore(%dma_wait3A_80 : memref<!tpu.dma_semaphore, #tpu.memory_space<semaphore_mem>>) src(%dma_wait3A_72 : memref<80x64xf32, #tpu.memory_space<vmem>>) dst(%dma_wait3A_78 : memref<10112x64xf32, #tpu.memory_space<vmem_shared>>)
    %barrier3A_81 = arith.constant 0 : index
    tpu.barrier barrier_id(%barrier3A_81)
    "tpu.region"() ({
      %run_scoped3A = tpu.sem_alloc : memref<!tpu.dma_semaphore, #tpu.memory_space<semaphore_mem>>
      %dma_start3A = arith.constant 0 : i32
      %dma_start3A_167 = arith.constant 0 : i32
      %dma_start3A_168 = tpu.memref_slice %arg5[%add3A_1, %dma_start3A, %dma_start3A_167] : memref<4x10112x64xf32, #tpu.memory_space<hbm>> -> memref<1x10112x64xf32, #tpu.memory_space<hbm>>
      %dma_start3A_169 = tpu.memref_squeeze %dma_start3A_168 : memref<1x10112x64xf32, #tpu.memory_space<hbm>> -> memref<10112x64xf32, #tpu.memory_space<hbm>>
      %dma_start3A_170 = arith.constant 0 : i32
      %dma_start3A_171 = tpu.memref_slice %dma_start3A_169[%mul3A_0, %dma_start3A_170] : memref<10112x64xf32, #tpu.memory_space<hbm>> -> memref<632x64xf32, #tpu.memory_space<hbm>>
      %dma_start3A_172 = arith.constant 0 : i32
      %dma_start3A_173 = tpu.memref_slice %arg9[%mul3A_0, %dma_start3A_172] : memref<10112x64xf32, #tpu.memory_space<vmem_shared>> -> memref<632x64xf32, #tpu.memory_space<vmem_shared>>
      tpu.enqueue_dma source(%dma_start3A_173 : memref<632x64xf32, #tpu.memory_space<vmem_shared>>) target(%dma_start3A_171 : memref<632x64xf32, #tpu.memory_space<hbm>>) target_semaphore(%run_scoped3A : memref<!tpu.dma_semaphore, #tpu.memory_space<semaphore_mem>>)
      %dma_wait3A_174 = arith.constant 0 : i32
      %dma_wait3A_175 = arith.constant 0 : i32
      %dma_wait3A_176 = tpu.memref_slice %arg5[%add3A_1, %dma_wait3A_174, %dma_wait3A_175] : memref<4x10112x64xf32, #tpu.memory_space<hbm>> -> memref<1x10112x64xf32, #tpu.memory_space<hbm>>
      %dma_wait3A_177 = tpu.memref_squeeze %dma_wait3A_176 : memref<1x10112x64xf32, #tpu.memory_space<hbm>> -> memref<10112x64xf32, #tpu.memory_space<hbm>>
      %dma_wait3A_178 = arith.constant 0 : i32
      %dma_wait3A_179 = tpu.memref_slice %dma_wait3A_177[%mul3A_0, %dma_wait3A_178] : memref<10112x64xf32, #tpu.memory_space<hbm>> -> memref<632x64xf32, #tpu.memory_space<hbm>>
      %dma_wait3A_180 = arith.constant 0 : i32
      %dma_wait3A_181 = tpu.memref_slice %arg9[%mul3A_0, %dma_wait3A_180] : memref<10112x64xf32, #tpu.memory_space<vmem_shared>> -> memref<632x64xf32, #tpu.memory_space<vmem_shared>>
      tpu.wait_dma2 semaphore(%run_scoped3A : memref<!tpu.dma_semaphore, #tpu.memory_space<semaphore_mem>>) src(%dma_wait3A_181 : memref<632x64xf32, #tpu.memory_space<vmem_shared>>) dst(%dma_wait3A_179 : memref<632x64xf32, #tpu.memory_space<hbm>>)
      tpu.yield
    }) : () -> ()
    %add3A_82 = arith.constant 2 : i32
    %add3A_83 = arith.addi %add3A_82, %arg0 : i32
    "tpu.region"() ({
      %run_scoped3A = tpu.sem_alloc : memref<!tpu.dma_semaphore, #tpu.memory_space<semaphore_mem>>
      %dma_start3A = arith.constant 0 : i32
      %dma_start3A_167 = tpu.memref_slice %arg9[%mul3A_0, %dma_start3A] : memref<10112x64xf32, #tpu.memory_space<vmem_shared>> -> memref<632x64xf32, #tpu.memory_space<vmem_shared>>
      %dma_start3A_168 = arith.constant 0 : i32
      %dma_start3A_169 = arith.constant 0 : i32
      %dma_start3A_170 = tpu.memref_slice %arg2[%add3A_83, %dma_start3A_168, %dma_start3A_169] : memref<4x10112x64xf32, #tpu.memory_space<hbm>> -> memref<1x10112x64xf32, #tpu.memory_space<hbm>>
      %dma_start3A_171 = tpu.memref_squeeze %dma_start3A_170 : memref<1x10112x64xf32, #tpu.memory_space<hbm>> -> memref<10112x64xf32, #tpu.memory_space<hbm>>
      %dma_start3A_172 = arith.constant 0 : i32
      %dma_start3A_173 = tpu.memref_slice %dma_start3A_171[%mul3A_0, %dma_start3A_172] : memref<10112x64xf32, #tpu.memory_space<hbm>> -> memref<632x64xf32, #tpu.memory_space<hbm>>
      tpu.enqueue_dma source(%dma_start3A_173 : memref<632x64xf32, #tpu.memory_space<hbm>>) target(%dma_start3A_167 : memref<632x64xf32, #tpu.memory_space<vmem_shared>>) target_semaphore(%run_scoped3A : memref<!tpu.dma_semaphore, #tpu.memory_space<semaphore_mem>>)
      %dma_wait3A_174 = arith.constant 0 : i32
      %dma_wait3A_175 = tpu.memref_slice %arg9[%mul3A_0, %dma_wait3A_174] : memref<10112x64xf32, #tpu.memory_space<vmem_shared>> -> memref<632x64xf32, #tpu.memory_space<vmem_shared>>
      %dma_wait3A_176 = arith.constant 0 : i32
      %dma_wait3A_177 = arith.constant 0 : i32
      %dma_wait3A_178 = tpu.memref_slice %arg2[%add3A_83, %dma_wait3A_176, %dma_wait3A_177] : memref<4x10112x64xf32, #tpu.memory_space<hbm>> -> memref<1x10112x64xf32, #tpu.memory_space<hbm>>
      %dma_wait3A_179 = tpu.memref_squeeze %dma_wait3A_178 : memref<1x10112x64xf32, #tpu.memory_space<hbm>> -> memref<10112x64xf32, #tpu.memory_space<hbm>>
      %dma_wait3A_180 = arith.constant 0 : i32
      %dma_wait3A_181 = tpu.memref_slice %dma_wait3A_179[%mul3A_0, %dma_wait3A_180] : memref<10112x64xf32, #tpu.memory_space<hbm>> -> memref<632x64xf32, #tpu.memory_space<hbm>>
      tpu.wait_dma2 semaphore(%run_scoped3A : memref<!tpu.dma_semaphore, #tpu.memory_space<semaphore_mem>>) src(%dma_wait3A_181 : memref<632x64xf32, #tpu.memory_space<hbm>>) dst(%dma_wait3A_175 : memref<632x64xf32, #tpu.memory_space<vmem_shared>>)
      tpu.yield
    }) : () -> ()
    %barrier3A_84 = arith.constant 0 : index
    tpu.barrier barrier_id(%barrier3A_84)
    %scan3A_85 = arith.constant 0 : i32
    %scan3A_86 = arith.constant 0 : i32
    %scan3A_87 = arith.constant 50 : i32
    %scan3A_88 = arith.addi %scan3A_86, %scan3A_87 : i32
    %scan3A_89 = arith.constant 1 : i32
    scf.for %scan3A_167 = %scan3A_86 to %scan3A_88 step %scan3A_89  : i32 {
      %mul3A_168 = arith.constant 5 : i32
      %mul3A_169 = arith.muli %mul3A_168, %scan3A_167 : i32
      %gt3A = arith.constant 0 : i32
      %gt3A_170 = arith.cmpi sgt, %scan3A_167, %gt3A : i32
      %convert_element_type3A = arith.extui %gt3A_170 : i1 to i32
      %cond3A = arith.constant 0 : i32
      %cond3A_171 = arith.cmpi ne, %convert_element_type3A, %cond3A : i32
      scf.if %cond3A_171 {
        %add3A_471 = arith.constant 0 : i32
        %add3A_472 = arith.addi %mul3A_169, %add3A_471 : i32
        %dma_wait3A_473 = arith.constant 0 : i32
        %dma_wait3A_474 = arith.constant 0 : i32
        %dma_wait3A_475 = arith.constant 0 : i32
        %dma_wait3A_476 = arith.constant 0 : i32
        %dma_wait3A_477 = tpu.memref_slice %arg8[%dma_wait3A_473, %dma_wait3A_475, %dma_wait3A_476] : memref<5x80x64xf32, #tpu.memory_space<vmem>> -> memref<1x80x64xf32, #tpu.memory_space<vmem>>
        %dma_wait3A_478 = tpu.memref_squeeze %dma_wait3A_477 : memref<1x80x64xf32, #tpu.memory_space<vmem>> -> memref<80x64xf32, #tpu.memory_space<vmem>>
        %dma_wait3A_479 = arith.constant 0 : i32
        %dma_wait3A_480 = tpu.memref_slice %arg7[%add3A_472, %dma_wait3A_479] : memref<250x80xi32, #tpu.memory_space<vmem>> -> memref<1x80xi32, #tpu.memory_space<vmem>>
        %dma_wait3A_481 = tpu.memref_squeeze %dma_wait3A_480 : memref<1x80xi32, #tpu.memory_space<vmem>> -> memref<80xi32, #tpu.memory_space<vmem>>
        %dma_wait3A_482 = arith.constant 0 : i32
        %dma_wait3A_483 = arith.constant 0 : i32
        %dma_wait3A_484 = tpu.memref_slice %arg9[%dma_wait3A_482, %dma_wait3A_483] : memref<10112x64xf32, #tpu.memory_space<vmem_shared>> -> memref<10112x64xf32, #tpu.memory_space<vmem_shared>>
        %dma_wait3A_485 = tpu.memref_slice %arg11[%dma_wait3A_474] : memref<5x!tpu.dma_semaphore, #tpu.memory_space<semaphore_mem>> -> memref<1x!tpu.dma_semaphore, #tpu.memory_space<semaphore_mem>>
        %dma_wait3A_486 = tpu.memref_squeeze %dma_wait3A_485 : memref<1x!tpu.dma_semaphore, #tpu.memory_space<semaphore_mem>> -> memref<!tpu.dma_semaphore, #tpu.memory_space<semaphore_mem>>
        tpu.wait_indirect_dma semaphore(%dma_wait3A_486 : memref<!tpu.dma_semaphore, #tpu.memory_space<semaphore_mem>>) src(%dma_wait3A_478 : memref<80x64xf32, #tpu.memory_space<vmem>>) dst(%dma_wait3A_484 : memref<10112x64xf32, #tpu.memory_space<vmem_shared>>)
      } else {
      }
      %add3A_172 = arith.constant 0 : i32
      %add3A_173 = arith.addi %mul3A_169, %add3A_172 : i32
      %dma_start3A = arith.constant 0 : i32
      %dma_start3A_174 = arith.constant 0 : i32
      %dma_start3A_175 = arith.constant 0 : i32
      %dma_start3A_176 = arith.constant 0 : i32
      %dma_start3A_177 = tpu.memref_slice %arg8[%dma_start3A, %dma_start3A_175, %dma_start3A_176] : memref<5x80x64xf32, #tpu.memory_space<vmem>> -> memref<1x80x64xf32, #tpu.memory_space<vmem>>
      %dma_start3A_178 = tpu.memref_squeeze %dma_start3A_177 : memref<1x80x64xf32, #tpu.memory_space<vmem>> -> memref<80x64xf32, #tpu.memory_space<vmem>>
      %dma_start3A_179 = arith.constant 0 : i32
      %dma_start3A_180 = tpu.memref_slice %arg6[%add3A_173, %dma_start3A_179] : memref<250x80xi32, #tpu.memory_space<vmem>> -> memref<1x80xi32, #tpu.memory_space<vmem>>
      %dma_start3A_181 = tpu.memref_squeeze %dma_start3A_180 : memref<1x80xi32, #tpu.memory_space<vmem>> -> memref<80xi32, #tpu.memory_space<vmem>>
      %dma_start3A_182 = arith.constant 0 : i32
      %dma_start3A_183 = arith.constant 0 : i32
      %dma_start3A_184 = tpu.memref_slice %arg2[%add3A_83, %dma_start3A_182, %dma_start3A_183] : memref<4x10112x64xf32, #tpu.memory_space<hbm>> -> memref<1x10112x64xf32, #tpu.memory_space<hbm>>
      %dma_start3A_185 = tpu.memref_squeeze %dma_start3A_184 : memref<1x10112x64xf32, #tpu.memory_space<hbm>> -> memref<10112x64xf32, #tpu.memory_space<hbm>>
      %dma_start3A_186 = arith.constant 0 : i32
      %dma_start3A_187 = arith.constant 0 : i32
      %dma_start3A_188 = tpu.memref_slice %dma_start3A_185[%dma_start3A_186, %dma_start3A_187] : memref<10112x64xf32, #tpu.memory_space<hbm>> -> memref<10112x64xf32, #tpu.memory_space<hbm>>
      %dma_start3A_189 = tpu.memref_slice %arg10[%dma_start3A_174] : memref<5x!tpu.dma_semaphore, #tpu.memory_space<semaphore_mem>> -> memref<1x!tpu.dma_semaphore, #tpu.memory_space<semaphore_mem>>
      %dma_start3A_190 = tpu.memref_squeeze %dma_start3A_189 : memref<1x!tpu.dma_semaphore, #tpu.memory_space<semaphore_mem>> -> memref<!tpu.dma_semaphore, #tpu.memory_space<semaphore_mem>>
      tpu.enqueue_indirect_dma source(%dma_start3A_188 : memref<10112x64xf32, #tpu.memory_space<hbm>>) target(%dma_start3A_178 : memref<80x64xf32, #tpu.memory_space<vmem>>) offsets(%dma_start3A_181 : memref<80xi32, #tpu.memory_space<vmem>>) semaphore(%dma_start3A_190 : memref<!tpu.dma_semaphore, #tpu.memory_space<semaphore_mem>>)
      %gt3A_191 = arith.constant 0 : i32
      %gt3A_192 = arith.cmpi sgt, %scan3A_167, %gt3A_191 : i32
      %convert_element_type3A_193 = arith.extui %gt3A_192 : i1 to i32
      %cond3A_194 = arith.constant 0 : i32
      %cond3A_195 = arith.cmpi ne, %convert_element_type3A_193, %cond3A_194 : i32
      scf.if %cond3A_195 {
        %add3A_471 = arith.constant 1 : i32
        %add3A_472 = arith.addi %mul3A_169, %add3A_471 : i32
        %dma_wait3A_473 = arith.constant 1 : i32
        %dma_wait3A_474 = arith.constant 1 : i32
        %dma_wait3A_475 = arith.constant 0 : i32
        %dma_wait3A_476 = arith.constant 0 : i32
        %dma_wait3A_477 = tpu.memref_slice %arg8[%dma_wait3A_473, %dma_wait3A_475, %dma_wait3A_476] : memref<5x80x64xf32, #tpu.memory_space<vmem>> -> memref<1x80x64xf32, #tpu.memory_space<vmem>>
        %dma_wait3A_478 = tpu.memref_squeeze %dma_wait3A_477 : memref<1x80x64xf32, #tpu.memory_space<vmem>> -> memref<80x64xf32, #tpu.memory_space<vmem>>
        %dma_wait3A_479 = arith.constant 0 : i32
        %dma_wait3A_480 = tpu.memref_slice %arg7[%add3A_472, %dma_wait3A_479] : memref<250x80xi32, #tpu.memory_space<vmem>> -> memref<1x80xi32, #tpu.memory_space<vmem>>
        %dma_wait3A_481 = tpu.memref_squeeze %dma_wait3A_480 : memref<1x80xi32, #tpu.memory_space<vmem>> -> memref<80xi32, #tpu.memory_space<vmem>>
        %dma_wait3A_482 = arith.constant 0 : i32
        %dma_wait3A_483 = arith.constant 0 : i32
        %dma_wait3A_484 = tpu.memref_slice %arg9[%dma_wait3A_482, %dma_wait3A_483] : memref<10112x64xf32, #tpu.memory_space<vmem_shared>> -> memref<10112x64xf32, #tpu.memory_space<vmem_shared>>
        %dma_wait3A_485 = tpu.memref_slice %arg11[%dma_wait3A_474] : memref<5x!tpu.dma_semaphore, #tpu.memory_space<semaphore_mem>> -> memref<1x!tpu.dma_semaphore, #tpu.memory_space<semaphore_mem>>
        %dma_wait3A_486 = tpu.memref_squeeze %dma_wait3A_485 : memref<1x!tpu.dma_semaphore, #tpu.memory_space<semaphore_mem>> -> memref<!tpu.dma_semaphore, #tpu.memory_space<semaphore_mem>>
        tpu.wait_indirect_dma semaphore(%dma_wait3A_486 : memref<!tpu.dma_semaphore, #tpu.memory_space<semaphore_mem>>) src(%dma_wait3A_478 : memref<80x64xf32, #tpu.memory_space<vmem>>) dst(%dma_wait3A_484 : memref<10112x64xf32, #tpu.memory_space<vmem_shared>>)
      } else {
      }
      %add3A_196 = arith.constant 1 : i32
      %add3A_197 = arith.addi %mul3A_169, %add3A_196 : i32
      %dma_start3A_198 = arith.constant 1 : i32
      %dma_start3A_199 = arith.constant 1 : i32
      %dma_start3A_200 = arith.constant 0 : i32
      %dma_start3A_201 = arith.constant 0 : i32
      %dma_start3A_202 = tpu.memref_slice %arg8[%dma_start3A_198, %dma_start3A_200, %dma_start3A_201] : memref<5x80x64xf32, #tpu.memory_space<vmem>> -> memref<1x80x64xf32, #tpu.memory_space<vmem>>
      %dma_start3A_203 = tpu.memref_squeeze %dma_start3A_202 : memref<1x80x64xf32, #tpu.memory_space<vmem>> -> memref<80x64xf32, #tpu.memory_space<vmem>>
      %dma_start3A_204 = arith.constant 0 : i32
      %dma_start3A_205 = tpu.memref_slice %arg6[%add3A_197, %dma_start3A_204] : memref<250x80xi32, #tpu.memory_space<vmem>> -> memref<1x80xi32, #tpu.memory_space<vmem>>
      %dma_start3A_206 = tpu.memref_squeeze %dma_start3A_205 : memref<1x80xi32, #tpu.memory_space<vmem>> -> memref<80xi32, #tpu.memory_space<vmem>>
      %dma_start3A_207 = arith.constant 0 : i32
      %dma_start3A_208 = arith.constant 0 : i32
      %dma_start3A_209 = tpu.memref_slice %arg2[%add3A_83, %dma_start3A_207, %dma_start3A_208] : memref<4x10112x64xf32, #tpu.memory_space<hbm>> -> memref<1x10112x64xf32, #tpu.memory_space<hbm>>
      %dma_start3A_210 = tpu.memref_squeeze %dma_start3A_209 : memref<1x10112x64xf32, #tpu.memory_space<hbm>> -> memref<10112x64xf32, #tpu.memory_space<hbm>>
      %dma_start3A_211 = arith.constant 0 : i32
      %dma_start3A_212 = arith.constant 0 : i32
      %dma_start3A_213 = tpu.memref_slice %dma_start3A_210[%dma_start3A_211, %dma_start3A_212] : memref<10112x64xf32, #tpu.memory_space<hbm>> -> memref<10112x64xf32, #tpu.memory_space<hbm>>
      %dma_start3A_214 = tpu.memref_slice %arg10[%dma_start3A_199] : memref<5x!tpu.dma_semaphore, #tpu.memory_space<semaphore_mem>> -> memref<1x!tpu.dma_semaphore, #tpu.memory_space<semaphore_mem>>
      %dma_start3A_215 = tpu.memref_squeeze %dma_start3A_214 : memref<1x!tpu.dma_semaphore, #tpu.memory_space<semaphore_mem>> -> memref<!tpu.dma_semaphore, #tpu.memory_space<semaphore_mem>>
      tpu.enqueue_indirect_dma source(%dma_start3A_213 : memref<10112x64xf32, #tpu.memory_space<hbm>>) target(%dma_start3A_203 : memref<80x64xf32, #tpu.memory_space<vmem>>) offsets(%dma_start3A_206 : memref<80xi32, #tpu.memory_space<vmem>>) semaphore(%dma_start3A_215 : memref<!tpu.dma_semaphore, #tpu.memory_space<semaphore_mem>>)
      %gt3A_216 = arith.constant 0 : i32
      %gt3A_217 = arith.cmpi sgt, %scan3A_167, %gt3A_216 : i32
      %convert_element_type3A_218 = arith.extui %gt3A_217 : i1 to i32
      %cond3A_219 = arith.constant 0 : i32
      %cond3A_220 = arith.cmpi ne, %convert_element_type3A_218, %cond3A_219 : i32
      scf.if %cond3A_220 {
        %add3A_471 = arith.constant 2 : i32
        %add3A_472 = arith.addi %mul3A_169, %add3A_471 : i32
        %dma_wait3A_473 = arith.constant 2 : i32
        %dma_wait3A_474 = arith.constant 2 : i32
        %dma_wait3A_475 = arith.constant 0 : i32
        %dma_wait3A_476 = arith.constant 0 : i32
        %dma_wait3A_477 = tpu.memref_slice %arg8[%dma_wait3A_473, %dma_wait3A_475, %dma_wait3A_476] : memref<5x80x64xf32, #tpu.memory_space<vmem>> -> memref<1x80x64xf32, #tpu.memory_space<vmem>>
        %dma_wait3A_478 = tpu.memref_squeeze %dma_wait3A_477 : memref<1x80x64xf32, #tpu.memory_space<vmem>> -> memref<80x64xf32, #tpu.memory_space<vmem>>
        %dma_wait3A_479 = arith.constant 0 : i32
        %dma_wait3A_480 = tpu.memref_slice %arg7[%add3A_472, %dma_wait3A_479] : memref<250x80xi32, #tpu.memory_space<vmem>> -> memref<1x80xi32, #tpu.memory_space<vmem>>
        %dma_wait3A_481 = tpu.memref_squeeze %dma_wait3A_480 : memref<1x80xi32, #tpu.memory_space<vmem>> -> memref<80xi32, #tpu.memory_space<vmem>>
        %dma_wait3A_482 = arith.constant 0 : i32
        %dma_wait3A_483 = arith.constant 0 : i32
        %dma_wait3A_484 = tpu.memref_slice %arg9[%dma_wait3A_482, %dma_wait3A_483] : memref<10112x64xf32, #tpu.memory_space<vmem_shared>> -> memref<10112x64xf32, #tpu.memory_space<vmem_shared>>
        %dma_wait3A_485 = tpu.memref_slice %arg11[%dma_wait3A_474] : memref<5x!tpu.dma_semaphore, #tpu.memory_space<semaphore_mem>> -> memref<1x!tpu.dma_semaphore, #tpu.memory_space<semaphore_mem>>
        %dma_wait3A_486 = tpu.memref_squeeze %dma_wait3A_485 : memref<1x!tpu.dma_semaphore, #tpu.memory_space<semaphore_mem>> -> memref<!tpu.dma_semaphore, #tpu.memory_space<semaphore_mem>>
        tpu.wait_indirect_dma semaphore(%dma_wait3A_486 : memref<!tpu.dma_semaphore, #tpu.memory_space<semaphore_mem>>) src(%dma_wait3A_478 : memref<80x64xf32, #tpu.memory_space<vmem>>) dst(%dma_wait3A_484 : memref<10112x64xf32, #tpu.memory_space<vmem_shared>>)
      } else {
      }
      %add3A_221 = arith.constant 2 : i32
      %add3A_222 = arith.addi %mul3A_169, %add3A_221 : i32
      %dma_start3A_223 = arith.constant 2 : i32
      %dma_start3A_224 = arith.constant 2 : i32
      %dma_start3A_225 = arith.constant 0 : i32
      %dma_start3A_226 = arith.constant 0 : i32
      %dma_start3A_227 = tpu.memref_slice %arg8[%dma_start3A_223, %dma_start3A_225, %dma_start3A_226] : memref<5x80x64xf32, #tpu.memory_space<vmem>> -> memref<1x80x64xf32, #tpu.memory_space<vmem>>
      %dma_start3A_228 = tpu.memref_squeeze %dma_start3A_227 : memref<1x80x64xf32, #tpu.memory_space<vmem>> -> memref<80x64xf32, #tpu.memory_space<vmem>>
      %dma_start3A_229 = arith.constant 0 : i32
      %dma_start3A_230 = tpu.memref_slice %arg6[%add3A_222, %dma_start3A_229] : memref<250x80xi32, #tpu.memory_space<vmem>> -> memref<1x80xi32, #tpu.memory_space<vmem>>
      %dma_start3A_231 = tpu.memref_squeeze %dma_start3A_230 : memref<1x80xi32, #tpu.memory_space<vmem>> -> memref<80xi32, #tpu.memory_space<vmem>>
      %dma_start3A_232 = arith.constant 0 : i32
      %dma_start3A_233 = arith.constant 0 : i32
      %dma_start3A_234 = tpu.memref_slice %arg2[%add3A_83, %dma_start3A_232, %dma_start3A_233] : memref<4x10112x64xf32, #tpu.memory_space<hbm>> -> memref<1x10112x64xf32, #tpu.memory_space<hbm>>
      %dma_start3A_235 = tpu.memref_squeeze %dma_start3A_234 : memref<1x10112x64xf32, #tpu.memory_space<hbm>> -> memref<10112x64xf32, #tpu.memory_space<hbm>>
      %dma_start3A_236 = arith.constant 0 : i32
      %dma_start3A_237 = arith.constant 0 : i32
      %dma_start3A_238 = tpu.memref_slice %dma_start3A_235[%dma_start3A_236, %dma_start3A_237] : memref<10112x64xf32, #tpu.memory_space<hbm>> -> memref<10112x64xf32, #tpu.memory_space<hbm>>
      %dma_start3A_239 = tpu.memref_slice %arg10[%dma_start3A_224] : memref<5x!tpu.dma_semaphore, #tpu.memory_space<semaphore_mem>> -> memref<1x!tpu.dma_semaphore, #tpu.memory_space<semaphore_mem>>
      %dma_start3A_240 = tpu.memref_squeeze %dma_start3A_239 : memref<1x!tpu.dma_semaphore, #tpu.memory_space<semaphore_mem>> -> memref<!tpu.dma_semaphore, #tpu.memory_space<semaphore_mem>>
      tpu.enqueue_indirect_dma source(%dma_start3A_238 : memref<10112x64xf32, #tpu.memory_space<hbm>>) target(%dma_start3A_228 : memref<80x64xf32, #tpu.memory_space<vmem>>) offsets(%dma_start3A_231 : memref<80xi32, #tpu.memory_space<vmem>>) semaphore(%dma_start3A_240 : memref<!tpu.dma_semaphore, #tpu.memory_space<semaphore_mem>>)
      %gt3A_241 = arith.constant 0 : i32
      %gt3A_242 = arith.cmpi sgt, %scan3A_167, %gt3A_241 : i32
      %convert_element_type3A_243 = arith.extui %gt3A_242 : i1 to i32
      %cond3A_244 = arith.constant 0 : i32
      %cond3A_245 = arith.cmpi ne, %convert_element_type3A_243, %cond3A_244 : i32
      scf.if %cond3A_245 {
        %add3A_471 = arith.constant 3 : i32
        %add3A_472 = arith.addi %mul3A_169, %add3A_471 : i32
        %dma_wait3A_473 = arith.constant 3 : i32
        %dma_wait3A_474 = arith.constant 3 : i32
        %dma_wait3A_475 = arith.constant 0 : i32
        %dma_wait3A_476 = arith.constant 0 : i32
        %dma_wait3A_477 = tpu.memref_slice %arg8[%dma_wait3A_473, %dma_wait3A_475, %dma_wait3A_476] : memref<5x80x64xf32, #tpu.memory_space<vmem>> -> memref<1x80x64xf32, #tpu.memory_space<vmem>>
        %dma_wait3A_478 = tpu.memref_squeeze %dma_wait3A_477 : memref<1x80x64xf32, #tpu.memory_space<vmem>> -> memref<80x64xf32, #tpu.memory_space<vmem>>
        %dma_wait3A_479 = arith.constant 0 : i32
        %dma_wait3A_480 = tpu.memref_slice %arg7[%add3A_472, %dma_wait3A_479] : memref<250x80xi32, #tpu.memory_space<vmem>> -> memref<1x80xi32, #tpu.memory_space<vmem>>
        %dma_wait3A_481 = tpu.memref_squeeze %dma_wait3A_480 : memref<1x80xi32, #tpu.memory_space<vmem>> -> memref<80xi32, #tpu.memory_space<vmem>>
        %dma_wait3A_482 = arith.constant 0 : i32
        %dma_wait3A_483 = arith.constant 0 : i32
        %dma_wait3A_484 = tpu.memref_slice %arg9[%dma_wait3A_482, %dma_wait3A_483] : memref<10112x64xf32, #tpu.memory_space<vmem_shared>> -> memref<10112x64xf32, #tpu.memory_space<vmem_shared>>
        %dma_wait3A_485 = tpu.memref_slice %arg11[%dma_wait3A_474] : memref<5x!tpu.dma_semaphore, #tpu.memory_space<semaphore_mem>> -> memref<1x!tpu.dma_semaphore, #tpu.memory_space<semaphore_mem>>
        %dma_wait3A_486 = tpu.memref_squeeze %dma_wait3A_485 : memref<1x!tpu.dma_semaphore, #tpu.memory_space<semaphore_mem>> -> memref<!tpu.dma_semaphore, #tpu.memory_space<semaphore_mem>>
        tpu.wait_indirect_dma semaphore(%dma_wait3A_486 : memref<!tpu.dma_semaphore, #tpu.memory_space<semaphore_mem>>) src(%dma_wait3A_478 : memref<80x64xf32, #tpu.memory_space<vmem>>) dst(%dma_wait3A_484 : memref<10112x64xf32, #tpu.memory_space<vmem_shared>>)
      } else {
      }
      %add3A_246 = arith.constant 3 : i32
      %add3A_247 = arith.addi %mul3A_169, %add3A_246 : i32
      %dma_start3A_248 = arith.constant 3 : i32
      %dma_start3A_249 = arith.constant 3 : i32
      %dma_start3A_250 = arith.constant 0 : i32
      %dma_start3A_251 = arith.constant 0 : i32
      %dma_start3A_252 = tpu.memref_slice %arg8[%dma_start3A_248, %dma_start3A_250, %dma_start3A_251] : memref<5x80x64xf32, #tpu.memory_space<vmem>> -> memref<1x80x64xf32, #tpu.memory_space<vmem>>
      %dma_start3A_253 = tpu.memref_squeeze %dma_start3A_252 : memref<1x80x64xf32, #tpu.memory_space<vmem>> -> memref<80x64xf32, #tpu.memory_space<vmem>>
      %dma_start3A_254 = arith.constant 0 : i32
      %dma_start3A_255 = tpu.memref_slice %arg6[%add3A_247, %dma_start3A_254] : memref<250x80xi32, #tpu.memory_space<vmem>> -> memref<1x80xi32, #tpu.memory_space<vmem>>
      %dma_start3A_256 = tpu.memref_squeeze %dma_start3A_255 : memref<1x80xi32, #tpu.memory_space<vmem>> -> memref<80xi32, #tpu.memory_space<vmem>>
      %dma_start3A_257 = arith.constant 0 : i32
      %dma_start3A_258 = arith.constant 0 : i32
      %dma_start3A_259 = tpu.memref_slice %arg2[%add3A_83, %dma_start3A_257, %dma_start3A_258] : memref<4x10112x64xf32, #tpu.memory_space<hbm>> -> memref<1x10112x64xf32, #tpu.memory_space<hbm>>
      %dma_start3A_260 = tpu.memref_squeeze %dma_start3A_259 : memref<1x10112x64xf32, #tpu.memory_space<hbm>> -> memref<10112x64xf32, #tpu.memory_space<hbm>>
      %dma_start3A_261 = arith.constant 0 : i32
      %dma_start3A_262 = arith.constant 0 : i32
      %dma_start3A_263 = tpu.memref_slice %dma_start3A_260[%dma_start3A_261, %dma_start3A_262] : memref<10112x64xf32, #tpu.memory_space<hbm>> -> memref<10112x64xf32, #tpu.memory_space<hbm>>
      %dma_start3A_264 = tpu.memref_slice %arg10[%dma_start3A_249] : memref<5x!tpu.dma_semaphore, #tpu.memory_space<semaphore_mem>> -> memref<1x!tpu.dma_semaphore, #tpu.memory_space<semaphore_mem>>
      %dma_start3A_265 = tpu.memref_squeeze %dma_start3A_264 : memref<1x!tpu.dma_semaphore, #tpu.memory_space<semaphore_mem>> -> memref<!tpu.dma_semaphore, #tpu.memory_space<semaphore_mem>>
      tpu.enqueue_indirect_dma source(%dma_start3A_263 : memref<10112x64xf32, #tpu.memory_space<hbm>>) target(%dma_start3A_253 : memref<80x64xf32, #tpu.memory_space<vmem>>) offsets(%dma_start3A_256 : memref<80xi32, #tpu.memory_space<vmem>>) semaphore(%dma_start3A_265 : memref<!tpu.dma_semaphore, #tpu.memory_space<semaphore_mem>>)
      %gt3A_266 = arith.constant 0 : i32
      %gt3A_267 = arith.cmpi sgt, %scan3A_167, %gt3A_266 : i32
      %convert_element_type3A_268 = arith.extui %gt3A_267 : i1 to i32
      %cond3A_269 = arith.constant 0 : i32
      %cond3A_270 = arith.cmpi ne, %convert_element_type3A_268, %cond3A_269 : i32
      scf.if %cond3A_270 {
        %add3A_471 = arith.constant 4 : i32
        %add3A_472 = arith.addi %mul3A_169, %add3A_471 : i32
        %dma_wait3A_473 = arith.constant 4 : i32
        %dma_wait3A_474 = arith.constant 4 : i32
        %dma_wait3A_475 = arith.constant 0 : i32
        %dma_wait3A_476 = arith.constant 0 : i32
        %dma_wait3A_477 = tpu.memref_slice %arg8[%dma_wait3A_473, %dma_wait3A_475, %dma_wait3A_476] : memref<5x80x64xf32, #tpu.memory_space<vmem>> -> memref<1x80x64xf32, #tpu.memory_space<vmem>>
        %dma_wait3A_478 = tpu.memref_squeeze %dma_wait3A_477 : memref<1x80x64xf32, #tpu.memory_space<vmem>> -> memref<80x64xf32, #tpu.memory_space<vmem>>
        %dma_wait3A_479 = arith.constant 0 : i32
        %dma_wait3A_480 = tpu.memref_slice %arg7[%add3A_472, %dma_wait3A_479] : memref<250x80xi32, #tpu.memory_space<vmem>> -> memref<1x80xi32, #tpu.memory_space<vmem>>
        %dma_wait3A_481 = tpu.memref_squeeze %dma_wait3A_480 : memref<1x80xi32, #tpu.memory_space<vmem>> -> memref<80xi32, #tpu.memory_space<vmem>>
        %dma_wait3A_482 = arith.constant 0 : i32
        %dma_wait3A_483 = arith.constant 0 : i32
        %dma_wait3A_484 = tpu.memref_slice %arg9[%dma_wait3A_482, %dma_wait3A_483] : memref<10112x64xf32, #tpu.memory_space<vmem_shared>> -> memref<10112x64xf32, #tpu.memory_space<vmem_shared>>
        %dma_wait3A_485 = tpu.memref_slice %arg11[%dma_wait3A_474] : memref<5x!tpu.dma_semaphore, #tpu.memory_space<semaphore_mem>> -> memref<1x!tpu.dma_semaphore, #tpu.memory_space<semaphore_mem>>
        %dma_wait3A_486 = tpu.memref_squeeze %dma_wait3A_485 : memref<1x!tpu.dma_semaphore, #tpu.memory_space<semaphore_mem>> -> memref<!tpu.dma_semaphore, #tpu.memory_space<semaphore_mem>>
        tpu.wait_indirect_dma semaphore(%dma_wait3A_486 : memref<!tpu.dma_semaphore, #tpu.memory_space<semaphore_mem>>) src(%dma_wait3A_478 : memref<80x64xf32, #tpu.memory_space<vmem>>) dst(%dma_wait3A_484 : memref<10112x64xf32, #tpu.memory_space<vmem_shared>>)
      } else {
      }
      %add3A_271 = arith.constant 4 : i32
      %add3A_272 = arith.addi %mul3A_169, %add3A_271 : i32
      %dma_start3A_273 = arith.constant 4 : i32
      %dma_start3A_274 = arith.constant 4 : i32
      %dma_start3A_275 = arith.constant 0 : i32
      %dma_start3A_276 = arith.constant 0 : i32
      %dma_start3A_277 = tpu.memref_slice %arg8[%dma_start3A_273, %dma_start3A_275, %dma_start3A_276] : memref<5x80x64xf32, #tpu.memory_space<vmem>> -> memref<1x80x64xf32, #tpu.memory_space<vmem>>
      %dma_start3A_278 = tpu.memref_squeeze %dma_start3A_277 : memref<1x80x64xf32, #tpu.memory_space<vmem>> -> memref<80x64xf32, #tpu.memory_space<vmem>>
      %dma_start3A_279 = arith.constant 0 : i32
      %dma_start3A_280 = tpu.memref_slice %arg6[%add3A_272, %dma_start3A_279] : memref<250x80xi32, #tpu.memory_space<vmem>> -> memref<1x80xi32, #tpu.memory_space<vmem>>
      %dma_start3A_281 = tpu.memref_squeeze %dma_start3A_280 : memref<1x80xi32, #tpu.memory_space<vmem>> -> memref<80xi32, #tpu.memory_space<vmem>>
      %dma_start3A_282 = arith.constant 0 : i32
      %dma_start3A_283 = arith.constant 0 : i32
      %dma_start3A_284 = tpu.memref_slice %arg2[%add3A_83, %dma_start3A_282, %dma_start3A_283] : memref<4x10112x64xf32, #tpu.memory_space<hbm>> -> memref<1x10112x64xf32, #tpu.memory_space<hbm>>
      %dma_start3A_285 = tpu.memref_squeeze %dma_start3A_284 : memref<1x10112x64xf32, #tpu.memory_space<hbm>> -> memref<10112x64xf32, #tpu.memory_space<hbm>>
      %dma_start3A_286 = arith.constant 0 : i32
      %dma_start3A_287 = arith.constant 0 : i32
      %dma_start3A_288 = tpu.memref_slice %dma_start3A_285[%dma_start3A_286, %dma_start3A_287] : memref<10112x64xf32, #tpu.memory_space<hbm>> -> memref<10112x64xf32, #tpu.memory_space<hbm>>
      %dma_start3A_289 = tpu.memref_slice %arg10[%dma_start3A_274] : memref<5x!tpu.dma_semaphore, #tpu.memory_space<semaphore_mem>> -> memref<1x!tpu.dma_semaphore, #tpu.memory_space<semaphore_mem>>
      %dma_start3A_290 = tpu.memref_squeeze %dma_start3A_289 : memref<1x!tpu.dma_semaphore, #tpu.memory_space<semaphore_mem>> -> memref<!tpu.dma_semaphore, #tpu.memory_space<semaphore_mem>>
      tpu.enqueue_indirect_dma source(%dma_start3A_288 : memref<10112x64xf32, #tpu.memory_space<hbm>>) target(%dma_start3A_278 : memref<80x64xf32, #tpu.memory_space<vmem>>) offsets(%dma_start3A_281 : memref<80xi32, #tpu.memory_space<vmem>>) semaphore(%dma_start3A_290 : memref<!tpu.dma_semaphore, #tpu.memory_space<semaphore_mem>>)
      %add3A_291 = arith.constant 0 : i32
      %add3A_292 = arith.addi %mul3A_169, %add3A_291 : i32
      %dma_wait3A_293 = arith.constant 0 : i32
      %dma_wait3A_294 = arith.constant 0 : i32
      %dma_wait3A_295 = arith.constant 0 : i32
      %dma_wait3A_296 = arith.constant 0 : i32
      %dma_wait3A_297 = tpu.memref_slice %arg8[%dma_wait3A_293, %dma_wait3A_295, %dma_wait3A_296] : memref<5x80x64xf32, #tpu.memory_space<vmem>> -> memref<1x80x64xf32, #tpu.memory_space<vmem>>
      %dma_wait3A_298 = tpu.memref_squeeze %dma_wait3A_297 : memref<1x80x64xf32, #tpu.memory_space<vmem>> -> memref<80x64xf32, #tpu.memory_space<vmem>>
      %dma_wait3A_299 = arith.constant 0 : i32
      %dma_wait3A_300 = tpu.memref_slice %arg6[%add3A_292, %dma_wait3A_299] : memref<250x80xi32, #tpu.memory_space<vmem>> -> memref<1x80xi32, #tpu.memory_space<vmem>>
      %dma_wait3A_301 = tpu.memref_squeeze %dma_wait3A_300 : memref<1x80xi32, #tpu.memory_space<vmem>> -> memref<80xi32, #tpu.memory_space<vmem>>
      %dma_wait3A_302 = arith.constant 0 : i32
      %dma_wait3A_303 = arith.constant 0 : i32
      %dma_wait3A_304 = tpu.memref_slice %arg2[%add3A_83, %dma_wait3A_302, %dma_wait3A_303] : memref<4x10112x64xf32, #tpu.memory_space<hbm>> -> memref<1x10112x64xf32, #tpu.memory_space<hbm>>
      %dma_wait3A_305 = tpu.memref_squeeze %dma_wait3A_304 : memref<1x10112x64xf32, #tpu.memory_space<hbm>> -> memref<10112x64xf32, #tpu.memory_space<hbm>>
      %dma_wait3A_306 = arith.constant 0 : i32
      %dma_wait3A_307 = arith.constant 0 : i32
      %dma_wait3A_308 = tpu.memref_slice %dma_wait3A_305[%dma_wait3A_306, %dma_wait3A_307] : memref<10112x64xf32, #tpu.memory_space<hbm>> -> memref<10112x64xf32, #tpu.memory_space<hbm>>
      %dma_wait3A_309 = tpu.memref_slice %arg10[%dma_wait3A_294] : memref<5x!tpu.dma_semaphore, #tpu.memory_space<semaphore_mem>> -> memref<1x!tpu.dma_semaphore, #tpu.memory_space<semaphore_mem>>
      %dma_wait3A_310 = tpu.memref_squeeze %dma_wait3A_309 : memref<1x!tpu.dma_semaphore, #tpu.memory_space<semaphore_mem>> -> memref<!tpu.dma_semaphore, #tpu.memory_space<semaphore_mem>>
      tpu.wait_indirect_dma semaphore(%dma_wait3A_310 : memref<!tpu.dma_semaphore, #tpu.memory_space<semaphore_mem>>) src(%dma_wait3A_308 : memref<10112x64xf32, #tpu.memory_space<hbm>>) dst(%dma_wait3A_298 : memref<80x64xf32, #tpu.memory_space<vmem>>)
      %add3A_311 = arith.constant 0 : i32
      %add3A_312 = arith.addi %mul3A_169, %add3A_311 : i32
      %dma_start3A_313 = arith.constant 0 : i32
      %dma_start3A_314 = arith.constant 0 : i32
      %dma_start3A_315 = arith.constant 0 : i32
      %dma_start3A_316 = arith.constant 0 : i32
      %dma_start3A_317 = tpu.memref_slice %arg8[%dma_start3A_313, %dma_start3A_315, %dma_start3A_316] : memref<5x80x64xf32, #tpu.memory_space<vmem>> -> memref<1x80x64xf32, #tpu.memory_space<vmem>>
      %dma_start3A_318 = tpu.memref_squeeze %dma_start3A_317 : memref<1x80x64xf32, #tpu.memory_space<vmem>> -> memref<80x64xf32, #tpu.memory_space<vmem>>
      %dma_start3A_319 = arith.constant 0 : i32
      %dma_start3A_320 = tpu.memref_slice %arg7[%add3A_312, %dma_start3A_319] : memref<250x80xi32, #tpu.memory_space<vmem>> -> memref<1x80xi32, #tpu.memory_space<vmem>>
      %dma_start3A_321 = tpu.memref_squeeze %dma_start3A_320 : memref<1x80xi32, #tpu.memory_space<vmem>> -> memref<80xi32, #tpu.memory_space<vmem>>
      %dma_start3A_322 = arith.constant 0 : i32
      %dma_start3A_323 = arith.constant 0 : i32
      %dma_start3A_324 = tpu.memref_slice %arg9[%dma_start3A_322, %dma_start3A_323] : memref<10112x64xf32, #tpu.memory_space<vmem_shared>> -> memref<10112x64xf32, #tpu.memory_space<vmem_shared>>
      %dma_start3A_325 = tpu.memref_slice %arg11[%dma_start3A_314] : memref<5x!tpu.dma_semaphore, #tpu.memory_space<semaphore_mem>> -> memref<1x!tpu.dma_semaphore, #tpu.memory_space<semaphore_mem>>
      %dma_start3A_326 = tpu.memref_squeeze %dma_start3A_325 : memref<1x!tpu.dma_semaphore, #tpu.memory_space<semaphore_mem>> -> memref<!tpu.dma_semaphore, #tpu.memory_space<semaphore_mem>>
      tpu.enqueue_indirect_dma source(%dma_start3A_318 : memref<80x64xf32, #tpu.memory_space<vmem>>) target(%dma_start3A_324 : memref<10112x64xf32, #tpu.memory_space<vmem_shared>>) offsets(%dma_start3A_321 : memref<80xi32, #tpu.memory_space<vmem>>) semaphore(%dma_start3A_326 : memref<!tpu.dma_semaphore, #tpu.memory_space<semaphore_mem>>) {add = true}
      %add3A_327 = arith.constant 1 : i32
      %add3A_328 = arith.addi %mul3A_169, %add3A_327 : i32
      %dma_wait3A_329 = arith.constant 1 : i32
      %dma_wait3A_330 = arith.constant 1 : i32
      %dma_wait3A_331 = arith.constant 0 : i32
      %dma_wait3A_332 = arith.constant 0 : i32
      %dma_wait3A_333 = tpu.memref_slice %arg8[%dma_wait3A_329, %dma_wait3A_331, %dma_wait3A_332] : memref<5x80x64xf32, #tpu.memory_space<vmem>> -> memref<1x80x64xf32, #tpu.memory_space<vmem>>
      %dma_wait3A_334 = tpu.memref_squeeze %dma_wait3A_333 : memref<1x80x64xf32, #tpu.memory_space<vmem>> -> memref<80x64xf32, #tpu.memory_space<vmem>>
      %dma_wait3A_335 = arith.constant 0 : i32
      %dma_wait3A_336 = tpu.memref_slice %arg6[%add3A_328, %dma_wait3A_335] : memref<250x80xi32, #tpu.memory_space<vmem>> -> memref<1x80xi32, #tpu.memory_space<vmem>>
      %dma_wait3A_337 = tpu.memref_squeeze %dma_wait3A_336 : memref<1x80xi32, #tpu.memory_space<vmem>> -> memref<80xi32, #tpu.memory_space<vmem>>
      %dma_wait3A_338 = arith.constant 0 : i32
      %dma_wait3A_339 = arith.constant 0 : i32
      %dma_wait3A_340 = tpu.memref_slice %arg2[%add3A_83, %dma_wait3A_338, %dma_wait3A_339] : memref<4x10112x64xf32, #tpu.memory_space<hbm>> -> memref<1x10112x64xf32, #tpu.memory_space<hbm>>
      %dma_wait3A_341 = tpu.memref_squeeze %dma_wait3A_340 : memref<1x10112x64xf32, #tpu.memory_space<hbm>> -> memref<10112x64xf32, #tpu.memory_space<hbm>>
      %dma_wait3A_342 = arith.constant 0 : i32
      %dma_wait3A_343 = arith.constant 0 : i32
      %dma_wait3A_344 = tpu.memref_slice %dma_wait3A_341[%dma_wait3A_342, %dma_wait3A_343] : memref<10112x64xf32, #tpu.memory_space<hbm>> -> memref<10112x64xf32, #tpu.memory_space<hbm>>
      %dma_wait3A_345 = tpu.memref_slice %arg10[%dma_wait3A_330] : memref<5x!tpu.dma_semaphore, #tpu.memory_space<semaphore_mem>> -> memref<1x!tpu.dma_semaphore, #tpu.memory_space<semaphore_mem>>
      %dma_wait3A_346 = tpu.memref_squeeze %dma_wait3A_345 : memref<1x!tpu.dma_semaphore, #tpu.memory_space<semaphore_mem>> -> memref<!tpu.dma_semaphore, #tpu.memory_space<semaphore_mem>>
      tpu.wait_indirect_dma semaphore(%dma_wait3A_346 : memref<!tpu.dma_semaphore, #tpu.memory_space<semaphore_mem>>) src(%dma_wait3A_344 : memref<10112x64xf32, #tpu.memory_space<hbm>>) dst(%dma_wait3A_334 : memref<80x64xf32, #tpu.memory_space<vmem>>)
      %add3A_347 = arith.constant 1 : i32
      %add3A_348 = arith.addi %mul3A_169, %add3A_347 : i32
      %dma_start3A_349 = arith.constant 1 : i32
      %dma_start3A_350 = arith.constant 1 : i32
      %dma_start3A_351 = arith.constant 0 : i32
      %dma_start3A_352 = arith.constant 0 : i32
      %dma_start3A_353 = tpu.memref_slice %arg8[%dma_start3A_349, %dma_start3A_351, %dma_start3A_352] : memref<5x80x64xf32, #tpu.memory_space<vmem>> -> memref<1x80x64xf32, #tpu.memory_space<vmem>>
      %dma_start3A_354 = tpu.memref_squeeze %dma_start3A_353 : memref<1x80x64xf32, #tpu.memory_space<vmem>> -> memref<80x64xf32, #tpu.memory_space<vmem>>
      %dma_start3A_355 = arith.constant 0 : i32
      %dma_start3A_356 = tpu.memref_slice %arg7[%add3A_348, %dma_start3A_355] : memref<250x80xi32, #tpu.memory_space<vmem>> -> memref<1x80xi32, #tpu.memory_space<vmem>>
      %dma_start3A_357 = tpu.memref_squeeze %dma_start3A_356 : memref<1x80xi32, #tpu.memory_space<vmem>> -> memref<80xi32, #tpu.memory_space<vmem>>
      %dma_start3A_358 = arith.constant 0 : i32
      %dma_start3A_359 = arith.constant 0 : i32
      %dma_start3A_360 = tpu.memref_slice %arg9[%dma_start3A_358, %dma_start3A_359] : memref<10112x64xf32, #tpu.memory_space<vmem_shared>> -> memref<10112x64xf32, #tpu.memory_space<vmem_shared>>
      %dma_start3A_361 = tpu.memref_slice %arg11[%dma_start3A_350] : memref<5x!tpu.dma_semaphore, #tpu.memory_space<semaphore_mem>> -> memref<1x!tpu.dma_semaphore, #tpu.memory_space<semaphore_mem>>
      %dma_start3A_362 = tpu.memref_squeeze %dma_start3A_361 : memref<1x!tpu.dma_semaphore, #tpu.memory_space<semaphore_mem>> -> memref<!tpu.dma_semaphore, #tpu.memory_space<semaphore_mem>>
      tpu.enqueue_indirect_dma source(%dma_start3A_354 : memref<80x64xf32, #tpu.memory_space<vmem>>) target(%dma_start3A_360 : memref<10112x64xf32, #tpu.memory_space<vmem_shared>>) offsets(%dma_start3A_357 : memref<80xi32, #tpu.memory_space<vmem>>) semaphore(%dma_start3A_362 : memref<!tpu.dma_semaphore, #tpu.memory_space<semaphore_mem>>) {add = true}
      %add3A_363 = arith.constant 2 : i32
      %add3A_364 = arith.addi %mul3A_169, %add3A_363 : i32
      %dma_wait3A_365 = arith.constant 2 : i32
      %dma_wait3A_366 = arith.constant 2 : i32
      %dma_wait3A_367 = arith.constant 0 : i32
      %dma_wait3A_368 = arith.constant 0 : i32
      %dma_wait3A_369 = tpu.memref_slice %arg8[%dma_wait3A_365, %dma_wait3A_367, %dma_wait3A_368] : memref<5x80x64xf32, #tpu.memory_space<vmem>> -> memref<1x80x64xf32, #tpu.memory_space<vmem>>
      %dma_wait3A_370 = tpu.memref_squeeze %dma_wait3A_369 : memref<1x80x64xf32, #tpu.memory_space<vmem>> -> memref<80x64xf32, #tpu.memory_space<vmem>>
      %dma_wait3A_371 = arith.constant 0 : i32
      %dma_wait3A_372 = tpu.memref_slice %arg6[%add3A_364, %dma_wait3A_371] : memref<250x80xi32, #tpu.memory_space<vmem>> -> memref<1x80xi32, #tpu.memory_space<vmem>>
      %dma_wait3A_373 = tpu.memref_squeeze %dma_wait3A_372 : memref<1x80xi32, #tpu.memory_space<vmem>> -> memref<80xi32, #tpu.memory_space<vmem>>
      %dma_wait3A_374 = arith.constant 0 : i32
      %dma_wait3A_375 = arith.constant 0 : i32
      %dma_wait3A_376 = tpu.memref_slice %arg2[%add3A_83, %dma_wait3A_374, %dma_wait3A_375] : memref<4x10112x64xf32, #tpu.memory_space<hbm>> -> memref<1x10112x64xf32, #tpu.memory_space<hbm>>
      %dma_wait3A_377 = tpu.memref_squeeze %dma_wait3A_376 : memref<1x10112x64xf32, #tpu.memory_space<hbm>> -> memref<10112x64xf32, #tpu.memory_space<hbm>>
      %dma_wait3A_378 = arith.constant 0 : i32
      %dma_wait3A_379 = arith.constant 0 : i32
      %dma_wait3A_380 = tpu.memref_slice %dma_wait3A_377[%dma_wait3A_378, %dma_wait3A_379] : memref<10112x64xf32, #tpu.memory_space<hbm>> -> memref<10112x64xf32, #tpu.memory_space<hbm>>
      %dma_wait3A_381 = tpu.memref_slice %arg10[%dma_wait3A_366] : memref<5x!tpu.dma_semaphore, #tpu.memory_space<semaphore_mem>> -> memref<1x!tpu.dma_semaphore, #tpu.memory_space<semaphore_mem>>
      %dma_wait3A_382 = tpu.memref_squeeze %dma_wait3A_381 : memref<1x!tpu.dma_semaphore, #tpu.memory_space<semaphore_mem>> -> memref<!tpu.dma_semaphore, #tpu.memory_space<semaphore_mem>>
      tpu.wait_indirect_dma semaphore(%dma_wait3A_382 : memref<!tpu.dma_semaphore, #tpu.memory_space<semaphore_mem>>) src(%dma_wait3A_380 : memref<10112x64xf32, #tpu.memory_space<hbm>>) dst(%dma_wait3A_370 : memref<80x64xf32, #tpu.memory_space<vmem>>)
      %add3A_383 = arith.constant 2 : i32
      %add3A_384 = arith.addi %mul3A_169, %add3A_383 : i32
      %dma_start3A_385 = arith.constant 2 : i32
      %dma_start3A_386 = arith.constant 2 : i32
      %dma_start3A_387 = arith.constant 0 : i32
      %dma_start3A_388 = arith.constant 0 : i32
      %dma_start3A_389 = tpu.memref_slice %arg8[%dma_start3A_385, %dma_start3A_387, %dma_start3A_388] : memref<5x80x64xf32, #tpu.memory_space<vmem>> -> memref<1x80x64xf32, #tpu.memory_space<vmem>>
      %dma_start3A_390 = tpu.memref_squeeze %dma_start3A_389 : memref<1x80x64xf32, #tpu.memory_space<vmem>> -> memref<80x64xf32, #tpu.memory_space<vmem>>
      %dma_start3A_391 = arith.constant 0 : i32
      %dma_start3A_392 = tpu.memref_slice %arg7[%add3A_384, %dma_start3A_391] : memref<250x80xi32, #tpu.memory_space<vmem>> -> memref<1x80xi32, #tpu.memory_space<vmem>>
      %dma_start3A_393 = tpu.memref_squeeze %dma_start3A_392 : memref<1x80xi32, #tpu.memory_space<vmem>> -> memref<80xi32, #tpu.memory_space<vmem>>
      %dma_start3A_394 = arith.constant 0 : i32
      %dma_start3A_395 = arith.constant 0 : i32
      %dma_start3A_396 = tpu.memref_slice %arg9[%dma_start3A_394, %dma_start3A_395] : memref<10112x64xf32, #tpu.memory_space<vmem_shared>> -> memref<10112x64xf32, #tpu.memory_space<vmem_shared>>
      %dma_start3A_397 = tpu.memref_slice %arg11[%dma_start3A_386] : memref<5x!tpu.dma_semaphore, #tpu.memory_space<semaphore_mem>> -> memref<1x!tpu.dma_semaphore, #tpu.memory_space<semaphore_mem>>
      %dma_start3A_398 = tpu.memref_squeeze %dma_start3A_397 : memref<1x!tpu.dma_semaphore, #tpu.memory_space<semaphore_mem>> -> memref<!tpu.dma_semaphore, #tpu.memory_space<semaphore_mem>>
      tpu.enqueue_indirect_dma source(%dma_start3A_390 : memref<80x64xf32, #tpu.memory_space<vmem>>) target(%dma_start3A_396 : memref<10112x64xf32, #tpu.memory_space<vmem_shared>>) offsets(%dma_start3A_393 : memref<80xi32, #tpu.memory_space<vmem>>) semaphore(%dma_start3A_398 : memref<!tpu.dma_semaphore, #tpu.memory_space<semaphore_mem>>) {add = true}
      %add3A_399 = arith.constant 3 : i32
      %add3A_400 = arith.addi %mul3A_169, %add3A_399 : i32
      %dma_wait3A_401 = arith.constant 3 : i32
      %dma_wait3A_402 = arith.constant 3 : i32
      %dma_wait3A_403 = arith.constant 0 : i32
      %dma_wait3A_404 = arith.constant 0 : i32
      %dma_wait3A_405 = tpu.memref_slice %arg8[%dma_wait3A_401, %dma_wait3A_403, %dma_wait3A_404] : memref<5x80x64xf32, #tpu.memory_space<vmem>> -> memref<1x80x64xf32, #tpu.memory_space<vmem>>
      %dma_wait3A_406 = tpu.memref_squeeze %dma_wait3A_405 : memref<1x80x64xf32, #tpu.memory_space<vmem>> -> memref<80x64xf32, #tpu.memory_space<vmem>>
      %dma_wait3A_407 = arith.constant 0 : i32
      %dma_wait3A_408 = tpu.memref_slice %arg6[%add3A_400, %dma_wait3A_407] : memref<250x80xi32, #tpu.memory_space<vmem>> -> memref<1x80xi32, #tpu.memory_space<vmem>>
      %dma_wait3A_409 = tpu.memref_squeeze %dma_wait3A_408 : memref<1x80xi32, #tpu.memory_space<vmem>> -> memref<80xi32, #tpu.memory_space<vmem>>
      %dma_wait3A_410 = arith.constant 0 : i32
      %dma_wait3A_411 = arith.constant 0 : i32
      %dma_wait3A_412 = tpu.memref_slice %arg2[%add3A_83, %dma_wait3A_410, %dma_wait3A_411] : memref<4x10112x64xf32, #tpu.memory_space<hbm>> -> memref<1x10112x64xf32, #tpu.memory_space<hbm>>
      %dma_wait3A_413 = tpu.memref_squeeze %dma_wait3A_412 : memref<1x10112x64xf32, #tpu.memory_space<hbm>> -> memref<10112x64xf32, #tpu.memory_space<hbm>>
      %dma_wait3A_414 = arith.constant 0 : i32
      %dma_wait3A_415 = arith.constant 0 : i32
      %dma_wait3A_416 = tpu.memref_slice %dma_wait3A_413[%dma_wait3A_414, %dma_wait3A_415] : memref<10112x64xf32, #tpu.memory_space<hbm>> -> memref<10112x64xf32, #tpu.memory_space<hbm>>
      %dma_wait3A_417 = tpu.memref_slice %arg10[%dma_wait3A_402] : memref<5x!tpu.dma_semaphore, #tpu.memory_space<semaphore_mem>> -> memref<1x!tpu.dma_semaphore, #tpu.memory_space<semaphore_mem>>
      %dma_wait3A_418 = tpu.memref_squeeze %dma_wait3A_417 : memref<1x!tpu.dma_semaphore, #tpu.memory_space<semaphore_mem>> -> memref<!tpu.dma_semaphore, #tpu.memory_space<semaphore_mem>>
      tpu.wait_indirect_dma semaphore(%dma_wait3A_418 : memref<!tpu.dma_semaphore, #tpu.memory_space<semaphore_mem>>) src(%dma_wait3A_416 : memref<10112x64xf32, #tpu.memory_space<hbm>>) dst(%dma_wait3A_406 : memref<80x64xf32, #tpu.memory_space<vmem>>)
      %add3A_419 = arith.constant 3 : i32
      %add3A_420 = arith.addi %mul3A_169, %add3A_419 : i32
      %dma_start3A_421 = arith.constant 3 : i32
      %dma_start3A_422 = arith.constant 3 : i32
      %dma_start3A_423 = arith.constant 0 : i32
      %dma_start3A_424 = arith.constant 0 : i32
      %dma_start3A_425 = tpu.memref_slice %arg8[%dma_start3A_421, %dma_start3A_423, %dma_start3A_424] : memref<5x80x64xf32, #tpu.memory_space<vmem>> -> memref<1x80x64xf32, #tpu.memory_space<vmem>>
      %dma_start3A_426 = tpu.memref_squeeze %dma_start3A_425 : memref<1x80x64xf32, #tpu.memory_space<vmem>> -> memref<80x64xf32, #tpu.memory_space<vmem>>
      %dma_start3A_427 = arith.constant 0 : i32
      %dma_start3A_428 = tpu.memref_slice %arg7[%add3A_420, %dma_start3A_427] : memref<250x80xi32, #tpu.memory_space<vmem>> -> memref<1x80xi32, #tpu.memory_space<vmem>>
      %dma_start3A_429 = tpu.memref_squeeze %dma_start3A_428 : memref<1x80xi32, #tpu.memory_space<vmem>> -> memref<80xi32, #tpu.memory_space<vmem>>
      %dma_start3A_430 = arith.constant 0 : i32
      %dma_start3A_431 = arith.constant 0 : i32
      %dma_start3A_432 = tpu.memref_slice %arg9[%dma_start3A_430, %dma_start3A_431] : memref<10112x64xf32, #tpu.memory_space<vmem_shared>> -> memref<10112x64xf32, #tpu.memory_space<vmem_shared>>
      %dma_start3A_433 = tpu.memref_slice %arg11[%dma_start3A_422] : memref<5x!tpu.dma_semaphore, #tpu.memory_space<semaphore_mem>> -> memref<1x!tpu.dma_semaphore, #tpu.memory_space<semaphore_mem>>
      %dma_start3A_434 = tpu.memref_squeeze %dma_start3A_433 : memref<1x!tpu.dma_semaphore, #tpu.memory_space<semaphore_mem>> -> memref<!tpu.dma_semaphore, #tpu.memory_space<semaphore_mem>>
      tpu.enqueue_indirect_dma source(%dma_start3A_426 : memref<80x64xf32, #tpu.memory_space<vmem>>) target(%dma_start3A_432 : memref<10112x64xf32, #tpu.memory_space<vmem_shared>>) offsets(%dma_start3A_429 : memref<80xi32, #tpu.memory_space<vmem>>) semaphore(%dma_start3A_434 : memref<!tpu.dma_semaphore, #tpu.memory_space<semaphore_mem>>) {add = true}
      %add3A_435 = arith.constant 4 : i32
      %add3A_436 = arith.addi %mul3A_169, %add3A_435 : i32
      %dma_wait3A_437 = arith.constant 4 : i32
      %dma_wait3A_438 = arith.constant 4 : i32
      %dma_wait3A_439 = arith.constant 0 : i32
      %dma_wait3A_440 = arith.constant 0 : i32
      %dma_wait3A_441 = tpu.memref_slice %arg8[%dma_wait3A_437, %dma_wait3A_439, %dma_wait3A_440] : memref<5x80x64xf32, #tpu.memory_space<vmem>> -> memref<1x80x64xf32, #tpu.memory_space<vmem>>
      %dma_wait3A_442 = tpu.memref_squeeze %dma_wait3A_441 : memref<1x80x64xf32, #tpu.memory_space<vmem>> -> memref<80x64xf32, #tpu.memory_space<vmem>>
      %dma_wait3A_443 = arith.constant 0 : i32
      %dma_wait3A_444 = tpu.memref_slice %arg6[%add3A_436, %dma_wait3A_443] : memref<250x80xi32, #tpu.memory_space<vmem>> -> memref<1x80xi32, #tpu.memory_space<vmem>>
      %dma_wait3A_445 = tpu.memref_squeeze %dma_wait3A_444 : memref<1x80xi32, #tpu.memory_space<vmem>> -> memref<80xi32, #tpu.memory_space<vmem>>
      %dma_wait3A_446 = arith.constant 0 : i32
      %dma_wait3A_447 = arith.constant 0 : i32
      %dma_wait3A_448 = tpu.memref_slice %arg2[%add3A_83, %dma_wait3A_446, %dma_wait3A_447] : memref<4x10112x64xf32, #tpu.memory_space<hbm>> -> memref<1x10112x64xf32, #tpu.memory_space<hbm>>
      %dma_wait3A_449 = tpu.memref_squeeze %dma_wait3A_448 : memref<1x10112x64xf32, #tpu.memory_space<hbm>> -> memref<10112x64xf32, #tpu.memory_space<hbm>>
      %dma_wait3A_450 = arith.constant 0 : i32
      %dma_wait3A_451 = arith.constant 0 : i32
      %dma_wait3A_452 = tpu.memref_slice %dma_wait3A_449[%dma_wait3A_450, %dma_wait3A_451] : memref<10112x64xf32, #tpu.memory_space<hbm>> -> memref<10112x64xf32, #tpu.memory_space<hbm>>
      %dma_wait3A_453 = tpu.memref_slice %arg10[%dma_wait3A_438] : memref<5x!tpu.dma_semaphore, #tpu.memory_space<semaphore_mem>> -> memref<1x!tpu.dma_semaphore, #tpu.memory_space<semaphore_mem>>
      %dma_wait3A_454 = tpu.memref_squeeze %dma_wait3A_453 : memref<1x!tpu.dma_semaphore, #tpu.memory_space<semaphore_mem>> -> memref<!tpu.dma_semaphore, #tpu.memory_space<semaphore_mem>>
      tpu.wait_indirect_dma semaphore(%dma_wait3A_454 : memref<!tpu.dma_semaphore, #tpu.memory_space<semaphore_mem>>) src(%dma_wait3A_452 : memref<10112x64xf32, #tpu.memory_space<hbm>>) dst(%dma_wait3A_442 : memref<80x64xf32, #tpu.memory_space<vmem>>)
      %add3A_455 = arith.constant 4 : i32
      %add3A_456 = arith.addi %mul3A_169, %add3A_455 : i32
      %dma_start3A_457 = arith.constant 4 : i32
      %dma_start3A_458 = arith.constant 4 : i32
      %dma_start3A_459 = arith.constant 0 : i32
      %dma_start3A_460 = arith.constant 0 : i32
      %dma_start3A_461 = tpu.memref_slice %arg8[%dma_start3A_457, %dma_start3A_459, %dma_start3A_460] : memref<5x80x64xf32, #tpu.memory_space<vmem>> -> memref<1x80x64xf32, #tpu.memory_space<vmem>>
      %dma_start3A_462 = tpu.memref_squeeze %dma_start3A_461 : memref<1x80x64xf32, #tpu.memory_space<vmem>> -> memref<80x64xf32, #tpu.memory_space<vmem>>
      %dma_start3A_463 = arith.constant 0 : i32
      %dma_start3A_464 = tpu.memref_slice %arg7[%add3A_456, %dma_start3A_463] : memref<250x80xi32, #tpu.memory_space<vmem>> -> memref<1x80xi32, #tpu.memory_space<vmem>>
      %dma_start3A_465 = tpu.memref_squeeze %dma_start3A_464 : memref<1x80xi32, #tpu.memory_space<vmem>> -> memref<80xi32, #tpu.memory_space<vmem>>
      %dma_start3A_466 = arith.constant 0 : i32
      %dma_start3A_467 = arith.constant 0 : i32
      %dma_start3A_468 = tpu.memref_slice %arg9[%dma_start3A_466, %dma_start3A_467] : memref<10112x64xf32, #tpu.memory_space<vmem_shared>> -> memref<10112x64xf32, #tpu.memory_space<vmem_shared>>
      %dma_start3A_469 = tpu.memref_slice %arg11[%dma_start3A_458] : memref<5x!tpu.dma_semaphore, #tpu.memory_space<semaphore_mem>> -> memref<1x!tpu.dma_semaphore, #tpu.memory_space<semaphore_mem>>
      %dma_start3A_470 = tpu.memref_squeeze %dma_start3A_469 : memref<1x!tpu.dma_semaphore, #tpu.memory_space<semaphore_mem>> -> memref<!tpu.dma_semaphore, #tpu.memory_space<semaphore_mem>>
      tpu.enqueue_indirect_dma source(%dma_start3A_462 : memref<80x64xf32, #tpu.memory_space<vmem>>) target(%dma_start3A_468 : memref<10112x64xf32, #tpu.memory_space<vmem_shared>>) offsets(%dma_start3A_465 : memref<80xi32, #tpu.memory_space<vmem>>) semaphore(%dma_start3A_470 : memref<!tpu.dma_semaphore, #tpu.memory_space<semaphore_mem>>) {add = true}
    }
    %scan3A_90 = arith.constant 50 : i32
    %dma_wait3A_91 = arith.constant 0 : i32
    %dma_wait3A_92 = arith.constant 0 : i32
    %dma_wait3A_93 = arith.constant 0 : i32
    %dma_wait3A_94 = arith.constant 0 : i32
    %dma_wait3A_95 = arith.constant 0 : i32
    %dma_wait3A_96 = tpu.memref_slice %arg8[%dma_wait3A_91, %dma_wait3A_94, %dma_wait3A_95] : memref<5x80x64xf32, #tpu.memory_space<vmem>> -> memref<1x80x64xf32, #tpu.memory_space<vmem>>
    %dma_wait3A_97 = tpu.memref_squeeze %dma_wait3A_96 : memref<1x80x64xf32, #tpu.memory_space<vmem>> -> memref<80x64xf32, #tpu.memory_space<vmem>>
    %dma_wait3A_98 = arith.constant 0 : i32
    %dma_wait3A_99 = tpu.memref_slice %arg7[%dma_wait3A_92, %dma_wait3A_98] : memref<250x80xi32, #tpu.memory_space<vmem>> -> memref<1x80xi32, #tpu.memory_space<vmem>>
    %dma_wait3A_100 = tpu.memref_squeeze %dma_wait3A_99 : memref<1x80xi32, #tpu.memory_space<vmem>> -> memref<80xi32, #tpu.memory_space<vmem>>
    %dma_wait3A_101 = arith.constant 0 : i32
    %dma_wait3A_102 = arith.constant 0 : i32
    %dma_wait3A_103 = tpu.memref_slice %arg9[%dma_wait3A_101, %dma_wait3A_102] : memref<10112x64xf32, #tpu.memory_space<vmem_shared>> -> memref<10112x64xf32, #tpu.memory_space<vmem_shared>>
    %dma_wait3A_104 = tpu.memref_slice %arg11[%dma_wait3A_93] : memref<5x!tpu.dma_semaphore, #tpu.memory_space<semaphore_mem>> -> memref<1x!tpu.dma_semaphore, #tpu.memory_space<semaphore_mem>>
    %dma_wait3A_105 = tpu.memref_squeeze %dma_wait3A_104 : memref<1x!tpu.dma_semaphore, #tpu.memory_space<semaphore_mem>> -> memref<!tpu.dma_semaphore, #tpu.memory_space<semaphore_mem>>
    tpu.wait_indirect_dma semaphore(%dma_wait3A_105 : memref<!tpu.dma_semaphore, #tpu.memory_space<semaphore_mem>>) src(%dma_wait3A_97 : memref<80x64xf32, #tpu.memory_space<vmem>>) dst(%dma_wait3A_103 : memref<10112x64xf32, #tpu.memory_space<vmem_shared>>)
    %dma_wait3A_106 = arith.constant 1 : i32
    %dma_wait3A_107 = arith.constant 0 : i32
    %dma_wait3A_108 = arith.constant 1 : i32
    %dma_wait3A_109 = arith.constant 0 : i32
    %dma_wait3A_110 = arith.constant 0 : i32
    %dma_wait3A_111 = tpu.memref_slice %arg8[%dma_wait3A_106, %dma_wait3A_109, %dma_wait3A_110] : memref<5x80x64xf32, #tpu.memory_space<vmem>> -> memref<1x80x64xf32, #tpu.memory_space<vmem>>
    %dma_wait3A_112 = tpu.memref_squeeze %dma_wait3A_111 : memref<1x80x64xf32, #tpu.memory_space<vmem>> -> memref<80x64xf32, #tpu.memory_space<vmem>>
    %dma_wait3A_113 = arith.constant 0 : i32
    %dma_wait3A_114 = tpu.memref_slice %arg7[%dma_wait3A_107, %dma_wait3A_113] : memref<250x80xi32, #tpu.memory_space<vmem>> -> memref<1x80xi32, #tpu.memory_space<vmem>>
    %dma_wait3A_115 = tpu.memref_squeeze %dma_wait3A_114 : memref<1x80xi32, #tpu.memory_space<vmem>> -> memref<80xi32, #tpu.memory_space<vmem>>
    %dma_wait3A_116 = arith.constant 0 : i32
    %dma_wait3A_117 = arith.constant 0 : i32
    %dma_wait3A_118 = tpu.memref_slice %arg9[%dma_wait3A_116, %dma_wait3A_117] : memref<10112x64xf32, #tpu.memory_space<vmem_shared>> -> memref<10112x64xf32, #tpu.memory_space<vmem_shared>>
    %dma_wait3A_119 = tpu.memref_slice %arg11[%dma_wait3A_108] : memref<5x!tpu.dma_semaphore, #tpu.memory_space<semaphore_mem>> -> memref<1x!tpu.dma_semaphore, #tpu.memory_space<semaphore_mem>>
    %dma_wait3A_120 = tpu.memref_squeeze %dma_wait3A_119 : memref<1x!tpu.dma_semaphore, #tpu.memory_space<semaphore_mem>> -> memref<!tpu.dma_semaphore, #tpu.memory_space<semaphore_mem>>
    tpu.wait_indirect_dma semaphore(%dma_wait3A_120 : memref<!tpu.dma_semaphore, #tpu.memory_space<semaphore_mem>>) src(%dma_wait3A_112 : memref<80x64xf32, #tpu.memory_space<vmem>>) dst(%dma_wait3A_118 : memref<10112x64xf32, #tpu.memory_space<vmem_shared>>)
    %dma_wait3A_121 = arith.constant 2 : i32
    %dma_wait3A_122 = arith.constant 0 : i32
    %dma_wait3A_123 = arith.constant 2 : i32
    %dma_wait3A_124 = arith.constant 0 : i32
    %dma_wait3A_125 = arith.constant 0 : i32
    %dma_wait3A_126 = tpu.memref_slice %arg8[%dma_wait3A_121, %dma_wait3A_124, %dma_wait3A_125] : memref<5x80x64xf32, #tpu.memory_space<vmem>> -> memref<1x80x64xf32, #tpu.memory_space<vmem>>
    %dma_wait3A_127 = tpu.memref_squeeze %dma_wait3A_126 : memref<1x80x64xf32, #tpu.memory_space<vmem>> -> memref<80x64xf32, #tpu.memory_space<vmem>>
    %dma_wait3A_128 = arith.constant 0 : i32
    %dma_wait3A_129 = tpu.memref_slice %arg7[%dma_wait3A_122, %dma_wait3A_128] : memref<250x80xi32, #tpu.memory_space<vmem>> -> memref<1x80xi32, #tpu.memory_space<vmem>>
    %dma_wait3A_130 = tpu.memref_squeeze %dma_wait3A_129 : memref<1x80xi32, #tpu.memory_space<vmem>> -> memref<80xi32, #tpu.memory_space<vmem>>
    %dma_wait3A_131 = arith.constant 0 : i32
    %dma_wait3A_132 = arith.constant 0 : i32
    %dma_wait3A_133 = tpu.memref_slice %arg9[%dma_wait3A_131, %dma_wait3A_132] : memref<10112x64xf32, #tpu.memory_space<vmem_shared>> -> memref<10112x64xf32, #tpu.memory_space<vmem_shared>>
    %dma_wait3A_134 = tpu.memref_slice %arg11[%dma_wait3A_123] : memref<5x!tpu.dma_semaphore, #tpu.memory_space<semaphore_mem>> -> memref<1x!tpu.dma_semaphore, #tpu.memory_space<semaphore_mem>>
    %dma_wait3A_135 = tpu.memref_squeeze %dma_wait3A_134 : memref<1x!tpu.dma_semaphore, #tpu.memory_space<semaphore_mem>> -> memref<!tpu.dma_semaphore, #tpu.memory_space<semaphore_mem>>
    tpu.wait_indirect_dma semaphore(%dma_wait3A_135 : memref<!tpu.dma_semaphore, #tpu.memory_space<semaphore_mem>>) src(%dma_wait3A_127 : memref<80x64xf32, #tpu.memory_space<vmem>>) dst(%dma_wait3A_133 : memref<10112x64xf32, #tpu.memory_space<vmem_shared>>)
    %dma_wait3A_136 = arith.constant 3 : i32
    %dma_wait3A_137 = arith.constant 0 : i32
    %dma_wait3A_138 = arith.constant 3 : i32
    %dma_wait3A_139 = arith.constant 0 : i32
    %dma_wait3A_140 = arith.constant 0 : i32
    %dma_wait3A_141 = tpu.memref_slice %arg8[%dma_wait3A_136, %dma_wait3A_139, %dma_wait3A_140] : memref<5x80x64xf32, #tpu.memory_space<vmem>> -> memref<1x80x64xf32, #tpu.memory_space<vmem>>
    %dma_wait3A_142 = tpu.memref_squeeze %dma_wait3A_141 : memref<1x80x64xf32, #tpu.memory_space<vmem>> -> memref<80x64xf32, #tpu.memory_space<vmem>>
    %dma_wait3A_143 = arith.constant 0 : i32
    %dma_wait3A_144 = tpu.memref_slice %arg7[%dma_wait3A_137, %dma_wait3A_143] : memref<250x80xi32, #tpu.memory_space<vmem>> -> memref<1x80xi32, #tpu.memory_space<vmem>>
    %dma_wait3A_145 = tpu.memref_squeeze %dma_wait3A_144 : memref<1x80xi32, #tpu.memory_space<vmem>> -> memref<80xi32, #tpu.memory_space<vmem>>
    %dma_wait3A_146 = arith.constant 0 : i32
    %dma_wait3A_147 = arith.constant 0 : i32
    %dma_wait3A_148 = tpu.memref_slice %arg9[%dma_wait3A_146, %dma_wait3A_147] : memref<10112x64xf32, #tpu.memory_space<vmem_shared>> -> memref<10112x64xf32, #tpu.memory_space<vmem_shared>>
    %dma_wait3A_149 = tpu.memref_slice %arg11[%dma_wait3A_138] : memref<5x!tpu.dma_semaphore, #tpu.memory_space<semaphore_mem>> -> memref<1x!tpu.dma_semaphore, #tpu.memory_space<semaphore_mem>>
    %dma_wait3A_150 = tpu.memref_squeeze %dma_wait3A_149 : memref<1x!tpu.dma_semaphore, #tpu.memory_space<semaphore_mem>> -> memref<!tpu.dma_semaphore, #tpu.memory_space<semaphore_mem>>
    tpu.wait_indirect_dma semaphore(%dma_wait3A_150 : memref<!tpu.dma_semaphore, #tpu.memory_space<semaphore_mem>>) src(%dma_wait3A_142 : memref<80x64xf32, #tpu.memory_space<vmem>>) dst(%dma_wait3A_148 : memref<10112x64xf32, #tpu.memory_space<vmem_shared>>)
    %dma_wait3A_151 = arith.constant 4 : i32
    %dma_wait3A_152 = arith.constant 0 : i32
    %dma_wait3A_153 = arith.constant 4 : i32
    %dma_wait3A_154 = arith.constant 0 : i32
    %dma_wait3A_155 = arith.constant 0 : i32
    %dma_wait3A_156 = tpu.memref_slice %arg8[%dma_wait3A_151, %dma_wait3A_154, %dma_wait3A_155] : memref<5x80x64xf32, #tpu.memory_space<vmem>> -> memref<1x80x64xf32, #tpu.memory_space<vmem>>
    %dma_wait3A_157 = tpu.memref_squeeze %dma_wait3A_156 : memref<1x80x64xf32, #tpu.memory_space<vmem>> -> memref<80x64xf32, #tpu.memory_space<vmem>>
    %dma_wait3A_158 = arith.constant 0 : i32
    %dma_wait3A_159 = tpu.memref_slice %arg7[%dma_wait3A_152, %dma_wait3A_158] : memref<250x80xi32, #tpu.memory_space<vmem>> -> memref<1x80xi32, #tpu.memory_space<vmem>>
    %dma_wait3A_160 = tpu.memref_squeeze %dma_wait3A_159 : memref<1x80xi32, #tpu.memory_space<vmem>> -> memref<80xi32, #tpu.memory_space<vmem>>
    %dma_wait3A_161 = arith.constant 0 : i32
    %dma_wait3A_162 = arith.constant 0 : i32
    %dma_wait3A_163 = tpu.memref_slice %arg9[%dma_wait3A_161, %dma_wait3A_162] : memref<10112x64xf32, #tpu.memory_space<vmem_shared>> -> memref<10112x64xf32, #tpu.memory_space<vmem_shared>>
    %dma_wait3A_164 = tpu.memref_slice %arg11[%dma_wait3A_153] : memref<5x!tpu.dma_semaphore, #tpu.memory_space<semaphore_mem>> -> memref<1x!tpu.dma_semaphore, #tpu.memory_space<semaphore_mem>>
    %dma_wait3A_165 = tpu.memref_squeeze %dma_wait3A_164 : memref<1x!tpu.dma_semaphore, #tpu.memory_space<semaphore_mem>> -> memref<!tpu.dma_semaphore, #tpu.memory_space<semaphore_mem>>
    tpu.wait_indirect_dma semaphore(%dma_wait3A_165 : memref<!tpu.dma_semaphore, #tpu.memory_space<semaphore_mem>>) src(%dma_wait3A_157 : memref<80x64xf32, #tpu.memory_space<vmem>>) dst(%dma_wait3A_163 : memref<10112x64xf32, #tpu.memory_space<vmem_shared>>)
    %barrier3A_166 = arith.constant 0 : index
    tpu.barrier barrier_id(%barrier3A_166)
    "tpu.region"() ({
      %run_scoped3A = tpu.sem_alloc : memref<!tpu.dma_semaphore, #tpu.memory_space<semaphore_mem>>
      %dma_start3A = arith.constant 0 : i32
      %dma_start3A_167 = arith.constant 0 : i32
      %dma_start3A_168 = tpu.memref_slice %arg5[%add3A_83, %dma_start3A, %dma_start3A_167] : memref<4x10112x64xf32, #tpu.memory_space<hbm>> -> memref<1x10112x64xf32, #tpu.memory_space<hbm>>
      %dma_start3A_169 = tpu.memref_squeeze %dma_start3A_168 : memref<1x10112x64xf32, #tpu.memory_space<hbm>> -> memref<10112x64xf32, #tpu.memory_space<hbm>>
      %dma_start3A_170 = arith.constant 0 : i32
      %dma_start3A_171 = tpu.memref_slice %dma_start3A_169[%mul3A_0, %dma_start3A_170] : memref<10112x64xf32, #tpu.memory_space<hbm>> -> memref<632x64xf32, #tpu.memory_space<hbm>>
      %dma_start3A_172 = arith.constant 0 : i32
      %dma_start3A_173 = tpu.memref_slice %arg9[%mul3A_0, %dma_start3A_172] : memref<10112x64xf32, #tpu.memory_space<vmem_shared>> -> memref<632x64xf32, #tpu.memory_space<vmem_shared>>
      tpu.enqueue_dma source(%dma_start3A_173 : memref<632x64xf32, #tpu.memory_space<vmem_shared>>) target(%dma_start3A_171 : memref<632x64xf32, #tpu.memory_space<hbm>>) target_semaphore(%run_scoped3A : memref<!tpu.dma_semaphore, #tpu.memory_space<semaphore_mem>>)
      %dma_wait3A_174 = arith.constant 0 : i32
      %dma_wait3A_175 = arith.constant 0 : i32
      %dma_wait3A_176 = tpu.memref_slice %arg5[%add3A_83, %dma_wait3A_174, %dma_wait3A_175] : memref<4x10112x64xf32, #tpu.memory_space<hbm>> -> memref<1x10112x64xf32, #tpu.memory_space<hbm>>
      %dma_wait3A_177 = tpu.memref_squeeze %dma_wait3A_176 : memref<1x10112x64xf32, #tpu.memory_space<hbm>> -> memref<10112x64xf32, #tpu.memory_space<hbm>>
      %dma_wait3A_178 = arith.constant 0 : i32
      %dma_wait3A_179 = tpu.memref_slice %dma_wait3A_177[%mul3A_0, %dma_wait3A_178] : memref<10112x64xf32, #tpu.memory_space<hbm>> -> memref<632x64xf32, #tpu.memory_space<hbm>>
      %dma_wait3A_180 = arith.constant 0 : i32
      %dma_wait3A_181 = tpu.memref_slice %arg9[%mul3A_0, %dma_wait3A_180] : memref<10112x64xf32, #tpu.memory_space<vmem_shared>> -> memref<632x64xf32, #tpu.memory_space<vmem_shared>>
      tpu.wait_dma2 semaphore(%run_scoped3A : memref<!tpu.dma_semaphore, #tpu.memory_space<semaphore_mem>>) src(%dma_wait3A_181 : memref<632x64xf32, #tpu.memory_space<vmem_shared>>) dst(%dma_wait3A_179 : memref<632x64xf32, #tpu.memory_space<hbm>>)
      tpu.yield
    }) : () -> ()
    return
  }
}

#map = affine_map<(d0, d1) -> (0, 0, 0)>
module attributes {stable_mosaic.version = 14 : i64} {
  func.func @_sc_spmv_body(%arg0: i32, %arg1: i32, %arg2: memref<2x10112x64xf32, #tpu.memory_space<hbm>>, %arg3: memref<16x250x80xi32, #tpu.memory_space<hbm>>, %arg4: memref<16x250x80xi32, #tpu.memory_space<hbm>>, %arg5: memref<2x10112x64xf32, #tpu.memory_space<hbm>>, %arg6: memref<250x80xi32, #tpu.memory_space<vmem>>, %arg7: memref<250x80xi32, #tpu.memory_space<vmem>>, %arg8: memref<5x80x64xf32, #tpu.memory_space<vmem>>, %arg9: memref<10112x64xf32, #tpu.memory_space<vmem_shared>>, %arg10: memref<5x!tpu.dma_semaphore, #tpu.memory_space<semaphore_mem>>, %arg11: memref<5x!tpu.dma_semaphore, #tpu.memory_space<semaphore_mem>>) attributes {dimension_semantics = [#tpu.dimension_semantics<core_parallel>, #tpu.dimension_semantics<subcore_parallel>], iteration_bounds = array<i64: 2, 16>, scalar_prefetch = 0 : i64, scratch_operands = 6 : i64, tpu.core_type = #tpu.core_type<sc_vector_subcore>, window_params = [{transform_indices = #map}, {transform_indices = #map}, {transform_indices = #map}, {transform_indices = #map}]} {
    %mul3A = arith.constant 632 : i32
    %mul3A_0 = arith.muli %arg1, %mul3A : i32
    "tpu.region"() ({
      %run_scoped3A = tpu.sem_alloc : memref<!tpu.dma_semaphore, #tpu.memory_space<semaphore_mem>>
      %dma_start3A = arith.constant 0 : i32
      %dma_start3A_81 = arith.constant 0 : i32
      %dma_start3A_82 = tpu.memref_slice %arg3[%arg1, %dma_start3A, %dma_start3A_81] : memref<16x250x80xi32, #tpu.memory_space<hbm>> -> memref<1x250x80xi32, #tpu.memory_space<hbm>>
      %dma_start3A_83 = tpu.memref_squeeze %dma_start3A_82 : memref<1x250x80xi32, #tpu.memory_space<hbm>> -> memref<250x80xi32, #tpu.memory_space<hbm>>
      %dma_start3A_84 = arith.constant 0 : i32
      %dma_start3A_85 = arith.constant 0 : i32
      %dma_start3A_86 = tpu.memref_slice %arg3[%arg1, %dma_start3A_84, %dma_start3A_85] : memref<16x250x80xi32, #tpu.memory_space<hbm>> -> memref<1x250x80xi32, #tpu.memory_space<hbm>>
      %dma_start3A_87 = tpu.memref_squeeze %dma_start3A_86 : memref<1x250x80xi32, #tpu.memory_space<hbm>> -> memref<250x80xi32, #tpu.memory_space<hbm>>
      tpu.enqueue_dma source(%dma_start3A_87 : memref<250x80xi32, #tpu.memory_space<hbm>>) target(%arg6 : memref<250x80xi32, #tpu.memory_space<vmem>>) target_semaphore(%run_scoped3A : memref<!tpu.dma_semaphore, #tpu.memory_space<semaphore_mem>>)
      %dma_wait3A_88 = arith.constant 0 : i32
      %dma_wait3A_89 = arith.constant 0 : i32
      %dma_wait3A_90 = tpu.memref_slice %arg3[%arg1, %dma_wait3A_88, %dma_wait3A_89] : memref<16x250x80xi32, #tpu.memory_space<hbm>> -> memref<1x250x80xi32, #tpu.memory_space<hbm>>
      %dma_wait3A_91 = tpu.memref_squeeze %dma_wait3A_90 : memref<1x250x80xi32, #tpu.memory_space<hbm>> -> memref<250x80xi32, #tpu.memory_space<hbm>>
      %dma_wait3A_92 = arith.constant 0 : i32
      %dma_wait3A_93 = arith.constant 0 : i32
      %dma_wait3A_94 = tpu.memref_slice %arg3[%arg1, %dma_wait3A_92, %dma_wait3A_93] : memref<16x250x80xi32, #tpu.memory_space<hbm>> -> memref<1x250x80xi32, #tpu.memory_space<hbm>>
      %dma_wait3A_95 = tpu.memref_squeeze %dma_wait3A_94 : memref<1x250x80xi32, #tpu.memory_space<hbm>> -> memref<250x80xi32, #tpu.memory_space<hbm>>
      tpu.wait_dma2 semaphore(%run_scoped3A : memref<!tpu.dma_semaphore, #tpu.memory_space<semaphore_mem>>) src(%dma_wait3A_95 : memref<250x80xi32, #tpu.memory_space<hbm>>) dst(%arg6 : memref<250x80xi32, #tpu.memory_space<vmem>>)
      tpu.yield
    }) : () -> ()
    "tpu.region"() ({
      %run_scoped3A = tpu.sem_alloc : memref<!tpu.dma_semaphore, #tpu.memory_space<semaphore_mem>>
      %dma_start3A = arith.constant 0 : i32
      %dma_start3A_81 = arith.constant 0 : i32
      %dma_start3A_82 = tpu.memref_slice %arg4[%arg1, %dma_start3A, %dma_start3A_81] : memref<16x250x80xi32, #tpu.memory_space<hbm>> -> memref<1x250x80xi32, #tpu.memory_space<hbm>>
      %dma_start3A_83 = tpu.memref_squeeze %dma_start3A_82 : memref<1x250x80xi32, #tpu.memory_space<hbm>> -> memref<250x80xi32, #tpu.memory_space<hbm>>
      %dma_start3A_84 = arith.constant 0 : i32
      %dma_start3A_85 = arith.constant 0 : i32
      %dma_start3A_86 = tpu.memref_slice %arg4[%arg1, %dma_start3A_84, %dma_start3A_85] : memref<16x250x80xi32, #tpu.memory_space<hbm>> -> memref<1x250x80xi32, #tpu.memory_space<hbm>>
      %dma_start3A_87 = tpu.memref_squeeze %dma_start3A_86 : memref<1x250x80xi32, #tpu.memory_space<hbm>> -> memref<250x80xi32, #tpu.memory_space<hbm>>
      tpu.enqueue_dma source(%dma_start3A_87 : memref<250x80xi32, #tpu.memory_space<hbm>>) target(%arg7 : memref<250x80xi32, #tpu.memory_space<vmem>>) target_semaphore(%run_scoped3A : memref<!tpu.dma_semaphore, #tpu.memory_space<semaphore_mem>>)
      %dma_wait3A_88 = arith.constant 0 : i32
      %dma_wait3A_89 = arith.constant 0 : i32
      %dma_wait3A_90 = tpu.memref_slice %arg4[%arg1, %dma_wait3A_88, %dma_wait3A_89] : memref<16x250x80xi32, #tpu.memory_space<hbm>> -> memref<1x250x80xi32, #tpu.memory_space<hbm>>
      %dma_wait3A_91 = tpu.memref_squeeze %dma_wait3A_90 : memref<1x250x80xi32, #tpu.memory_space<hbm>> -> memref<250x80xi32, #tpu.memory_space<hbm>>
      %dma_wait3A_92 = arith.constant 0 : i32
      %dma_wait3A_93 = arith.constant 0 : i32
      %dma_wait3A_94 = tpu.memref_slice %arg4[%arg1, %dma_wait3A_92, %dma_wait3A_93] : memref<16x250x80xi32, #tpu.memory_space<hbm>> -> memref<1x250x80xi32, #tpu.memory_space<hbm>>
      %dma_wait3A_95 = tpu.memref_squeeze %dma_wait3A_94 : memref<1x250x80xi32, #tpu.memory_space<hbm>> -> memref<250x80xi32, #tpu.memory_space<hbm>>
      tpu.wait_dma2 semaphore(%run_scoped3A : memref<!tpu.dma_semaphore, #tpu.memory_space<semaphore_mem>>) src(%dma_wait3A_95 : memref<250x80xi32, #tpu.memory_space<hbm>>) dst(%arg7 : memref<250x80xi32, #tpu.memory_space<vmem>>)
      tpu.yield
    }) : () -> ()
    "tpu.region"() ({
      %run_scoped3A = tpu.sem_alloc : memref<!tpu.dma_semaphore, #tpu.memory_space<semaphore_mem>>
      %dma_start3A = arith.constant 0 : i32
      %dma_start3A_81 = tpu.memref_slice %arg9[%mul3A_0, %dma_start3A] : memref<10112x64xf32, #tpu.memory_space<vmem_shared>> -> memref<632x64xf32, #tpu.memory_space<vmem_shared>>
      %dma_start3A_82 = arith.constant 0 : i32
      %dma_start3A_83 = arith.constant 0 : i32
      %dma_start3A_84 = tpu.memref_slice %arg2[%arg0, %dma_start3A_82, %dma_start3A_83] : memref<2x10112x64xf32, #tpu.memory_space<hbm>> -> memref<1x10112x64xf32, #tpu.memory_space<hbm>>
      %dma_start3A_85 = tpu.memref_squeeze %dma_start3A_84 : memref<1x10112x64xf32, #tpu.memory_space<hbm>> -> memref<10112x64xf32, #tpu.memory_space<hbm>>
      %dma_start3A_86 = arith.constant 0 : i32
      %dma_start3A_87 = tpu.memref_slice %dma_start3A_85[%mul3A_0, %dma_start3A_86] : memref<10112x64xf32, #tpu.memory_space<hbm>> -> memref<632x64xf32, #tpu.memory_space<hbm>>
      tpu.enqueue_dma source(%dma_start3A_87 : memref<632x64xf32, #tpu.memory_space<hbm>>) target(%dma_start3A_81 : memref<632x64xf32, #tpu.memory_space<vmem_shared>>) target_semaphore(%run_scoped3A : memref<!tpu.dma_semaphore, #tpu.memory_space<semaphore_mem>>)
      %dma_wait3A_88 = arith.constant 0 : i32
      %dma_wait3A_89 = tpu.memref_slice %arg9[%mul3A_0, %dma_wait3A_88] : memref<10112x64xf32, #tpu.memory_space<vmem_shared>> -> memref<632x64xf32, #tpu.memory_space<vmem_shared>>
      %dma_wait3A_90 = arith.constant 0 : i32
      %dma_wait3A_91 = arith.constant 0 : i32
      %dma_wait3A_92 = tpu.memref_slice %arg2[%arg0, %dma_wait3A_90, %dma_wait3A_91] : memref<2x10112x64xf32, #tpu.memory_space<hbm>> -> memref<1x10112x64xf32, #tpu.memory_space<hbm>>
      %dma_wait3A_93 = tpu.memref_squeeze %dma_wait3A_92 : memref<1x10112x64xf32, #tpu.memory_space<hbm>> -> memref<10112x64xf32, #tpu.memory_space<hbm>>
      %dma_wait3A_94 = arith.constant 0 : i32
      %dma_wait3A_95 = tpu.memref_slice %dma_wait3A_93[%mul3A_0, %dma_wait3A_94] : memref<10112x64xf32, #tpu.memory_space<hbm>> -> memref<632x64xf32, #tpu.memory_space<hbm>>
      tpu.wait_dma2 semaphore(%run_scoped3A : memref<!tpu.dma_semaphore, #tpu.memory_space<semaphore_mem>>) src(%dma_wait3A_95 : memref<632x64xf32, #tpu.memory_space<hbm>>) dst(%dma_wait3A_89 : memref<632x64xf32, #tpu.memory_space<vmem_shared>>)
      tpu.yield
    }) : () -> ()
    %barrier3A = arith.constant 0 : index
    tpu.barrier barrier_id(%barrier3A)
    %scan3A = arith.constant 0 : i32
    %scan3A_1 = arith.constant 0 : i32
    %scan3A_2 = arith.constant 50 : i32
    %scan3A_3 = arith.addi %scan3A_1, %scan3A_2 : i32
    %scan3A_4 = arith.constant 1 : i32
    scf.for %scan3A_81 = %scan3A_1 to %scan3A_3 step %scan3A_4  : i32 {
      %mul3A_82 = arith.constant 5 : i32
      %mul3A_83 = arith.muli %mul3A_82, %scan3A_81 : i32
      %gt3A = arith.constant 0 : i32
      %gt3A_84 = arith.cmpi sgt, %scan3A_81, %gt3A : i32
      %convert_element_type3A = arith.extui %gt3A_84 : i1 to i32
      %cond3A = arith.constant 0 : i32
      %cond3A_85 = arith.cmpi ne, %convert_element_type3A, %cond3A : i32
      scf.if %cond3A_85 {
        %add3A_384 = arith.constant 0 : i32
        %add3A_385 = arith.addi %mul3A_83, %add3A_384 : i32
        %dma_wait3A_386 = arith.constant 0 : i32
        %dma_wait3A_387 = arith.constant 0 : i32
        %dma_wait3A_388 = arith.constant 0 : i32
        %dma_wait3A_389 = arith.constant 0 : i32
        %dma_wait3A_390 = tpu.memref_slice %arg8[%dma_wait3A_386, %dma_wait3A_388, %dma_wait3A_389] : memref<5x80x64xf32, #tpu.memory_space<vmem>> -> memref<1x80x64xf32, #tpu.memory_space<vmem>>
        %dma_wait3A_391 = tpu.memref_squeeze %dma_wait3A_390 : memref<1x80x64xf32, #tpu.memory_space<vmem>> -> memref<80x64xf32, #tpu.memory_space<vmem>>
        %dma_wait3A_392 = arith.constant 0 : i32
        %dma_wait3A_393 = tpu.memref_slice %arg7[%add3A_385, %dma_wait3A_392] : memref<250x80xi32, #tpu.memory_space<vmem>> -> memref<1x80xi32, #tpu.memory_space<vmem>>
        %dma_wait3A_394 = tpu.memref_squeeze %dma_wait3A_393 : memref<1x80xi32, #tpu.memory_space<vmem>> -> memref<80xi32, #tpu.memory_space<vmem>>
        %dma_wait3A_395 = arith.constant 0 : i32
        %dma_wait3A_396 = arith.constant 0 : i32
        %dma_wait3A_397 = tpu.memref_slice %arg9[%dma_wait3A_395, %dma_wait3A_396] : memref<10112x64xf32, #tpu.memory_space<vmem_shared>> -> memref<10112x64xf32, #tpu.memory_space<vmem_shared>>
        %dma_wait3A_398 = tpu.memref_slice %arg11[%dma_wait3A_387] : memref<5x!tpu.dma_semaphore, #tpu.memory_space<semaphore_mem>> -> memref<1x!tpu.dma_semaphore, #tpu.memory_space<semaphore_mem>>
        %dma_wait3A_399 = tpu.memref_squeeze %dma_wait3A_398 : memref<1x!tpu.dma_semaphore, #tpu.memory_space<semaphore_mem>> -> memref<!tpu.dma_semaphore, #tpu.memory_space<semaphore_mem>>
        tpu.wait_indirect_dma semaphore(%dma_wait3A_399 : memref<!tpu.dma_semaphore, #tpu.memory_space<semaphore_mem>>) src(%dma_wait3A_391 : memref<80x64xf32, #tpu.memory_space<vmem>>) dst(%dma_wait3A_397 : memref<10112x64xf32, #tpu.memory_space<vmem_shared>>)
      } else {
      }
      %add3A = arith.constant 0 : i32
      %add3A_86 = arith.addi %mul3A_83, %add3A : i32
      %dma_start3A = arith.constant 0 : i32
      %dma_start3A_87 = arith.constant 0 : i32
      %dma_start3A_88 = arith.constant 0 : i32
      %dma_start3A_89 = arith.constant 0 : i32
      %dma_start3A_90 = tpu.memref_slice %arg8[%dma_start3A, %dma_start3A_88, %dma_start3A_89] : memref<5x80x64xf32, #tpu.memory_space<vmem>> -> memref<1x80x64xf32, #tpu.memory_space<vmem>>
      %dma_start3A_91 = tpu.memref_squeeze %dma_start3A_90 : memref<1x80x64xf32, #tpu.memory_space<vmem>> -> memref<80x64xf32, #tpu.memory_space<vmem>>
      %dma_start3A_92 = arith.constant 0 : i32
      %dma_start3A_93 = tpu.memref_slice %arg6[%add3A_86, %dma_start3A_92] : memref<250x80xi32, #tpu.memory_space<vmem>> -> memref<1x80xi32, #tpu.memory_space<vmem>>
      %dma_start3A_94 = tpu.memref_squeeze %dma_start3A_93 : memref<1x80xi32, #tpu.memory_space<vmem>> -> memref<80xi32, #tpu.memory_space<vmem>>
      %dma_start3A_95 = arith.constant 0 : i32
      %dma_start3A_96 = arith.constant 0 : i32
      %dma_start3A_97 = tpu.memref_slice %arg2[%arg0, %dma_start3A_95, %dma_start3A_96] : memref<2x10112x64xf32, #tpu.memory_space<hbm>> -> memref<1x10112x64xf32, #tpu.memory_space<hbm>>
      %dma_start3A_98 = tpu.memref_squeeze %dma_start3A_97 : memref<1x10112x64xf32, #tpu.memory_space<hbm>> -> memref<10112x64xf32, #tpu.memory_space<hbm>>
      %dma_start3A_99 = arith.constant 0 : i32
      %dma_start3A_100 = arith.constant 0 : i32
      %dma_start3A_101 = tpu.memref_slice %dma_start3A_98[%dma_start3A_99, %dma_start3A_100] : memref<10112x64xf32, #tpu.memory_space<hbm>> -> memref<10112x64xf32, #tpu.memory_space<hbm>>
      %dma_start3A_102 = tpu.memref_slice %arg10[%dma_start3A_87] : memref<5x!tpu.dma_semaphore, #tpu.memory_space<semaphore_mem>> -> memref<1x!tpu.dma_semaphore, #tpu.memory_space<semaphore_mem>>
      %dma_start3A_103 = tpu.memref_squeeze %dma_start3A_102 : memref<1x!tpu.dma_semaphore, #tpu.memory_space<semaphore_mem>> -> memref<!tpu.dma_semaphore, #tpu.memory_space<semaphore_mem>>
      tpu.enqueue_indirect_dma source(%dma_start3A_101 : memref<10112x64xf32, #tpu.memory_space<hbm>>) target(%dma_start3A_91 : memref<80x64xf32, #tpu.memory_space<vmem>>) offsets(%dma_start3A_94 : memref<80xi32, #tpu.memory_space<vmem>>) semaphore(%dma_start3A_103 : memref<!tpu.dma_semaphore, #tpu.memory_space<semaphore_mem>>)
      %gt3A_104 = arith.constant 0 : i32
      %gt3A_105 = arith.cmpi sgt, %scan3A_81, %gt3A_104 : i32
      %convert_element_type3A_106 = arith.extui %gt3A_105 : i1 to i32
      %cond3A_107 = arith.constant 0 : i32
      %cond3A_108 = arith.cmpi ne, %convert_element_type3A_106, %cond3A_107 : i32
      scf.if %cond3A_108 {
        %add3A_384 = arith.constant 1 : i32
        %add3A_385 = arith.addi %mul3A_83, %add3A_384 : i32
        %dma_wait3A_386 = arith.constant 1 : i32
        %dma_wait3A_387 = arith.constant 1 : i32
        %dma_wait3A_388 = arith.constant 0 : i32
        %dma_wait3A_389 = arith.constant 0 : i32
        %dma_wait3A_390 = tpu.memref_slice %arg8[%dma_wait3A_386, %dma_wait3A_388, %dma_wait3A_389] : memref<5x80x64xf32, #tpu.memory_space<vmem>> -> memref<1x80x64xf32, #tpu.memory_space<vmem>>
        %dma_wait3A_391 = tpu.memref_squeeze %dma_wait3A_390 : memref<1x80x64xf32, #tpu.memory_space<vmem>> -> memref<80x64xf32, #tpu.memory_space<vmem>>
        %dma_wait3A_392 = arith.constant 0 : i32
        %dma_wait3A_393 = tpu.memref_slice %arg7[%add3A_385, %dma_wait3A_392] : memref<250x80xi32, #tpu.memory_space<vmem>> -> memref<1x80xi32, #tpu.memory_space<vmem>>
        %dma_wait3A_394 = tpu.memref_squeeze %dma_wait3A_393 : memref<1x80xi32, #tpu.memory_space<vmem>> -> memref<80xi32, #tpu.memory_space<vmem>>
        %dma_wait3A_395 = arith.constant 0 : i32
        %dma_wait3A_396 = arith.constant 0 : i32
        %dma_wait3A_397 = tpu.memref_slice %arg9[%dma_wait3A_395, %dma_wait3A_396] : memref<10112x64xf32, #tpu.memory_space<vmem_shared>> -> memref<10112x64xf32, #tpu.memory_space<vmem_shared>>
        %dma_wait3A_398 = tpu.memref_slice %arg11[%dma_wait3A_387] : memref<5x!tpu.dma_semaphore, #tpu.memory_space<semaphore_mem>> -> memref<1x!tpu.dma_semaphore, #tpu.memory_space<semaphore_mem>>
        %dma_wait3A_399 = tpu.memref_squeeze %dma_wait3A_398 : memref<1x!tpu.dma_semaphore, #tpu.memory_space<semaphore_mem>> -> memref<!tpu.dma_semaphore, #tpu.memory_space<semaphore_mem>>
        tpu.wait_indirect_dma semaphore(%dma_wait3A_399 : memref<!tpu.dma_semaphore, #tpu.memory_space<semaphore_mem>>) src(%dma_wait3A_391 : memref<80x64xf32, #tpu.memory_space<vmem>>) dst(%dma_wait3A_397 : memref<10112x64xf32, #tpu.memory_space<vmem_shared>>)
      } else {
      }
      %add3A_109 = arith.constant 1 : i32
      %add3A_110 = arith.addi %mul3A_83, %add3A_109 : i32
      %dma_start3A_111 = arith.constant 1 : i32
      %dma_start3A_112 = arith.constant 1 : i32
      %dma_start3A_113 = arith.constant 0 : i32
      %dma_start3A_114 = arith.constant 0 : i32
      %dma_start3A_115 = tpu.memref_slice %arg8[%dma_start3A_111, %dma_start3A_113, %dma_start3A_114] : memref<5x80x64xf32, #tpu.memory_space<vmem>> -> memref<1x80x64xf32, #tpu.memory_space<vmem>>
      %dma_start3A_116 = tpu.memref_squeeze %dma_start3A_115 : memref<1x80x64xf32, #tpu.memory_space<vmem>> -> memref<80x64xf32, #tpu.memory_space<vmem>>
      %dma_start3A_117 = arith.constant 0 : i32
      %dma_start3A_118 = tpu.memref_slice %arg6[%add3A_110, %dma_start3A_117] : memref<250x80xi32, #tpu.memory_space<vmem>> -> memref<1x80xi32, #tpu.memory_space<vmem>>
      %dma_start3A_119 = tpu.memref_squeeze %dma_start3A_118 : memref<1x80xi32, #tpu.memory_space<vmem>> -> memref<80xi32, #tpu.memory_space<vmem>>
      %dma_start3A_120 = arith.constant 0 : i32
      %dma_start3A_121 = arith.constant 0 : i32
      %dma_start3A_122 = tpu.memref_slice %arg2[%arg0, %dma_start3A_120, %dma_start3A_121] : memref<2x10112x64xf32, #tpu.memory_space<hbm>> -> memref<1x10112x64xf32, #tpu.memory_space<hbm>>
      %dma_start3A_123 = tpu.memref_squeeze %dma_start3A_122 : memref<1x10112x64xf32, #tpu.memory_space<hbm>> -> memref<10112x64xf32, #tpu.memory_space<hbm>>
      %dma_start3A_124 = arith.constant 0 : i32
      %dma_start3A_125 = arith.constant 0 : i32
      %dma_start3A_126 = tpu.memref_slice %dma_start3A_123[%dma_start3A_124, %dma_start3A_125] : memref<10112x64xf32, #tpu.memory_space<hbm>> -> memref<10112x64xf32, #tpu.memory_space<hbm>>
      %dma_start3A_127 = tpu.memref_slice %arg10[%dma_start3A_112] : memref<5x!tpu.dma_semaphore, #tpu.memory_space<semaphore_mem>> -> memref<1x!tpu.dma_semaphore, #tpu.memory_space<semaphore_mem>>
      %dma_start3A_128 = tpu.memref_squeeze %dma_start3A_127 : memref<1x!tpu.dma_semaphore, #tpu.memory_space<semaphore_mem>> -> memref<!tpu.dma_semaphore, #tpu.memory_space<semaphore_mem>>
      tpu.enqueue_indirect_dma source(%dma_start3A_126 : memref<10112x64xf32, #tpu.memory_space<hbm>>) target(%dma_start3A_116 : memref<80x64xf32, #tpu.memory_space<vmem>>) offsets(%dma_start3A_119 : memref<80xi32, #tpu.memory_space<vmem>>) semaphore(%dma_start3A_128 : memref<!tpu.dma_semaphore, #tpu.memory_space<semaphore_mem>>)
      %gt3A_129 = arith.constant 0 : i32
      %gt3A_130 = arith.cmpi sgt, %scan3A_81, %gt3A_129 : i32
      %convert_element_type3A_131 = arith.extui %gt3A_130 : i1 to i32
      %cond3A_132 = arith.constant 0 : i32
      %cond3A_133 = arith.cmpi ne, %convert_element_type3A_131, %cond3A_132 : i32
      scf.if %cond3A_133 {
        %add3A_384 = arith.constant 2 : i32
        %add3A_385 = arith.addi %mul3A_83, %add3A_384 : i32
        %dma_wait3A_386 = arith.constant 2 : i32
        %dma_wait3A_387 = arith.constant 2 : i32
        %dma_wait3A_388 = arith.constant 0 : i32
        %dma_wait3A_389 = arith.constant 0 : i32
        %dma_wait3A_390 = tpu.memref_slice %arg8[%dma_wait3A_386, %dma_wait3A_388, %dma_wait3A_389] : memref<5x80x64xf32, #tpu.memory_space<vmem>> -> memref<1x80x64xf32, #tpu.memory_space<vmem>>
        %dma_wait3A_391 = tpu.memref_squeeze %dma_wait3A_390 : memref<1x80x64xf32, #tpu.memory_space<vmem>> -> memref<80x64xf32, #tpu.memory_space<vmem>>
        %dma_wait3A_392 = arith.constant 0 : i32
        %dma_wait3A_393 = tpu.memref_slice %arg7[%add3A_385, %dma_wait3A_392] : memref<250x80xi32, #tpu.memory_space<vmem>> -> memref<1x80xi32, #tpu.memory_space<vmem>>
        %dma_wait3A_394 = tpu.memref_squeeze %dma_wait3A_393 : memref<1x80xi32, #tpu.memory_space<vmem>> -> memref<80xi32, #tpu.memory_space<vmem>>
        %dma_wait3A_395 = arith.constant 0 : i32
        %dma_wait3A_396 = arith.constant 0 : i32
        %dma_wait3A_397 = tpu.memref_slice %arg9[%dma_wait3A_395, %dma_wait3A_396] : memref<10112x64xf32, #tpu.memory_space<vmem_shared>> -> memref<10112x64xf32, #tpu.memory_space<vmem_shared>>
        %dma_wait3A_398 = tpu.memref_slice %arg11[%dma_wait3A_387] : memref<5x!tpu.dma_semaphore, #tpu.memory_space<semaphore_mem>> -> memref<1x!tpu.dma_semaphore, #tpu.memory_space<semaphore_mem>>
        %dma_wait3A_399 = tpu.memref_squeeze %dma_wait3A_398 : memref<1x!tpu.dma_semaphore, #tpu.memory_space<semaphore_mem>> -> memref<!tpu.dma_semaphore, #tpu.memory_space<semaphore_mem>>
        tpu.wait_indirect_dma semaphore(%dma_wait3A_399 : memref<!tpu.dma_semaphore, #tpu.memory_space<semaphore_mem>>) src(%dma_wait3A_391 : memref<80x64xf32, #tpu.memory_space<vmem>>) dst(%dma_wait3A_397 : memref<10112x64xf32, #tpu.memory_space<vmem_shared>>)
      } else {
      }
      %add3A_134 = arith.constant 2 : i32
      %add3A_135 = arith.addi %mul3A_83, %add3A_134 : i32
      %dma_start3A_136 = arith.constant 2 : i32
      %dma_start3A_137 = arith.constant 2 : i32
      %dma_start3A_138 = arith.constant 0 : i32
      %dma_start3A_139 = arith.constant 0 : i32
      %dma_start3A_140 = tpu.memref_slice %arg8[%dma_start3A_136, %dma_start3A_138, %dma_start3A_139] : memref<5x80x64xf32, #tpu.memory_space<vmem>> -> memref<1x80x64xf32, #tpu.memory_space<vmem>>
      %dma_start3A_141 = tpu.memref_squeeze %dma_start3A_140 : memref<1x80x64xf32, #tpu.memory_space<vmem>> -> memref<80x64xf32, #tpu.memory_space<vmem>>
      %dma_start3A_142 = arith.constant 0 : i32
      %dma_start3A_143 = tpu.memref_slice %arg6[%add3A_135, %dma_start3A_142] : memref<250x80xi32, #tpu.memory_space<vmem>> -> memref<1x80xi32, #tpu.memory_space<vmem>>
      %dma_start3A_144 = tpu.memref_squeeze %dma_start3A_143 : memref<1x80xi32, #tpu.memory_space<vmem>> -> memref<80xi32, #tpu.memory_space<vmem>>
      %dma_start3A_145 = arith.constant 0 : i32
      %dma_start3A_146 = arith.constant 0 : i32
      %dma_start3A_147 = tpu.memref_slice %arg2[%arg0, %dma_start3A_145, %dma_start3A_146] : memref<2x10112x64xf32, #tpu.memory_space<hbm>> -> memref<1x10112x64xf32, #tpu.memory_space<hbm>>
      %dma_start3A_148 = tpu.memref_squeeze %dma_start3A_147 : memref<1x10112x64xf32, #tpu.memory_space<hbm>> -> memref<10112x64xf32, #tpu.memory_space<hbm>>
      %dma_start3A_149 = arith.constant 0 : i32
      %dma_start3A_150 = arith.constant 0 : i32
      %dma_start3A_151 = tpu.memref_slice %dma_start3A_148[%dma_start3A_149, %dma_start3A_150] : memref<10112x64xf32, #tpu.memory_space<hbm>> -> memref<10112x64xf32, #tpu.memory_space<hbm>>
      %dma_start3A_152 = tpu.memref_slice %arg10[%dma_start3A_137] : memref<5x!tpu.dma_semaphore, #tpu.memory_space<semaphore_mem>> -> memref<1x!tpu.dma_semaphore, #tpu.memory_space<semaphore_mem>>
      %dma_start3A_153 = tpu.memref_squeeze %dma_start3A_152 : memref<1x!tpu.dma_semaphore, #tpu.memory_space<semaphore_mem>> -> memref<!tpu.dma_semaphore, #tpu.memory_space<semaphore_mem>>
      tpu.enqueue_indirect_dma source(%dma_start3A_151 : memref<10112x64xf32, #tpu.memory_space<hbm>>) target(%dma_start3A_141 : memref<80x64xf32, #tpu.memory_space<vmem>>) offsets(%dma_start3A_144 : memref<80xi32, #tpu.memory_space<vmem>>) semaphore(%dma_start3A_153 : memref<!tpu.dma_semaphore, #tpu.memory_space<semaphore_mem>>)
      %gt3A_154 = arith.constant 0 : i32
      %gt3A_155 = arith.cmpi sgt, %scan3A_81, %gt3A_154 : i32
      %convert_element_type3A_156 = arith.extui %gt3A_155 : i1 to i32
      %cond3A_157 = arith.constant 0 : i32
      %cond3A_158 = arith.cmpi ne, %convert_element_type3A_156, %cond3A_157 : i32
      scf.if %cond3A_158 {
        %add3A_384 = arith.constant 3 : i32
        %add3A_385 = arith.addi %mul3A_83, %add3A_384 : i32
        %dma_wait3A_386 = arith.constant 3 : i32
        %dma_wait3A_387 = arith.constant 3 : i32
        %dma_wait3A_388 = arith.constant 0 : i32
        %dma_wait3A_389 = arith.constant 0 : i32
        %dma_wait3A_390 = tpu.memref_slice %arg8[%dma_wait3A_386, %dma_wait3A_388, %dma_wait3A_389] : memref<5x80x64xf32, #tpu.memory_space<vmem>> -> memref<1x80x64xf32, #tpu.memory_space<vmem>>
        %dma_wait3A_391 = tpu.memref_squeeze %dma_wait3A_390 : memref<1x80x64xf32, #tpu.memory_space<vmem>> -> memref<80x64xf32, #tpu.memory_space<vmem>>
        %dma_wait3A_392 = arith.constant 0 : i32
        %dma_wait3A_393 = tpu.memref_slice %arg7[%add3A_385, %dma_wait3A_392] : memref<250x80xi32, #tpu.memory_space<vmem>> -> memref<1x80xi32, #tpu.memory_space<vmem>>
        %dma_wait3A_394 = tpu.memref_squeeze %dma_wait3A_393 : memref<1x80xi32, #tpu.memory_space<vmem>> -> memref<80xi32, #tpu.memory_space<vmem>>
        %dma_wait3A_395 = arith.constant 0 : i32
        %dma_wait3A_396 = arith.constant 0 : i32
        %dma_wait3A_397 = tpu.memref_slice %arg9[%dma_wait3A_395, %dma_wait3A_396] : memref<10112x64xf32, #tpu.memory_space<vmem_shared>> -> memref<10112x64xf32, #tpu.memory_space<vmem_shared>>
        %dma_wait3A_398 = tpu.memref_slice %arg11[%dma_wait3A_387] : memref<5x!tpu.dma_semaphore, #tpu.memory_space<semaphore_mem>> -> memref<1x!tpu.dma_semaphore, #tpu.memory_space<semaphore_mem>>
        %dma_wait3A_399 = tpu.memref_squeeze %dma_wait3A_398 : memref<1x!tpu.dma_semaphore, #tpu.memory_space<semaphore_mem>> -> memref<!tpu.dma_semaphore, #tpu.memory_space<semaphore_mem>>
        tpu.wait_indirect_dma semaphore(%dma_wait3A_399 : memref<!tpu.dma_semaphore, #tpu.memory_space<semaphore_mem>>) src(%dma_wait3A_391 : memref<80x64xf32, #tpu.memory_space<vmem>>) dst(%dma_wait3A_397 : memref<10112x64xf32, #tpu.memory_space<vmem_shared>>)
      } else {
      }
      %add3A_159 = arith.constant 3 : i32
      %add3A_160 = arith.addi %mul3A_83, %add3A_159 : i32
      %dma_start3A_161 = arith.constant 3 : i32
      %dma_start3A_162 = arith.constant 3 : i32
      %dma_start3A_163 = arith.constant 0 : i32
      %dma_start3A_164 = arith.constant 0 : i32
      %dma_start3A_165 = tpu.memref_slice %arg8[%dma_start3A_161, %dma_start3A_163, %dma_start3A_164] : memref<5x80x64xf32, #tpu.memory_space<vmem>> -> memref<1x80x64xf32, #tpu.memory_space<vmem>>
      %dma_start3A_166 = tpu.memref_squeeze %dma_start3A_165 : memref<1x80x64xf32, #tpu.memory_space<vmem>> -> memref<80x64xf32, #tpu.memory_space<vmem>>
      %dma_start3A_167 = arith.constant 0 : i32
      %dma_start3A_168 = tpu.memref_slice %arg6[%add3A_160, %dma_start3A_167] : memref<250x80xi32, #tpu.memory_space<vmem>> -> memref<1x80xi32, #tpu.memory_space<vmem>>
      %dma_start3A_169 = tpu.memref_squeeze %dma_start3A_168 : memref<1x80xi32, #tpu.memory_space<vmem>> -> memref<80xi32, #tpu.memory_space<vmem>>
      %dma_start3A_170 = arith.constant 0 : i32
      %dma_start3A_171 = arith.constant 0 : i32
      %dma_start3A_172 = tpu.memref_slice %arg2[%arg0, %dma_start3A_170, %dma_start3A_171] : memref<2x10112x64xf32, #tpu.memory_space<hbm>> -> memref<1x10112x64xf32, #tpu.memory_space<hbm>>
      %dma_start3A_173 = tpu.memref_squeeze %dma_start3A_172 : memref<1x10112x64xf32, #tpu.memory_space<hbm>> -> memref<10112x64xf32, #tpu.memory_space<hbm>>
      %dma_start3A_174 = arith.constant 0 : i32
      %dma_start3A_175 = arith.constant 0 : i32
      %dma_start3A_176 = tpu.memref_slice %dma_start3A_173[%dma_start3A_174, %dma_start3A_175] : memref<10112x64xf32, #tpu.memory_space<hbm>> -> memref<10112x64xf32, #tpu.memory_space<hbm>>
      %dma_start3A_177 = tpu.memref_slice %arg10[%dma_start3A_162] : memref<5x!tpu.dma_semaphore, #tpu.memory_space<semaphore_mem>> -> memref<1x!tpu.dma_semaphore, #tpu.memory_space<semaphore_mem>>
      %dma_start3A_178 = tpu.memref_squeeze %dma_start3A_177 : memref<1x!tpu.dma_semaphore, #tpu.memory_space<semaphore_mem>> -> memref<!tpu.dma_semaphore, #tpu.memory_space<semaphore_mem>>
      tpu.enqueue_indirect_dma source(%dma_start3A_176 : memref<10112x64xf32, #tpu.memory_space<hbm>>) target(%dma_start3A_166 : memref<80x64xf32, #tpu.memory_space<vmem>>) offsets(%dma_start3A_169 : memref<80xi32, #tpu.memory_space<vmem>>) semaphore(%dma_start3A_178 : memref<!tpu.dma_semaphore, #tpu.memory_space<semaphore_mem>>)
      %gt3A_179 = arith.constant 0 : i32
      %gt3A_180 = arith.cmpi sgt, %scan3A_81, %gt3A_179 : i32
      %convert_element_type3A_181 = arith.extui %gt3A_180 : i1 to i32
      %cond3A_182 = arith.constant 0 : i32
      %cond3A_183 = arith.cmpi ne, %convert_element_type3A_181, %cond3A_182 : i32
      scf.if %cond3A_183 {
        %add3A_384 = arith.constant 4 : i32
        %add3A_385 = arith.addi %mul3A_83, %add3A_384 : i32
        %dma_wait3A_386 = arith.constant 4 : i32
        %dma_wait3A_387 = arith.constant 4 : i32
        %dma_wait3A_388 = arith.constant 0 : i32
        %dma_wait3A_389 = arith.constant 0 : i32
        %dma_wait3A_390 = tpu.memref_slice %arg8[%dma_wait3A_386, %dma_wait3A_388, %dma_wait3A_389] : memref<5x80x64xf32, #tpu.memory_space<vmem>> -> memref<1x80x64xf32, #tpu.memory_space<vmem>>
        %dma_wait3A_391 = tpu.memref_squeeze %dma_wait3A_390 : memref<1x80x64xf32, #tpu.memory_space<vmem>> -> memref<80x64xf32, #tpu.memory_space<vmem>>
        %dma_wait3A_392 = arith.constant 0 : i32
        %dma_wait3A_393 = tpu.memref_slice %arg7[%add3A_385, %dma_wait3A_392] : memref<250x80xi32, #tpu.memory_space<vmem>> -> memref<1x80xi32, #tpu.memory_space<vmem>>
        %dma_wait3A_394 = tpu.memref_squeeze %dma_wait3A_393 : memref<1x80xi32, #tpu.memory_space<vmem>> -> memref<80xi32, #tpu.memory_space<vmem>>
        %dma_wait3A_395 = arith.constant 0 : i32
        %dma_wait3A_396 = arith.constant 0 : i32
        %dma_wait3A_397 = tpu.memref_slice %arg9[%dma_wait3A_395, %dma_wait3A_396] : memref<10112x64xf32, #tpu.memory_space<vmem_shared>> -> memref<10112x64xf32, #tpu.memory_space<vmem_shared>>
        %dma_wait3A_398 = tpu.memref_slice %arg11[%dma_wait3A_387] : memref<5x!tpu.dma_semaphore, #tpu.memory_space<semaphore_mem>> -> memref<1x!tpu.dma_semaphore, #tpu.memory_space<semaphore_mem>>
        %dma_wait3A_399 = tpu.memref_squeeze %dma_wait3A_398 : memref<1x!tpu.dma_semaphore, #tpu.memory_space<semaphore_mem>> -> memref<!tpu.dma_semaphore, #tpu.memory_space<semaphore_mem>>
        tpu.wait_indirect_dma semaphore(%dma_wait3A_399 : memref<!tpu.dma_semaphore, #tpu.memory_space<semaphore_mem>>) src(%dma_wait3A_391 : memref<80x64xf32, #tpu.memory_space<vmem>>) dst(%dma_wait3A_397 : memref<10112x64xf32, #tpu.memory_space<vmem_shared>>)
      } else {
      }
      %add3A_184 = arith.constant 4 : i32
      %add3A_185 = arith.addi %mul3A_83, %add3A_184 : i32
      %dma_start3A_186 = arith.constant 4 : i32
      %dma_start3A_187 = arith.constant 4 : i32
      %dma_start3A_188 = arith.constant 0 : i32
      %dma_start3A_189 = arith.constant 0 : i32
      %dma_start3A_190 = tpu.memref_slice %arg8[%dma_start3A_186, %dma_start3A_188, %dma_start3A_189] : memref<5x80x64xf32, #tpu.memory_space<vmem>> -> memref<1x80x64xf32, #tpu.memory_space<vmem>>
      %dma_start3A_191 = tpu.memref_squeeze %dma_start3A_190 : memref<1x80x64xf32, #tpu.memory_space<vmem>> -> memref<80x64xf32, #tpu.memory_space<vmem>>
      %dma_start3A_192 = arith.constant 0 : i32
      %dma_start3A_193 = tpu.memref_slice %arg6[%add3A_185, %dma_start3A_192] : memref<250x80xi32, #tpu.memory_space<vmem>> -> memref<1x80xi32, #tpu.memory_space<vmem>>
      %dma_start3A_194 = tpu.memref_squeeze %dma_start3A_193 : memref<1x80xi32, #tpu.memory_space<vmem>> -> memref<80xi32, #tpu.memory_space<vmem>>
      %dma_start3A_195 = arith.constant 0 : i32
      %dma_start3A_196 = arith.constant 0 : i32
      %dma_start3A_197 = tpu.memref_slice %arg2[%arg0, %dma_start3A_195, %dma_start3A_196] : memref<2x10112x64xf32, #tpu.memory_space<hbm>> -> memref<1x10112x64xf32, #tpu.memory_space<hbm>>
      %dma_start3A_198 = tpu.memref_squeeze %dma_start3A_197 : memref<1x10112x64xf32, #tpu.memory_space<hbm>> -> memref<10112x64xf32, #tpu.memory_space<hbm>>
      %dma_start3A_199 = arith.constant 0 : i32
      %dma_start3A_200 = arith.constant 0 : i32
      %dma_start3A_201 = tpu.memref_slice %dma_start3A_198[%dma_start3A_199, %dma_start3A_200] : memref<10112x64xf32, #tpu.memory_space<hbm>> -> memref<10112x64xf32, #tpu.memory_space<hbm>>
      %dma_start3A_202 = tpu.memref_slice %arg10[%dma_start3A_187] : memref<5x!tpu.dma_semaphore, #tpu.memory_space<semaphore_mem>> -> memref<1x!tpu.dma_semaphore, #tpu.memory_space<semaphore_mem>>
      %dma_start3A_203 = tpu.memref_squeeze %dma_start3A_202 : memref<1x!tpu.dma_semaphore, #tpu.memory_space<semaphore_mem>> -> memref<!tpu.dma_semaphore, #tpu.memory_space<semaphore_mem>>
      tpu.enqueue_indirect_dma source(%dma_start3A_201 : memref<10112x64xf32, #tpu.memory_space<hbm>>) target(%dma_start3A_191 : memref<80x64xf32, #tpu.memory_space<vmem>>) offsets(%dma_start3A_194 : memref<80xi32, #tpu.memory_space<vmem>>) semaphore(%dma_start3A_203 : memref<!tpu.dma_semaphore, #tpu.memory_space<semaphore_mem>>)
      %add3A_204 = arith.constant 0 : i32
      %add3A_205 = arith.addi %mul3A_83, %add3A_204 : i32
      %dma_wait3A_206 = arith.constant 0 : i32
      %dma_wait3A_207 = arith.constant 0 : i32
      %dma_wait3A_208 = arith.constant 0 : i32
      %dma_wait3A_209 = arith.constant 0 : i32
      %dma_wait3A_210 = tpu.memref_slice %arg8[%dma_wait3A_206, %dma_wait3A_208, %dma_wait3A_209] : memref<5x80x64xf32, #tpu.memory_space<vmem>> -> memref<1x80x64xf32, #tpu.memory_space<vmem>>
      %dma_wait3A_211 = tpu.memref_squeeze %dma_wait3A_210 : memref<1x80x64xf32, #tpu.memory_space<vmem>> -> memref<80x64xf32, #tpu.memory_space<vmem>>
      %dma_wait3A_212 = arith.constant 0 : i32
      %dma_wait3A_213 = tpu.memref_slice %arg6[%add3A_205, %dma_wait3A_212] : memref<250x80xi32, #tpu.memory_space<vmem>> -> memref<1x80xi32, #tpu.memory_space<vmem>>
      %dma_wait3A_214 = tpu.memref_squeeze %dma_wait3A_213 : memref<1x80xi32, #tpu.memory_space<vmem>> -> memref<80xi32, #tpu.memory_space<vmem>>
      %dma_wait3A_215 = arith.constant 0 : i32
      %dma_wait3A_216 = arith.constant 0 : i32
      %dma_wait3A_217 = tpu.memref_slice %arg2[%arg0, %dma_wait3A_215, %dma_wait3A_216] : memref<2x10112x64xf32, #tpu.memory_space<hbm>> -> memref<1x10112x64xf32, #tpu.memory_space<hbm>>
      %dma_wait3A_218 = tpu.memref_squeeze %dma_wait3A_217 : memref<1x10112x64xf32, #tpu.memory_space<hbm>> -> memref<10112x64xf32, #tpu.memory_space<hbm>>
      %dma_wait3A_219 = arith.constant 0 : i32
      %dma_wait3A_220 = arith.constant 0 : i32
      %dma_wait3A_221 = tpu.memref_slice %dma_wait3A_218[%dma_wait3A_219, %dma_wait3A_220] : memref<10112x64xf32, #tpu.memory_space<hbm>> -> memref<10112x64xf32, #tpu.memory_space<hbm>>
      %dma_wait3A_222 = tpu.memref_slice %arg10[%dma_wait3A_207] : memref<5x!tpu.dma_semaphore, #tpu.memory_space<semaphore_mem>> -> memref<1x!tpu.dma_semaphore, #tpu.memory_space<semaphore_mem>>
      %dma_wait3A_223 = tpu.memref_squeeze %dma_wait3A_222 : memref<1x!tpu.dma_semaphore, #tpu.memory_space<semaphore_mem>> -> memref<!tpu.dma_semaphore, #tpu.memory_space<semaphore_mem>>
      tpu.wait_indirect_dma semaphore(%dma_wait3A_223 : memref<!tpu.dma_semaphore, #tpu.memory_space<semaphore_mem>>) src(%dma_wait3A_221 : memref<10112x64xf32, #tpu.memory_space<hbm>>) dst(%dma_wait3A_211 : memref<80x64xf32, #tpu.memory_space<vmem>>)
      %add3A_224 = arith.constant 0 : i32
      %add3A_225 = arith.addi %mul3A_83, %add3A_224 : i32
      %dma_start3A_226 = arith.constant 0 : i32
      %dma_start3A_227 = arith.constant 0 : i32
      %dma_start3A_228 = arith.constant 0 : i32
      %dma_start3A_229 = arith.constant 0 : i32
      %dma_start3A_230 = tpu.memref_slice %arg8[%dma_start3A_226, %dma_start3A_228, %dma_start3A_229] : memref<5x80x64xf32, #tpu.memory_space<vmem>> -> memref<1x80x64xf32, #tpu.memory_space<vmem>>
      %dma_start3A_231 = tpu.memref_squeeze %dma_start3A_230 : memref<1x80x64xf32, #tpu.memory_space<vmem>> -> memref<80x64xf32, #tpu.memory_space<vmem>>
      %dma_start3A_232 = arith.constant 0 : i32
      %dma_start3A_233 = tpu.memref_slice %arg7[%add3A_225, %dma_start3A_232] : memref<250x80xi32, #tpu.memory_space<vmem>> -> memref<1x80xi32, #tpu.memory_space<vmem>>
      %dma_start3A_234 = tpu.memref_squeeze %dma_start3A_233 : memref<1x80xi32, #tpu.memory_space<vmem>> -> memref<80xi32, #tpu.memory_space<vmem>>
      %dma_start3A_235 = arith.constant 0 : i32
      %dma_start3A_236 = arith.constant 0 : i32
      %dma_start3A_237 = tpu.memref_slice %arg9[%dma_start3A_235, %dma_start3A_236] : memref<10112x64xf32, #tpu.memory_space<vmem_shared>> -> memref<10112x64xf32, #tpu.memory_space<vmem_shared>>
      %dma_start3A_238 = tpu.memref_slice %arg11[%dma_start3A_227] : memref<5x!tpu.dma_semaphore, #tpu.memory_space<semaphore_mem>> -> memref<1x!tpu.dma_semaphore, #tpu.memory_space<semaphore_mem>>
      %dma_start3A_239 = tpu.memref_squeeze %dma_start3A_238 : memref<1x!tpu.dma_semaphore, #tpu.memory_space<semaphore_mem>> -> memref<!tpu.dma_semaphore, #tpu.memory_space<semaphore_mem>>
      tpu.enqueue_indirect_dma source(%dma_start3A_231 : memref<80x64xf32, #tpu.memory_space<vmem>>) target(%dma_start3A_237 : memref<10112x64xf32, #tpu.memory_space<vmem_shared>>) offsets(%dma_start3A_234 : memref<80xi32, #tpu.memory_space<vmem>>) semaphore(%dma_start3A_239 : memref<!tpu.dma_semaphore, #tpu.memory_space<semaphore_mem>>) {add = true}
      %add3A_240 = arith.constant 1 : i32
      %add3A_241 = arith.addi %mul3A_83, %add3A_240 : i32
      %dma_wait3A_242 = arith.constant 1 : i32
      %dma_wait3A_243 = arith.constant 1 : i32
      %dma_wait3A_244 = arith.constant 0 : i32
      %dma_wait3A_245 = arith.constant 0 : i32
      %dma_wait3A_246 = tpu.memref_slice %arg8[%dma_wait3A_242, %dma_wait3A_244, %dma_wait3A_245] : memref<5x80x64xf32, #tpu.memory_space<vmem>> -> memref<1x80x64xf32, #tpu.memory_space<vmem>>
      %dma_wait3A_247 = tpu.memref_squeeze %dma_wait3A_246 : memref<1x80x64xf32, #tpu.memory_space<vmem>> -> memref<80x64xf32, #tpu.memory_space<vmem>>
      %dma_wait3A_248 = arith.constant 0 : i32
      %dma_wait3A_249 = tpu.memref_slice %arg6[%add3A_241, %dma_wait3A_248] : memref<250x80xi32, #tpu.memory_space<vmem>> -> memref<1x80xi32, #tpu.memory_space<vmem>>
      %dma_wait3A_250 = tpu.memref_squeeze %dma_wait3A_249 : memref<1x80xi32, #tpu.memory_space<vmem>> -> memref<80xi32, #tpu.memory_space<vmem>>
      %dma_wait3A_251 = arith.constant 0 : i32
      %dma_wait3A_252 = arith.constant 0 : i32
      %dma_wait3A_253 = tpu.memref_slice %arg2[%arg0, %dma_wait3A_251, %dma_wait3A_252] : memref<2x10112x64xf32, #tpu.memory_space<hbm>> -> memref<1x10112x64xf32, #tpu.memory_space<hbm>>
      %dma_wait3A_254 = tpu.memref_squeeze %dma_wait3A_253 : memref<1x10112x64xf32, #tpu.memory_space<hbm>> -> memref<10112x64xf32, #tpu.memory_space<hbm>>
      %dma_wait3A_255 = arith.constant 0 : i32
      %dma_wait3A_256 = arith.constant 0 : i32
      %dma_wait3A_257 = tpu.memref_slice %dma_wait3A_254[%dma_wait3A_255, %dma_wait3A_256] : memref<10112x64xf32, #tpu.memory_space<hbm>> -> memref<10112x64xf32, #tpu.memory_space<hbm>>
      %dma_wait3A_258 = tpu.memref_slice %arg10[%dma_wait3A_243] : memref<5x!tpu.dma_semaphore, #tpu.memory_space<semaphore_mem>> -> memref<1x!tpu.dma_semaphore, #tpu.memory_space<semaphore_mem>>
      %dma_wait3A_259 = tpu.memref_squeeze %dma_wait3A_258 : memref<1x!tpu.dma_semaphore, #tpu.memory_space<semaphore_mem>> -> memref<!tpu.dma_semaphore, #tpu.memory_space<semaphore_mem>>
      tpu.wait_indirect_dma semaphore(%dma_wait3A_259 : memref<!tpu.dma_semaphore, #tpu.memory_space<semaphore_mem>>) src(%dma_wait3A_257 : memref<10112x64xf32, #tpu.memory_space<hbm>>) dst(%dma_wait3A_247 : memref<80x64xf32, #tpu.memory_space<vmem>>)
      %add3A_260 = arith.constant 1 : i32
      %add3A_261 = arith.addi %mul3A_83, %add3A_260 : i32
      %dma_start3A_262 = arith.constant 1 : i32
      %dma_start3A_263 = arith.constant 1 : i32
      %dma_start3A_264 = arith.constant 0 : i32
      %dma_start3A_265 = arith.constant 0 : i32
      %dma_start3A_266 = tpu.memref_slice %arg8[%dma_start3A_262, %dma_start3A_264, %dma_start3A_265] : memref<5x80x64xf32, #tpu.memory_space<vmem>> -> memref<1x80x64xf32, #tpu.memory_space<vmem>>
      %dma_start3A_267 = tpu.memref_squeeze %dma_start3A_266 : memref<1x80x64xf32, #tpu.memory_space<vmem>> -> memref<80x64xf32, #tpu.memory_space<vmem>>
      %dma_start3A_268 = arith.constant 0 : i32
      %dma_start3A_269 = tpu.memref_slice %arg7[%add3A_261, %dma_start3A_268] : memref<250x80xi32, #tpu.memory_space<vmem>> -> memref<1x80xi32, #tpu.memory_space<vmem>>
      %dma_start3A_270 = tpu.memref_squeeze %dma_start3A_269 : memref<1x80xi32, #tpu.memory_space<vmem>> -> memref<80xi32, #tpu.memory_space<vmem>>
      %dma_start3A_271 = arith.constant 0 : i32
      %dma_start3A_272 = arith.constant 0 : i32
      %dma_start3A_273 = tpu.memref_slice %arg9[%dma_start3A_271, %dma_start3A_272] : memref<10112x64xf32, #tpu.memory_space<vmem_shared>> -> memref<10112x64xf32, #tpu.memory_space<vmem_shared>>
      %dma_start3A_274 = tpu.memref_slice %arg11[%dma_start3A_263] : memref<5x!tpu.dma_semaphore, #tpu.memory_space<semaphore_mem>> -> memref<1x!tpu.dma_semaphore, #tpu.memory_space<semaphore_mem>>
      %dma_start3A_275 = tpu.memref_squeeze %dma_start3A_274 : memref<1x!tpu.dma_semaphore, #tpu.memory_space<semaphore_mem>> -> memref<!tpu.dma_semaphore, #tpu.memory_space<semaphore_mem>>
      tpu.enqueue_indirect_dma source(%dma_start3A_267 : memref<80x64xf32, #tpu.memory_space<vmem>>) target(%dma_start3A_273 : memref<10112x64xf32, #tpu.memory_space<vmem_shared>>) offsets(%dma_start3A_270 : memref<80xi32, #tpu.memory_space<vmem>>) semaphore(%dma_start3A_275 : memref<!tpu.dma_semaphore, #tpu.memory_space<semaphore_mem>>) {add = true}
      %add3A_276 = arith.constant 2 : i32
      %add3A_277 = arith.addi %mul3A_83, %add3A_276 : i32
      %dma_wait3A_278 = arith.constant 2 : i32
      %dma_wait3A_279 = arith.constant 2 : i32
      %dma_wait3A_280 = arith.constant 0 : i32
      %dma_wait3A_281 = arith.constant 0 : i32
      %dma_wait3A_282 = tpu.memref_slice %arg8[%dma_wait3A_278, %dma_wait3A_280, %dma_wait3A_281] : memref<5x80x64xf32, #tpu.memory_space<vmem>> -> memref<1x80x64xf32, #tpu.memory_space<vmem>>
      %dma_wait3A_283 = tpu.memref_squeeze %dma_wait3A_282 : memref<1x80x64xf32, #tpu.memory_space<vmem>> -> memref<80x64xf32, #tpu.memory_space<vmem>>
      %dma_wait3A_284 = arith.constant 0 : i32
      %dma_wait3A_285 = tpu.memref_slice %arg6[%add3A_277, %dma_wait3A_284] : memref<250x80xi32, #tpu.memory_space<vmem>> -> memref<1x80xi32, #tpu.memory_space<vmem>>
      %dma_wait3A_286 = tpu.memref_squeeze %dma_wait3A_285 : memref<1x80xi32, #tpu.memory_space<vmem>> -> memref<80xi32, #tpu.memory_space<vmem>>
      %dma_wait3A_287 = arith.constant 0 : i32
      %dma_wait3A_288 = arith.constant 0 : i32
      %dma_wait3A_289 = tpu.memref_slice %arg2[%arg0, %dma_wait3A_287, %dma_wait3A_288] : memref<2x10112x64xf32, #tpu.memory_space<hbm>> -> memref<1x10112x64xf32, #tpu.memory_space<hbm>>
      %dma_wait3A_290 = tpu.memref_squeeze %dma_wait3A_289 : memref<1x10112x64xf32, #tpu.memory_space<hbm>> -> memref<10112x64xf32, #tpu.memory_space<hbm>>
      %dma_wait3A_291 = arith.constant 0 : i32
      %dma_wait3A_292 = arith.constant 0 : i32
      %dma_wait3A_293 = tpu.memref_slice %dma_wait3A_290[%dma_wait3A_291, %dma_wait3A_292] : memref<10112x64xf32, #tpu.memory_space<hbm>> -> memref<10112x64xf32, #tpu.memory_space<hbm>>
      %dma_wait3A_294 = tpu.memref_slice %arg10[%dma_wait3A_279] : memref<5x!tpu.dma_semaphore, #tpu.memory_space<semaphore_mem>> -> memref<1x!tpu.dma_semaphore, #tpu.memory_space<semaphore_mem>>
      %dma_wait3A_295 = tpu.memref_squeeze %dma_wait3A_294 : memref<1x!tpu.dma_semaphore, #tpu.memory_space<semaphore_mem>> -> memref<!tpu.dma_semaphore, #tpu.memory_space<semaphore_mem>>
      tpu.wait_indirect_dma semaphore(%dma_wait3A_295 : memref<!tpu.dma_semaphore, #tpu.memory_space<semaphore_mem>>) src(%dma_wait3A_293 : memref<10112x64xf32, #tpu.memory_space<hbm>>) dst(%dma_wait3A_283 : memref<80x64xf32, #tpu.memory_space<vmem>>)
      %add3A_296 = arith.constant 2 : i32
      %add3A_297 = arith.addi %mul3A_83, %add3A_296 : i32
      %dma_start3A_298 = arith.constant 2 : i32
      %dma_start3A_299 = arith.constant 2 : i32
      %dma_start3A_300 = arith.constant 0 : i32
      %dma_start3A_301 = arith.constant 0 : i32
      %dma_start3A_302 = tpu.memref_slice %arg8[%dma_start3A_298, %dma_start3A_300, %dma_start3A_301] : memref<5x80x64xf32, #tpu.memory_space<vmem>> -> memref<1x80x64xf32, #tpu.memory_space<vmem>>
      %dma_start3A_303 = tpu.memref_squeeze %dma_start3A_302 : memref<1x80x64xf32, #tpu.memory_space<vmem>> -> memref<80x64xf32, #tpu.memory_space<vmem>>
      %dma_start3A_304 = arith.constant 0 : i32
      %dma_start3A_305 = tpu.memref_slice %arg7[%add3A_297, %dma_start3A_304] : memref<250x80xi32, #tpu.memory_space<vmem>> -> memref<1x80xi32, #tpu.memory_space<vmem>>
      %dma_start3A_306 = tpu.memref_squeeze %dma_start3A_305 : memref<1x80xi32, #tpu.memory_space<vmem>> -> memref<80xi32, #tpu.memory_space<vmem>>
      %dma_start3A_307 = arith.constant 0 : i32
      %dma_start3A_308 = arith.constant 0 : i32
      %dma_start3A_309 = tpu.memref_slice %arg9[%dma_start3A_307, %dma_start3A_308] : memref<10112x64xf32, #tpu.memory_space<vmem_shared>> -> memref<10112x64xf32, #tpu.memory_space<vmem_shared>>
      %dma_start3A_310 = tpu.memref_slice %arg11[%dma_start3A_299] : memref<5x!tpu.dma_semaphore, #tpu.memory_space<semaphore_mem>> -> memref<1x!tpu.dma_semaphore, #tpu.memory_space<semaphore_mem>>
      %dma_start3A_311 = tpu.memref_squeeze %dma_start3A_310 : memref<1x!tpu.dma_semaphore, #tpu.memory_space<semaphore_mem>> -> memref<!tpu.dma_semaphore, #tpu.memory_space<semaphore_mem>>
      tpu.enqueue_indirect_dma source(%dma_start3A_303 : memref<80x64xf32, #tpu.memory_space<vmem>>) target(%dma_start3A_309 : memref<10112x64xf32, #tpu.memory_space<vmem_shared>>) offsets(%dma_start3A_306 : memref<80xi32, #tpu.memory_space<vmem>>) semaphore(%dma_start3A_311 : memref<!tpu.dma_semaphore, #tpu.memory_space<semaphore_mem>>) {add = true}
      %add3A_312 = arith.constant 3 : i32
      %add3A_313 = arith.addi %mul3A_83, %add3A_312 : i32
      %dma_wait3A_314 = arith.constant 3 : i32
      %dma_wait3A_315 = arith.constant 3 : i32
      %dma_wait3A_316 = arith.constant 0 : i32
      %dma_wait3A_317 = arith.constant 0 : i32
      %dma_wait3A_318 = tpu.memref_slice %arg8[%dma_wait3A_314, %dma_wait3A_316, %dma_wait3A_317] : memref<5x80x64xf32, #tpu.memory_space<vmem>> -> memref<1x80x64xf32, #tpu.memory_space<vmem>>
      %dma_wait3A_319 = tpu.memref_squeeze %dma_wait3A_318 : memref<1x80x64xf32, #tpu.memory_space<vmem>> -> memref<80x64xf32, #tpu.memory_space<vmem>>
      %dma_wait3A_320 = arith.constant 0 : i32
      %dma_wait3A_321 = tpu.memref_slice %arg6[%add3A_313, %dma_wait3A_320] : memref<250x80xi32, #tpu.memory_space<vmem>> -> memref<1x80xi32, #tpu.memory_space<vmem>>
      %dma_wait3A_322 = tpu.memref_squeeze %dma_wait3A_321 : memref<1x80xi32, #tpu.memory_space<vmem>> -> memref<80xi32, #tpu.memory_space<vmem>>
      %dma_wait3A_323 = arith.constant 0 : i32
      %dma_wait3A_324 = arith.constant 0 : i32
      %dma_wait3A_325 = tpu.memref_slice %arg2[%arg0, %dma_wait3A_323, %dma_wait3A_324] : memref<2x10112x64xf32, #tpu.memory_space<hbm>> -> memref<1x10112x64xf32, #tpu.memory_space<hbm>>
      %dma_wait3A_326 = tpu.memref_squeeze %dma_wait3A_325 : memref<1x10112x64xf32, #tpu.memory_space<hbm>> -> memref<10112x64xf32, #tpu.memory_space<hbm>>
      %dma_wait3A_327 = arith.constant 0 : i32
      %dma_wait3A_328 = arith.constant 0 : i32
      %dma_wait3A_329 = tpu.memref_slice %dma_wait3A_326[%dma_wait3A_327, %dma_wait3A_328] : memref<10112x64xf32, #tpu.memory_space<hbm>> -> memref<10112x64xf32, #tpu.memory_space<hbm>>
      %dma_wait3A_330 = tpu.memref_slice %arg10[%dma_wait3A_315] : memref<5x!tpu.dma_semaphore, #tpu.memory_space<semaphore_mem>> -> memref<1x!tpu.dma_semaphore, #tpu.memory_space<semaphore_mem>>
      %dma_wait3A_331 = tpu.memref_squeeze %dma_wait3A_330 : memref<1x!tpu.dma_semaphore, #tpu.memory_space<semaphore_mem>> -> memref<!tpu.dma_semaphore, #tpu.memory_space<semaphore_mem>>
      tpu.wait_indirect_dma semaphore(%dma_wait3A_331 : memref<!tpu.dma_semaphore, #tpu.memory_space<semaphore_mem>>) src(%dma_wait3A_329 : memref<10112x64xf32, #tpu.memory_space<hbm>>) dst(%dma_wait3A_319 : memref<80x64xf32, #tpu.memory_space<vmem>>)
      %add3A_332 = arith.constant 3 : i32
      %add3A_333 = arith.addi %mul3A_83, %add3A_332 : i32
      %dma_start3A_334 = arith.constant 3 : i32
      %dma_start3A_335 = arith.constant 3 : i32
      %dma_start3A_336 = arith.constant 0 : i32
      %dma_start3A_337 = arith.constant 0 : i32
      %dma_start3A_338 = tpu.memref_slice %arg8[%dma_start3A_334, %dma_start3A_336, %dma_start3A_337] : memref<5x80x64xf32, #tpu.memory_space<vmem>> -> memref<1x80x64xf32, #tpu.memory_space<vmem>>
      %dma_start3A_339 = tpu.memref_squeeze %dma_start3A_338 : memref<1x80x64xf32, #tpu.memory_space<vmem>> -> memref<80x64xf32, #tpu.memory_space<vmem>>
      %dma_start3A_340 = arith.constant 0 : i32
      %dma_start3A_341 = tpu.memref_slice %arg7[%add3A_333, %dma_start3A_340] : memref<250x80xi32, #tpu.memory_space<vmem>> -> memref<1x80xi32, #tpu.memory_space<vmem>>
      %dma_start3A_342 = tpu.memref_squeeze %dma_start3A_341 : memref<1x80xi32, #tpu.memory_space<vmem>> -> memref<80xi32, #tpu.memory_space<vmem>>
      %dma_start3A_343 = arith.constant 0 : i32
      %dma_start3A_344 = arith.constant 0 : i32
      %dma_start3A_345 = tpu.memref_slice %arg9[%dma_start3A_343, %dma_start3A_344] : memref<10112x64xf32, #tpu.memory_space<vmem_shared>> -> memref<10112x64xf32, #tpu.memory_space<vmem_shared>>
      %dma_start3A_346 = tpu.memref_slice %arg11[%dma_start3A_335] : memref<5x!tpu.dma_semaphore, #tpu.memory_space<semaphore_mem>> -> memref<1x!tpu.dma_semaphore, #tpu.memory_space<semaphore_mem>>
      %dma_start3A_347 = tpu.memref_squeeze %dma_start3A_346 : memref<1x!tpu.dma_semaphore, #tpu.memory_space<semaphore_mem>> -> memref<!tpu.dma_semaphore, #tpu.memory_space<semaphore_mem>>
      tpu.enqueue_indirect_dma source(%dma_start3A_339 : memref<80x64xf32, #tpu.memory_space<vmem>>) target(%dma_start3A_345 : memref<10112x64xf32, #tpu.memory_space<vmem_shared>>) offsets(%dma_start3A_342 : memref<80xi32, #tpu.memory_space<vmem>>) semaphore(%dma_start3A_347 : memref<!tpu.dma_semaphore, #tpu.memory_space<semaphore_mem>>) {add = true}
      %add3A_348 = arith.constant 4 : i32
      %add3A_349 = arith.addi %mul3A_83, %add3A_348 : i32
      %dma_wait3A_350 = arith.constant 4 : i32
      %dma_wait3A_351 = arith.constant 4 : i32
      %dma_wait3A_352 = arith.constant 0 : i32
      %dma_wait3A_353 = arith.constant 0 : i32
      %dma_wait3A_354 = tpu.memref_slice %arg8[%dma_wait3A_350, %dma_wait3A_352, %dma_wait3A_353] : memref<5x80x64xf32, #tpu.memory_space<vmem>> -> memref<1x80x64xf32, #tpu.memory_space<vmem>>
      %dma_wait3A_355 = tpu.memref_squeeze %dma_wait3A_354 : memref<1x80x64xf32, #tpu.memory_space<vmem>> -> memref<80x64xf32, #tpu.memory_space<vmem>>
      %dma_wait3A_356 = arith.constant 0 : i32
      %dma_wait3A_357 = tpu.memref_slice %arg6[%add3A_349, %dma_wait3A_356] : memref<250x80xi32, #tpu.memory_space<vmem>> -> memref<1x80xi32, #tpu.memory_space<vmem>>
      %dma_wait3A_358 = tpu.memref_squeeze %dma_wait3A_357 : memref<1x80xi32, #tpu.memory_space<vmem>> -> memref<80xi32, #tpu.memory_space<vmem>>
      %dma_wait3A_359 = arith.constant 0 : i32
      %dma_wait3A_360 = arith.constant 0 : i32
      %dma_wait3A_361 = tpu.memref_slice %arg2[%arg0, %dma_wait3A_359, %dma_wait3A_360] : memref<2x10112x64xf32, #tpu.memory_space<hbm>> -> memref<1x10112x64xf32, #tpu.memory_space<hbm>>
      %dma_wait3A_362 = tpu.memref_squeeze %dma_wait3A_361 : memref<1x10112x64xf32, #tpu.memory_space<hbm>> -> memref<10112x64xf32, #tpu.memory_space<hbm>>
      %dma_wait3A_363 = arith.constant 0 : i32
      %dma_wait3A_364 = arith.constant 0 : i32
      %dma_wait3A_365 = tpu.memref_slice %dma_wait3A_362[%dma_wait3A_363, %dma_wait3A_364] : memref<10112x64xf32, #tpu.memory_space<hbm>> -> memref<10112x64xf32, #tpu.memory_space<hbm>>
      %dma_wait3A_366 = tpu.memref_slice %arg10[%dma_wait3A_351] : memref<5x!tpu.dma_semaphore, #tpu.memory_space<semaphore_mem>> -> memref<1x!tpu.dma_semaphore, #tpu.memory_space<semaphore_mem>>
      %dma_wait3A_367 = tpu.memref_squeeze %dma_wait3A_366 : memref<1x!tpu.dma_semaphore, #tpu.memory_space<semaphore_mem>> -> memref<!tpu.dma_semaphore, #tpu.memory_space<semaphore_mem>>
      tpu.wait_indirect_dma semaphore(%dma_wait3A_367 : memref<!tpu.dma_semaphore, #tpu.memory_space<semaphore_mem>>) src(%dma_wait3A_365 : memref<10112x64xf32, #tpu.memory_space<hbm>>) dst(%dma_wait3A_355 : memref<80x64xf32, #tpu.memory_space<vmem>>)
      %add3A_368 = arith.constant 4 : i32
      %add3A_369 = arith.addi %mul3A_83, %add3A_368 : i32
      %dma_start3A_370 = arith.constant 4 : i32
      %dma_start3A_371 = arith.constant 4 : i32
      %dma_start3A_372 = arith.constant 0 : i32
      %dma_start3A_373 = arith.constant 0 : i32
      %dma_start3A_374 = tpu.memref_slice %arg8[%dma_start3A_370, %dma_start3A_372, %dma_start3A_373] : memref<5x80x64xf32, #tpu.memory_space<vmem>> -> memref<1x80x64xf32, #tpu.memory_space<vmem>>
      %dma_start3A_375 = tpu.memref_squeeze %dma_start3A_374 : memref<1x80x64xf32, #tpu.memory_space<vmem>> -> memref<80x64xf32, #tpu.memory_space<vmem>>
      %dma_start3A_376 = arith.constant 0 : i32
      %dma_start3A_377 = tpu.memref_slice %arg7[%add3A_369, %dma_start3A_376] : memref<250x80xi32, #tpu.memory_space<vmem>> -> memref<1x80xi32, #tpu.memory_space<vmem>>
      %dma_start3A_378 = tpu.memref_squeeze %dma_start3A_377 : memref<1x80xi32, #tpu.memory_space<vmem>> -> memref<80xi32, #tpu.memory_space<vmem>>
      %dma_start3A_379 = arith.constant 0 : i32
      %dma_start3A_380 = arith.constant 0 : i32
      %dma_start3A_381 = tpu.memref_slice %arg9[%dma_start3A_379, %dma_start3A_380] : memref<10112x64xf32, #tpu.memory_space<vmem_shared>> -> memref<10112x64xf32, #tpu.memory_space<vmem_shared>>
      %dma_start3A_382 = tpu.memref_slice %arg11[%dma_start3A_371] : memref<5x!tpu.dma_semaphore, #tpu.memory_space<semaphore_mem>> -> memref<1x!tpu.dma_semaphore, #tpu.memory_space<semaphore_mem>>
      %dma_start3A_383 = tpu.memref_squeeze %dma_start3A_382 : memref<1x!tpu.dma_semaphore, #tpu.memory_space<semaphore_mem>> -> memref<!tpu.dma_semaphore, #tpu.memory_space<semaphore_mem>>
      tpu.enqueue_indirect_dma source(%dma_start3A_375 : memref<80x64xf32, #tpu.memory_space<vmem>>) target(%dma_start3A_381 : memref<10112x64xf32, #tpu.memory_space<vmem_shared>>) offsets(%dma_start3A_378 : memref<80xi32, #tpu.memory_space<vmem>>) semaphore(%dma_start3A_383 : memref<!tpu.dma_semaphore, #tpu.memory_space<semaphore_mem>>) {add = true}
    }
    %scan3A_5 = arith.constant 50 : i32
    %dma_wait3A = arith.constant 0 : i32
    %dma_wait3A_6 = arith.constant 0 : i32
    %dma_wait3A_7 = arith.constant 0 : i32
    %dma_wait3A_8 = arith.constant 0 : i32
    %dma_wait3A_9 = arith.constant 0 : i32
    %dma_wait3A_10 = tpu.memref_slice %arg8[%dma_wait3A, %dma_wait3A_8, %dma_wait3A_9] : memref<5x80x64xf32, #tpu.memory_space<vmem>> -> memref<1x80x64xf32, #tpu.memory_space<vmem>>
    %dma_wait3A_11 = tpu.memref_squeeze %dma_wait3A_10 : memref<1x80x64xf32, #tpu.memory_space<vmem>> -> memref<80x64xf32, #tpu.memory_space<vmem>>
    %dma_wait3A_12 = arith.constant 0 : i32
    %dma_wait3A_13 = tpu.memref_slice %arg7[%dma_wait3A_6, %dma_wait3A_12] : memref<250x80xi32, #tpu.memory_space<vmem>> -> memref<1x80xi32, #tpu.memory_space<vmem>>
    %dma_wait3A_14 = tpu.memref_squeeze %dma_wait3A_13 : memref<1x80xi32, #tpu.memory_space<vmem>> -> memref<80xi32, #tpu.memory_space<vmem>>
    %dma_wait3A_15 = arith.constant 0 : i32
    %dma_wait3A_16 = arith.constant 0 : i32
    %dma_wait3A_17 = tpu.memref_slice %arg9[%dma_wait3A_15, %dma_wait3A_16] : memref<10112x64xf32, #tpu.memory_space<vmem_shared>> -> memref<10112x64xf32, #tpu.memory_space<vmem_shared>>
    %dma_wait3A_18 = tpu.memref_slice %arg11[%dma_wait3A_7] : memref<5x!tpu.dma_semaphore, #tpu.memory_space<semaphore_mem>> -> memref<1x!tpu.dma_semaphore, #tpu.memory_space<semaphore_mem>>
    %dma_wait3A_19 = tpu.memref_squeeze %dma_wait3A_18 : memref<1x!tpu.dma_semaphore, #tpu.memory_space<semaphore_mem>> -> memref<!tpu.dma_semaphore, #tpu.memory_space<semaphore_mem>>
    tpu.wait_indirect_dma semaphore(%dma_wait3A_19 : memref<!tpu.dma_semaphore, #tpu.memory_space<semaphore_mem>>) src(%dma_wait3A_11 : memref<80x64xf32, #tpu.memory_space<vmem>>) dst(%dma_wait3A_17 : memref<10112x64xf32, #tpu.memory_space<vmem_shared>>)
    %dma_wait3A_20 = arith.constant 1 : i32
    %dma_wait3A_21 = arith.constant 0 : i32
    %dma_wait3A_22 = arith.constant 1 : i32
    %dma_wait3A_23 = arith.constant 0 : i32
    %dma_wait3A_24 = arith.constant 0 : i32
    %dma_wait3A_25 = tpu.memref_slice %arg8[%dma_wait3A_20, %dma_wait3A_23, %dma_wait3A_24] : memref<5x80x64xf32, #tpu.memory_space<vmem>> -> memref<1x80x64xf32, #tpu.memory_space<vmem>>
    %dma_wait3A_26 = tpu.memref_squeeze %dma_wait3A_25 : memref<1x80x64xf32, #tpu.memory_space<vmem>> -> memref<80x64xf32, #tpu.memory_space<vmem>>
    %dma_wait3A_27 = arith.constant 0 : i32
    %dma_wait3A_28 = tpu.memref_slice %arg7[%dma_wait3A_21, %dma_wait3A_27] : memref<250x80xi32, #tpu.memory_space<vmem>> -> memref<1x80xi32, #tpu.memory_space<vmem>>
    %dma_wait3A_29 = tpu.memref_squeeze %dma_wait3A_28 : memref<1x80xi32, #tpu.memory_space<vmem>> -> memref<80xi32, #tpu.memory_space<vmem>>
    %dma_wait3A_30 = arith.constant 0 : i32
    %dma_wait3A_31 = arith.constant 0 : i32
    %dma_wait3A_32 = tpu.memref_slice %arg9[%dma_wait3A_30, %dma_wait3A_31] : memref<10112x64xf32, #tpu.memory_space<vmem_shared>> -> memref<10112x64xf32, #tpu.memory_space<vmem_shared>>
    %dma_wait3A_33 = tpu.memref_slice %arg11[%dma_wait3A_22] : memref<5x!tpu.dma_semaphore, #tpu.memory_space<semaphore_mem>> -> memref<1x!tpu.dma_semaphore, #tpu.memory_space<semaphore_mem>>
    %dma_wait3A_34 = tpu.memref_squeeze %dma_wait3A_33 : memref<1x!tpu.dma_semaphore, #tpu.memory_space<semaphore_mem>> -> memref<!tpu.dma_semaphore, #tpu.memory_space<semaphore_mem>>
    tpu.wait_indirect_dma semaphore(%dma_wait3A_34 : memref<!tpu.dma_semaphore, #tpu.memory_space<semaphore_mem>>) src(%dma_wait3A_26 : memref<80x64xf32, #tpu.memory_space<vmem>>) dst(%dma_wait3A_32 : memref<10112x64xf32, #tpu.memory_space<vmem_shared>>)
    %dma_wait3A_35 = arith.constant 2 : i32
    %dma_wait3A_36 = arith.constant 0 : i32
    %dma_wait3A_37 = arith.constant 2 : i32
    %dma_wait3A_38 = arith.constant 0 : i32
    %dma_wait3A_39 = arith.constant 0 : i32
    %dma_wait3A_40 = tpu.memref_slice %arg8[%dma_wait3A_35, %dma_wait3A_38, %dma_wait3A_39] : memref<5x80x64xf32, #tpu.memory_space<vmem>> -> memref<1x80x64xf32, #tpu.memory_space<vmem>>
    %dma_wait3A_41 = tpu.memref_squeeze %dma_wait3A_40 : memref<1x80x64xf32, #tpu.memory_space<vmem>> -> memref<80x64xf32, #tpu.memory_space<vmem>>
    %dma_wait3A_42 = arith.constant 0 : i32
    %dma_wait3A_43 = tpu.memref_slice %arg7[%dma_wait3A_36, %dma_wait3A_42] : memref<250x80xi32, #tpu.memory_space<vmem>> -> memref<1x80xi32, #tpu.memory_space<vmem>>
    %dma_wait3A_44 = tpu.memref_squeeze %dma_wait3A_43 : memref<1x80xi32, #tpu.memory_space<vmem>> -> memref<80xi32, #tpu.memory_space<vmem>>
    %dma_wait3A_45 = arith.constant 0 : i32
    %dma_wait3A_46 = arith.constant 0 : i32
    %dma_wait3A_47 = tpu.memref_slice %arg9[%dma_wait3A_45, %dma_wait3A_46] : memref<10112x64xf32, #tpu.memory_space<vmem_shared>> -> memref<10112x64xf32, #tpu.memory_space<vmem_shared>>
    %dma_wait3A_48 = tpu.memref_slice %arg11[%dma_wait3A_37] : memref<5x!tpu.dma_semaphore, #tpu.memory_space<semaphore_mem>> -> memref<1x!tpu.dma_semaphore, #tpu.memory_space<semaphore_mem>>
    %dma_wait3A_49 = tpu.memref_squeeze %dma_wait3A_48 : memref<1x!tpu.dma_semaphore, #tpu.memory_space<semaphore_mem>> -> memref<!tpu.dma_semaphore, #tpu.memory_space<semaphore_mem>>
    tpu.wait_indirect_dma semaphore(%dma_wait3A_49 : memref<!tpu.dma_semaphore, #tpu.memory_space<semaphore_mem>>) src(%dma_wait3A_41 : memref<80x64xf32, #tpu.memory_space<vmem>>) dst(%dma_wait3A_47 : memref<10112x64xf32, #tpu.memory_space<vmem_shared>>)
    %dma_wait3A_50 = arith.constant 3 : i32
    %dma_wait3A_51 = arith.constant 0 : i32
    %dma_wait3A_52 = arith.constant 3 : i32
    %dma_wait3A_53 = arith.constant 0 : i32
    %dma_wait3A_54 = arith.constant 0 : i32
    %dma_wait3A_55 = tpu.memref_slice %arg8[%dma_wait3A_50, %dma_wait3A_53, %dma_wait3A_54] : memref<5x80x64xf32, #tpu.memory_space<vmem>> -> memref<1x80x64xf32, #tpu.memory_space<vmem>>
    %dma_wait3A_56 = tpu.memref_squeeze %dma_wait3A_55 : memref<1x80x64xf32, #tpu.memory_space<vmem>> -> memref<80x64xf32, #tpu.memory_space<vmem>>
    %dma_wait3A_57 = arith.constant 0 : i32
    %dma_wait3A_58 = tpu.memref_slice %arg7[%dma_wait3A_51, %dma_wait3A_57] : memref<250x80xi32, #tpu.memory_space<vmem>> -> memref<1x80xi32, #tpu.memory_space<vmem>>
    %dma_wait3A_59 = tpu.memref_squeeze %dma_wait3A_58 : memref<1x80xi32, #tpu.memory_space<vmem>> -> memref<80xi32, #tpu.memory_space<vmem>>
    %dma_wait3A_60 = arith.constant 0 : i32
    %dma_wait3A_61 = arith.constant 0 : i32
    %dma_wait3A_62 = tpu.memref_slice %arg9[%dma_wait3A_60, %dma_wait3A_61] : memref<10112x64xf32, #tpu.memory_space<vmem_shared>> -> memref<10112x64xf32, #tpu.memory_space<vmem_shared>>
    %dma_wait3A_63 = tpu.memref_slice %arg11[%dma_wait3A_52] : memref<5x!tpu.dma_semaphore, #tpu.memory_space<semaphore_mem>> -> memref<1x!tpu.dma_semaphore, #tpu.memory_space<semaphore_mem>>
    %dma_wait3A_64 = tpu.memref_squeeze %dma_wait3A_63 : memref<1x!tpu.dma_semaphore, #tpu.memory_space<semaphore_mem>> -> memref<!tpu.dma_semaphore, #tpu.memory_space<semaphore_mem>>
    tpu.wait_indirect_dma semaphore(%dma_wait3A_64 : memref<!tpu.dma_semaphore, #tpu.memory_space<semaphore_mem>>) src(%dma_wait3A_56 : memref<80x64xf32, #tpu.memory_space<vmem>>) dst(%dma_wait3A_62 : memref<10112x64xf32, #tpu.memory_space<vmem_shared>>)
    %dma_wait3A_65 = arith.constant 4 : i32
    %dma_wait3A_66 = arith.constant 0 : i32
    %dma_wait3A_67 = arith.constant 4 : i32
    %dma_wait3A_68 = arith.constant 0 : i32
    %dma_wait3A_69 = arith.constant 0 : i32
    %dma_wait3A_70 = tpu.memref_slice %arg8[%dma_wait3A_65, %dma_wait3A_68, %dma_wait3A_69] : memref<5x80x64xf32, #tpu.memory_space<vmem>> -> memref<1x80x64xf32, #tpu.memory_space<vmem>>
    %dma_wait3A_71 = tpu.memref_squeeze %dma_wait3A_70 : memref<1x80x64xf32, #tpu.memory_space<vmem>> -> memref<80x64xf32, #tpu.memory_space<vmem>>
    %dma_wait3A_72 = arith.constant 0 : i32
    %dma_wait3A_73 = tpu.memref_slice %arg7[%dma_wait3A_66, %dma_wait3A_72] : memref<250x80xi32, #tpu.memory_space<vmem>> -> memref<1x80xi32, #tpu.memory_space<vmem>>
    %dma_wait3A_74 = tpu.memref_squeeze %dma_wait3A_73 : memref<1x80xi32, #tpu.memory_space<vmem>> -> memref<80xi32, #tpu.memory_space<vmem>>
    %dma_wait3A_75 = arith.constant 0 : i32
    %dma_wait3A_76 = arith.constant 0 : i32
    %dma_wait3A_77 = tpu.memref_slice %arg9[%dma_wait3A_75, %dma_wait3A_76] : memref<10112x64xf32, #tpu.memory_space<vmem_shared>> -> memref<10112x64xf32, #tpu.memory_space<vmem_shared>>
    %dma_wait3A_78 = tpu.memref_slice %arg11[%dma_wait3A_67] : memref<5x!tpu.dma_semaphore, #tpu.memory_space<semaphore_mem>> -> memref<1x!tpu.dma_semaphore, #tpu.memory_space<semaphore_mem>>
    %dma_wait3A_79 = tpu.memref_squeeze %dma_wait3A_78 : memref<1x!tpu.dma_semaphore, #tpu.memory_space<semaphore_mem>> -> memref<!tpu.dma_semaphore, #tpu.memory_space<semaphore_mem>>
    tpu.wait_indirect_dma semaphore(%dma_wait3A_79 : memref<!tpu.dma_semaphore, #tpu.memory_space<semaphore_mem>>) src(%dma_wait3A_71 : memref<80x64xf32, #tpu.memory_space<vmem>>) dst(%dma_wait3A_77 : memref<10112x64xf32, #tpu.memory_space<vmem_shared>>)
    %barrier3A_80 = arith.constant 0 : index
    tpu.barrier barrier_id(%barrier3A_80)
    "tpu.region"() ({
      %run_scoped3A = tpu.sem_alloc : memref<!tpu.dma_semaphore, #tpu.memory_space<semaphore_mem>>
      %dma_start3A = arith.constant 0 : i32
      %dma_start3A_81 = arith.constant 0 : i32
      %dma_start3A_82 = tpu.memref_slice %arg5[%arg0, %dma_start3A, %dma_start3A_81] : memref<2x10112x64xf32, #tpu.memory_space<hbm>> -> memref<1x10112x64xf32, #tpu.memory_space<hbm>>
      %dma_start3A_83 = tpu.memref_squeeze %dma_start3A_82 : memref<1x10112x64xf32, #tpu.memory_space<hbm>> -> memref<10112x64xf32, #tpu.memory_space<hbm>>
      %dma_start3A_84 = arith.constant 0 : i32
      %dma_start3A_85 = tpu.memref_slice %dma_start3A_83[%mul3A_0, %dma_start3A_84] : memref<10112x64xf32, #tpu.memory_space<hbm>> -> memref<632x64xf32, #tpu.memory_space<hbm>>
      %dma_start3A_86 = arith.constant 0 : i32
      %dma_start3A_87 = tpu.memref_slice %arg9[%mul3A_0, %dma_start3A_86] : memref<10112x64xf32, #tpu.memory_space<vmem_shared>> -> memref<632x64xf32, #tpu.memory_space<vmem_shared>>
      tpu.enqueue_dma source(%dma_start3A_87 : memref<632x64xf32, #tpu.memory_space<vmem_shared>>) target(%dma_start3A_85 : memref<632x64xf32, #tpu.memory_space<hbm>>) target_semaphore(%run_scoped3A : memref<!tpu.dma_semaphore, #tpu.memory_space<semaphore_mem>>)
      %dma_wait3A_88 = arith.constant 0 : i32
      %dma_wait3A_89 = arith.constant 0 : i32
      %dma_wait3A_90 = tpu.memref_slice %arg5[%arg0, %dma_wait3A_88, %dma_wait3A_89] : memref<2x10112x64xf32, #tpu.memory_space<hbm>> -> memref<1x10112x64xf32, #tpu.memory_space<hbm>>
      %dma_wait3A_91 = tpu.memref_squeeze %dma_wait3A_90 : memref<1x10112x64xf32, #tpu.memory_space<hbm>> -> memref<10112x64xf32, #tpu.memory_space<hbm>>
      %dma_wait3A_92 = arith.constant 0 : i32
      %dma_wait3A_93 = tpu.memref_slice %dma_wait3A_91[%mul3A_0, %dma_wait3A_92] : memref<10112x64xf32, #tpu.memory_space<hbm>> -> memref<632x64xf32, #tpu.memory_space<hbm>>
      %dma_wait3A_94 = arith.constant 0 : i32
      %dma_wait3A_95 = tpu.memref_slice %arg9[%mul3A_0, %dma_wait3A_94] : memref<10112x64xf32, #tpu.memory_space<vmem_shared>> -> memref<632x64xf32, #tpu.memory_space<vmem_shared>>
      tpu.wait_dma2 semaphore(%run_scoped3A : memref<!tpu.dma_semaphore, #tpu.memory_space<semaphore_mem>>) src(%dma_wait3A_95 : memref<632x64xf32, #tpu.memory_space<vmem_shared>>) dst(%dma_wait3A_93 : memref<632x64xf32, #tpu.memory_space<hbm>>)
      tpu.yield
    }) : () -> ()
    return
  }
}

module attributes {stable_mosaic.version = 14 : i64} {
  func.func @_tc_prep_body(%arg0: i32, %arg1: memref<2x632x8xf32, #tpu.memory_space<vmem>>, %arg2: memref<632x128xf32, #tpu.memory_space<vmem>>, %arg3: memref<632x1xf32, #tpu.memory_space<vmem>>, %arg4: memref<2x632x64xf32, #tpu.memory_space<vmem>>) attributes {dimension_semantics = [#tpu.dimension_semantics<arbitrary>], iteration_bounds = array<i64: 16>, scalar_prefetch = 0 : i64, scratch_operands = 0 : i64, tpu.core_type = #tpu.core_type<tc>, window_params = [{transform_indices = @transform_0, window_bounds = array<i64: 2, 632, 8>}, {transform_indices = @transform_1, window_bounds = array<i64: 632, 128>}, {transform_indices = @transform_2, window_bounds = array<i64: 632, 1>}, {transform_indices = @transform_3, window_bounds = array<i64: 2, 632, 64>}]} {
    %get3A = arith.constant 0 : index
    %get3A_0 = arith.constant 0 : index
    %get3A_1 = arith.constant 0 : index
    %get3A_2 = vector.load %arg1[%get3A, %get3A_0, %get3A_1] : memref<2x632x8xf32, #tpu.memory_space<vmem>>, vector<1x632x1xf32>
    %get3A_3 = vector.shape_cast %get3A_2 : vector<1x632x1xf32> to vector<632x1xf32>
    %get3A_4 = arith.constant 1 : index
    %get3A_5 = arith.constant 0 : index
    %get3A_6 = arith.constant 0 : index
    %get3A_7 = vector.load %arg1[%get3A_4, %get3A_5, %get3A_6] : memref<2x632x8xf32, #tpu.memory_space<vmem>>, vector<1x632x1xf32>
    %get3A_8 = vector.shape_cast %get3A_7 : vector<1x632x1xf32> to vector<632x1xf32>
    %add3A = arith.addf %get3A_3, %get3A_8 : vector<632x1xf32>
    %add3A_9 = arith.constant 1.000000e+00 : f32
    %add3A_10 = vector.broadcast %add3A_9 : f32 to vector<632x1xf32>
    %add3A_11 = arith.addf %add3A, %add3A_10 : vector<632x1xf32>
    %max3A = arith.constant 1.000000e+00 : f32
    %max3A_12 = vector.broadcast %max3A : f32 to vector<632x1xf32>
    %max3A_13 = arith.maximumf %add3A_11, %max3A_12 : vector<632x1xf32>
    %rsqrt3A = math.rsqrt %max3A_13 : vector<632x1xf32>
    %swap3A = arith.constant 0 : index
    %swap3A_14 = arith.constant 0 : index
    %swap3A_15 = vector.load %arg3[%swap3A, %swap3A_14] : memref<632x1xf32, #tpu.memory_space<vmem>>, vector<632x1xf32>
    tpu.vector_store %arg3[%swap3A, %swap3A_14], %rsqrt3A {strides = array<i32>} : memref<632x1xf32, #tpu.memory_space<vmem>>, vector<632x1xf32>,
    %get3A_16 = arith.constant 0 : index
    %get3A_17 = arith.constant 0 : index
    %get3A_18 = vector.load %arg2[%get3A_16, %get3A_17] : memref<632x128xf32, #tpu.memory_space<vmem>>, vector<632x128xf32>
    %mul3A = vector.broadcast %rsqrt3A : vector<632x1xf32> to vector<632x128xf32>
    %mul3A_19 = arith.mulf %mul3A, %get3A_18 : vector<632x128xf32>
    %slice3A = vector.extract_strided_slice %mul3A_19 {offsets = [0, 0], sizes = [632, 64], strides = [1, 1]} : vector<632x128xf32> to vector<632x64xf32>
    %swap3A_20 = arith.constant 0 : index
    %swap3A_21 = arith.constant 0 : index
    %swap3A_22 = arith.constant 0 : index
    %swap3A_23 = vector.load %arg4[%swap3A_20, %swap3A_21, %swap3A_22] : memref<2x632x64xf32, #tpu.memory_space<vmem>>, vector<1x632x64xf32>
    %swap3A_24 = vector.shape_cast %swap3A_23 : vector<1x632x64xf32> to vector<632x64xf32>
    %swap3A_25 = vector.shape_cast %slice3A : vector<632x64xf32> to vector<1x632x64xf32>
    tpu.vector_store %arg4[%swap3A_20, %swap3A_21, %swap3A_22], %swap3A_25 {strides = array<i32>} : memref<2x632x64xf32, #tpu.memory_space<vmem>>, vector<1x632x64xf32>,
    %slice3A_26 = vector.extract_strided_slice %mul3A_19 {offsets = [0, 64], sizes = [632, 64], strides = [1, 1]} : vector<632x128xf32> to vector<632x64xf32>
    %swap3A_27 = arith.constant 1 : index
    %swap3A_28 = arith.constant 0 : index
    %swap3A_29 = arith.constant 0 : index
    %swap3A_30 = vector.load %arg4[%swap3A_27, %swap3A_28, %swap3A_29] : memref<2x632x64xf32, #tpu.memory_space<vmem>>, vector<1x632x64xf32>
    %swap3A_31 = vector.shape_cast %swap3A_30 : vector<1x632x64xf32> to vector<632x64xf32>
    %swap3A_32 = vector.shape_cast %slice3A_26 : vector<632x64xf32> to vector<1x632x64xf32>
    tpu.vector_store %arg4[%swap3A_27, %swap3A_28, %swap3A_29], %swap3A_32 {strides = array<i32>} : memref<2x632x64xf32, #tpu.memory_space<vmem>>, vector<1x632x64xf32>,
    return
  }
  func.func @transform_0(%arg0: i32) -> (i32, i32, i32) {
    %c0_i32 = arith.constant 0 : i32
    %c0_i32_0 = arith.constant 0 : i32
    %c0_i32_1 = arith.constant 0 : i32
    return %c0_i32, %arg0, %c0_i32_0 : i32, i32, i32
  }
  func.func @transform_1(%arg0: i32) -> (i32, i32) {
    %c0_i32 = arith.constant 0 : i32
    %c0_i32_0 = arith.constant 0 : i32
    return %arg0, %c0_i32 : i32, i32
  }
  func.func @transform_2(%arg0: i32) -> (i32, i32) {
    %c0_i32 = arith.constant 0 : i32
    %c0_i32_0 = arith.constant 0 : i32
    return %arg0, %c0_i32 : i32, i32
  }
  func.func @transform_3(%arg0: i32) -> (i32, i32, i32) {
    %c0_i32 = arith.constant 0 : i32
    %c0_i32_0 = arith.constant 0 : i32
    %c0_i32_1 = arith.constant 0 : i32
    return %c0_i32, %arg0, %c0_i32_0 : i32, i32, i32
  }
}

module attributes {stable_mosaic.version = 14 : i64} {
  func.func @_tc_conv1_body(%arg0: i32, %arg1: memref<2x632x64xf32, #tpu.memory_space<vmem>>, %arg2: memref<632x1xf32, #tpu.memory_space<vmem>>, %arg3: memref<128x256xf32, #tpu.memory_space<vmem>>, %arg4: memref<1x256xf32, #tpu.memory_space<vmem>>, %arg5: memref<4x632x64xf32, #tpu.memory_space<vmem>>) attributes {dimension_semantics = [#tpu.dimension_semantics<arbitrary>], iteration_bounds = array<i64: 16>, scalar_prefetch = 0 : i64, scratch_operands = 0 : i64, tpu.core_type = #tpu.core_type<tc>, window_params = [{transform_indices = @transform_0, window_bounds = array<i64: 2, 632, 64>}, {transform_indices = @transform_1, window_bounds = array<i64: 632, 1>}, {pipeline_mode = #tpu.pipeline_mode<synchronous>, transform_indices = @transform_2, window_bounds = array<i64: 128, 256>}, {pipeline_mode = #tpu.pipeline_mode<synchronous>, transform_indices = @transform_3, window_bounds = array<i64: 1, 256>}, {transform_indices = @transform_4, window_bounds = array<i64: 4, 632, 64>}]} {
    %get3A = arith.constant 0 : index
    %get3A_0 = arith.constant 0 : index
    %get3A_1 = vector.load %arg2[%get3A, %get3A_0] : memref<632x1xf32, #tpu.memory_space<vmem>>, vector<632x1xf32>
    %get3A_2 = arith.constant 0 : index
    %get3A_3 = arith.constant 0 : index
    %get3A_4 = arith.constant 0 : index
    %get3A_5 = vector.load %arg1[%get3A_2, %get3A_3, %get3A_4] : memref<2x632x64xf32, #tpu.memory_space<vmem>>, vector<1x632x64xf32>
    %get3A_6 = vector.shape_cast %get3A_5 : vector<1x632x64xf32> to vector<632x64xf32>
    %get3A_7 = arith.constant 1 : index
    %get3A_8 = arith.constant 0 : index
    %get3A_9 = arith.constant 0 : index
    %get3A_10 = vector.load %arg1[%get3A_7, %get3A_8, %get3A_9] : memref<2x632x64xf32, #tpu.memory_space<vmem>>, vector<1x632x64xf32>
    %get3A_11 = vector.shape_cast %get3A_10 : vector<1x632x64xf32> to vector<632x64xf32>
    %concatenate3A = tpu.concatenate %get3A_6, %get3A_11 in 1 : vector<632x64xf32>, vector<632x64xf32> -> vector<632x128xf32>
    %mul3A = vector.broadcast %get3A_1 : vector<632x1xf32> to vector<632x128xf32>
    %mul3A_12 = arith.mulf %mul3A, %concatenate3A : vector<632x128xf32>
    %get3A_13 = arith.constant 0 : index
    %get3A_14 = arith.constant 0 : index
    %get3A_15 = vector.load %arg3[%get3A_13, %get3A_14] : memref<128x256xf32, #tpu.memory_space<vmem>>, vector<128x256xf32>
    %dot_general3A = arith.constant dense<0.000000e+00> : vector<632x256xf32>
    %dot_general3A_16 = tpu.matmul %mul3A_12, %get3A_15, %dot_general3A {dimension_numbers = #tpu.dot_dimension_numbers<[1], [0], [0], [1], [0, 0, 1, 1], [], []>, transpose_lhs_hint = false} : vector<632x128xf32>, vector<128x256xf32>, vector<632x256xf32> -> vector<632x256xf32>
    %get3A_17 = arith.constant 0 : index
    %get3A_18 = arith.constant 0 : index
    %get3A_19 = vector.load %arg4[%get3A_17, %get3A_18] : memref<1x256xf32, #tpu.memory_space<vmem>>, vector<1x256xf32>
    %add3A = vector.broadcast %get3A_19 : vector<1x256xf32> to vector<632x256xf32>
    %add3A_20 = arith.addf %dot_general3A_16, %add3A : vector<632x256xf32>
    %max3A = arith.constant 0.000000e+00 : f32
    %max3A_21 = vector.broadcast %max3A : f32 to vector<632x256xf32>
    %max3A_22 = arith.maximumf %add3A_20, %max3A_21 : vector<632x256xf32>
    %mul3A_23 = vector.broadcast %get3A_1 : vector<632x1xf32> to vector<632x256xf32>
    %mul3A_24 = arith.mulf %mul3A_23, %max3A_22 : vector<632x256xf32>
    %slice3A = vector.extract_strided_slice %mul3A_24 {offsets = [0, 0], sizes = [632, 64], strides = [1, 1]} : vector<632x256xf32> to vector<632x64xf32>
    %swap3A = arith.constant 0 : index
    %swap3A_25 = arith.constant 0 : index
    %swap3A_26 = arith.constant 0 : index
    %swap3A_27 = vector.load %arg5[%swap3A, %swap3A_25, %swap3A_26] : memref<4x632x64xf32, #tpu.memory_space<vmem>>, vector<1x632x64xf32>
    %swap3A_28 = vector.shape_cast %swap3A_27 : vector<1x632x64xf32> to vector<632x64xf32>
    %swap3A_29 = vector.shape_cast %slice3A : vector<632x64xf32> to vector<1x632x64xf32>
    tpu.vector_store %arg5[%swap3A, %swap3A_25, %swap3A_26], %swap3A_29 {strides = array<i32>} : memref<4x632x64xf32, #tpu.memory_space<vmem>>, vector<1x632x64xf32>,
    %slice3A_30 = vector.extract_strided_slice %mul3A_24 {offsets = [0, 64], sizes = [632, 64], strides = [1, 1]} : vector<632x256xf32> to vector<632x64xf32>
    %swap3A_31 = arith.constant 1 : index
    %swap3A_32 = arith.constant 0 : index
    %swap3A_33 = arith.constant 0 : index
    %swap3A_34 = vector.load %arg5[%swap3A_31, %swap3A_32, %swap3A_33] : memref<4x632x64xf32, #tpu.memory_space<vmem>>, vector<1x632x64xf32>
    %swap3A_35 = vector.shape_cast %swap3A_34 : vector<1x632x64xf32> to vector<632x64xf32>
    %swap3A_36 = vector.shape_cast %slice3A_30 : vector<632x64xf32> to vector<1x632x64xf32>
    tpu.vector_store %arg5[%swap3A_31, %swap3A_32, %swap3A_33], %swap3A_36 {strides = array<i32>} : memref<4x632x64xf32, #tpu.memory_space<vmem>>, vector<1x632x64xf32>,
    %slice3A_37 = vector.extract_strided_slice %mul3A_24 {offsets = [0, 128], sizes = [632, 64], strides = [1, 1]} : vector<632x256xf32> to vector<632x64xf32>
    %swap3A_38 = arith.constant 2 : index
    %swap3A_39 = arith.constant 0 : index
    %swap3A_40 = arith.constant 0 : index
    %swap3A_41 = vector.load %arg5[%swap3A_38, %swap3A_39, %swap3A_40] : memref<4x632x64xf32, #tpu.memory_space<vmem>>, vector<1x632x64xf32>
    %swap3A_42 = vector.shape_cast %swap3A_41 : vector<1x632x64xf32> to vector<632x64xf32>
    %swap3A_43 = vector.shape_cast %slice3A_37 : vector<632x64xf32> to vector<1x632x64xf32>
    tpu.vector_store %arg5[%swap3A_38, %swap3A_39, %swap3A_40], %swap3A_43 {strides = array<i32>} : memref<4x632x64xf32, #tpu.memory_space<vmem>>, vector<1x632x64xf32>,
    %slice3A_44 = vector.extract_strided_slice %mul3A_24 {offsets = [0, 192], sizes = [632, 64], strides = [1, 1]} : vector<632x256xf32> to vector<632x64xf32>
    %swap3A_45 = arith.constant 3 : index
    %swap3A_46 = arith.constant 0 : index
    %swap3A_47 = arith.constant 0 : index
    %swap3A_48 = vector.load %arg5[%swap3A_45, %swap3A_46, %swap3A_47] : memref<4x632x64xf32, #tpu.memory_space<vmem>>, vector<1x632x64xf32>
    %swap3A_49 = vector.shape_cast %swap3A_48 : vector<1x632x64xf32> to vector<632x64xf32>
    %swap3A_50 = vector.shape_cast %slice3A_44 : vector<632x64xf32> to vector<1x632x64xf32>
    tpu.vector_store %arg5[%swap3A_45, %swap3A_46, %swap3A_47], %swap3A_50 {strides = array<i32>} : memref<4x632x64xf32, #tpu.memory_space<vmem>>, vector<1x632x64xf32>,
    return
  }
  func.func @transform_0(%arg0: i32) -> (i32, i32, i32) {
    %c0_i32 = arith.constant 0 : i32
    %c0_i32_0 = arith.constant 0 : i32
    %c0_i32_1 = arith.constant 0 : i32
    return %c0_i32, %arg0, %c0_i32_0 : i32, i32, i32
  }
  func.func @transform_1(%arg0: i32) -> (i32, i32) {
    %c0_i32 = arith.constant 0 : i32
    %c0_i32_0 = arith.constant 0 : i32
    return %arg0, %c0_i32 : i32, i32
  }
  func.func @transform_2(%arg0: i32) -> (i32, i32) {
    %c0_i32 = arith.constant 0 : i32
    %c0_i32_0 = arith.constant 0 : i32
    %c0_i32_1 = arith.constant 0 : i32
    return %c0_i32, %c0_i32_0 : i32, i32
  }
  func.func @transform_3(%arg0: i32) -> (i32, i32) {
    %c0_i32 = arith.constant 0 : i32
    %c0_i32_0 = arith.constant 0 : i32
    %c0_i32_1 = arith.constant 0 : i32
    return %c0_i32, %c0_i32_0 : i32, i32
  }
  func.func @transform_4(%arg0: i32) -> (i32, i32, i32) {
    %c0_i32 = arith.constant 0 : i32
    %c0_i32_0 = arith.constant 0 : i32
    %c0_i32_1 = arith.constant 0 : i32
    return %c0_i32, %arg0, %c0_i32_0 : i32, i32, i32
  }
}

module attributes {stable_mosaic.version = 14 : i64} {
  func.func @_tc_conv2_body(%arg0: i32, %arg1: memref<4x632x64xf32, #tpu.memory_space<vmem>>, %arg2: memref<632x1xf32, #tpu.memory_space<vmem>>, %arg3: memref<256x256xf32, #tpu.memory_space<vmem>>, %arg4: memref<1x256xf32, #tpu.memory_space<vmem>>, %arg5: memref<256x10xf32, #tpu.memory_space<vmem>>, %arg6: memref<1x10xf32, #tpu.memory_space<vmem>>, %arg7: memref<1x10xf32, #tpu.memory_space<vmem>>, %arg8: memref<1x256xf32, #tpu.memory_space<vmem>>) attributes {dimension_semantics = [#tpu.dimension_semantics<arbitrary>], iteration_bounds = array<i64: 16>, scalar_prefetch = 0 : i64, scratch_operands = 1 : i64, tpu.core_type = #tpu.core_type<tc>, window_params = [{transform_indices = @transform_0, window_bounds = array<i64: 4, 632, 64>}, {transform_indices = @transform_1, window_bounds = array<i64: 632, 1>}, {pipeline_mode = #tpu.pipeline_mode<synchronous>, transform_indices = @transform_2, window_bounds = array<i64: 256, 256>}, {pipeline_mode = #tpu.pipeline_mode<synchronous>, transform_indices = @transform_3, window_bounds = array<i64: 1, 256>}, {pipeline_mode = #tpu.pipeline_mode<synchronous>, transform_indices = @transform_4, window_bounds = array<i64: 256, 10>}, {pipeline_mode = #tpu.pipeline_mode<synchronous>, transform_indices = @transform_5, window_bounds = array<i64: 1, 10>}, {pipeline_mode = #tpu.pipeline_mode<synchronous>, transform_indices = @transform_6, window_bounds = array<i64: 1, 10>}]} {
    %get3A = arith.constant 0 : index
    %get3A_0 = arith.constant 0 : index
    %get3A_1 = vector.load %arg2[%get3A, %get3A_0] : memref<632x1xf32, #tpu.memory_space<vmem>>, vector<632x1xf32>
    %get3A_2 = arith.constant 0 : index
    %get3A_3 = arith.constant 0 : index
    %get3A_4 = arith.constant 0 : index
    %get3A_5 = vector.load %arg1[%get3A_2, %get3A_3, %get3A_4] : memref<4x632x64xf32, #tpu.memory_space<vmem>>, vector<1x632x64xf32>
    %get3A_6 = vector.shape_cast %get3A_5 : vector<1x632x64xf32> to vector<632x64xf32>
    %get3A_7 = arith.constant 1 : index
    %get3A_8 = arith.constant 0 : index
    %get3A_9 = arith.constant 0 : index
    %get3A_10 = vector.load %arg1[%get3A_7, %get3A_8, %get3A_9] : memref<4x632x64xf32, #tpu.memory_space<vmem>>, vector<1x632x64xf32>
    %get3A_11 = vector.shape_cast %get3A_10 : vector<1x632x64xf32> to vector<632x64xf32>
    %get3A_12 = arith.constant 2 : index
    %get3A_13 = arith.constant 0 : index
    %get3A_14 = arith.constant 0 : index
    %get3A_15 = vector.load %arg1[%get3A_12, %get3A_13, %get3A_14] : memref<4x632x64xf32, #tpu.memory_space<vmem>>, vector<1x632x64xf32>
    %get3A_16 = vector.shape_cast %get3A_15 : vector<1x632x64xf32> to vector<632x64xf32>
    %get3A_17 = arith.constant 3 : index
    %get3A_18 = arith.constant 0 : index
    %get3A_19 = arith.constant 0 : index
    %get3A_20 = vector.load %arg1[%get3A_17, %get3A_18, %get3A_19] : memref<4x632x64xf32, #tpu.memory_space<vmem>>, vector<1x632x64xf32>
    %get3A_21 = vector.shape_cast %get3A_20 : vector<1x632x64xf32> to vector<632x64xf32>
    %concatenate3A = tpu.concatenate %get3A_6, %get3A_11, %get3A_16, %get3A_21 in 1 : vector<632x64xf32>, vector<632x64xf32>, vector<632x64xf32>, vector<632x64xf32> -> vector<632x256xf32>
    %mul3A = vector.broadcast %get3A_1 : vector<632x1xf32> to vector<632x256xf32>
    %mul3A_22 = arith.mulf %mul3A, %concatenate3A : vector<632x256xf32>
    %get3A_23 = arith.constant 0 : index
    %get3A_24 = arith.constant 0 : index
    %get3A_25 = vector.load %arg3[%get3A_23, %get3A_24] : memref<256x256xf32, #tpu.memory_space<vmem>>, vector<256x256xf32>
    %dot_general3A = arith.constant dense<0.000000e+00> : vector<632x256xf32>
    %dot_general3A_26 = tpu.matmul %mul3A_22, %get3A_25, %dot_general3A {dimension_numbers = #tpu.dot_dimension_numbers<[1], [0], [0], [1], [0, 0, 1, 1], [], []>, transpose_lhs_hint = false} : vector<632x256xf32>, vector<256x256xf32>, vector<632x256xf32> -> vector<632x256xf32>
    %get3A_27 = arith.constant 0 : index
    %get3A_28 = arith.constant 0 : index
    %get3A_29 = vector.load %arg4[%get3A_27, %get3A_28] : memref<1x256xf32, #tpu.memory_space<vmem>>, vector<1x256xf32>
    %add3A = vector.broadcast %get3A_29 : vector<1x256xf32> to vector<632x256xf32>
    %add3A_30 = arith.addf %dot_general3A_26, %add3A : vector<632x256xf32>
    %max3A = arith.constant 0.000000e+00 : f32
    %max3A_31 = vector.broadcast %max3A : f32 to vector<632x256xf32>
    %max3A_32 = arith.maximumf %add3A_30, %max3A_31 : vector<632x256xf32>
    %mul3A_33 = arith.constant 632 : i32
    %mul3A_34 = arith.muli %arg0, %mul3A_33 : i32
    %iota3A = tpu.iota {dimensions = array<i32: 0>} : vector<632x1xi32>
    %add3A_35 = vector.broadcast %mul3A_34 : i32 to vector<632x1xi32>
    %add3A_36 = arith.addi %add3A_35, %iota3A : vector<632x1xi32>
    %lt3A = arith.constant 10000 : i32
    %lt3A_37 = vector.broadcast %lt3A : i32 to vector<632x1xi32>
    %lt3A_38 = arith.cmpi slt, %add3A_36, %lt3A_37 : vector<632x1xi32>
    %jit3A = arith.constant 0.000000e+00 : f32
    %broadcast_in_dim3A = vector.shape_cast %lt3A_38 : vector<632x1xi1> to vector<632x1xi1>
    %broadcast_in_dim3A_39 = vector.broadcast %broadcast_in_dim3A : vector<632x1xi1> to vector<632x256xi1>
    %broadcast_in_dim3A_40 = vector.broadcast %jit3A : f32 to vector<632x256xf32>
    %select_n3A = arith.select %broadcast_in_dim3A_39, %max3A_32, %broadcast_in_dim3A_40 : vector<632x256xi1>, vector<632x256xf32>
    %reduce_sum3A = arith.constant dense<0.000000e+00> : vector<256xf32>
    %reduce_sum3A_41 = vector.multi_reduction <add>, %select_n3A, %reduce_sum3A [0] : vector<632x256xf32> to vector<256xf32>
    %broadcast_in_dim3A_42 = vector.shape_cast %reduce_sum3A_41 : vector<256xf32> to vector<1x256xf32>
    %eq3A = arith.constant 0 : i32
    %eq3A_43 = arith.cmpi eq, %arg0, %eq3A : i32
    %convert_element_type3A = arith.extui %eq3A_43 : i1 to i32
    %cond3A = arith.constant 0 : i32
    %cond3A_44 = arith.cmpi ne, %convert_element_type3A, %cond3A : i32
    scf.if %cond3A_44 {
      %broadcast_in_dim3A_56 = arith.constant 0.000000e+00 : f32
      %broadcast_in_dim3A_57 = vector.broadcast %broadcast_in_dim3A_56 : f32 to vector<1x256xf32>
      %swap3A_58 = arith.constant 0 : index
      %swap3A_59 = arith.constant 0 : index
      %swap3A_60 = vector.load %arg8[%swap3A_58, %swap3A_59] : memref<1x256xf32, #tpu.memory_space<vmem>>, vector<1x256xf32>
      tpu.vector_store %arg8[%swap3A_58, %swap3A_59], %broadcast_in_dim3A_57 {strides = array<i32>} : memref<1x256xf32, #tpu.memory_space<vmem>>, vector<1x256xf32>,
    } else {
    }
    %get3A_45 = arith.constant 0 : index
    %get3A_46 = arith.constant 0 : index
    %get3A_47 = vector.load %arg8[%get3A_45, %get3A_46] : memref<1x256xf32, #tpu.memory_space<vmem>>, vector<1x256xf32>
    %add3A_48 = arith.addf %get3A_47, %broadcast_in_dim3A_42 : vector<1x256xf32>
    %swap3A = arith.constant 0 : index
    %swap3A_49 = arith.constant 0 : index
    %swap3A_50 = vector.load %arg8[%swap3A, %swap3A_49] : memref<1x256xf32, #tpu.memory_space<vmem>>, vector<1x256xf32>
    tpu.vector_store %arg8[%swap3A, %swap3A_49], %add3A_48 {strides = array<i32>} : memref<1x256xf32, #tpu.memory_space<vmem>>, vector<1x256xf32>,
    %eq3A_51 = arith.constant 15 : i32
    %eq3A_52 = arith.cmpi eq, %arg0, %eq3A_51 : i32
    %convert_element_type3A_53 = arith.extui %eq3A_52 : i1 to i32
    %cond3A_54 = arith.constant 0 : i32
    %cond3A_55 = arith.cmpi ne, %convert_element_type3A_53, %cond3A_54 : i32
    scf.if %cond3A_55 {
      %get3A_56 = arith.constant 0 : index
      %get3A_57 = arith.constant 0 : index
      %get3A_58 = vector.load %arg8[%get3A_56, %get3A_57] : memref<1x256xf32, #tpu.memory_space<vmem>>, vector<1x256xf32>
      %get3A_59 = arith.constant 0 : index
      %get3A_60 = arith.constant 0 : index
      %get3A_61 = vector.load %arg5[%get3A_59, %get3A_60] : memref<256x10xf32, #tpu.memory_space<vmem>>, vector<256x10xf32>
      %dot_general3A_62 = arith.constant dense<0.000000e+00> : vector<1x10xf32>
      %dot_general3A_63 = tpu.matmul %get3A_58, %get3A_61, %dot_general3A_62 {dimension_numbers = #tpu.dot_dimension_numbers<[1], [0], [0], [1], [0, 0, 1, 1], [], []>, transpose_lhs_hint = false} : vector<1x256xf32>, vector<256x10xf32>, vector<1x10xf32> -> vector<1x10xf32>
      %get3A_64 = arith.constant 0 : index
      %get3A_65 = arith.constant 0 : index
      %get3A_66 = vector.load %arg6[%get3A_64, %get3A_65] : memref<1x10xf32, #tpu.memory_space<vmem>>, vector<1x10xf32>
      %add3A_67 = arith.addf %dot_general3A_63, %get3A_66 : vector<1x10xf32>
      %swap3A_68 = arith.constant 0 : index
      %swap3A_69 = arith.constant 0 : index
      %swap3A_70 = vector.load %arg7[%swap3A_68, %swap3A_69] : memref<1x10xf32, #tpu.memory_space<vmem>>, vector<1x10xf32>
      tpu.vector_store %arg7[%swap3A_68, %swap3A_69], %add3A_67 {strides = array<i32>} : memref<1x10xf32, #tpu.memory_space<vmem>>, vector<1x10xf32>,
    } else {
    }
    return
  }
  func.func @transform_0(%arg0: i32) -> (i32, i32, i32) {
    %c0_i32 = arith.constant 0 : i32
    %c0_i32_0 = arith.constant 0 : i32
    %c0_i32_1 = arith.constant 0 : i32
    return %c0_i32, %arg0, %c0_i32_0 : i32, i32, i32
  }
  func.func @transform_1(%arg0: i32) -> (i32, i32) {
    %c0_i32 = arith.constant 0 : i32
    %c0_i32_0 = arith.constant 0 : i32
    return %arg0, %c0_i32 : i32, i32
  }
  func.func @transform_2(%arg0: i32) -> (i32, i32) {
    %c0_i32 = arith.constant 0 : i32
    %c0_i32_0 = arith.constant 0 : i32
    %c0_i32_1 = arith.constant 0 : i32
    return %c0_i32, %c0_i32_0 : i32, i32
  }
  func.func @transform_3(%arg0: i32) -> (i32, i32) {
    %c0_i32 = arith.constant 0 : i32
    %c0_i32_0 = arith.constant 0 : i32
    %c0_i32_1 = arith.constant 0 : i32
    return %c0_i32, %c0_i32_0 : i32, i32
  }
  func.func @transform_4(%arg0: i32) -> (i32, i32) {
    %c0_i32 = arith.constant 0 : i32
    %c0_i32_0 = arith.constant 0 : i32
    %c0_i32_1 = arith.constant 0 : i32
    return %c0_i32, %c0_i32_0 : i32, i32
  }
  func.func @transform_5(%arg0: i32) -> (i32, i32) {
    %c0_i32 = arith.constant 0 : i32
    %c0_i32_0 = arith.constant 0 : i32
    %c0_i32_1 = arith.constant 0 : i32
    return %c0_i32, %c0_i32_0 : i32, i32
  }
  func.func @transform_6(%arg0: i32) -> (i32, i32) {
    %c0_i32 = arith.constant 0 : i32
    %c0_i32_0 = arith.constant 0 : i32
    %c0_i32_1 = arith.constant 0 : i32
    return %c0_i32, %c0_i32_0 : i32, i32
  }
}

</mosaic_0001>

<sc_bundles>
// kernel: kernel.11.cloned.1.call-start
scs
__scs_entry_jumppad:
0x0: {  	(pc) =	sbr.rel $0x88, $3  }
0x1: {  	(tag) =	ssettag $0x0;
	lr =	simm.s32 $0x1  }
0x2: {  	[smem:$0x3F99] =	sst lr;
	_ =	strace $0xD0000000  }
0x3: {  	_ = 	snop  }
0x4: {  	_ = 	snop  }
0x5: {  	_ = 	snop  }
0x6: {  	_ = 	snop  }
0x7: {  	_ = 	snop  }
__scs_overlays_trampoline_lowered:
0x8: {  	[smem:$0x3FA8] =	sst s0  }
0x9: {  	[smem:$0x3FA9] =	sst s1  }
0xa: {  	[smem:$0x3FAA] =	sst s2  }
0xb: {  	[smem:$0x3FAB] =	sst s3  }
0xc: {  	[smem:$0x3FAC] =	sst s4  }
0xd: {  	[smem:$0x3FAD] =	sst s5  }
0xe: {  	[smem:$0x3FAE] =	sst s6  }
0xf: {  	[smem:$0x3FAF] =	sst s7  }
0x10: {  	[smem:$0x3FB0] =	sst s8  }
0x11: {  	[smem:$0x3FB1] =	sst s9;
	s0 =	simm.s32 @!p0 $0x0  }
0x12: {  	s1 =	sld [smem:$0x3F97];
	s0 =	simm.s32 @p0 $0x1  }
0x13: {  	[smem:$0x3FB2] =	sst s0;
	s0 =	simm.s32 @!p1 $0x0  }
0x14: {  	s2 =	sld [smem:$0x3F96];
	s0 =	simm.s32 @p1 $0x1  }
0x15: {  	[smem:$0x3FB3] =	sst s0;
	s0 =	simm.s32 @!p2 $0x0  }
0x16: {  	s3 =	sld [smem:$0x3FDB];
	s0 =	simm.s32 @p2 $0x1  }
0x17: {  	s4 =	simm.s32 $0x1BF5;
	[smem:$0x3FB5] =	sst s0  }
0x18: {  	s0 =	sld [smem:$0x3F98];
	_ =	swait.ge [sflag:s4], $0x0  }
0x19: {  	s7 =	sld [smem:$0x3F99]  }
0x1a: {  	s8 =	sadd.s32 $0xFFFFE003, lr  }
0x1b: {  	s9 =	sadd.s32 $0xFFFFFEF7, lr;
	s5 =	simm.s32 $0xFFFFFFFF;
	p2 =	slt.u32 s8, $0xFFFFF086  }
0x1c: {  	p1 =	slt.u32 s9, $0xF7A;
	s5 =	simm.s32 @!p2 $0x0  }
0x1d: {  	s5 =	simm.s32 @p1 $0x1;
	p0 =	seq.s32 s7, s2  }
0x1e: {  	s7 =	smul.u32 @!p0 $0xF7A, s2;
	p2 =	seq.s32 @!p0 s5, $0x0  }
0x1f: {  	s9 =	smul.u32 $0xF7A, s1;
	s8 =	simm.s32 @!p0 $0x1BF5;
	p2 =	por !p2, p0  }
0x20: {  	[sflag:s8] =	ssyncset.s32 @!p0 $0xFFFFF086;
	s6 =	sadd.s32 @!p0 s3, s7;
	s7 =	simm.s32 @!p0 $0x108  }
0x21: {  	s3 =	sadd.s32 s3, s9;
	s6 =	sadd.s32 @!p0 $0x88, s6;
	s7 =	simm.s32 @p2 $0x1082  }
0x22: {  	[simem:s7], [sflag:s8] =	dma.local @!p0 [hbm:s6], $0xF7A  }
0x23: {  	s9 =	sor.u32 $0xD0000000, s2;
	s6 =	simm.s32 $0x108;
	_ =	swait.ge @!p0 [sflag:s8], $0x0  }
0x24: {  	s3 =	sadd.s32 $0x88, s3;
	s6 =	simm.s32 @!p1 $0x1082;
	[sflag:s4] =	ssyncset.s32 $0xFFFFF086  }
0x25: {  	[simem:s6], [sflag:s4] =	dma.local [hbm:s3], $0xF7A  }
0x26: {  	[smem:$0x3F99] =	sst s1;
	(tag) =	ssettag s2;
	_ =	strace s9  }
0x27: {  	s1 =	sld [smem:$0x3FA9]  }
0x28: {  	s2 =	sld [smem:$0x3FAA]  }
0x29: {  	s4 =	sld [smem:$0x3FAC]  }
0x2a: {  	p0 =	seq.s32 s5, $0x0;
	s5 =	sld [smem:$0x3FAD]  }
0x2b: {  	s6 =	sld [smem:$0x3FAE]  }
0x2c: {  	s7 =	sld [smem:$0x3FAF]  }
0x2d: {  	s3 =	simm.s32 $0x108;
	s8 =	sld [smem:$0x3FB0]  }
0x2e: {  	s3 =	simm.s32 @!p0 $0x1082;
	s9 =	sld [smem:$0x3FB1]  }
0x2f: {  	lr =	sadd.s32 s0, s3;
	s0 =	sld [smem:$0x3FA8]  }
0x30: {  	s3 =	sld [smem:$0x3FAB]  }
0x31: {  	[smem:$0x3FB4] =	sst s10  }
0x32: {  	s10 =	sld [smem:$0x3FB2];
	_ =	sdelay $0x3  }
0x33: {  	p0 =	seq.s32 s10, $0x1;
	s10 =	sld [smem:$0x3FB4];
	_ =	sdelay $0x3  }
0x34: {  	[smem:$0x3FB4] =	sst s10  }
0x35: {  	s10 =	sld [smem:$0x3FB3];
	_ =	sdelay $0x3  }
0x36: {  	p1 =	seq.s32 s10, $0x1;
	s10 =	sld [smem:$0x3FB4];
	_ =	sdelay $0x3  }
0x37: {  	[smem:$0x3FB4] =	sst s10  }
0x38: {  	s10 =	sld [smem:$0x3FB5]  }
0x39: {  	_ = 	snop;
	(pc) =	sbr.ind lr, $3  }
0x3a: {  	_ = 	snop  }
0x3b: {  	_ = 	snop  }
0x3c: {  	p2 =	seq.s32 s10, $0x1;
	s10 =	sld [smem:$0x3FB4]  }
0x3d: {  	_ =	shalt  }
0x3e: {  	_ =	shalt  }
0x3f: {  	_ =	shalt  }
0x40: {  	_ =	shalt  }
0x41: {  	_ =	shalt  }
0x42: {  	_ =	shalt  }
0x43: {  	_ =	shalt  }
0x44: {  	_ =	shalt  }
0x45: {  	_ =	shalt  }
0x46: {  	_ =	shalt  }
0x47: {  	_ =	shalt  }
0x48: {  	_ =	shalt  }
0x49: {  	_ =	shalt  }
0x4a: {  	_ =	shalt  }
0x4b: {  	_ =	shalt  }
0x4c: {  	_ =	shalt  }
0x4d: {  	_ =	shalt  }
0x4e: {  	_ =	shalt  }
0x4f: {  	_ =	shalt  }
0x50: {  	_ =	shalt  }
0x51: {  	_ =	shalt  }
0x52: {  	_ =	shalt  }
0x53: {  	_ =	shalt  }
0x54: {  	_ =	shalt  }
0x55: {  	_ =	shalt  }
0x56: {  	_ =	shalt  }
0x57: {  	_ =	shalt  }
0x58: {  	_ =	shalt  }
0x59: {  	_ =	shalt  }
0x5a: {  	_ =	shalt  }
0x5b: {  	_ =	shalt  }
0x5c: {  	_ =	shalt  }
0x5d: {  	_ =	shalt  }
0x5e: {  	_ =	shalt  }
0x5f: {  	_ =	shalt  }
0x60: {  	_ =	shalt  }
0x61: {  	_ =	shalt  }
0x62: {  	_ =	shalt  }
0x63: {  	_ =	shalt  }
0x64: {  	_ =	shalt  }
0x65: {  	_ =	shalt  }
0x66: {  	_ =	shalt  }
0x67: {  	_ =	shalt  }
0x68: {  	_ =	shalt  }
0x69: {  	_ =	shalt  }
0x6a: {  	_ =	shalt  }
0x6b: {  	_ =	shalt  }
0x6c: {  	_ =	shalt  }
0x6d: {  	_ =	shalt  }
0x6e: {  	_ =	shalt  }
0x6f: {  	_ =	shalt  }
0x70: {  	_ =	shalt  }
0x71: {  	_ =	shalt  }
0x72: {  	_ =	shalt  }
0x73: {  	_ =	shalt  }
0x74: {  	_ =	shalt  }
0x75: {  	_ =	shalt  }
0x76: {  	_ =	shalt  }
0x77: {  	_ =	shalt  }
0x78: {  	_ =	shalt  }
0x79: {  	_ =	shalt  }
0x7a: {  	_ =	shalt  }
0x7b: {  	_ =	shalt  }
0x7c: {  	_ =	shalt  }
0x7d: {  	_ =	shalt  }
0x7e: {  	_ =	shalt  }
0x7f: {  	_ =	shalt  }
0x80: {  	_ =	shalt  }
0x81: {  	_ =	shalt  }
0x82: {  	_ =	shalt  }
0x83: {  	_ =	shalt  }
0x84: {  	_ =	shalt  }
0x85: {  	_ =	shalt  }
0x86: {  	_ =	shalt  }
0x87: {  	_ =	shalt  }
.Lfunc_end0:
.L_simem_size_0:
called_computation.1_lowered:
.L_overlay_start_0:
0x88: {  	s2 =	sld [smem:$0x3FD9]  }
0x89: {  	s3 =	sld [smem:$0x3FFE];
	_ =	sdelay $0x1  }
0x8a: {  	s1 =	srdreg.scid  }
0x8b: {  	s0 =	sand.u32 $0x1, s1  }
0x8c: {  	s16 =	sshll.u32 s0, $0xA;
	s2 =	sadd.s32 s3, s2  }
0x8d: {  	s2 =	sadd.s32 s2, s16  }
0x8e: {  	[smem:$0x3FC0] =	sst s2  }
0x8f: {  	_ = 	snop  }
0x90: {  	(tm) =	ssettm $0x1  }
0x91: {  	s17 =	sld [smem:$0x3FFB];
	_ =	sdelay $0x3  }
0x92: {  	_ =	strace s17  }
0x93: {  	s2 =	sld [smem:$0x3FFC];
	_ =	sdelay $0x3  }
0x94: {  	_ =	strace s2  }
0x95: {  	s2 =	sld [smem:$0x3FFD];
	_ =	sdelay $0x3  }
0x96: {  	_ =	strace s2  }
0x97: {  	_ =	strace $0x8FFFFFFF  }
0x98: {  	s18 =	sld [smem:$0x3FDB];
	_ =	sdelay $0x1  }
0x99: {  	s19 =	simm.s32 $_scs_section_size  }
0x9a: {  	s4 =	simm.s32 $_size__tile_overlayer_lowered;
	s5 =	simm.s32 $_tile_overlayer_lowered  }
0x9b: {  	s22 =	simm.s32 $0x1BFF;
	s21 =	sshll.u32 s5, $0x1;
	s2 =	sadd.s32 s19, s18  }
0x9c: {  	s6 =	simm.s32 $0x0;
	s20 =	sshll.u32 s4, $0x1;
	s4 =	sadd.s32 s21, s2  }
0x9d: {  	[timem:s6], [sflag:s22] =	dma.local [hbm:s4], s20  }
0x9e: {  	_ =	swait.ge [sflag:s22], s20  }
0x9f: {  	s3 =	ssub.s32 $0x0, s20;
	[sflag:s22] =	ssyncset.done $0x0  }
0xa0: {  	[sflag:s22] =	ssyncadd.s32 s3;
	_ =	sdelay $0x1  }
0xa1: {  	s23 =	simm.s32 $0x1B8B  }
0xa2: {  	_ =	swait.ge [sflag:s23], $0x1  }
0xa3: {  	[sflag:s23] =	ssyncset.done $0x0  }
0xa4: {  	s25 =	simm.s32 $0x1B8E;
	s24 =	sld [smem:$0x3FFE];
	[sflag:s23] =	ssyncadd.s32 $0xFFFFFFFF  }
0xa5: {  	s26 =	simm.s32 $execute0_lowered;
	[smem:$0x3FD2] =	sst s25  }
0xa6: {  	s4 =	sshll.u32 s26, $0x1;
	_ =	strace $0x80000049;
	[dreg:$0x1] =	wrdreg $0xFFFFFFFF  }
0xa7: {  	s28 =	simm.s32 $_size_execute0_lowered;
	s2 =	sadd.s32 s2, s4;
	[dreg:$0x0] =	wrdreg $0x0  }
0xa8: {  	s4 =	sshll.u32 s28, $0x1;
	[dreg:$0x2] =	wrdreg s2  }
0xa9: {  	[dreg:$0x3] =	wrdreg s4  }
0xaa: {  	[dreg:$0x4] =	wrdreg $0xC0  }
0xab: {  	_ =	task [dreg:s6], $0x5FFFF  }
0xac: {  	[dreg:$0x1] =	wrdreg $0xFFFFFFFF  }
0xad: {  	[dreg:$0x0] =	wrdreg $0x60  }
0xae: {  	[dreg:$0x2] =	wrdreg s24  }
0xaf: {  	[dreg:$0x3] =	wrdreg $0x100400  }
0xb0: {  	[dreg:$0x4] =	wrdreg $0x9  }
0xb1: {  	_ =	task.clear_ibuf [dreg:s6], $0x5FFFF;
	_ =	strace $0x90000049  }
0xb2: {  	s29 =	simm.s32 $0x9;
	_ =	strace $0x8000004B  }
0xb3: {  	_ =	swait.ge [sflag:s29], $0x1  }
0xb4: {  	[sflag:s29] =	ssyncadd.s32 $0xFFFFFFFF  }
0xb5: {  	_ =	strace $0x9000004B  }
0xb6: {  	_ =	sfence  }
0xb7: {  	s30 =	sld [smem:$0x0];
	_ =	sdelay $0x2  }
0xb8: {  	s31 =	sshll.u32 s1, $0xD;
	s1 =	sshrl.u32 s1, $0x2  }
0xb9: {  	s3 =	sand.u32 $0x4000, s31;
	s1 =	sadd.s32 s1, s30  }
0xba: {  	s0 =	sor.u32 s3, s0;
	s1 =	sshll.u32 s1, $0x11  }
0xbb: {  	s0 =	sor.u32 s1, s0  }
0xbc: {  	s0 =	sadd.s32 $0x8F2B, s0  }
0xbd: {  	[sflag:s0] =	ssyncadd.remote.s32 $0x1  }
0xbe: {  	_ =	sfence.sel $0xFFFF  }
0xbf: {  	[dreg:$0x0] =	wrdreg $0xFFFFFFFF;
	(pc) =	sbr.abs _section_cstart, $3  }
0xc0: {  	[dreg:$0x1] =	wrdreg $0xFFFFFFFF  }
0xc1: {  	_ =	task.clear_ibuf [dreg:s6], $0x2FFFF;
	_ =	strace $0x9FFFFFFF  }
0xc2: {  	(tm) =	ssettm $0x7FFFFFFF  }
0xc3: {  	_ =	shalt  }
tec
execute0_lowered:
.L_overlay_start_1:
0x0: {  	(tag) =	ssettag $0x1  }
0x1: {  	s0 =	rddreg [dreg:$0x0]  }
0x2: {  	s2 =	rddreg [dreg:$0x1];
	s11 =	stileid.u32  }
0x3: {  	s1 =	srdreg.scid;
	s3 =	simm.s32 $0x0;
	s8 =	simm.s32 $0xB  }
0x4: {  	s9 =	simm.s32 $0x4E20;
	s13 =	simm.s32 $0x50;
	s14 =	simm.s32 $0x9C40  }
0x5: {  	s15 =	simm.s32 $0xB040;
	s17 =	simm.s32 $0xC440;
	s19 =	simm.s32 $0xD840  }
0x6: {  	s21 =	simm.s32 $0xEC40;
	s22 =	simm.s32 $0x1;
	s23 =	simm.s32 $0x2  }
0x7: {  	s29 =	simm.s32 $0x4;
	s31 =	simm.s32 $0x5;
	s18 =	simm.s32 $0x8  }
0x8: {  	s20 =	simm.s32 $0x9;
	s28 =	simm.s32 $0x0;
	s4 =	smul.u32 $0x9C4, s11  }
0x9: {  	s1 =	sand.u32 $0x1, s1;
	[smem:$0x7FF] =	sst s3;
	s7 =	smul.u32 $0x9E00, s11  }
0xa: {  	s30 =	sshll.u32 s11, $0x6;
	s5 =	smul.u32 $0x13C00, s1;
	_ =	strace $0x8000004A  }
0xb: {  	s1 =	ssub.s32 $0x2, s1;
	s11 =	sor.u32 $0x1C0B, s30;
	s6 =	sadd.s32 s4, s0  }
0xc: {  	s25 =	sshrl.u32 s1, $0x1;
	s12 =	sadd.s32 s7, s2;
	s16 =	sshrl.u32 s7, $0x3  }
0xd: {  	s0 =	sadd.s32 s5, s0;
	s1 =	ssub.s32 s1, s25;
	s26 =	sadd.s32 $0x1400, s6  }
0xe: {  	s5 =	sadd.s32 $0xB200, s6;
	s12 =	sshrl.u32 s12, $0x3;
	s25 =	simm.s32 $0xA  }
0xf: {  	[dreg:$0x3] =	wrdreg s26;
	s6 =	sadd.s32 $0x15000, s0;
	s0 =	sadd.s32 $0x3C800, s0  }
0x10: {  	s7 =	smax.u32 s1, $0x1;
	s26 =	simm.s32 $0x3;
	s1 =	simm.s32 $0x6  }
0x11: {  	s10 =	sadd.s32 s16, s6;
	s24 =	sadd.s32 s16, s0;
	s16 =	simm.s32 $0x7  }
.LBB2_1:
0x12: {  	s0 =	rddreg [dreg:$0x3]  }
0x13: {  	[tilespmem:s3], [sflag:$0xB] =	stream.linear.gather [hbm4b:s0+s3], $0x4E20, $0x38;
	[tilespmem:$0x19E40] =	vst v63  }
0x14: {  	_ =	swait.ge [sflag:s8], $0x4E20  }
0x15: {  	[sflag:s8] =	ssyncset.done $0x0  }
0x16: {  	[sflag:s8] =	ssyncadd.s32 $0xFFFFB1E0  }
0x17: {  	[tilespmem:s9], [sflag:$0xB] =	stream.linear.gather [hbm4b:s5+s3], $0x4E20, $0x38;
	[tilespmem:$0x19E40] =	vst v63  }
0x18: {  	_ =	swait.ge [sflag:s8], $0x4E20  }
0x19: {  	[sflag:s8] =	ssyncset.done $0x0  }
0x1a: {  	[sflag:s8] =	ssyncadd.s32 $0xFFFFB1E0  }
0x1b: {  	[spmem:s12], [sflag:s11] =	dma.local [hbm:s10], $0x13C0  }
0x1c: {  	_ =	swait.ge [sflag:s8], $0x13C0  }
0x1d: {  	[sflag:s8] =	ssyncset.done $0x0  }
0x1e: {  	[sflag:s8] =	ssyncadd.s32 $0xFFFFEC40  }
0x1f: {  	[bflag:$0x0] =	sbarrier.arrive $0xFFFF  }
0x20: {  	[tilespmem:s14], [sflag:$0x1] =	stream.indirect.gather [hbm4b:s6+s13], $0x40, s3, s13, $0xb8;
	[tilespmem:$0x19E40] =	vst v63  }
0x21: {  	_ = 	snop  }
0x22: {  	[tilespmem:s15], [sflag:$0x2] =	stream.indirect.gather [hbm4b:s6+s13], $0x40, s13, s13, $0xb8;
	[tilespmem:$0x19E40] =	vst v63  }
0x23: {  	s4 =	simm.s32 $0xA0  }
0x24: {  	[tilespmem:s17], [sflag:$0x3] =	stream.indirect.gather [hbm4b:s6+s13], $0x40, s4, s13, $0xb8;
	[tilespmem:$0x19E40] =	vst v63  }
0x25: {  	s4 =	simm.s32 $0xF0  }
0x26: {  	[tilespmem:s19], [sflag:$0x4] =	stream.indirect.gather [hbm4b:s6+s13], $0x40, s4, s13, $0xb8;
	[tilespmem:$0x19E40] =	vst v63  }
0x27: {  	s4 =	simm.s32 $0x140  }
0x28: {  	[tilespmem:s21], [sflag:$0x5] =	stream.indirect.gather [hbm4b:s6+s13], $0x40, s4, s13, $0xb8;
	[tilespmem:$0x19E40] =	vst v63  }
0x29: {  	_ =	swait.ge [sflag:s22], $0x1400  }
0x2a: {  	[sflag:s22] =	ssyncset.done $0x0  }
0x2b: {  	[sflag:s22] =	ssyncadd.s32 $0xFFFFEC00  }
0x2c: {  	[spmem:s2] =	stream.indirect.scatter.add.f32 [tilespmem:s14], [sflag:$0x6], $0x40, s9, s13, $0xb8;
	[tilespmem:$0x19E40] =	vst v63  }
0x2d: {  	_ =	swait.ge [sflag:s23], $0x1400  }
0x2e: {  	[sflag:s23] =	ssyncset.done $0x0  }
0x2f: {  	s4 =	simm.s32 $0x4E70;
	[sflag:s23] =	ssyncadd.s32 $0xFFFFEC00  }
0x30: {  	[spmem:s2] =	stream.indirect.scatter.add.f32 [tilespmem:s15], [sflag:$0x7], $0x40, s4, s13, $0xb8;
	[tilespmem:$0x19E40] =	vst v63  }
0x31: {  	_ =	swait.ge [sflag:s26], $0x1400  }
0x32: {  	[sflag:s26] =	ssyncset.done $0x0  }
0x33: {  	s4 =	simm.s32 $0x4EC0;
	[sflag:s26] =	ssyncadd.s32 $0xFFFFEC00  }
0x34: {  	[spmem:s2] =	stream.indirect.scatter.add.f32 [tilespmem:s17], [sflag:$0x8], $0x40, s4, s13, $0xb8;
	[tilespmem:$0x19E40] =	vst v63  }
0x35: {  	_ =	swait.ge [sflag:s29], $0x1400  }
0x36: {  	[sflag:s29] =	ssyncset.done $0x0  }
0x37: {  	s4 =	simm.s32 $0x4F10;
	[sflag:s29] =	ssyncadd.s32 $0xFFFFEC00  }
0x38: {  	[spmem:s2] =	stream.indirect.scatter.add.f32 [tilespmem:s19], [sflag:$0x9], $0x40, s4, s13, $0xb8;
	[tilespmem:$0x19E40] =	vst v63  }
0x39: {  	_ =	swait.ge [sflag:s31], $0x1400  }
0x3a: {  	[sflag:s31] =	ssyncset.done $0x0  }
0x3b: {  	s4 =	simm.s32 $0x4F60;
	[sflag:s31] =	ssyncadd.s32 $0xFFFFEC00  }
0x3c: {  	[spmem:s2] =	stream.indirect.scatter.add.f32 [tilespmem:s21], [sflag:$0xA], $0x40, s4, s13, $0xb8;
	[tilespmem:$0x19E40] =	vst v63  }
0x3d: {  	_ =	swait.ge [sflag:s1], $0x1400  }
0x3e: {  	[sflag:s1] =	ssyncset.done $0x0  }
0x3f: {  	s4 =	simm.s32 $0x190;
	[sflag:s1] =	ssyncadd.s32 $0xFFFFEC00  }
0x40: {  	[tilespmem:s14], [sflag:$0x1] =	stream.indirect.gather [hbm4b:s6+s13], $0x40, s4, s13, $0xb8;
	[tilespmem:$0x19E40] =	vst v63  }
0x41: {  	_ =	swait.ge [sflag:s16], $0x1400  }
0x42: {  	[sflag:s16] =	ssyncset.done $0x0  }
0x43: {  	s4 =	simm.s32 $0x1E0;
	[sflag:s16] =	ssyncadd.s32 $0xFFFFEC00  }
0x44: {  	[tilespmem:s15], [sflag:$0x2] =	stream.indirect.gather [hbm4b:s6+s13], $0x40, s4, s13, $0xb8;
	[tilespmem:$0x19E40] =	vst v63  }
0x45: {  	_ =	swait.ge [sflag:s18], $0x1400  }
0x46: {  	[sflag:s18] =	ssyncset.done $0x0  }
0x47: {  	s4 =	simm.s32 $0x230;
	[sflag:s18] =	ssyncadd.s32 $0xFFFFEC00  }
0x48: {  	[tilespmem:s17], [sflag:$0x3] =	stream.indirect.gather [hbm4b:s6+s13], $0x40, s4, s13, $0xb8;
	[tilespmem:$0x19E40] =	vst v63  }
0x49: {  	_ =	swait.ge [sflag:s20], $0x1400  }
0x4a: {  	[sflag:s20] =	ssyncset.done $0x0  }
0x4b: {  	s4 =	simm.s32 $0x280;
	[sflag:s20] =	ssyncadd.s32 $0xFFFFEC00  }
0x4c: {  	[tilespmem:s19], [sflag:$0x4] =	stream.indirect.gather [hbm4b:s6+s13], $0x40, s4, s13, $0xb8;
	[tilespmem:$0x19E40] =	vst v63  }
0x4d: {  	_ =	swait.ge [sflag:s25], $0x1400  }
0x4e: {  	[sflag:s25] =	ssyncset.done $0x0  }
0x4f: {  	s4 =	simm.s32 $0x2D0;
	[sflag:s25] =	ssyncadd.s32 $0xFFFFEC00  }
0x50: {  	[tilespmem:s21], [sflag:$0x5] =	stream.indirect.gather [hbm4b:s6+s13], $0x40, s4, s13, $0xb8;
	[tilespmem:$0x19E40] =	vst v63  }
0x51: {  	_ =	swait.ge [sflag:s22], $0x1400  }
0x52: {  	[sflag:s22] =	ssyncset.done $0x0  }
0x53: {  	s4 =	simm.s32 $0x4FB0;
	[sflag:s22] =	ssyncadd.s32 $0xFFFFEC00  }
0x54: {  	[spmem:s2] =	stream.indirect.scatter.add.f32 [tilespmem:s14], [sflag:$0x6], $0x40, s4, s13, $0xb8;
	[tilespmem:$0x19E40] =	vst v63  }
0x55: {  	_ =	swait.ge [sflag:s23], $0x1400  }
0x56: {  	[sflag:s23] =	ssyncset.done $0x0  }
0x57: {  	s4 =	simm.s32 $0x5000;
	[sflag:s23] =	ssyncadd.s32 $0xFFFFEC00  }
0x58: {  	[spmem:s2] =	stream.indirect.scatter.add.f32 [tilespmem:s15], [sflag:$0x7], $0x40, s4, s13, $0xb8;
	[tilespmem:$0x19E40] =	vst v63  }
0x59: {  	_ =	swait.ge [sflag:s26], $0x1400  }
0x5a: {  	[sflag:s26] =	ssyncset.done $0x0  }
0x5b: {  	s4 =	simm.s32 $0x5050;
	[sflag:s26] =	ssyncadd.s32 $0xFFFFEC00  }
0x5c: {  	[spmem:s2] =	stream.indirect.scatter.add.f32 [tilespmem:s17], [sflag:$0x8], $0x40, s4, s13, $0xb8;
	[tilespmem:$0x19E40] =	vst v63  }
0x5d: {  	_ =	swait.ge [sflag:s29], $0x1400  }
0x5e: {  	[sflag:s29] =	ssyncset.done $0x0  }
0x5f: {  	s4 =	simm.s32 $0x50A0;
	[sflag:s29] =	ssyncadd.s32 $0xFFFFEC00  }
0x60: {  	[spmem:s2] =	stream.indirect.scatter.add.f32 [tilespmem:s19], [sflag:$0x9], $0x40, s4, s13, $0xb8;
	[tilespmem:$0x19E40] =	vst v63  }
0x61: {  	_ =	swait.ge [sflag:s31], $0x1400  }
0x62: {  	[sflag:s31] =	ssyncset.done $0x0  }
0x63: {  	s30 =	simm.s32 $0x640;
	s0 =	simm.s32 $0x50F0;
	[sflag:s31] =	ssyncadd.s32 $0xFFFFEC00  }
.LBB2_2:
0x64: {  	[spmem:s2] =	stream.indirect.scatter.add.f32 [tilespmem:s21], [sflag:$0xA], $0x40, s0, s13, $0xb8;
	[tilespmem:$0x19E40] =	vst v63  }
0x65: {  	s0 =	smov.u32 s30  }
0x66: {  	p0 =	sne.s32 s30, $0x12C00;
	s30 =	sadd.s32 $0x640, s30;
	_ =	swait.ge [sflag:s1], $0x1400  }
0x67: {  	s0 =	sshra.s32 s0, $0x2;
	[sflag:s1] =	ssyncset.done $0x0  }
0x68: {  	s4 =	sadd.s32 $0x190, s0;
	[sflag:s1] =	ssyncadd.s32 $0xFFFFEC00  }
0x69: {  	[tilespmem:s14], [sflag:$0x1] =	stream.indirect.gather [hbm4b:s6+s13], $0x40, s4, s13, $0xb8;
	[tilespmem:$0x19E40] =	vst v63  }
0x6a: {  	_ =	swait.ge [sflag:s16], $0x1400  }
0x6b: {  	[sflag:s16] =	ssyncset.done $0x0  }
0x6c: {  	s4 =	sadd.s32 $0x1E0, s0;
	[sflag:s16] =	ssyncadd.s32 $0xFFFFEC00  }
0x6d: {  	[tilespmem:s15], [sflag:$0x2] =	stream.indirect.gather [hbm4b:s6+s13], $0x40, s4, s13, $0xb8;
	[tilespmem:$0x19E40] =	vst v63  }
0x6e: {  	_ =	swait.ge [sflag:s18], $0x1400  }
0x6f: {  	[sflag:s18] =	ssyncset.done $0x0  }
0x70: {  	s4 =	sadd.s32 $0x230, s0;
	[sflag:s18] =	ssyncadd.s32 $0xFFFFEC00  }
0x71: {  	[tilespmem:s17], [sflag:$0x3] =	stream.indirect.gather [hbm4b:s6+s13], $0x40, s4, s13, $0xb8;
	[tilespmem:$0x19E40] =	vst v63  }
0x72: {  	_ =	swait.ge [sflag:s20], $0x1400  }
0x73: {  	[sflag:s20] =	ssyncset.done $0x0  }
0x74: {  	s4 =	sadd.s32 $0x280, s0;
	[sflag:s20] =	ssyncadd.s32 $0xFFFFEC00  }
0x75: {  	[tilespmem:s19], [sflag:$0x4] =	stream.indirect.gather [hbm4b:s6+s13], $0x40, s4, s13, $0xb8;
	[tilespmem:$0x19E40] =	vst v63  }
0x76: {  	_ =	swait.ge [sflag:s25], $0x1400  }
0x77: {  	[sflag:s25] =	ssyncset.done $0x0  }
0x78: {  	s4 =	sadd.s32 $0x2D0, s0;
	[sflag:s25] =	ssyncadd.s32 $0xFFFFEC00  }
0x79: {  	[tilespmem:s21], [sflag:$0x5] =	stream.indirect.gather [hbm4b:s6+s13], $0x40, s4, s13, $0xb8;
	[tilespmem:$0x19E40] =	vst v63  }
0x7a: {  	_ =	swait.ge [sflag:s22], $0x1400  }
0x7b: {  	[sflag:s22] =	ssyncset.done $0x0  }
0x7c: {  	s4 =	sadd.s32 $0x4FB0, s0;
	[sflag:s22] =	ssyncadd.s32 $0xFFFFEC00  }
0x7d: {  	[spmem:s2] =	stream.indirect.scatter.add.f32 [tilespmem:s14], [sflag:$0x6], $0x40, s4, s13, $0xb8;
	[tilespmem:$0x19E40] =	vst v63  }
0x7e: {  	_ =	swait.ge [sflag:s23], $0x1400  }
0x7f: {  	[sflag:s23] =	ssyncset.done $0x0  }
0x80: {  	s4 =	sadd.s32 $0x5000, s0;
	[sflag:s23] =	ssyncadd.s32 $0xFFFFEC00  }
0x81: {  	[spmem:s2] =	stream.indirect.scatter.add.f32 [tilespmem:s15], [sflag:$0x7], $0x40, s4, s13, $0xb8;
	[tilespmem:$0x19E40] =	vst v63  }
0x82: {  	_ =	swait.ge [sflag:s26], $0x1400  }
0x83: {  	[sflag:s26] =	ssyncset.done $0x0  }
0x84: {  	s4 =	sadd.s32 $0x5050, s0;
	[sflag:s26] =	ssyncadd.s32 $0xFFFFEC00  }
0x85: {  	[spmem:s2] =	stream.indirect.scatter.add.f32 [tilespmem:s17], [sflag:$0x8], $0x40, s4, s13, $0xb8;
	[tilespmem:$0x19E40] =	vst v63  }
0x86: {  	_ =	swait.ge [sflag:s29], $0x1400  }
0x87: {  	[sflag:s29] =	ssyncset.done $0x0  }
.Ltmp0:
0x88: {  	s4 =	sadd.s32 $0x50A0, s0;
	[sflag:s29] =	ssyncadd.s32 $0xFFFFEC00;
	(pc) =	sbr.rel @p0 .LBB2_2-.Ltmp0, $4  }
0x89: {  	[spmem:s2] =	stream.indirect.scatter.add.f32 [tilespmem:s19], [sflag:$0x9], $0x40, s4, s13, $0xb8;
	[tilespmem:$0x19E40] =	vst v63  }
0x8a: {  	_ =	swait.ge [sflag:s31], $0x1400  }
0x8b: {  	[sflag:s31] =	ssyncset.done $0x0  }
0x8c: {  	s0 =	sadd.s32 $0x50F0, s0;
	[sflag:s31] =	ssyncadd.s32 $0xFFFFEC00  }
0x8d: {  	[spmem:s2] =	stream.indirect.scatter.add.f32 [tilespmem:s21], [sflag:$0xA], $0x40, s0, s13, $0xb8;
	[tilespmem:$0x19E40] =	vst v63  }
0x8e: {  	_ =	swait.ge [sflag:s1], $0x1400  }
0x8f: {  	[sflag:s1] =	ssyncset.done $0x0  }
0x90: {  	[sflag:s1] =	ssyncadd.s32 $0xFFFFEC00  }
0x91: {  	_ =	swait.ge [sflag:s16], $0x1400  }
0x92: {  	[sflag:s16] =	ssyncset.done $0x0  }
0x93: {  	[sflag:s16] =	ssyncadd.s32 $0xFFFFEC00  }
0x94: {  	_ =	swait.ge [sflag:s18], $0x1400  }
0x95: {  	[sflag:s18] =	ssyncset.done $0x0  }
0x96: {  	[sflag:s18] =	ssyncadd.s32 $0xFFFFEC00  }
0x97: {  	_ =	swait.ge [sflag:s20], $0x1400  }
0x98: {  	[sflag:s20] =	ssyncset.done $0x0  }
0x99: {  	[sflag:s20] =	ssyncadd.s32 $0xFFFFEC00  }
0x9a: {  	_ =	swait.ge [sflag:s25], $0x1400  }
0x9b: {  	s28 =	sadd.s32 $0x1, s28;
	[sflag:s25] =	ssyncset.done $0x0  }
0x9c: {  	p0 =	sne.s32 s28, s7;
	[sflag:s25] =	ssyncadd.s32 $0xFFFFEC00  }
.Ltmp1:
0x9d: {  	[bflag:$0x0] =	sbarrier.arrive $0xFFFF;
	(pc) =	sbr.rel @p0 .LBB2_1-.Ltmp1, $4  }
0x9e: {  	[hbm:s24], [sflag:s11] =	dma.local [spmem:s12], $0x13C0  }
0x9f: {  	_ =	swait.ge [sflag:s8], $0x13C0  }
0xa0: {  	[sflag:s8] =	ssyncset.done $0x0  }
0xa1: {  	[sflag:s8] =	ssyncadd.s32 $0xFFFFEC40  }
0xa2: {  	_ =	sfence.sel $0x180000  }
0xa3: {  	[bflag:$0x0] =	sbarrier.arrive $0xFFFF  }
0xa4: {  	_ =	strace $0x9000004A  }
0xa5: {  	s0 =	stileid.u32;
	[bflag:$0x2] =	sbarrier.arrive $0xFFFF  }
0xa6: {  	p0 =	sne.s32 s0, $0x0;
	s0 =	rddreg [dreg:$0x2]  }
0xa7: {  	s0 =	sadd.s32 @!p0 $0x100000, s0  }
0xa8: {  	[sflag:s0] =	ssyncadd.tile.s32 @!p0 $0x1;
	_ =	shalt  }
.Lfunc_end2:
_tile_overlayer_lowered:
.L_overlay_start_2:
0xa9: {  	(tag) =	ssettag $0x2  }
0xaa: {  	s0 =	rddreg [dreg:$0x0];
	s2 =	stileid.u32  }
0xab: {  	s1 =	rddreg [dreg:$0x1];
	p0 =	sne.s32 s2, $0x0  }
0xac: {  	s3 =	rddreg [dreg:$0x2];
	[bflag:$0x3] =	sbarrier.arrive $0xFFFF;
	s2 =	simm.s32 @!p0 $0x1C0B  }
0xad: {  	[timem:s3], [sflag:s2] =	dma.local @!p0 [hbm:s0], s1  }
0xae: {  	s0 =	simm.s32 @!p0 $0xB  }
0xaf: {  	_ =	swait.ge @!p0 [sflag:s0], s1  }
0xb0: {  	s1 =	ssub.s32 @!p0 $0x0, s1;
	[sflag:s0] =	ssyncset.done @!p0 $0x0  }
0xb1: {  	[sflag:s0] =	ssyncadd.s32 @!p0 s1  }
0xb2: {  	[bflag:$0x3] =	sbarrier.arrive $0xFFFF  }
0xb3: {  	_ =	shalt  }

// kernel: kernel.14.cloned.1.call-start
scs
__scs_entry_jumppad:
0x0: {  	(pc) =	sbr.rel $0x88, $3  }
0x1: {  	(tag) =	ssettag $0x0;
	lr =	simm.s32 $0x1  }
0x2: {  	[smem:$0x3F99] =	sst lr;
	_ =	strace $0xD0000000  }
0x3: {  	_ = 	snop  }
0x4: {  	_ = 	snop  }
0x5: {  	_ = 	snop  }
0x6: {  	_ = 	snop  }
0x7: {  	_ = 	snop  }
__scs_overlays_trampoline_lowered:
0x8: {  	[smem:$0x3FA8] =	sst s0  }
0x9: {  	[smem:$0x3FA9] =	sst s1  }
0xa: {  	[smem:$0x3FAA] =	sst s2  }
0xb: {  	[smem:$0x3FAB] =	sst s3  }
0xc: {  	[smem:$0x3FAC] =	sst s4  }
0xd: {  	[smem:$0x3FAD] =	sst s5  }
0xe: {  	[smem:$0x3FAE] =	sst s6  }
0xf: {  	[smem:$0x3FAF] =	sst s7  }
0x10: {  	[smem:$0x3FB0] =	sst s8  }
0x11: {  	[smem:$0x3FB1] =	sst s9;
	s0 =	simm.s32 @!p0 $0x0  }
0x12: {  	s1 =	sld [smem:$0x3F97];
	s0 =	simm.s32 @p0 $0x1  }
0x13: {  	[smem:$0x3FB2] =	sst s0;
	s0 =	simm.s32 @!p1 $0x0  }
0x14: {  	s2 =	sld [smem:$0x3F96];
	s0 =	simm.s32 @p1 $0x1  }
0x15: {  	[smem:$0x3FB3] =	sst s0;
	s0 =	simm.s32 @!p2 $0x0  }
0x16: {  	s3 =	sld [smem:$0x3FDB];
	s0 =	simm.s32 @p2 $0x1  }
0x17: {  	s4 =	simm.s32 $0x1BF5;
	[smem:$0x3FB5] =	sst s0  }
0x18: {  	s0 =	sld [smem:$0x3F98];
	_ =	swait.ge [sflag:s4], $0x0  }
0x19: {  	s7 =	sld [smem:$0x3F99]  }
0x1a: {  	s8 =	sadd.s32 $0xFFFFE003, lr  }
0x1b: {  	s9 =	sadd.s32 $0xFFFFFEF7, lr;
	s5 =	simm.s32 $0xFFFFFFFF;
	p2 =	slt.u32 s8, $0xFFFFF086  }
0x1c: {  	p1 =	slt.u32 s9, $0xF7A;
	s5 =	simm.s32 @!p2 $0x0  }
0x1d: {  	s5 =	simm.s32 @p1 $0x1;
	p0 =	seq.s32 s7, s2  }
0x1e: {  	s7 =	smul.u32 @!p0 $0xF7A, s2;
	p2 =	seq.s32 @!p0 s5, $0x0  }
0x1f: {  	s9 =	smul.u32 $0xF7A, s1;
	s8 =	simm.s32 @!p0 $0x1BF5;
	p2 =	por !p2, p0  }
0x20: {  	[sflag:s8] =	ssyncset.s32 @!p0 $0xFFFFF086;
	s6 =	sadd.s32 @!p0 s3, s7;
	s7 =	simm.s32 @!p0 $0x108  }
0x21: {  	s3 =	sadd.s32 s3, s9;
	s6 =	sadd.s32 @!p0 $0x88, s6;
	s7 =	simm.s32 @p2 $0x1082  }
0x22: {  	[simem:s7], [sflag:s8] =	dma.local @!p0 [hbm:s6], $0xF7A  }
0x23: {  	s9 =	sor.u32 $0xD0000000, s2;
	s6 =	simm.s32 $0x108;
	_ =	swait.ge @!p0 [sflag:s8], $0x0  }
0x24: {  	s3 =	sadd.s32 $0x88, s3;
	s6 =	simm.s32 @!p1 $0x1082;
	[sflag:s4] =	ssyncset.s32 $0xFFFFF086  }
0x25: {  	[simem:s6], [sflag:s4] =	dma.local [hbm:s3], $0xF7A  }
0x26: {  	[smem:$0x3F99] =	sst s1;
	(tag) =	ssettag s2;
	_ =	strace s9  }
0x27: {  	s1 =	sld [smem:$0x3FA9]  }
0x28: {  	s2 =	sld [smem:$0x3FAA]  }
0x29: {  	s4 =	sld [smem:$0x3FAC]  }
0x2a: {  	p0 =	seq.s32 s5, $0x0;
	s5 =	sld [smem:$0x3FAD]  }
0x2b: {  	s6 =	sld [smem:$0x3FAE]  }
0x2c: {  	s7 =	sld [smem:$0x3FAF]  }
0x2d: {  	s3 =	simm.s32 $0x108;
	s8 =	sld [smem:$0x3FB0]  }
0x2e: {  	s3 =	simm.s32 @!p0 $0x1082;
	s9 =	sld [smem:$0x3FB1]  }
0x2f: {  	lr =	sadd.s32 s0, s3;
	s0 =	sld [smem:$0x3FA8]  }
0x30: {  	s3 =	sld [smem:$0x3FAB]  }
0x31: {  	[smem:$0x3FB4] =	sst s10  }
0x32: {  	s10 =	sld [smem:$0x3FB2];
	_ =	sdelay $0x3  }
0x33: {  	p0 =	seq.s32 s10, $0x1;
	s10 =	sld [smem:$0x3FB4];
	_ =	sdelay $0x3  }
0x34: {  	[smem:$0x3FB4] =	sst s10  }
0x35: {  	s10 =	sld [smem:$0x3FB3];
	_ =	sdelay $0x3  }
0x36: {  	p1 =	seq.s32 s10, $0x1;
	s10 =	sld [smem:$0x3FB4];
	_ =	sdelay $0x3  }
0x37: {  	[smem:$0x3FB4] =	sst s10  }
0x38: {  	s10 =	sld [smem:$0x3FB5]  }
0x39: {  	_ = 	snop;
	(pc) =	sbr.ind lr, $3  }
0x3a: {  	_ = 	snop  }
0x3b: {  	_ = 	snop  }
0x3c: {  	p2 =	seq.s32 s10, $0x1;
	s10 =	sld [smem:$0x3FB4]  }
0x3d: {  	_ =	shalt  }
0x3e: {  	_ =	shalt  }
0x3f: {  	_ =	shalt  }
0x40: {  	_ =	shalt  }
0x41: {  	_ =	shalt  }
0x42: {  	_ =	shalt  }
0x43: {  	_ =	shalt  }
0x44: {  	_ =	shalt  }
0x45: {  	_ =	shalt  }
0x46: {  	_ =	shalt  }
0x47: {  	_ =	shalt  }
0x48: {  	_ =	shalt  }
0x49: {  	_ =	shalt  }
0x4a: {  	_ =	shalt  }
0x4b: {  	_ =	shalt  }
0x4c: {  	_ =	shalt  }
0x4d: {  	_ =	shalt  }
0x4e: {  	_ =	shalt  }
0x4f: {  	_ =	shalt  }
0x50: {  	_ =	shalt  }
0x51: {  	_ =	shalt  }
0x52: {  	_ =	shalt  }
0x53: {  	_ =	shalt  }
0x54: {  	_ =	shalt  }
0x55: {  	_ =	shalt  }
0x56: {  	_ =	shalt  }
0x57: {  	_ =	shalt  }
0x58: {  	_ =	shalt  }
0x59: {  	_ =	shalt  }
0x5a: {  	_ =	shalt  }
0x5b: {  	_ =	shalt  }
0x5c: {  	_ =	shalt  }
0x5d: {  	_ =	shalt  }
0x5e: {  	_ =	shalt  }
0x5f: {  	_ =	shalt  }
0x60: {  	_ =	shalt  }
0x61: {  	_ =	shalt  }
0x62: {  	_ =	shalt  }
0x63: {  	_ =	shalt  }
0x64: {  	_ =	shalt  }
0x65: {  	_ =	shalt  }
0x66: {  	_ =	shalt  }
0x67: {  	_ =	shalt  }
0x68: {  	_ =	shalt  }
0x69: {  	_ =	shalt  }
0x6a: {  	_ =	shalt  }
0x6b: {  	_ =	shalt  }
0x6c: {  	_ =	shalt  }
0x6d: {  	_ =	shalt  }
0x6e: {  	_ =	shalt  }
0x6f: {  	_ =	shalt  }
0x70: {  	_ =	shalt  }
0x71: {  	_ =	shalt  }
0x72: {  	_ =	shalt  }
0x73: {  	_ =	shalt  }
0x74: {  	_ =	shalt  }
0x75: {  	_ =	shalt  }
0x76: {  	_ =	shalt  }
0x77: {  	_ =	shalt  }
0x78: {  	_ =	shalt  }
0x79: {  	_ =	shalt  }
0x7a: {  	_ =	shalt  }
0x7b: {  	_ =	shalt  }
0x7c: {  	_ =	shalt  }
0x7d: {  	_ =	shalt  }
0x7e: {  	_ =	shalt  }
0x7f: {  	_ =	shalt  }
0x80: {  	_ =	shalt  }
0x81: {  	_ =	shalt  }
0x82: {  	_ =	shalt  }
0x83: {  	_ =	shalt  }
0x84: {  	_ =	shalt  }
0x85: {  	_ =	shalt  }
0x86: {  	_ =	shalt  }
0x87: {  	_ =	shalt  }
.Lfunc_end0:
.L_simem_size_0:
called_computation.2_lowered:
.L_overlay_start_0:
0x88: {  	s2 =	sld [smem:$0x3FD9]  }
0x89: {  	s3 =	sld [smem:$0x3FFE];
	_ =	sdelay $0x1  }
0x8a: {  	s1 =	srdreg.scid  }
0x8b: {  	s0 =	sand.u32 $0x1, s1  }
0x8c: {  	s16 =	sshll.u32 s0, $0xA;
	s2 =	sadd.s32 s3, s2  }
0x8d: {  	s2 =	sadd.s32 s2, s16  }
0x8e: {  	[smem:$0x3FC0] =	sst s2  }
0x8f: {  	_ = 	snop  }
0x90: {  	(tm) =	ssettm $0x1  }
0x91: {  	s17 =	sld [smem:$0x3FFB];
	_ =	sdelay $0x3  }
0x92: {  	_ =	strace s17  }
0x93: {  	s2 =	sld [smem:$0x3FFC];
	_ =	sdelay $0x3  }
0x94: {  	_ =	strace s2  }
0x95: {  	s2 =	sld [smem:$0x3FFD];
	_ =	sdelay $0x3  }
0x96: {  	_ =	strace s2  }
0x97: {  	_ =	strace $0x8FFFFFFF  }
0x98: {  	s18 =	sld [smem:$0x3FDB];
	_ =	sdelay $0x1  }
0x99: {  	s19 =	simm.s32 $_scs_section_size  }
0x9a: {  	s4 =	simm.s32 $_size__tile_overlayer_lowered;
	s5 =	simm.s32 $_tile_overlayer_lowered  }
0x9b: {  	s22 =	simm.s32 $0x1BFF;
	s21 =	sshll.u32 s5, $0x1;
	s2 =	sadd.s32 s19, s18  }
0x9c: {  	s6 =	simm.s32 $0x0;
	s20 =	sshll.u32 s4, $0x1;
	s4 =	sadd.s32 s21, s2  }
0x9d: {  	[timem:s6], [sflag:s22] =	dma.local [hbm:s4], s20  }
0x9e: {  	_ =	swait.ge [sflag:s22], s20  }
0x9f: {  	s3 =	ssub.s32 $0x0, s20;
	[sflag:s22] =	ssyncset.done $0x0  }
0xa0: {  	[sflag:s22] =	ssyncadd.s32 s3;
	_ =	sdelay $0x1  }
0xa1: {  	s23 =	simm.s32 $0x1B8B  }
0xa2: {  	_ =	swait.ge [sflag:s23], $0x1  }
0xa3: {  	[sflag:s23] =	ssyncset.done $0x0  }
0xa4: {  	s25 =	simm.s32 $0x1B8E;
	s24 =	sld [smem:$0x3FFE];
	[sflag:s23] =	ssyncadd.s32 $0xFFFFFFFF  }
0xa5: {  	s26 =	simm.s32 $execute0_lowered;
	[smem:$0x3FD2] =	sst s25  }
0xa6: {  	s4 =	sshll.u32 s26, $0x1;
	_ =	strace $0x8000004C;
	[dreg:$0x1] =	wrdreg $0xFFFFFFFF  }
0xa7: {  	s28 =	simm.s32 $_size_execute0_lowered;
	s2 =	sadd.s32 s2, s4;
	[dreg:$0x0] =	wrdreg $0x0  }
0xa8: {  	s4 =	sshll.u32 s28, $0x1;
	[dreg:$0x2] =	wrdreg s2  }
0xa9: {  	[dreg:$0x3] =	wrdreg s4  }
0xaa: {  	[dreg:$0x4] =	wrdreg $0xC0  }
0xab: {  	_ =	task [dreg:s6], $0x5FFFF  }
0xac: {  	[dreg:$0x1] =	wrdreg $0xFFFFFFFF  }
0xad: {  	[dreg:$0x0] =	wrdreg $0x60  }
0xae: {  	[dreg:$0x2] =	wrdreg s24  }
0xaf: {  	[dreg:$0x3] =	wrdreg $0x100400  }
0xb0: {  	[dreg:$0x4] =	wrdreg $0x9  }
0xb1: {  	_ =	task.clear_ibuf [dreg:s6], $0x5FFFF;
	_ =	strace $0x9000004C  }
0xb2: {  	s29 =	simm.s32 $0x9;
	_ =	strace $0x8000004E  }
0xb3: {  	_ =	swait.ge [sflag:s29], $0x1  }
0xb4: {  	[sflag:s29] =	ssyncadd.s32 $0xFFFFFFFF  }
0xb5: {  	_ =	strace $0x9000004E  }
0xb6: {  	_ =	sfence  }
0xb7: {  	s30 =	sld [smem:$0x0];
	_ =	sdelay $0x2  }
0xb8: {  	s31 =	sshll.u32 s1, $0xD;
	s1 =	sshrl.u32 s1, $0x2  }
0xb9: {  	s3 =	sand.u32 $0x4000, s31;
	s1 =	sadd.s32 s1, s30  }
0xba: {  	s0 =	sor.u32 s3, s0;
	s1 =	sshll.u32 s1, $0x11  }
0xbb: {  	s0 =	sor.u32 s1, s0  }
0xbc: {  	s0 =	sadd.s32 $0x8F2B, s0  }
0xbd: {  	[sflag:s0] =	ssyncadd.remote.s32 $0x1  }
0xbe: {  	_ =	sfence.sel $0xFFFF  }
0xbf: {  	[dreg:$0x0] =	wrdreg $0xFFFFFFFF;
	(pc) =	sbr.abs _section_cstart, $3  }
0xc0: {  	[dreg:$0x1] =	wrdreg $0xFFFFFFFF  }
0xc1: {  	_ =	task.clear_ibuf [dreg:s6], $0x2FFFF;
	_ =	strace $0x9FFFFFFF  }
0xc2: {  	(tm) =	ssettm $0x7FFFFFFF  }
0xc3: {  	_ =	shalt  }
tec
execute0_lowered:
.L_overlay_start_1:
0x0: {  	(tag) =	ssettag $0x1  }
0x1: {  	s0 =	rddreg [dreg:$0x0]  }
0x2: {  	s2 =	rddreg [dreg:$0x1]  }
0x3: {  	s3 =	simm.s32 $0x0;
	s11 =	stileid.u32;
	s4 =	srdreg.scid  }
0x4: {  	s15 =	simm.s32 $0x50;
	s16 =	simm.s32 $0x9C40;
	s17 =	simm.s32 $0xB040  }
0x5: {  	s19 =	simm.s32 $0xC440;
	s28 =	simm.s32 $0x2;
	s30 =	simm.s32 $0x3  }
0x6: {  	s18 =	simm.s32 $0x7;
	s12 =	simm.s32 $0x8;
	s20 =	simm.s32 $0x9  }
0x7: {  	s29 =	simm.s32 $0x0;
	[smem:$0x7FF] =	sst s3;
	s1 =	smul.u32 $0x9C4, s11  }
0x8: {  	s5 =	sadd.s32 $0xB3000, s0;
	s4 =	sand.u32 $0x1, s4;
	s7 =	smul.u32 $0x9E00, s11  }
0x9: {  	s25 =	sshll.u32 s11, $0x6;
	s11 =	simm.s32 $0x4E20;
	s9 =	smul.u32 $0x9E000, s4  }
0xa: {  	_ =	strace $0x8000004D;
	s6 =	ssub.s32 $0x2, s4;
	s4 =	smul.u32 $0x13C00, s4  }
0xb: {  	s13 =	sor.u32 $0x1C0B, s25;
	s1 =	sadd.s32 s1, s0;
	s0 =	sadd.s32 $0x15000, s0  }
0xc: {  	s8 =	sshrl.u32 s6, $0x1;
	s22 =	sadd.s32 s7, s2;
	s7 =	sshrl.u32 s7, $0x3  }
0xd: {  	s10 =	ssub.s32 s6, s8;
	s21 =	sadd.s32 $0x1400, s1;
	s1 =	sadd.s32 $0xB200, s1  }
0xe: {  	s23 =	sshrl.u32 s9, $0x3;
	s6 =	sadd.s32 s5, s4;
	s4 =	sadd.s32 s0, s4  }
0xf: {  	s14 =	sshrl.u32 s22, $0x3;
	s22 =	simm.s32 $0xA;
	[dreg:$0x3] =	wrdreg s21  }
0x10: {  	[dreg:$0x4] =	wrdreg s1;
	s9 =	sadd.s32 $0x27800, s23;
	s24 =	smax.u32 s10, $0x1  }
0x11: {  	s10 =	simm.s32 $0xB;
	s26 =	sadd.s32 s7, s6;
	s21 =	simm.s32 $0xD840  }
0x12: {  	s23 =	simm.s32 $0xEC40;
	s31 =	sadd.s32 s7, s4;
	[dreg:$0x5] =	wrdreg s24  }
0x13: {  	s1 =	simm.s32 $0x4F10;
	s4 =	simm.s32 $0x5;
	[dreg:$0x6] =	wrdreg s26  }
0x14: {  	s8 =	sadd.s32 s5, s9;
	s0 =	sadd.s32 s0, s9;
	[dreg:$0x7] =	wrdreg s31  }
0x15: {  	s26 =	simm.s32 $0x1;
	s5 =	simm.s32 $0x4F60;
	s0 =	sadd.s32 s7, s0  }
0x16: {  	s9 =	simm.s32 $0x6;
	[dreg:$0x8] =	wrdreg s0;
	s0 =	simm.s32 $0x4  }
.LBB2_1:
0x17: {  	s24 =	rddreg [dreg:$0x3]  }
0x18: {  	[tilespmem:s3], [sflag:$0xB] =	stream.linear.gather [hbm4b:s24+s3], $0x4E20, $0x38;
	[tilespmem:$0x19E40] =	vst v63  }
0x19: {  	_ =	swait.ge [sflag:s10], $0x4E20  }
0x1a: {  	[sflag:s10] =	ssyncset.done $0x0  }
0x1b: {  	s25 =	rddreg [dreg:$0x4];
	[sflag:s10] =	ssyncadd.s32 $0xFFFFB1E0  }
0x1c: {  	[tilespmem:s11], [sflag:$0xB] =	stream.linear.gather [hbm4b:s25+s3], $0x4E20, $0x38;
	[tilespmem:$0x19E40] =	vst v63  }
0x1d: {  	_ =	swait.ge [sflag:s10], $0x4E20  }
0x1e: {  	[sflag:s10] =	ssyncset.done $0x0  }
0x1f: {  	s25 =	rddreg [dreg:$0x6];
	[sflag:s10] =	ssyncadd.s32 $0xFFFFB1E0  }
0x20: {  	[spmem:s14], [sflag:s13] =	dma.local [hbm:s25], $0x13C0  }
0x21: {  	_ =	swait.ge [sflag:s10], $0x13C0  }
0x22: {  	[sflag:s10] =	ssyncset.done $0x0  }
0x23: {  	[sflag:s10] =	ssyncadd.s32 $0xFFFFEC40  }
0x24: {  	[bflag:$0x0] =	sbarrier.arrive $0xFFFF  }
0x25: {  	[tilespmem:s16], [sflag:$0x1] =	stream.indirect.gather [hbm4b:s6+s15], $0x40, s3, s15, $0xb8;
	[tilespmem:$0x19E40] =	vst v63  }
0x26: {  	_ = 	snop  }
0x27: {  	[tilespmem:s17], [sflag:$0x2] =	stream.indirect.gather [hbm4b:s6+s15], $0x40, s15, s15, $0xb8;
	[tilespmem:$0x19E40] =	vst v63  }
0x28: {  	s25 =	simm.s32 $0xA0  }
0x29: {  	[tilespmem:s19], [sflag:$0x3] =	stream.indirect.gather [hbm4b:s6+s15], $0x40, s25, s15, $0xb8;
	[tilespmem:$0x19E40] =	vst v63  }
0x2a: {  	s25 =	simm.s32 $0xF0  }
0x2b: {  	[tilespmem:s21], [sflag:$0x4] =	stream.indirect.gather [hbm4b:s6+s15], $0x40, s25, s15, $0xb8;
	[tilespmem:$0x19E40] =	vst v63  }
0x2c: {  	s25 =	simm.s32 $0x140  }
0x2d: {  	[tilespmem:s23], [sflag:$0x5] =	stream.indirect.gather [hbm4b:s6+s15], $0x40, s25, s15, $0xb8;
	[tilespmem:$0x19E40] =	vst v63  }
0x2e: {  	_ =	swait.ge [sflag:s26], $0x1400  }
0x2f: {  	[sflag:s26] =	ssyncset.done $0x0  }
0x30: {  	[sflag:s26] =	ssyncadd.s32 $0xFFFFEC00  }
0x31: {  	[spmem:s2] =	stream.indirect.scatter.add.f32 [tilespmem:s16], [sflag:$0x6], $0x40, s11, s15, $0xb8;
	[tilespmem:$0x19E40] =	vst v63  }
0x32: {  	_ =	swait.ge [sflag:s28], $0x1400  }
0x33: {  	[sflag:s28] =	ssyncset.done $0x0  }
0x34: {  	s25 =	simm.s32 $0x4E70;
	[sflag:s28] =	ssyncadd.s32 $0xFFFFEC00  }
0x35: {  	[spmem:s2] =	stream.indirect.scatter.add.f32 [tilespmem:s17], [sflag:$0x7], $0x40, s25, s15, $0xb8;
	[tilespmem:$0x19E40] =	vst v63  }
0x36: {  	_ =	swait.ge [sflag:s30], $0x1400  }
0x37: {  	[sflag:s30] =	ssyncset.done $0x0  }
0x38: {  	s25 =	simm.s32 $0x4EC0;
	[sflag:s30] =	ssyncadd.s32 $0xFFFFEC00  }
0x39: {  	[spmem:s2] =	stream.indirect.scatter.add.f32 [tilespmem:s19], [sflag:$0x8], $0x40, s25, s15, $0xb8;
	[tilespmem:$0x19E40] =	vst v63  }
0x3a: {  	_ =	swait.ge [sflag:s0], $0x1400  }
0x3b: {  	[sflag:s0] =	ssyncset.done $0x0  }
0x3c: {  	[sflag:s0] =	ssyncadd.s32 $0xFFFFEC00  }
0x3d: {  	[spmem:s2] =	stream.indirect.scatter.add.f32 [tilespmem:s21], [sflag:$0x9], $0x40, s1, s15, $0xb8;
	[tilespmem:$0x19E40] =	vst v63  }
0x3e: {  	_ =	swait.ge [sflag:s4], $0x1400  }
0x3f: {  	[sflag:s4] =	ssyncset.done $0x0  }
0x40: {  	[sflag:s4] =	ssyncadd.s32 $0xFFFFEC00  }
0x41: {  	[spmem:s2] =	stream.indirect.scatter.add.f32 [tilespmem:s23], [sflag:$0xA], $0x40, s5, s15, $0xb8;
	[tilespmem:$0x19E40] =	vst v63  }
0x42: {  	_ =	swait.ge [sflag:s9], $0x1400  }
0x43: {  	[sflag:s9] =	ssyncset.done $0x0  }
0x44: {  	s25 =	simm.s32 $0x190;
	[sflag:s9] =	ssyncadd.s32 $0xFFFFEC00  }
0x45: {  	[tilespmem:s16], [sflag:$0x1] =	stream.indirect.gather [hbm4b:s6+s15], $0x40, s25, s15, $0xb8;
	[tilespmem:$0x19E40] =	vst v63  }
0x46: {  	_ =	swait.ge [sflag:s18], $0x1400  }
0x47: {  	[sflag:s18] =	ssyncset.done $0x0  }
0x48: {  	s25 =	simm.s32 $0x1E0;
	[sflag:s18] =	ssyncadd.s32 $0xFFFFEC00  }
0x49: {  	[tilespmem:s17], [sflag:$0x2] =	stream.indirect.gather [hbm4b:s6+s15], $0x40, s25, s15, $0xb8;
	[tilespmem:$0x19E40] =	vst v63  }
0x4a: {  	_ =	swait.ge [sflag:s12], $0x1400  }
0x4b: {  	[sflag:s12] =	ssyncset.done $0x0  }
0x4c: {  	s25 =	simm.s32 $0x230;
	[sflag:s12] =	ssyncadd.s32 $0xFFFFEC00  }
0x4d: {  	[tilespmem:s19], [sflag:$0x3] =	stream.indirect.gather [hbm4b:s6+s15], $0x40, s25, s15, $0xb8;
	[tilespmem:$0x19E40] =	vst v63  }
0x4e: {  	_ =	swait.ge [sflag:s20], $0x1400  }
0x4f: {  	[sflag:s20] =	ssyncset.done $0x0  }
0x50: {  	s25 =	simm.s32 $0x280;
	[sflag:s20] =	ssyncadd.s32 $0xFFFFEC00  }
0x51: {  	[tilespmem:s21], [sflag:$0x4] =	stream.indirect.gather [hbm4b:s6+s15], $0x40, s25, s15, $0xb8;
	[tilespmem:$0x19E40] =	vst v63  }
0x52: {  	_ =	swait.ge [sflag:s22], $0x1400  }
0x53: {  	[sflag:s22] =	ssyncset.done $0x0  }
0x54: {  	s25 =	simm.s32 $0x2D0;
	[sflag:s22] =	ssyncadd.s32 $0xFFFFEC00  }
0x55: {  	[tilespmem:s23], [sflag:$0x5] =	stream.indirect.gather [hbm4b:s6+s15], $0x40, s25, s15, $0xb8;
	[tilespmem:$0x19E40] =	vst v63  }
0x56: {  	_ =	swait.ge [sflag:s26], $0x1400  }
0x57: {  	[sflag:s26] =	ssyncset.done $0x0  }
0x58: {  	s25 =	simm.s32 $0x4FB0;
	[sflag:s26] =	ssyncadd.s32 $0xFFFFEC00  }
0x59: {  	[spmem:s2] =	stream.indirect.scatter.add.f32 [tilespmem:s16], [sflag:$0x6], $0x40, s25, s15, $0xb8;
	[tilespmem:$0x19E40] =	vst v63  }
0x5a: {  	_ =	swait.ge [sflag:s28], $0x1400  }
0x5b: {  	[sflag:s28] =	ssyncset.done $0x0  }
0x5c: {  	s25 =	simm.s32 $0x5000;
	[sflag:s28] =	ssyncadd.s32 $0xFFFFEC00  }
0x5d: {  	[spmem:s2] =	stream.indirect.scatter.add.f32 [tilespmem:s17], [sflag:$0x7], $0x40, s25, s15, $0xb8;
	[tilespmem:$0x19E40] =	vst v63  }
0x5e: {  	_ =	swait.ge [sflag:s30], $0x1400  }
0x5f: {  	[sflag:s30] =	ssyncset.done $0x0  }
0x60: {  	s25 =	simm.s32 $0x5050;
	[sflag:s30] =	ssyncadd.s32 $0xFFFFEC00  }
0x61: {  	[spmem:s2] =	stream.indirect.scatter.add.f32 [tilespmem:s19], [sflag:$0x8], $0x40, s25, s15, $0xb8;
	[tilespmem:$0x19E40] =	vst v63  }
0x62: {  	_ =	swait.ge [sflag:s0], $0x1400  }
0x63: {  	[sflag:s0] =	ssyncset.done $0x0  }
0x64: {  	s25 =	simm.s32 $0x50A0;
	[sflag:s0] =	ssyncadd.s32 $0xFFFFEC00  }
0x65: {  	[spmem:s2] =	stream.indirect.scatter.add.f32 [tilespmem:s21], [sflag:$0x9], $0x40, s25, s15, $0xb8;
	[tilespmem:$0x19E40] =	vst v63  }
0x66: {  	_ =	swait.ge [sflag:s4], $0x1400  }
0x67: {  	[sflag:s4] =	ssyncset.done $0x0  }
0x68: {  	s31 =	simm.s32 $0x640;
	s24 =	simm.s32 $0x50F0;
	[sflag:s4] =	ssyncadd.s32 $0xFFFFEC00  }
.LBB2_2:
0x69: {  	[spmem:s2] =	stream.indirect.scatter.add.f32 [tilespmem:s23], [sflag:$0xA], $0x40, s24, s15, $0xb8;
	[tilespmem:$0x19E40] =	vst v63  }
0x6a: {  	s24 =	smov.u32 s31  }
0x6b: {  	p0 =	sne.s32 s31, $0x12C00;
	s31 =	sadd.s32 $0x640, s31;
	_ =	swait.ge [sflag:s9], $0x1400  }
0x6c: {  	s24 =	sshra.s32 s24, $0x2;
	[sflag:s9] =	ssyncset.done $0x0  }
0x6d: {  	s25 =	sadd.s32 $0x190, s24;
	[sflag:s9] =	ssyncadd.s32 $0xFFFFEC00  }
0x6e: {  	[tilespmem:s16], [sflag:$0x1] =	stream.indirect.gather [hbm4b:s6+s15], $0x40, s25, s15, $0xb8;
	[tilespmem:$0x19E40] =	vst v63  }
0x6f: {  	_ =	swait.ge [sflag:s18], $0x1400  }
0x70: {  	[sflag:s18] =	ssyncset.done $0x0  }
0x71: {  	s25 =	sadd.s32 $0x1E0, s24;
	[sflag:s18] =	ssyncadd.s32 $0xFFFFEC00  }
0x72: {  	[tilespmem:s17], [sflag:$0x2] =	stream.indirect.gather [hbm4b:s6+s15], $0x40, s25, s15, $0xb8;
	[tilespmem:$0x19E40] =	vst v63  }
0x73: {  	_ =	swait.ge [sflag:s12], $0x1400  }
0x74: {  	[sflag:s12] =	ssyncset.done $0x0  }
0x75: {  	s25 =	sadd.s32 $0x230, s24;
	[sflag:s12] =	ssyncadd.s32 $0xFFFFEC00  }
0x76: {  	[tilespmem:s19], [sflag:$0x3] =	stream.indirect.gather [hbm4b:s6+s15], $0x40, s25, s15, $0xb8;
	[tilespmem:$0x19E40] =	vst v63  }
0x77: {  	_ =	swait.ge [sflag:s20], $0x1400  }
0x78: {  	[sflag:s20] =	ssyncset.done $0x0  }
0x79: {  	s25 =	sadd.s32 $0x280, s24;
	[sflag:s20] =	ssyncadd.s32 $0xFFFFEC00  }
0x7a: {  	[tilespmem:s21], [sflag:$0x4] =	stream.indirect.gather [hbm4b:s6+s15], $0x40, s25, s15, $0xb8;
	[tilespmem:$0x19E40] =	vst v63  }
0x7b: {  	_ =	swait.ge [sflag:s22], $0x1400  }
0x7c: {  	[sflag:s22] =	ssyncset.done $0x0  }
0x7d: {  	s25 =	sadd.s32 $0x2D0, s24;
	[sflag:s22] =	ssyncadd.s32 $0xFFFFEC00  }
0x7e: {  	[tilespmem:s23], [sflag:$0x5] =	stream.indirect.gather [hbm4b:s6+s15], $0x40, s25, s15, $0xb8;
	[tilespmem:$0x19E40] =	vst v63  }
0x7f: {  	_ =	swait.ge [sflag:s26], $0x1400  }
0x80: {  	[sflag:s26] =	ssyncset.done $0x0  }
0x81: {  	s25 =	sadd.s32 $0x4FB0, s24;
	[sflag:s26] =	ssyncadd.s32 $0xFFFFEC00  }
0x82: {  	[spmem:s2] =	stream.indirect.scatter.add.f32 [tilespmem:s16], [sflag:$0x6], $0x40, s25, s15, $0xb8;
	[tilespmem:$0x19E40] =	vst v63  }
0x83: {  	_ =	swait.ge [sflag:s28], $0x1400  }
0x84: {  	[sflag:s28] =	ssyncset.done $0x0  }
0x85: {  	s25 =	sadd.s32 $0x5000, s24;
	[sflag:s28] =	ssyncadd.s32 $0xFFFFEC00  }
0x86: {  	[spmem:s2] =	stream.indirect.scatter.add.f32 [tilespmem:s17], [sflag:$0x7], $0x40, s25, s15, $0xb8;
	[tilespmem:$0x19E40] =	vst v63  }
0x87: {  	_ =	swait.ge [sflag:s30], $0x1400  }
0x88: {  	[sflag:s30] =	ssyncset.done $0x0  }
0x89: {  	s25 =	sadd.s32 $0x5050, s24;
	[sflag:s30] =	ssyncadd.s32 $0xFFFFEC00  }
0x8a: {  	[spmem:s2] =	stream.indirect.scatter.add.f32 [tilespmem:s19], [sflag:$0x8], $0x40, s25, s15, $0xb8;
	[tilespmem:$0x19E40] =	vst v63  }
0x8b: {  	_ =	swait.ge [sflag:s0], $0x1400  }
0x8c: {  	[sflag:s0] =	ssyncset.done $0x0  }
.Ltmp0:
0x8d: {  	s25 =	sadd.s32 $0x50A0, s24;
	[sflag:s0] =	ssyncadd.s32 $0xFFFFEC00;
	(pc) =	sbr.rel @p0 .LBB2_2-.Ltmp0, $4  }
0x8e: {  	[spmem:s2] =	stream.indirect.scatter.add.f32 [tilespmem:s21], [sflag:$0x9], $0x40, s25, s15, $0xb8;
	[tilespmem:$0x19E40] =	vst v63  }
0x8f: {  	_ =	swait.ge [sflag:s4], $0x1400  }
0x90: {  	[sflag:s4] =	ssyncset.done $0x0  }
0x91: {  	s24 =	sadd.s32 $0x50F0, s24;
	[sflag:s4] =	ssyncadd.s32 $0xFFFFEC00  }
0x92: {  	[spmem:s2] =	stream.indirect.scatter.add.f32 [tilespmem:s23], [sflag:$0xA], $0x40, s24, s15, $0xb8;
	[tilespmem:$0x19E40] =	vst v63  }
0x93: {  	_ =	swait.ge [sflag:s9], $0x1400  }
0x94: {  	[sflag:s9] =	ssyncset.done $0x0  }
0x95: {  	[sflag:s9] =	ssyncadd.s32 $0xFFFFEC00  }
0x96: {  	_ =	swait.ge [sflag:s18], $0x1400  }
0x97: {  	[sflag:s18] =	ssyncset.done $0x0  }
0x98: {  	[sflag:s18] =	ssyncadd.s32 $0xFFFFEC00  }
0x99: {  	_ =	swait.ge [sflag:s12], $0x1400  }
0x9a: {  	[sflag:s12] =	ssyncset.done $0x0  }
0x9b: {  	[sflag:s12] =	ssyncadd.s32 $0xFFFFEC00  }
0x9c: {  	_ =	swait.ge [sflag:s20], $0x1400  }
0x9d: {  	[sflag:s20] =	ssyncset.done $0x0  }
0x9e: {  	[sflag:s20] =	ssyncadd.s32 $0xFFFFEC00  }
0x9f: {  	_ =	swait.ge [sflag:s22], $0x1400  }
0xa0: {  	[sflag:s22] =	ssyncset.done $0x0  }
0xa1: {  	[sflag:s22] =	ssyncadd.s32 $0xFFFFEC00  }
0xa2: {  	[bflag:$0x0] =	sbarrier.arrive $0xFFFF  }
0xa3: {  	s25 =	rddreg [dreg:$0x7]  }
0xa4: {  	[hbm:s25], [sflag:s13] =	dma.local [spmem:s14], $0x13C0  }
0xa5: {  	_ =	swait.ge [sflag:s10], $0x13C0  }
0xa6: {  	[sflag:s10] =	ssyncset.done $0x0  }
0xa7: {  	s25 =	sadd.s32 s7, s8;
	[sflag:s10] =	ssyncadd.s32 $0xFFFFEC40  }
0xa8: {  	[spmem:s14], [sflag:s13] =	dma.local [hbm:s25], $0x13C0  }
0xa9: {  	_ =	swait.ge [sflag:s10], $0x13C0  }
0xaa: {  	[sflag:s10] =	ssyncset.done $0x0  }
0xab: {  	[sflag:s10] =	ssyncadd.s32 $0xFFFFEC40  }
0xac: {  	s25 =	simm.s32 $0x0;
	[bflag:$0x0] =	sbarrier.arrive $0xFFFF  }
0xad: {  	[tilespmem:s16], [sflag:$0x1] =	stream.indirect.gather [hbm4b:s8+s15], $0x40, s25, s15, $0xb8;
	[tilespmem:$0x19E40] =	vst v63  }
0xae: {  	_ = 	snop  }
0xaf: {  	[tilespmem:s17], [sflag:$0x2] =	stream.indirect.gather [hbm4b:s8+s15], $0x40, s15, s15, $0xb8;
	[tilespmem:$0x19E40] =	vst v63  }
0xb0: {  	s25 =	simm.s32 $0xA0  }
0xb1: {  	[tilespmem:s19], [sflag:$0x3] =	stream.indirect.gather [hbm4b:s8+s15], $0x40, s25, s15, $0xb8;
	[tilespmem:$0x19E40] =	vst v63  }
0xb2: {  	s25 =	simm.s32 $0xF0  }
0xb3: {  	[tilespmem:s21], [sflag:$0x4] =	stream.indirect.gather [hbm4b:s8+s15], $0x40, s25, s15, $0xb8;
	[tilespmem:$0x19E40] =	vst v63  }
0xb4: {  	s25 =	simm.s32 $0x140  }
0xb5: {  	[tilespmem:s23], [sflag:$0x5] =	stream.indirect.gather [hbm4b:s8+s15], $0x40, s25, s15, $0xb8;
	[tilespmem:$0x19E40] =	vst v63  }
0xb6: {  	_ =	swait.ge [sflag:s26], $0x1400  }
0xb7: {  	[sflag:s26] =	ssyncset.done $0x0  }
0xb8: {  	[sflag:s26] =	ssyncadd.s32 $0xFFFFEC00  }
0xb9: {  	[spmem:s2] =	stream.indirect.scatter.add.f32 [tilespmem:s16], [sflag:$0x6], $0x40, s11, s15, $0xb8;
	[tilespmem:$0x19E40] =	vst v63  }
0xba: {  	_ =	swait.ge [sflag:s28], $0x1400  }
0xbb: {  	[sflag:s28] =	ssyncset.done $0x0  }
0xbc: {  	s25 =	simm.s32 $0x4E70;
	[sflag:s28] =	ssyncadd.s32 $0xFFFFEC00  }
0xbd: {  	[spmem:s2] =	stream.indirect.scatter.add.f32 [tilespmem:s17], [sflag:$0x7], $0x40, s25, s15, $0xb8;
	[tilespmem:$0x19E40] =	vst v63  }
0xbe: {  	_ =	swait.ge [sflag:s30], $0x1400  }
0xbf: {  	[sflag:s30] =	ssyncset.done $0x0  }
0xc0: {  	s25 =	simm.s32 $0x4EC0;
	[sflag:s30] =	ssyncadd.s32 $0xFFFFEC00  }
0xc1: {  	[spmem:s2] =	stream.indirect.scatter.add.f32 [tilespmem:s19], [sflag:$0x8], $0x40, s25, s15, $0xb8;
	[tilespmem:$0x19E40] =	vst v63  }
0xc2: {  	_ =	swait.ge [sflag:s0], $0x1400  }
0xc3: {  	[sflag:s0] =	ssyncset.done $0x0  }
0xc4: {  	[sflag:s0] =	ssyncadd.s32 $0xFFFFEC00  }
0xc5: {  	[spmem:s2] =	stream.indirect.scatter.add.f32 [tilespmem:s21], [sflag:$0x9], $0x40, s1, s15, $0xb8;
	[tilespmem:$0x19E40] =	vst v63  }
0xc6: {  	_ =	swait.ge [sflag:s4], $0x1400  }
0xc7: {  	[sflag:s4] =	ssyncset.done $0x0  }
0xc8: {  	[sflag:s4] =	ssyncadd.s32 $0xFFFFEC00  }
0xc9: {  	[spmem:s2] =	stream.indirect.scatter.add.f32 [tilespmem:s23], [sflag:$0xA], $0x40, s5, s15, $0xb8;
	[tilespmem:$0x19E40] =	vst v63  }
0xca: {  	_ =	swait.ge [sflag:s9], $0x1400  }
0xcb: {  	[sflag:s9] =	ssyncset.done $0x0  }
0xcc: {  	s25 =	simm.s32 $0x190;
	[sflag:s9] =	ssyncadd.s32 $0xFFFFEC00  }
0xcd: {  	[tilespmem:s16], [sflag:$0x1] =	stream.indirect.gather [hbm4b:s8+s15], $0x40, s25, s15, $0xb8;
	[tilespmem:$0x19E40] =	vst v63  }
0xce: {  	_ =	swait.ge [sflag:s18], $0x1400  }
0xcf: {  	[sflag:s18] =	ssyncset.done $0x0  }
0xd0: {  	s25 =	simm.s32 $0x1E0;
	[sflag:s18] =	ssyncadd.s32 $0xFFFFEC00  }
0xd1: {  	[tilespmem:s17], [sflag:$0x2] =	stream.indirect.gather [hbm4b:s8+s15], $0x40, s25, s15, $0xb8;
	[tilespmem:$0x19E40] =	vst v63  }
0xd2: {  	_ =	swait.ge [sflag:s12], $0x1400  }
0xd3: {  	[sflag:s12] =	ssyncset.done $0x0  }
0xd4: {  	s25 =	simm.s32 $0x230;
	[sflag:s12] =	ssyncadd.s32 $0xFFFFEC00  }
0xd5: {  	[tilespmem:s19], [sflag:$0x3] =	stream.indirect.gather [hbm4b:s8+s15], $0x40, s25, s15, $0xb8;
	[tilespmem:$0x19E40] =	vst v63  }
0xd6: {  	_ =	swait.ge [sflag:s20], $0x1400  }
0xd7: {  	[sflag:s20] =	ssyncset.done $0x0  }
0xd8: {  	s25 =	simm.s32 $0x280;
	[sflag:s20] =	ssyncadd.s32 $0xFFFFEC00  }
0xd9: {  	[tilespmem:s21], [sflag:$0x4] =	stream.indirect.gather [hbm4b:s8+s15], $0x40, s25, s15, $0xb8;
	[tilespmem:$0x19E40] =	vst v63  }
0xda: {  	_ =	swait.ge [sflag:s22], $0x1400  }
0xdb: {  	[sflag:s22] =	ssyncset.done $0x0  }
0xdc: {  	s25 =	simm.s32 $0x2D0;
	[sflag:s22] =	ssyncadd.s32 $0xFFFFEC00  }
0xdd: {  	[tilespmem:s23], [sflag:$0x5] =	stream.indirect.gather [hbm4b:s8+s15], $0x40, s25, s15, $0xb8;
	[tilespmem:$0x19E40] =	vst v63  }
0xde: {  	_ =	swait.ge [sflag:s26], $0x1400  }
0xdf: {  	[sflag:s26] =	ssyncset.done $0x0  }
0xe0: {  	s25 =	simm.s32 $0x4FB0;
	[sflag:s26] =	ssyncadd.s32 $0xFFFFEC00  }
0xe1: {  	[spmem:s2] =	stream.indirect.scatter.add.f32 [tilespmem:s16], [sflag:$0x6], $0x40, s25, s15, $0xb8;
	[tilespmem:$0x19E40] =	vst v63  }
0xe2: {  	_ =	swait.ge [sflag:s28], $0x1400  }
0xe3: {  	[sflag:s28] =	ssyncset.done $0x0  }
0xe4: {  	s25 =	simm.s32 $0x5000;
	[sflag:s28] =	ssyncadd.s32 $0xFFFFEC00  }
0xe5: {  	[spmem:s2] =	stream.indirect.scatter.add.f32 [tilespmem:s17], [sflag:$0x7], $0x40, s25, s15, $0xb8;
	[tilespmem:$0x19E40] =	vst v63  }
0xe6: {  	_ =	swait.ge [sflag:s30], $0x1400  }
0xe7: {  	[sflag:s30] =	ssyncset.done $0x0  }
0xe8: {  	s25 =	simm.s32 $0x5050;
	[sflag:s30] =	ssyncadd.s32 $0xFFFFEC00  }
0xe9: {  	[spmem:s2] =	stream.indirect.scatter.add.f32 [tilespmem:s19], [sflag:$0x8], $0x40, s25, s15, $0xb8;
	[tilespmem:$0x19E40] =	vst v63  }
0xea: {  	_ =	swait.ge [sflag:s0], $0x1400  }
0xeb: {  	[sflag:s0] =	ssyncset.done $0x0  }
0xec: {  	s25 =	simm.s32 $0x50A0;
	[sflag:s0] =	ssyncadd.s32 $0xFFFFEC00  }
0xed: {  	[spmem:s2] =	stream.indirect.scatter.add.f32 [tilespmem:s21], [sflag:$0x9], $0x40, s25, s15, $0xb8;
	[tilespmem:$0x19E40] =	vst v63  }
0xee: {  	_ =	swait.ge [sflag:s4], $0x1400  }
0xef: {  	[sflag:s4] =	ssyncset.done $0x0  }
0xf0: {  	s31 =	simm.s32 $0x640;
	s24 =	simm.s32 $0x50F0;
	[sflag:s4] =	ssyncadd.s32 $0xFFFFEC00  }
.LBB2_4:
0xf1: {  	[spmem:s2] =	stream.indirect.scatter.add.f32 [tilespmem:s23], [sflag:$0xA], $0x40, s24, s15, $0xb8;
	[tilespmem:$0x19E40] =	vst v63  }
0xf2: {  	s24 =	smov.u32 s31  }
0xf3: {  	p0 =	sne.s32 s31, $0x12C00;
	s31 =	sadd.s32 $0x640, s31;
	_ =	swait.ge [sflag:s9], $0x1400  }
0xf4: {  	s24 =	sshra.s32 s24, $0x2;
	[sflag:s9] =	ssyncset.done $0x0  }
0xf5: {  	s25 =	sadd.s32 $0x190, s24;
	[sflag:s9] =	ssyncadd.s32 $0xFFFFEC00  }
0xf6: {  	[tilespmem:s16], [sflag:$0x1] =	stream.indirect.gather [hbm4b:s8+s15], $0x40, s25, s15, $0xb8;
	[tilespmem:$0x19E40] =	vst v63  }
0xf7: {  	_ =	swait.ge [sflag:s18], $0x1400  }
0xf8: {  	[sflag:s18] =	ssyncset.done $0x0  }
0xf9: {  	s25 =	sadd.s32 $0x1E0, s24;
	[sflag:s18] =	ssyncadd.s32 $0xFFFFEC00  }
0xfa: {  	[tilespmem:s17], [sflag:$0x2] =	stream.indirect.gather [hbm4b:s8+s15], $0x40, s25, s15, $0xb8;
	[tilespmem:$0x19E40] =	vst v63  }
0xfb: {  	_ =	swait.ge [sflag:s12], $0x1400  }
0xfc: {  	[sflag:s12] =	ssyncset.done $0x0  }
0xfd: {  	s25 =	sadd.s32 $0x230, s24;
	[sflag:s12] =	ssyncadd.s32 $0xFFFFEC00  }
0xfe: {  	[tilespmem:s19], [sflag:$0x3] =	stream.indirect.gather [hbm4b:s8+s15], $0x40, s25, s15, $0xb8;
	[tilespmem:$0x19E40] =	vst v63  }
0xff: {  	_ =	swait.ge [sflag:s20], $0x1400  }
0x100: {  	[sflag:s20] =	ssyncset.done $0x0  }
0x101: {  	s25 =	sadd.s32 $0x280, s24;
	[sflag:s20] =	ssyncadd.s32 $0xFFFFEC00  }
0x102: {  	[tilespmem:s21], [sflag:$0x4] =	stream.indirect.gather [hbm4b:s8+s15], $0x40, s25, s15, $0xb8;
	[tilespmem:$0x19E40] =	vst v63  }
0x103: {  	_ =	swait.ge [sflag:s22], $0x1400  }
0x104: {  	[sflag:s22] =	ssyncset.done $0x0  }
0x105: {  	s25 =	sadd.s32 $0x2D0, s24;
	[sflag:s22] =	ssyncadd.s32 $0xFFFFEC00  }
0x106: {  	[tilespmem:s23], [sflag:$0x5] =	stream.indirect.gather [hbm4b:s8+s15], $0x40, s25, s15, $0xb8;
	[tilespmem:$0x19E40] =	vst v63  }
0x107: {  	_ =	swait.ge [sflag:s26], $0x1400  }
0x108: {  	[sflag:s26] =	ssyncset.done $0x0  }
0x109: {  	s25 =	sadd.s32 $0x4FB0, s24;
	[sflag:s26] =	ssyncadd.s32 $0xFFFFEC00  }
0x10a: {  	[spmem:s2] =	stream.indirect.scatter.add.f32 [tilespmem:s16], [sflag:$0x6], $0x40, s25, s15, $0xb8;
	[tilespmem:$0x19E40] =	vst v63  }
0x10b: {  	_ =	swait.ge [sflag:s28], $0x1400  }
0x10c: {  	[sflag:s28] =	ssyncset.done $0x0  }
0x10d: {  	s25 =	sadd.s32 $0x5000, s24;
	[sflag:s28] =	ssyncadd.s32 $0xFFFFEC00  }
0x10e: {  	[spmem:s2] =	stream.indirect.scatter.add.f32 [tilespmem:s17], [sflag:$0x7], $0x40, s25, s15, $0xb8;
	[tilespmem:$0x19E40] =	vst v63  }
0x10f: {  	_ =	swait.ge [sflag:s30], $0x1400  }
0x110: {  	[sflag:s30] =	ssyncset.done $0x0  }
0x111: {  	s25 =	sadd.s32 $0x5050, s24;
	[sflag:s30] =	ssyncadd.s32 $0xFFFFEC00  }
0x112: {  	[spmem:s2] =	stream.indirect.scatter.add.f32 [tilespmem:s19], [sflag:$0x8], $0x40, s25, s15, $0xb8;
	[tilespmem:$0x19E40] =	vst v63  }
0x113: {  	_ =	swait.ge [sflag:s0], $0x1400  }
0x114: {  	[sflag:s0] =	ssyncset.done $0x0  }
.Ltmp1:
0x115: {  	s25 =	sadd.s32 $0x50A0, s24;
	[sflag:s0] =	ssyncadd.s32 $0xFFFFEC00;
	(pc) =	sbr.rel @p0 .LBB2_4-.Ltmp1, $4  }
0x116: {  	[spmem:s2] =	stream.indirect.scatter.add.f32 [tilespmem:s21], [sflag:$0x9], $0x40, s25, s15, $0xb8;
	[tilespmem:$0x19E40] =	vst v63  }
0x117: {  	_ =	swait.ge [sflag:s4], $0x1400  }
0x118: {  	[sflag:s4] =	ssyncset.done $0x0  }
0x119: {  	s24 =	sadd.s32 $0x50F0, s24;
	[sflag:s4] =	ssyncadd.s32 $0xFFFFEC00  }
0x11a: {  	[spmem:s2] =	stream.indirect.scatter.add.f32 [tilespmem:s23], [sflag:$0xA], $0x40, s24, s15, $0xb8;
	[tilespmem:$0x19E40] =	vst v63  }
0x11b: {  	_ =	swait.ge [sflag:s9], $0x1400  }
0x11c: {  	[sflag:s9] =	ssyncset.done $0x0  }
0x11d: {  	[sflag:s9] =	ssyncadd.s32 $0xFFFFEC00  }
0x11e: {  	_ =	swait.ge [sflag:s18], $0x1400  }
0x11f: {  	[sflag:s18] =	ssyncset.done $0x0  }
0x120: {  	[sflag:s18] =	ssyncadd.s32 $0xFFFFEC00  }
0x121: {  	_ =	swait.ge [sflag:s12], $0x1400  }
0x122: {  	[sflag:s12] =	ssyncset.done $0x0  }
0x123: {  	[sflag:s12] =	ssyncadd.s32 $0xFFFFEC00  }
0x124: {  	_ =	swait.ge [sflag:s20], $0x1400  }
0x125: {  	[sflag:s20] =	ssyncset.done $0x0  }
0x126: {  	[sflag:s20] =	ssyncadd.s32 $0xFFFFEC00  }
0x127: {  	_ =	swait.ge [sflag:s22], $0x1400  }
0x128: {  	[sflag:s22] =	ssyncset.done $0x0  }
0x129: {  	[sflag:s22] =	ssyncadd.s32 $0xFFFFEC00  }
0x12a: {  	[bflag:$0x0] =	sbarrier.arrive $0xFFFF  }
0x12b: {  	s25 =	rddreg [dreg:$0x8]  }
0x12c: {  	[hbm:s25], [sflag:s13] =	dma.local [spmem:s14], $0x13C0  }
0x12d: {  	_ =	swait.ge [sflag:s10], $0x13C0  }
0x12e: {  	s29 =	sadd.s32 $0x1, s29;
	s31 =	rddreg [dreg:$0x5]  }
0x12f: {  	p0 =	sne.s32 s29, s31  }
.Ltmp2:
0x130: {  	_ = 	snop;
	(pc) =	sbr.rel @p0 .LBB2_1-.Ltmp2, $3  }
0x131: {  	_ =	sdelay $0x1  }
0x132: {  	[sflag:s10] =	ssyncset.done $0x0  }
0x133: {  	[sflag:s10] =	ssyncadd.s32 $0xFFFFEC40  }
0x134: {  	_ =	sfence.sel $0x180000  }
0x135: {  	[bflag:$0x0] =	sbarrier.arrive $0xFFFF  }
0x136: {  	_ =	strace $0x9000004D  }
0x137: {  	s0 =	stileid.u32;
	[bflag:$0x2] =	sbarrier.arrive $0xFFFF  }
0x138: {  	p0 =	sne.s32 s0, $0x0;
	s0 =	rddreg [dreg:$0x2]  }
0x139: {  	s0 =	sadd.s32 @!p0 $0x100000, s0  }
0x13a: {  	[sflag:s0] =	ssyncadd.tile.s32 @!p0 $0x1;
	_ =	shalt  }
.Lfunc_end2:
_tile_overlayer_lowered:
.L_overlay_start_2:
0x13b: {  	(tag) =	ssettag $0x2  }
0x13c: {  	s0 =	rddreg [dreg:$0x0];
	s2 =	stileid.u32  }
0x13d: {  	s1 =	rddreg [dreg:$0x1];
	p0 =	sne.s32 s2, $0x0  }
0x13e: {  	s3 =	rddreg [dreg:$0x2];
	[bflag:$0x3] =	sbarrier.arrive $0xFFFF;
	s2 =	simm.s32 @!p0 $0x1C0B  }
0x13f: {  	[timem:s3], [sflag:s2] =	dma.local @!p0 [hbm:s0], s1  }
0x140: {  	s0 =	simm.s32 @!p0 $0xB  }
0x141: {  	_ =	swait.ge @!p0 [sflag:s0], s1  }
0x142: {  	s1 =	ssub.s32 @!p0 $0x0, s1;
	[sflag:s0] =	ssyncset.done @!p0 $0x0  }
0x143: {  	[sflag:s0] =	ssyncadd.s32 @!p0 s1  }
0x144: {  	[bflag:$0x3] =	sbarrier.arrive $0xFFFF  }
0x145: {  	_ =	shalt  }

// kernel: kernel.8.cloned.1.call-start
scs
__scs_entry_jumppad:
0x0: {  	(pc) =	sbr.rel $0x88, $3  }
0x1: {  	(tag) =	ssettag $0x0;
	lr =	simm.s32 $0x1  }
0x2: {  	[smem:$0x3F99] =	sst lr;
	_ =	strace $0xD0000000  }
0x3: {  	_ = 	snop  }
0x4: {  	_ = 	snop  }
0x5: {  	_ = 	snop  }
0x6: {  	_ = 	snop  }
0x7: {  	_ = 	snop  }
__scs_overlays_trampoline_lowered:
0x8: {  	[smem:$0x3FA8] =	sst s0  }
0x9: {  	[smem:$0x3FA9] =	sst s1  }
0xa: {  	[smem:$0x3FAA] =	sst s2  }
0xb: {  	[smem:$0x3FAB] =	sst s3  }
0xc: {  	[smem:$0x3FAC] =	sst s4  }
0xd: {  	[smem:$0x3FAD] =	sst s5  }
0xe: {  	[smem:$0x3FAE] =	sst s6  }
0xf: {  	[smem:$0x3FAF] =	sst s7  }
0x10: {  	[smem:$0x3FB0] =	sst s8  }
0x11: {  	[smem:$0x3FB1] =	sst s9;
	s0 =	simm.s32 @!p0 $0x0  }
0x12: {  	s1 =	sld [smem:$0x3F97];
	s0 =	simm.s32 @p0 $0x1  }
0x13: {  	[smem:$0x3FB2] =	sst s0;
	s0 =	simm.s32 @!p1 $0x0  }
0x14: {  	s2 =	sld [smem:$0x3F96];
	s0 =	simm.s32 @p1 $0x1  }
0x15: {  	[smem:$0x3FB3] =	sst s0;
	s0 =	simm.s32 @!p2 $0x0  }
0x16: {  	s3 =	sld [smem:$0x3FDB];
	s0 =	simm.s32 @p2 $0x1  }
0x17: {  	s4 =	simm.s32 $0x1BF5;
	[smem:$0x3FB5] =	sst s0  }
0x18: {  	s0 =	sld [smem:$0x3F98];
	_ =	swait.ge [sflag:s4], $0x0  }
0x19: {  	s7 =	sld [smem:$0x3F99]  }
0x1a: {  	s8 =	sadd.s32 $0xFFFFE003, lr  }
0x1b: {  	s9 =	sadd.s32 $0xFFFFFEF7, lr;
	s5 =	simm.s32 $0xFFFFFFFF;
	p2 =	slt.u32 s8, $0xFFFFF086  }
0x1c: {  	p1 =	slt.u32 s9, $0xF7A;
	s5 =	simm.s32 @!p2 $0x0  }
0x1d: {  	s5 =	simm.s32 @p1 $0x1;
	p0 =	seq.s32 s7, s2  }
0x1e: {  	s7 =	smul.u32 @!p0 $0xF7A, s2;
	p2 =	seq.s32 @!p0 s5, $0x0  }
0x1f: {  	s9 =	smul.u32 $0xF7A, s1;
	s8 =	simm.s32 @!p0 $0x1BF5;
	p2 =	por !p2, p0  }
0x20: {  	[sflag:s8] =	ssyncset.s32 @!p0 $0xFFFFF086;
	s6 =	sadd.s32 @!p0 s3, s7;
	s7 =	simm.s32 @!p0 $0x108  }
0x21: {  	s3 =	sadd.s32 s3, s9;
	s6 =	sadd.s32 @!p0 $0x88, s6;
	s7 =	simm.s32 @p2 $0x1082  }
0x22: {  	[simem:s7], [sflag:s8] =	dma.local @!p0 [hbm:s6], $0xF7A  }
0x23: {  	s9 =	sor.u32 $0xD0000000, s2;
	s6 =	simm.s32 $0x108;
	_ =	swait.ge @!p0 [sflag:s8], $0x0  }
0x24: {  	s3 =	sadd.s32 $0x88, s3;
	s6 =	simm.s32 @!p1 $0x1082;
	[sflag:s4] =	ssyncset.s32 $0xFFFFF086  }
0x25: {  	[simem:s6], [sflag:s4] =	dma.local [hbm:s3], $0xF7A  }
0x26: {  	[smem:$0x3F99] =	sst s1;
	(tag) =	ssettag s2;
	_ =	strace s9  }
0x27: {  	s1 =	sld [smem:$0x3FA9]  }
0x28: {  	s2 =	sld [smem:$0x3FAA]  }
0x29: {  	s4 =	sld [smem:$0x3FAC]  }
0x2a: {  	p0 =	seq.s32 s5, $0x0;
	s5 =	sld [smem:$0x3FAD]  }
0x2b: {  	s6 =	sld [smem:$0x3FAE]  }
0x2c: {  	s7 =	sld [smem:$0x3FAF]  }
0x2d: {  	s3 =	simm.s32 $0x108;
	s8 =	sld [smem:$0x3FB0]  }
0x2e: {  	s3 =	simm.s32 @!p0 $0x1082;
	s9 =	sld [smem:$0x3FB1]  }
0x2f: {  	lr =	sadd.s32 s0, s3;
	s0 =	sld [smem:$0x3FA8]  }
0x30: {  	s3 =	sld [smem:$0x3FAB]  }
0x31: {  	[smem:$0x3FB4] =	sst s10  }
0x32: {  	s10 =	sld [smem:$0x3FB2];
	_ =	sdelay $0x3  }
0x33: {  	p0 =	seq.s32 s10, $0x1;
	s10 =	sld [smem:$0x3FB4];
	_ =	sdelay $0x3  }
0x34: {  	[smem:$0x3FB4] =	sst s10  }
0x35: {  	s10 =	sld [smem:$0x3FB3];
	_ =	sdelay $0x3  }
0x36: {  	p1 =	seq.s32 s10, $0x1;
	s10 =	sld [smem:$0x3FB4];
	_ =	sdelay $0x3  }
0x37: {  	[smem:$0x3FB4] =	sst s10  }
0x38: {  	s10 =	sld [smem:$0x3FB5]  }
0x39: {  	_ = 	snop;
	(pc) =	sbr.ind lr, $3  }
0x3a: {  	_ = 	snop  }
0x3b: {  	_ = 	snop  }
0x3c: {  	p2 =	seq.s32 s10, $0x1;
	s10 =	sld [smem:$0x3FB4]  }
0x3d: {  	_ =	shalt  }
0x3e: {  	_ =	shalt  }
0x3f: {  	_ =	shalt  }
0x40: {  	_ =	shalt  }
0x41: {  	_ =	shalt  }
0x42: {  	_ =	shalt  }
0x43: {  	_ =	shalt  }
0x44: {  	_ =	shalt  }
0x45: {  	_ =	shalt  }
0x46: {  	_ =	shalt  }
0x47: {  	_ =	shalt  }
0x48: {  	_ =	shalt  }
0x49: {  	_ =	shalt  }
0x4a: {  	_ =	shalt  }
0x4b: {  	_ =	shalt  }
0x4c: {  	_ =	shalt  }
0x4d: {  	_ =	shalt  }
0x4e: {  	_ =	shalt  }
0x4f: {  	_ =	shalt  }
0x50: {  	_ =	shalt  }
0x51: {  	_ =	shalt  }
0x52: {  	_ =	shalt  }
0x53: {  	_ =	shalt  }
0x54: {  	_ =	shalt  }
0x55: {  	_ =	shalt  }
0x56: {  	_ =	shalt  }
0x57: {  	_ =	shalt  }
0x58: {  	_ =	shalt  }
0x59: {  	_ =	shalt  }
0x5a: {  	_ =	shalt  }
0x5b: {  	_ =	shalt  }
0x5c: {  	_ =	shalt  }
0x5d: {  	_ =	shalt  }
0x5e: {  	_ =	shalt  }
0x5f: {  	_ =	shalt  }
0x60: {  	_ =	shalt  }
0x61: {  	_ =	shalt  }
0x62: {  	_ =	shalt  }
0x63: {  	_ =	shalt  }
0x64: {  	_ =	shalt  }
0x65: {  	_ =	shalt  }
0x66: {  	_ =	shalt  }
0x67: {  	_ =	shalt  }
0x68: {  	_ =	shalt  }
0x69: {  	_ =	shalt  }
0x6a: {  	_ =	shalt  }
0x6b: {  	_ =	shalt  }
0x6c: {  	_ =	shalt  }
0x6d: {  	_ =	shalt  }
0x6e: {  	_ =	shalt  }
0x6f: {  	_ =	shalt  }
0x70: {  	_ =	shalt  }
0x71: {  	_ =	shalt  }
0x72: {  	_ =	shalt  }
0x73: {  	_ =	shalt  }
0x74: {  	_ =	shalt  }
0x75: {  	_ =	shalt  }
0x76: {  	_ =	shalt  }
0x77: {  	_ =	shalt  }
0x78: {  	_ =	shalt  }
0x79: {  	_ =	shalt  }
0x7a: {  	_ =	shalt  }
0x7b: {  	_ =	shalt  }
0x7c: {  	_ =	shalt  }
0x7d: {  	_ =	shalt  }
0x7e: {  	_ =	shalt  }
0x7f: {  	_ =	shalt  }
0x80: {  	_ =	shalt  }
0x81: {  	_ =	shalt  }
0x82: {  	_ =	shalt  }
0x83: {  	_ =	shalt  }
0x84: {  	_ =	shalt  }
0x85: {  	_ =	shalt  }
0x86: {  	_ =	shalt  }
0x87: {  	_ =	shalt  }
.Lfunc_end0:
.L_simem_size_0:
called_computation_lowered:
.L_overlay_start_0:
0x88: {  	s2 =	sld [smem:$0x3FD9]  }
0x89: {  	s3 =	sld [smem:$0x3FFE];
	_ =	sdelay $0x1  }
0x8a: {  	s1 =	srdreg.scid  }
0x8b: {  	s0 =	sand.u32 $0x1, s1  }
0x8c: {  	s16 =	sshll.u32 s0, $0xA;
	s2 =	sadd.s32 s3, s2  }
0x8d: {  	s2 =	sadd.s32 s2, s16  }
0x8e: {  	[smem:$0x3FC0] =	sst s2  }
0x8f: {  	_ = 	snop  }
0x90: {  	(tm) =	ssettm $0x1  }
0x91: {  	s17 =	sld [smem:$0x3FFB];
	_ =	sdelay $0x3  }
0x92: {  	_ =	strace s17  }
0x93: {  	s2 =	sld [smem:$0x3FFC];
	_ =	sdelay $0x3  }
0x94: {  	_ =	strace s2  }
0x95: {  	s2 =	sld [smem:$0x3FFD];
	_ =	sdelay $0x3  }
0x96: {  	_ =	strace s2  }
0x97: {  	_ =	strace $0x8FFFFFFF  }
0x98: {  	s18 =	sld [smem:$0x3FDB];
	_ =	sdelay $0x1  }
0x99: {  	s19 =	simm.s32 $_scs_section_size  }
0x9a: {  	s4 =	simm.s32 $_size__tile_overlayer_lowered;
	s5 =	simm.s32 $_tile_overlayer_lowered  }
0x9b: {  	s22 =	simm.s32 $0x1BFF;
	s21 =	sshll.u32 s5, $0x1;
	s2 =	sadd.s32 s19, s18  }
0x9c: {  	s6 =	simm.s32 $0x0;
	s20 =	sshll.u32 s4, $0x1;
	s4 =	sadd.s32 s21, s2  }
0x9d: {  	[timem:s6], [sflag:s22] =	dma.local [hbm:s4], s20  }
0x9e: {  	_ =	swait.ge [sflag:s22], s20  }
0x9f: {  	s3 =	ssub.s32 $0x0, s20;
	[sflag:s22] =	ssyncset.done $0x0  }
0xa0: {  	[sflag:s22] =	ssyncadd.s32 s3;
	_ =	sdelay $0x1  }
0xa1: {  	s23 =	simm.s32 $0x1B8B  }
0xa2: {  	_ =	swait.ge [sflag:s23], $0x1  }
0xa3: {  	[sflag:s23] =	ssyncset.done $0x0  }
0xa4: {  	s25 =	simm.s32 $0x1B8E;
	s24 =	sld [smem:$0x3FFE];
	[sflag:s23] =	ssyncadd.s32 $0xFFFFFFFF  }
0xa5: {  	s26 =	simm.s32 $execute0_lowered;
	[smem:$0x3FD2] =	sst s25  }
0xa6: {  	s4 =	sshll.u32 s26, $0x1;
	_ =	strace $0x80000046;
	[dreg:$0x1] =	wrdreg $0xFFFFFFFF  }
0xa7: {  	s28 =	simm.s32 $_size_execute0_lowered;
	s2 =	sadd.s32 s2, s4;
	[dreg:$0x0] =	wrdreg $0x0  }
0xa8: {  	s4 =	sshll.u32 s28, $0x1;
	[dreg:$0x2] =	wrdreg s2  }
0xa9: {  	[dreg:$0x3] =	wrdreg s4  }
0xaa: {  	[dreg:$0x4] =	wrdreg $0xC0  }
0xab: {  	_ =	task [dreg:s6], $0x5FFFF  }
0xac: {  	[dreg:$0x1] =	wrdreg $0xFFFFFFFF  }
0xad: {  	[dreg:$0x0] =	wrdreg $0x60  }
0xae: {  	[dreg:$0x2] =	wrdreg s24  }
0xaf: {  	[dreg:$0x3] =	wrdreg $0x29900  }
0xb0: {  	[dreg:$0x4] =	wrdreg $0x9  }
0xb1: {  	_ =	task.clear_ibuf [dreg:s6], $0x5FFFF;
	_ =	strace $0x90000046  }
0xb2: {  	s29 =	simm.s32 $0x9;
	_ =	strace $0x80000048  }
0xb3: {  	_ =	swait.ge [sflag:s29], $0x1  }
0xb4: {  	[sflag:s29] =	ssyncadd.s32 $0xFFFFFFFF  }
0xb5: {  	_ =	strace $0x90000048  }
0xb6: {  	_ =	sfence  }
0xb7: {  	s30 =	sld [smem:$0x0];
	_ =	sdelay $0x2  }
0xb8: {  	s31 =	sshll.u32 s1, $0xD;
	s1 =	sshrl.u32 s1, $0x2  }
0xb9: {  	s3 =	sand.u32 $0x4000, s31;
	s1 =	sadd.s32 s1, s30  }
0xba: {  	s0 =	sor.u32 s3, s0;
	s1 =	sshll.u32 s1, $0x11  }
0xbb: {  	s0 =	sor.u32 s1, s0  }
0xbc: {  	s0 =	sadd.s32 $0x8F2B, s0  }
0xbd: {  	[sflag:s0] =	ssyncadd.remote.s32 $0x1  }
0xbe: {  	_ =	sfence.sel $0xFFFF  }
0xbf: {  	[dreg:$0x0] =	wrdreg $0xFFFFFFFF;
	(pc) =	sbr.abs _section_cstart, $3  }
0xc0: {  	[dreg:$0x1] =	wrdreg $0xFFFFFFFF  }
0xc1: {  	_ =	task.clear_ibuf [dreg:s6], $0x2FFFF;
	_ =	strace $0x9FFFFFFF  }
0xc2: {  	(tm) =	ssettm $0x7FFFFFFF  }
0xc3: {  	_ =	shalt  }
tec
execute0_lowered:
.L_overlay_start_1:
0x0: {  	(tag) =	ssettag $0x1  }
0x1: {  	s5 =	rddreg [dreg:$0x0]  }
0x2: {  	s0 =	srdreg.scid;
	s2 =	rddreg [dreg:$0x1]  }
0x3: {  	s1 =	stileid.u32;
	s3 =	simm.s32 $0x0;
	s12 =	simm.s32 $0x50  }
0x4: {  	s13 =	simm.s32 $0x1;
	s4 =	sand.u32 $0x1, s0;
	s0 =	rddreg [dreg:$0x2]  }
0x5: {  	s7 =	smul.u32 $0x13C0, s1;
	[smem:$0x7FF] =	sst s3;
	s31 =	sshll.u32 s1, $0x6  }
0x6: {  	s6 =	sshll.u32 s4, $0x4;
	_ =	strace $0x80000047;
	s8 =	smul.u32 $0x2780, s4  }
0x7: {  	s10 =	ssub.s32 $0x2, s4;
	s4 =	sadd.s32 $0x17800, s5;
	s6 =	sor.u32 s1, s6  }
0x8: {  	s14 =	sshrl.u32 s7, $0x3;
	s30 =	sshrl.u32 s10, $0x1;
	s11 =	sadd.s32 s7, s2  }
0x9: {  	s6 =	smul.u32 $0x4E2, s6;
	s8 =	sadd.s32 s8, s5;
	s10 =	ssub.s32 s10, s30  }
0xa: {  	s29 =	sadd.s32 s14, s5;
	s15 =	sadd.s32 $0x17A00, s8;
	s8 =	smax.u32 s10, $0x1  }
0xb: {  	s10 =	simm.s32 $0x2;
	s9 =	sadd.s32 s6, s5;
	s5 =	sadd.s32 $0x15000, s29  }
0xc: {  	s6 =	sor.u32 $0x1C02, s31;
	s14 =	sadd.s32 s14, s15;
	s15 =	simm.s32 $0x0  }
0xd: {  	s7 =	sadd.s32 $0xB200, s9;
	s9 =	sshrl.u32 s11, $0x3;
	s11 =	simm.s32 $0x2710  }
.LBB2_1:
0xe: {  	[spmem:s9], [sflag:s6] =	dma.local [hbm:s5], $0x278  }
0xf: {  	_ =	swait.ge [sflag:s10], $0x278  }
0x10: {  	[sflag:s10] =	ssyncset.done $0x0  }
0x11: {  	[sflag:s10] =	ssyncadd.s32 $0xFFFFFD88  }
0x12: {  	[tilespmem:s11], [sflag:$0x2] =	stream.linear.gather [hbm4b:s4+s3], $0x280, $0x38;
	[tilespmem:$0x3D50] =	vst v63  }
0x13: {  	_ =	swait.ge [sflag:s10], $0x280  }
0x14: {  	[sflag:s10] =	ssyncset.done $0x0  }
0x15: {  	[sflag:s10] =	ssyncadd.s32 $0xFFFFFD80  }
0x16: {  	[tilespmem:s3], [sflag:$0x2] =	stream.linear.gather [hbm4b:s7+s3], $0x2710, $0x38;
	[tilespmem:$0x3D50] =	vst v63  }
0x17: {  	_ =	swait.ge [sflag:s10], $0x2710  }
0x18: {  	[sflag:s10] =	ssyncset.done $0x0  }
0x19: {  	[sflag:s10] =	ssyncadd.s32 $0xFFFFD8F0  }
0x1a: {  	s16 =	simm.s32 $0x0;
	[bflag:$0x0] =	sbarrier.arrive $0xFFFF  }
0x1b: {  	[spmem:s2] =	stream.indirect.scatter.add.f32 [tilespmem:s11], [sflag:$0x1], $0x8, s16, s12, $0xb8;
	[tilespmem:$0x3D50] =	vst v63  }
0x1c: {  	s21 =	simm.s32 $0x50  }
0x1d: {  	[spmem:s2] =	stream.indirect.scatter.add.f32 [tilespmem:s11], [sflag:$0x1], $0x8, s21, s12, $0xb8;
	[tilespmem:$0x3D50] =	vst v63  }
0x1e: {  	s22 =	simm.s32 $0xA0  }
0x1f: {  	[spmem:s2] =	stream.indirect.scatter.add.f32 [tilespmem:s11], [sflag:$0x1], $0x8, s22, s12, $0xb8;
	[tilespmem:$0x3D50] =	vst v63  }
0x20: {  	s23 =	simm.s32 $0xF0  }
0x21: {  	[spmem:s2] =	stream.indirect.scatter.add.f32 [tilespmem:s11], [sflag:$0x1], $0x8, s23, s12, $0xb8;
	[tilespmem:$0x3D50] =	vst v63  }
0x22: {  	s24 =	simm.s32 $0x140  }
0x23: {  	[spmem:s2] =	stream.indirect.scatter.add.f32 [tilespmem:s11], [sflag:$0x1], $0x8, s24, s12, $0xb8;
	[tilespmem:$0x3D50] =	vst v63  }
0x24: {  	s25 =	simm.s32 $0x190  }
0x25: {  	[spmem:s2] =	stream.indirect.scatter.add.f32 [tilespmem:s11], [sflag:$0x1], $0x8, s25, s12, $0xb8;
	[tilespmem:$0x3D50] =	vst v63  }
0x26: {  	s26 =	simm.s32 $0x1E0  }
0x27: {  	[spmem:s2] =	stream.indirect.scatter.add.f32 [tilespmem:s11], [sflag:$0x1], $0x8, s26, s12, $0xb8;
	[tilespmem:$0x3D50] =	vst v63  }
0x28: {  	s28 =	simm.s32 $0x230  }
0x29: {  	[spmem:s2] =	stream.indirect.scatter.add.f32 [tilespmem:s11], [sflag:$0x1], $0x8, s28, s12, $0xb8;
	[tilespmem:$0x3D50] =	vst v63  }
0x2a: {  	s29 =	simm.s32 $0x280  }
0x2b: {  	[spmem:s2] =	stream.indirect.scatter.add.f32 [tilespmem:s11], [sflag:$0x1], $0x8, s29, s12, $0xb8;
	[tilespmem:$0x3D50] =	vst v63  }
0x2c: {  	s30 =	simm.s32 $0x2D0  }
0x2d: {  	[spmem:s2] =	stream.indirect.scatter.add.f32 [tilespmem:s11], [sflag:$0x1], $0x8, s30, s12, $0xb8;
	[tilespmem:$0x3D50] =	vst v63  }
0x2e: {  	s31 =	simm.s32 $0x320  }
0x2f: {  	[spmem:s2] =	stream.indirect.scatter.add.f32 [tilespmem:s11], [sflag:$0x1], $0x8, s31, s12, $0xb8;
	[tilespmem:$0x3D50] =	vst v63  }
0x30: {  	s17 =	simm.s32 $0x370  }
0x31: {  	[spmem:s2] =	stream.indirect.scatter.add.f32 [tilespmem:s11], [sflag:$0x1], $0x8, s17, s12, $0xb8;
	[tilespmem:$0x3D50] =	vst v63  }
0x32: {  	s18 =	simm.s32 $0x3C0  }
0x33: {  	[spmem:s2] =	stream.indirect.scatter.add.f32 [tilespmem:s11], [sflag:$0x1], $0x8, s18, s12, $0xb8;
	[tilespmem:$0x3D50] =	vst v63  }
0x34: {  	s19 =	simm.s32 $0x410  }
0x35: {  	[spmem:s2] =	stream.indirect.scatter.add.f32 [tilespmem:s11], [sflag:$0x1], $0x8, s19, s12, $0xb8;
	[tilespmem:$0x3D50] =	vst v63  }
0x36: {  	s20 =	simm.s32 $0x460  }
0x37: {  	[spmem:s2] =	stream.indirect.scatter.add.f32 [tilespmem:s11], [sflag:$0x1], $0x8, s20, s12, $0xb8;
	[tilespmem:$0x3D50] =	vst v63  }
0x38: {  	s21 =	simm.s32 $0x4B0  }
0x39: {  	[spmem:s2] =	stream.indirect.scatter.add.f32 [tilespmem:s11], [sflag:$0x1], $0x8, s21, s12, $0xb8;
	[tilespmem:$0x3D50] =	vst v63  }
0x3a: {  	s22 =	simm.s32 $0x500  }
0x3b: {  	[spmem:s2] =	stream.indirect.scatter.add.f32 [tilespmem:s11], [sflag:$0x1], $0x8, s22, s12, $0xb8;
	[tilespmem:$0x3D50] =	vst v63  }
0x3c: {  	s23 =	simm.s32 $0x550  }
0x3d: {  	[spmem:s2] =	stream.indirect.scatter.add.f32 [tilespmem:s11], [sflag:$0x1], $0x8, s23, s12, $0xb8;
	[tilespmem:$0x3D50] =	vst v63  }
0x3e: {  	s24 =	simm.s32 $0x5A0  }
0x3f: {  	[spmem:s2] =	stream.indirect.scatter.add.f32 [tilespmem:s11], [sflag:$0x1], $0x8, s24, s12, $0xb8;
	[tilespmem:$0x3D50] =	vst v63  }
0x40: {  	s25 =	simm.s32 $0x5F0  }
0x41: {  	[spmem:s2] =	stream.indirect.scatter.add.f32 [tilespmem:s11], [sflag:$0x1], $0x8, s25, s12, $0xb8;
	[tilespmem:$0x3D50] =	vst v63  }
0x42: {  	s26 =	simm.s32 $0x640  }
0x43: {  	[spmem:s2] =	stream.indirect.scatter.add.f32 [tilespmem:s11], [sflag:$0x1], $0x8, s26, s12, $0xb8;
	[tilespmem:$0x3D50] =	vst v63  }
0x44: {  	s28 =	simm.s32 $0x690  }
0x45: {  	[spmem:s2] =	stream.indirect.scatter.add.f32 [tilespmem:s11], [sflag:$0x1], $0x8, s28, s12, $0xb8;
	[tilespmem:$0x3D50] =	vst v63  }
0x46: {  	s29 =	simm.s32 $0x6E0  }
0x47: {  	[spmem:s2] =	stream.indirect.scatter.add.f32 [tilespmem:s11], [sflag:$0x1], $0x8, s29, s12, $0xb8;
	[tilespmem:$0x3D50] =	vst v63  }
0x48: {  	s30 =	simm.s32 $0x730  }
0x49: {  	[spmem:s2] =	stream.indirect.scatter.add.f32 [tilespmem:s11], [sflag:$0x1], $0x8, s30, s12, $0xb8;
	[tilespmem:$0x3D50] =	vst v63  }
0x4a: {  	s31 =	simm.s32 $0x780  }
0x4b: {  	[spmem:s2] =	stream.indirect.scatter.add.f32 [tilespmem:s11], [sflag:$0x1], $0x8, s31, s12, $0xb8;
	[tilespmem:$0x3D50] =	vst v63  }
0x4c: {  	_ =	swait.ge [sflag:s13], $0x280  }
0x4d: {  	[sflag:s13] =	ssyncset.done $0x0  }
0x4e: {  	[sflag:s13] =	ssyncadd.s32 $0xFFFFFD80  }
0x4f: {  	_ =	swait.ge [sflag:s13], $0x280  }
0x50: {  	[sflag:s13] =	ssyncset.done $0x0  }
0x51: {  	[sflag:s13] =	ssyncadd.s32 $0xFFFFFD80  }
0x52: {  	_ =	swait.ge [sflag:s13], $0x280  }
0x53: {  	[sflag:s13] =	ssyncset.done $0x0  }
0x54: {  	[sflag:s13] =	ssyncadd.s32 $0xFFFFFD80  }
0x55: {  	_ =	swait.ge [sflag:s13], $0x280  }
0x56: {  	[sflag:s13] =	ssyncset.done $0x0  }
0x57: {  	[sflag:s13] =	ssyncadd.s32 $0xFFFFFD80  }
0x58: {  	_ =	swait.ge [sflag:s13], $0x280  }
0x59: {  	[sflag:s13] =	ssyncset.done $0x0  }
0x5a: {  	[sflag:s13] =	ssyncadd.s32 $0xFFFFFD80  }
0x5b: {  	_ =	swait.ge [sflag:s13], $0x280  }
0x5c: {  	[sflag:s13] =	ssyncset.done $0x0  }
0x5d: {  	[sflag:s13] =	ssyncadd.s32 $0xFFFFFD80  }
0x5e: {  	_ =	swait.ge [sflag:s13], $0x280  }
0x5f: {  	[sflag:s13] =	ssyncset.done $0x0  }
0x60: {  	[sflag:s13] =	ssyncadd.s32 $0xFFFFFD80  }
0x61: {  	_ =	swait.ge [sflag:s13], $0x280  }
0x62: {  	[sflag:s13] =	ssyncset.done $0x0  }
0x63: {  	[sflag:s13] =	ssyncadd.s32 $0xFFFFFD80  }
0x64: {  	_ =	swait.ge [sflag:s13], $0x280  }
0x65: {  	[sflag:s13] =	ssyncset.done $0x0  }
0x66: {  	[sflag:s13] =	ssyncadd.s32 $0xFFFFFD80  }
0x67: {  	_ =	swait.ge [sflag:s13], $0x280  }
0x68: {  	[sflag:s13] =	ssyncset.done $0x0  }
0x69: {  	[sflag:s13] =	ssyncadd.s32 $0xFFFFFD80  }
0x6a: {  	_ =	swait.ge [sflag:s13], $0x280  }
0x6b: {  	[sflag:s13] =	ssyncset.done $0x0  }
0x6c: {  	[sflag:s13] =	ssyncadd.s32 $0xFFFFFD80  }
0x6d: {  	_ =	swait.ge [sflag:s13], $0x280  }
0x6e: {  	[sflag:s13] =	ssyncset.done $0x0  }
0x6f: {  	[sflag:s13] =	ssyncadd.s32 $0xFFFFFD80  }
0x70: {  	_ =	swait.ge [sflag:s13], $0x280  }
0x71: {  	[sflag:s13] =	ssyncset.done $0x0  }
0x72: {  	[sflag:s13] =	ssyncadd.s32 $0xFFFFFD80  }
0x73: {  	_ =	swait.ge [sflag:s13], $0x280  }
0x74: {  	[sflag:s13] =	ssyncset.done $0x0  }
0x75: {  	[sflag:s13] =	ssyncadd.s32 $0xFFFFFD80  }
0x76: {  	_ =	swait.ge [sflag:s13], $0x280  }
0x77: {  	[sflag:s13] =	ssyncset.done $0x0  }
0x78: {  	[sflag:s13] =	ssyncadd.s32 $0xFFFFFD80  }
0x79: {  	_ =	swait.ge [sflag:s13], $0x280  }
0x7a: {  	[sflag:s13] =	ssyncset.done $0x0  }
0x7b: {  	[sflag:s13] =	ssyncadd.s32 $0xFFFFFD80  }
0x7c: {  	_ =	swait.ge [sflag:s13], $0x280  }
0x7d: {  	[sflag:s13] =	ssyncset.done $0x0  }
0x7e: {  	[sflag:s13] =	ssyncadd.s32 $0xFFFFFD80  }
0x7f: {  	_ =	swait.ge [sflag:s13], $0x280  }
0x80: {  	[sflag:s13] =	ssyncset.done $0x0  }
0x81: {  	[sflag:s13] =	ssyncadd.s32 $0xFFFFFD80  }
0x82: {  	_ =	swait.ge [sflag:s13], $0x280  }
0x83: {  	[sflag:s13] =	ssyncset.done $0x0  }
0x84: {  	[sflag:s13] =	ssyncadd.s32 $0xFFFFFD80  }
0x85: {  	_ =	swait.ge [sflag:s13], $0x280  }
0x86: {  	[sflag:s13] =	ssyncset.done $0x0  }
0x87: {  	[sflag:s13] =	ssyncadd.s32 $0xFFFFFD80  }
0x88: {  	_ =	swait.ge [sflag:s13], $0x280  }
0x89: {  	[sflag:s13] =	ssyncset.done $0x0  }
0x8a: {  	[sflag:s13] =	ssyncadd.s32 $0xFFFFFD80  }
0x8b: {  	_ =	swait.ge [sflag:s13], $0x280  }
0x8c: {  	[sflag:s13] =	ssyncset.done $0x0  }
0x8d: {  	[sflag:s13] =	ssyncadd.s32 $0xFFFFFD80  }
0x8e: {  	_ =	swait.ge [sflag:s13], $0x280  }
0x8f: {  	[sflag:s13] =	ssyncset.done $0x0  }
0x90: {  	[sflag:s13] =	ssyncadd.s32 $0xFFFFFD80  }
0x91: {  	_ =	swait.ge [sflag:s13], $0x280  }
0x92: {  	[sflag:s13] =	ssyncset.done $0x0  }
0x93: {  	[sflag:s13] =	ssyncadd.s32 $0xFFFFFD80  }
0x94: {  	_ =	swait.ge [sflag:s13], $0x280  }
0x95: {  	s16 =	simm.s32 $0x1F40;
	s19 =	simm.s32 $0x3E80;
	[sflag:s13] =	ssyncset.done $0x0  }
.LBB2_2:
0x96: {  	s18 =	sshra.s32 s16, $0x2  }
0x97: {  	[sflag:s13] =	ssyncadd.s32 $0xFFFFFD80;
	s16 =	smov.u32 s19;
	s17 =	sadd.s32 $0x1F40, s19  }
0x98: {  	[spmem:s2] =	stream.indirect.scatter.add.f32 [tilespmem:s11], [sflag:$0x1], $0x8, s18, s12, $0xb8;
	[tilespmem:$0x3D50] =	vst v63  }
0x99: {  	p0 =	sne.s32 s19, $0x7D00;
	s19 =	sadd.s32 $0x50, s18  }
0x9a: {  	[spmem:s2] =	stream.indirect.scatter.add.f32 [tilespmem:s11], [sflag:$0x1], $0x8, s19, s12, $0xb8;
	[tilespmem:$0x3D50] =	vst v63  }
0x9b: {  	s19 =	sadd.s32 $0xA0, s18  }
0x9c: {  	[spmem:s2] =	stream.indirect.scatter.add.f32 [tilespmem:s11], [sflag:$0x1], $0x8, s19, s12, $0xb8;
	[tilespmem:$0x3D50] =	vst v63  }
0x9d: {  	s19 =	sadd.s32 $0xF0, s18  }
0x9e: {  	[spmem:s2] =	stream.indirect.scatter.add.f32 [tilespmem:s11], [sflag:$0x1], $0x8, s19, s12, $0xb8;
	[tilespmem:$0x3D50] =	vst v63  }
0x9f: {  	s19 =	sadd.s32 $0x140, s18  }
0xa0: {  	[spmem:s2] =	stream.indirect.scatter.add.f32 [tilespmem:s11], [sflag:$0x1], $0x8, s19, s12, $0xb8;
	[tilespmem:$0x3D50] =	vst v63  }
0xa1: {  	s19 =	sadd.s32 $0x190, s18  }
0xa2: {  	[spmem:s2] =	stream.indirect.scatter.add.f32 [tilespmem:s11], [sflag:$0x1], $0x8, s19, s12, $0xb8;
	[tilespmem:$0x3D50] =	vst v63  }
0xa3: {  	s19 =	sadd.s32 $0x1E0, s18  }
0xa4: {  	[spmem:s2] =	stream.indirect.scatter.add.f32 [tilespmem:s11], [sflag:$0x1], $0x8, s19, s12, $0xb8;
	[tilespmem:$0x3D50] =	vst v63  }
0xa5: {  	s19 =	sadd.s32 $0x230, s18  }
0xa6: {  	[spmem:s2] =	stream.indirect.scatter.add.f32 [tilespmem:s11], [sflag:$0x1], $0x8, s19, s12, $0xb8;
	[tilespmem:$0x3D50] =	vst v63  }
0xa7: {  	s19 =	sadd.s32 $0x280, s18  }
0xa8: {  	[spmem:s2] =	stream.indirect.scatter.add.f32 [tilespmem:s11], [sflag:$0x1], $0x8, s19, s12, $0xb8;
	[tilespmem:$0x3D50] =	vst v63  }
0xa9: {  	s19 =	sadd.s32 $0x2D0, s18  }
0xaa: {  	[spmem:s2] =	stream.indirect.scatter.add.f32 [tilespmem:s11], [sflag:$0x1], $0x8, s19, s12, $0xb8;
	[tilespmem:$0x3D50] =	vst v63  }
0xab: {  	s19 =	sadd.s32 $0x320, s18  }
0xac: {  	[spmem:s2] =	stream.indirect.scatter.add.f32 [tilespmem:s11], [sflag:$0x1], $0x8, s19, s12, $0xb8;
	[tilespmem:$0x3D50] =	vst v63  }
0xad: {  	s19 =	sadd.s32 $0x370, s18  }
0xae: {  	[spmem:s2] =	stream.indirect.scatter.add.f32 [tilespmem:s11], [sflag:$0x1], $0x8, s19, s12, $0xb8;
	[tilespmem:$0x3D50] =	vst v63  }
0xaf: {  	s19 =	sadd.s32 $0x3C0, s18  }
0xb0: {  	[spmem:s2] =	stream.indirect.scatter.add.f32 [tilespmem:s11], [sflag:$0x1], $0x8, s19, s12, $0xb8;
	[tilespmem:$0x3D50] =	vst v63  }
0xb1: {  	s19 =	sadd.s32 $0x410, s18  }
0xb2: {  	[spmem:s2] =	stream.indirect.scatter.add.f32 [tilespmem:s11], [sflag:$0x1], $0x8, s19, s12, $0xb8;
	[tilespmem:$0x3D50] =	vst v63  }
0xb3: {  	s19 =	sadd.s32 $0x460, s18  }
0xb4: {  	[spmem:s2] =	stream.indirect.scatter.add.f32 [tilespmem:s11], [sflag:$0x1], $0x8, s19, s12, $0xb8;
	[tilespmem:$0x3D50] =	vst v63  }
0xb5: {  	s19 =	sadd.s32 $0x4B0, s18  }
0xb6: {  	[spmem:s2] =	stream.indirect.scatter.add.f32 [tilespmem:s11], [sflag:$0x1], $0x8, s19, s12, $0xb8;
	[tilespmem:$0x3D50] =	vst v63  }
0xb7: {  	s19 =	sadd.s32 $0x500, s18  }
0xb8: {  	[spmem:s2] =	stream.indirect.scatter.add.f32 [tilespmem:s11], [sflag:$0x1], $0x8, s19, s12, $0xb8;
	[tilespmem:$0x3D50] =	vst v63  }
0xb9: {  	s19 =	sadd.s32 $0x550, s18  }
0xba: {  	[spmem:s2] =	stream.indirect.scatter.add.f32 [tilespmem:s11], [sflag:$0x1], $0x8, s19, s12, $0xb8;
	[tilespmem:$0x3D50] =	vst v63  }
0xbb: {  	s19 =	sadd.s32 $0x5A0, s18  }
0xbc: {  	[spmem:s2] =	stream.indirect.scatter.add.f32 [tilespmem:s11], [sflag:$0x1], $0x8, s19, s12, $0xb8;
	[tilespmem:$0x3D50] =	vst v63  }
0xbd: {  	s19 =	sadd.s32 $0x5F0, s18  }
0xbe: {  	[spmem:s2] =	stream.indirect.scatter.add.f32 [tilespmem:s11], [sflag:$0x1], $0x8, s19, s12, $0xb8;
	[tilespmem:$0x3D50] =	vst v63  }
0xbf: {  	s19 =	sadd.s32 $0x640, s18  }
0xc0: {  	[spmem:s2] =	stream.indirect.scatter.add.f32 [tilespmem:s11], [sflag:$0x1], $0x8, s19, s12, $0xb8;
	[tilespmem:$0x3D50] =	vst v63  }
0xc1: {  	s19 =	sadd.s32 $0x690, s18  }
0xc2: {  	[spmem:s2] =	stream.indirect.scatter.add.f32 [tilespmem:s11], [sflag:$0x1], $0x8, s19, s12, $0xb8;
	[tilespmem:$0x3D50] =	vst v63  }
0xc3: {  	s19 =	sadd.s32 $0x6E0, s18  }
0xc4: {  	[spmem:s2] =	stream.indirect.scatter.add.f32 [tilespmem:s11], [sflag:$0x1], $0x8, s19, s12, $0xb8;
	[tilespmem:$0x3D50] =	vst v63  }
0xc5: {  	s19 =	sadd.s32 $0x730, s18  }
0xc6: {  	[spmem:s2] =	stream.indirect.scatter.add.f32 [tilespmem:s11], [sflag:$0x1], $0x8, s19, s12, $0xb8;
	[tilespmem:$0x3D50] =	vst v63  }
0xc7: {  	s18 =	sadd.s32 $0x780, s18  }
0xc8: {  	[spmem:s2] =	stream.indirect.scatter.add.f32 [tilespmem:s11], [sflag:$0x1], $0x8, s18, s12, $0xb8;
	[tilespmem:$0x3D50] =	vst v63  }
0xc9: {  	_ =	swait.ge [sflag:s13], $0x280  }
0xca: {  	[sflag:s13] =	ssyncset.done $0x0  }
0xcb: {  	[sflag:s13] =	ssyncadd.s32 $0xFFFFFD80  }
0xcc: {  	_ =	swait.ge [sflag:s13], $0x280  }
0xcd: {  	[sflag:s13] =	ssyncset.done $0x0  }
0xce: {  	[sflag:s13] =	ssyncadd.s32 $0xFFFFFD80  }
0xcf: {  	_ =	swait.ge [sflag:s13], $0x280  }
0xd0: {  	[sflag:s13] =	ssyncset.done $0x0  }
0xd1: {  	[sflag:s13] =	ssyncadd.s32 $0xFFFFFD80  }
0xd2: {  	_ =	swait.ge [sflag:s13], $0x280  }
0xd3: {  	[sflag:s13] =	ssyncset.done $0x0  }
0xd4: {  	[sflag:s13] =	ssyncadd.s32 $0xFFFFFD80  }
0xd5: {  	_ =	swait.ge [sflag:s13], $0x280  }
0xd6: {  	[sflag:s13] =	ssyncset.done $0x0  }
0xd7: {  	[sflag:s13] =	ssyncadd.s32 $0xFFFFFD80  }
0xd8: {  	_ =	swait.ge [sflag:s13], $0x280  }
0xd9: {  	[sflag:s13] =	ssyncset.done $0x0  }
0xda: {  	[sflag:s13] =	ssyncadd.s32 $0xFFFFFD80  }
0xdb: {  	_ =	swait.ge [sflag:s13], $0x280  }
0xdc: {  	[sflag:s13] =	ssyncset.done $0x0  }
0xdd: {  	[sflag:s13] =	ssyncadd.s32 $0xFFFFFD80  }
0xde: {  	_ =	swait.ge [sflag:s13], $0x280  }
0xdf: {  	[sflag:s13] =	ssyncset.done $0x0  }
0xe0: {  	[sflag:s13] =	ssyncadd.s32 $0xFFFFFD80  }
0xe1: {  	_ =	swait.ge [sflag:s13], $0x280  }
0xe2: {  	[sflag:s13] =	ssyncset.done $0x0  }
0xe3: {  	[sflag:s13] =	ssyncadd.s32 $0xFFFFFD80  }
0xe4: {  	_ =	swait.ge [sflag:s13], $0x280  }
0xe5: {  	[sflag:s13] =	ssyncset.done $0x0  }
0xe6: {  	[sflag:s13] =	ssyncadd.s32 $0xFFFFFD80  }
0xe7: {  	_ =	swait.ge [sflag:s13], $0x280  }
0xe8: {  	[sflag:s13] =	ssyncset.done $0x0  }
0xe9: {  	[sflag:s13] =	ssyncadd.s32 $0xFFFFFD80  }
0xea: {  	_ =	swait.ge [sflag:s13], $0x280  }
0xeb: {  	[sflag:s13] =	ssyncset.done $0x0  }
0xec: {  	[sflag:s13] =	ssyncadd.s32 $0xFFFFFD80  }
0xed: {  	_ =	swait.ge [sflag:s13], $0x280  }
0xee: {  	[sflag:s13] =	ssyncset.done $0x0  }
0xef: {  	[sflag:s13] =	ssyncadd.s32 $0xFFFFFD80  }
0xf0: {  	_ =	swait.ge [sflag:s13], $0x280  }
0xf1: {  	[sflag:s13] =	ssyncset.done $0x0  }
0xf2: {  	[sflag:s13] =	ssyncadd.s32 $0xFFFFFD80  }
0xf3: {  	_ =	swait.ge [sflag:s13], $0x280  }
0xf4: {  	[sflag:s13] =	ssyncset.done $0x0  }
0xf5: {  	[sflag:s13] =	ssyncadd.s32 $0xFFFFFD80  }
0xf6: {  	_ =	swait.ge [sflag:s13], $0x280  }
0xf7: {  	[sflag:s13] =	ssyncset.done $0x0  }
0xf8: {  	[sflag:s13] =	ssyncadd.s32 $0xFFFFFD80  }
0xf9: {  	_ =	swait.ge [sflag:s13], $0x280  }
0xfa: {  	[sflag:s13] =	ssyncset.done $0x0  }
0xfb: {  	[sflag:s13] =	ssyncadd.s32 $0xFFFFFD80  }
0xfc: {  	_ =	swait.ge [sflag:s13], $0x280  }
0xfd: {  	[sflag:s13] =	ssyncset.done $0x0  }
0xfe: {  	[sflag:s13] =	ssyncadd.s32 $0xFFFFFD80  }
0xff: {  	_ =	swait.ge [sflag:s13], $0x280  }
0x100: {  	[sflag:s13] =	ssyncset.done $0x0  }
0x101: {  	[sflag:s13] =	ssyncadd.s32 $0xFFFFFD80  }
0x102: {  	_ =	swait.ge [sflag:s13], $0x280  }
0x103: {  	[sflag:s13] =	ssyncset.done $0x0  }
0x104: {  	[sflag:s13] =	ssyncadd.s32 $0xFFFFFD80  }
0x105: {  	_ =	swait.ge [sflag:s13], $0x280  }
0x106: {  	[sflag:s13] =	ssyncset.done $0x0  }
0x107: {  	[sflag:s13] =	ssyncadd.s32 $0xFFFFFD80  }
0x108: {  	_ =	swait.ge [sflag:s13], $0x280  }
0x109: {  	[sflag:s13] =	ssyncset.done $0x0  }
0x10a: {  	[sflag:s13] =	ssyncadd.s32 $0xFFFFFD80  }
0x10b: {  	_ =	swait.ge [sflag:s13], $0x280  }
0x10c: {  	[sflag:s13] =	ssyncset.done $0x0  }
0x10d: {  	[sflag:s13] =	ssyncadd.s32 $0xFFFFFD80  }
.Ltmp0:
0x10e: {  	_ =	swait.ge [sflag:s13], $0x280;
	(pc) =	sbr.rel @p0 .LBB2_2-.Ltmp0, $4  }
0x10f: {  	[sflag:s13] =	ssyncset.done $0x0  }
0x110: {  	[sflag:s13] =	ssyncadd.s32 $0xFFFFFD80  }
0x111: {  	_ =	swait.ge [sflag:s13], $0x280  }
0x112: {  	s19 =	smov.u32 s17;
	[sflag:s13] =	ssyncset.done $0x0  }
0x113: {  	s16 =	sshra.s32 s16, $0x2;
	[sflag:s13] =	ssyncadd.s32 $0xFFFFFD80  }
0x114: {  	[spmem:s2] =	stream.indirect.scatter.add.f32 [tilespmem:s11], [sflag:$0x1], $0x8, s16, s12, $0xb8;
	[tilespmem:$0x3D50] =	vst v63  }
0x115: {  	s17 =	sadd.s32 $0x50, s16  }
0x116: {  	[spmem:s2] =	stream.indirect.scatter.add.f32 [tilespmem:s11], [sflag:$0x1], $0x8, s17, s12, $0xb8;
	[tilespmem:$0x3D50] =	vst v63  }
0x117: {  	s22 =	sadd.s32 $0xA0, s16  }
0x118: {  	[spmem:s2] =	stream.indirect.scatter.add.f32 [tilespmem:s11], [sflag:$0x1], $0x8, s22, s12, $0xb8;
	[tilespmem:$0x3D50] =	vst v63  }
0x119: {  	s23 =	sadd.s32 $0xF0, s16  }
0x11a: {  	[spmem:s2] =	stream.indirect.scatter.add.f32 [tilespmem:s11], [sflag:$0x1], $0x8, s23, s12, $0xb8;
	[tilespmem:$0x3D50] =	vst v63  }
0x11b: {  	s24 =	sadd.s32 $0x140, s16  }
0x11c: {  	[spmem:s2] =	stream.indirect.scatter.add.f32 [tilespmem:s11], [sflag:$0x1], $0x8, s24, s12, $0xb8;
	[tilespmem:$0x3D50] =	vst v63  }
0x11d: {  	s25 =	sadd.s32 $0x190, s16  }
0x11e: {  	[spmem:s2] =	stream.indirect.scatter.add.f32 [tilespmem:s11], [sflag:$0x1], $0x8, s25, s12, $0xb8;
	[tilespmem:$0x3D50] =	vst v63  }
0x11f: {  	s26 =	sadd.s32 $0x1E0, s16  }
0x120: {  	[spmem:s2] =	stream.indirect.scatter.add.f32 [tilespmem:s11], [sflag:$0x1], $0x8, s26, s12, $0xb8;
	[tilespmem:$0x3D50] =	vst v63  }
0x121: {  	s28 =	sadd.s32 $0x230, s16  }
0x122: {  	[spmem:s2] =	stream.indirect.scatter.add.f32 [tilespmem:s11], [sflag:$0x1], $0x8, s28, s12, $0xb8;
	[tilespmem:$0x3D50] =	vst v63  }
0x123: {  	s29 =	sadd.s32 $0x280, s16  }
0x124: {  	[spmem:s2] =	stream.indirect.scatter.add.f32 [tilespmem:s11], [sflag:$0x1], $0x8, s29, s12, $0xb8;
	[tilespmem:$0x3D50] =	vst v63  }
0x125: {  	s30 =	sadd.s32 $0x2D0, s16  }
0x126: {  	[spmem:s2] =	stream.indirect.scatter.add.f32 [tilespmem:s11], [sflag:$0x1], $0x8, s30, s12, $0xb8;
	[tilespmem:$0x3D50] =	vst v63  }
0x127: {  	s31 =	sadd.s32 $0x320, s16  }
0x128: {  	[spmem:s2] =	stream.indirect.scatter.add.f32 [tilespmem:s11], [sflag:$0x1], $0x8, s31, s12, $0xb8;
	[tilespmem:$0x3D50] =	vst v63  }
0x129: {  	s18 =	sadd.s32 $0x370, s16  }
0x12a: {  	[spmem:s2] =	stream.indirect.scatter.add.f32 [tilespmem:s11], [sflag:$0x1], $0x8, s18, s12, $0xb8;
	[tilespmem:$0x3D50] =	vst v63  }
0x12b: {  	s19 =	sadd.s32 $0x3C0, s16  }
0x12c: {  	[spmem:s2] =	stream.indirect.scatter.add.f32 [tilespmem:s11], [sflag:$0x1], $0x8, s19, s12, $0xb8;
	[tilespmem:$0x3D50] =	vst v63  }
0x12d: {  	s20 =	sadd.s32 $0x410, s16  }
0x12e: {  	[spmem:s2] =	stream.indirect.scatter.add.f32 [tilespmem:s11], [sflag:$0x1], $0x8, s20, s12, $0xb8;
	[tilespmem:$0x3D50] =	vst v63  }
0x12f: {  	s21 =	sadd.s32 $0x460, s16  }
0x130: {  	[spmem:s2] =	stream.indirect.scatter.add.f32 [tilespmem:s11], [sflag:$0x1], $0x8, s21, s12, $0xb8;
	[tilespmem:$0x3D50] =	vst v63  }
0x131: {  	s22 =	sadd.s32 $0x4B0, s16  }
0x132: {  	[spmem:s2] =	stream.indirect.scatter.add.f32 [tilespmem:s11], [sflag:$0x1], $0x8, s22, s12, $0xb8;
	[tilespmem:$0x3D50] =	vst v63  }
0x133: {  	s23 =	sadd.s32 $0x500, s16  }
0x134: {  	[spmem:s2] =	stream.indirect.scatter.add.f32 [tilespmem:s11], [sflag:$0x1], $0x8, s23, s12, $0xb8;
	[tilespmem:$0x3D50] =	vst v63  }
0x135: {  	s24 =	sadd.s32 $0x550, s16  }
0x136: {  	[spmem:s2] =	stream.indirect.scatter.add.f32 [tilespmem:s11], [sflag:$0x1], $0x8, s24, s12, $0xb8;
	[tilespmem:$0x3D50] =	vst v63  }
0x137: {  	s25 =	sadd.s32 $0x5A0, s16  }
0x138: {  	[spmem:s2] =	stream.indirect.scatter.add.f32 [tilespmem:s11], [sflag:$0x1], $0x8, s25, s12, $0xb8;
	[tilespmem:$0x3D50] =	vst v63  }
0x139: {  	s26 =	sadd.s32 $0x5F0, s16  }
0x13a: {  	[spmem:s2] =	stream.indirect.scatter.add.f32 [tilespmem:s11], [sflag:$0x1], $0x8, s26, s12, $0xb8;
	[tilespmem:$0x3D50] =	vst v63  }
0x13b: {  	s28 =	sadd.s32 $0x640, s16  }
0x13c: {  	[spmem:s2] =	stream.indirect.scatter.add.f32 [tilespmem:s11], [sflag:$0x1], $0x8, s28, s12, $0xb8;
	[tilespmem:$0x3D50] =	vst v63  }
0x13d: {  	s29 =	sadd.s32 $0x690, s16  }
0x13e: {  	[spmem:s2] =	stream.indirect.scatter.add.f32 [tilespmem:s11], [sflag:$0x1], $0x8, s29, s12, $0xb8;
	[tilespmem:$0x3D50] =	vst v63  }
0x13f: {  	s30 =	sadd.s32 $0x6E0, s16  }
0x140: {  	[spmem:s2] =	stream.indirect.scatter.add.f32 [tilespmem:s11], [sflag:$0x1], $0x8, s30, s12, $0xb8;
	[tilespmem:$0x3D50] =	vst v63  }
0x141: {  	s31 =	sadd.s32 $0x730, s16  }
0x142: {  	[spmem:s2] =	stream.indirect.scatter.add.f32 [tilespmem:s11], [sflag:$0x1], $0x8, s31, s12, $0xb8;
	[tilespmem:$0x3D50] =	vst v63  }
0x143: {  	s16 =	sadd.s32 $0x780, s16  }
0x144: {  	[spmem:s2] =	stream.indirect.scatter.add.f32 [tilespmem:s11], [sflag:$0x1], $0x8, s16, s12, $0xb8;
	[tilespmem:$0x3D50] =	vst v63  }
0x145: {  	_ =	swait.ge [sflag:s13], $0x280  }
0x146: {  	[sflag:s13] =	ssyncset.done $0x0  }
0x147: {  	[sflag:s13] =	ssyncadd.s32 $0xFFFFFD80  }
0x148: {  	_ =	swait.ge [sflag:s13], $0x280  }
0x149: {  	[sflag:s13] =	ssyncset.done $0x0  }
0x14a: {  	[sflag:s13] =	ssyncadd.s32 $0xFFFFFD80  }
0x14b: {  	_ =	swait.ge [sflag:s13], $0x280  }
0x14c: {  	[sflag:s13] =	ssyncset.done $0x0  }
0x14d: {  	[sflag:s13] =	ssyncadd.s32 $0xFFFFFD80  }
0x14e: {  	_ =	swait.ge [sflag:s13], $0x280  }
0x14f: {  	[sflag:s13] =	ssyncset.done $0x0  }
0x150: {  	[sflag:s13] =	ssyncadd.s32 $0xFFFFFD80  }
0x151: {  	_ =	swait.ge [sflag:s13], $0x280  }
0x152: {  	[sflag:s13] =	ssyncset.done $0x0  }
0x153: {  	[sflag:s13] =	ssyncadd.s32 $0xFFFFFD80  }
0x154: {  	_ =	swait.ge [sflag:s13], $0x280  }
0x155: {  	[sflag:s13] =	ssyncset.done $0x0  }
0x156: {  	[sflag:s13] =	ssyncadd.s32 $0xFFFFFD80  }
0x157: {  	_ =	swait.ge [sflag:s13], $0x280  }
0x158: {  	[sflag:s13] =	ssyncset.done $0x0  }
0x159: {  	[sflag:s13] =	ssyncadd.s32 $0xFFFFFD80  }
0x15a: {  	_ =	swait.ge [sflag:s13], $0x280  }
0x15b: {  	[sflag:s13] =	ssyncset.done $0x0  }
0x15c: {  	[sflag:s13] =	ssyncadd.s32 $0xFFFFFD80  }
0x15d: {  	_ =	swait.ge [sflag:s13], $0x280  }
0x15e: {  	[sflag:s13] =	ssyncset.done $0x0  }
0x15f: {  	[sflag:s13] =	ssyncadd.s32 $0xFFFFFD80  }
0x160: {  	_ =	swait.ge [sflag:s13], $0x280  }
0x161: {  	[sflag:s13] =	ssyncset.done $0x0  }
0x162: {  	[sflag:s13] =	ssyncadd.s32 $0xFFFFFD80  }
0x163: {  	_ =	swait.ge [sflag:s13], $0x280  }
0x164: {  	[sflag:s13] =	ssyncset.done $0x0  }
0x165: {  	[sflag:s13] =	ssyncadd.s32 $0xFFFFFD80  }
0x166: {  	_ =	swait.ge [sflag:s13], $0x280  }
0x167: {  	[sflag:s13] =	ssyncset.done $0x0  }
0x168: {  	[sflag:s13] =	ssyncadd.s32 $0xFFFFFD80  }
0x169: {  	_ =	swait.ge [sflag:s13], $0x280  }
0x16a: {  	[sflag:s13] =	ssyncset.done $0x0  }
0x16b: {  	[sflag:s13] =	ssyncadd.s32 $0xFFFFFD80  }
0x16c: {  	_ =	swait.ge [sflag:s13], $0x280  }
0x16d: {  	[sflag:s13] =	ssyncset.done $0x0  }
0x16e: {  	[sflag:s13] =	ssyncadd.s32 $0xFFFFFD80  }
0x16f: {  	_ =	swait.ge [sflag:s13], $0x280  }
0x170: {  	[sflag:s13] =	ssyncset.done $0x0  }
0x171: {  	[sflag:s13] =	ssyncadd.s32 $0xFFFFFD80  }
0x172: {  	_ =	swait.ge [sflag:s13], $0x280  }
0x173: {  	[sflag:s13] =	ssyncset.done $0x0  }
0x174: {  	[sflag:s13] =	ssyncadd.s32 $0xFFFFFD80  }
0x175: {  	_ =	swait.ge [sflag:s13], $0x280  }
0x176: {  	[sflag:s13] =	ssyncset.done $0x0  }
0x177: {  	[sflag:s13] =	ssyncadd.s32 $0xFFFFFD80  }
0x178: {  	_ =	swait.ge [sflag:s13], $0x280  }
0x179: {  	[sflag:s13] =	ssyncset.done $0x0  }
0x17a: {  	[sflag:s13] =	ssyncadd.s32 $0xFFFFFD80  }
0x17b: {  	_ =	swait.ge [sflag:s13], $0x280  }
0x17c: {  	[sflag:s13] =	ssyncset.done $0x0  }
0x17d: {  	[sflag:s13] =	ssyncadd.s32 $0xFFFFFD80  }
0x17e: {  	_ =	swait.ge [sflag:s13], $0x280  }
0x17f: {  	[sflag:s13] =	ssyncset.done $0x0  }
0x180: {  	[sflag:s13] =	ssyncadd.s32 $0xFFFFFD80  }
0x181: {  	_ =	swait.ge [sflag:s13], $0x280  }
0x182: {  	[sflag:s13] =	ssyncset.done $0x0  }
0x183: {  	[sflag:s13] =	ssyncadd.s32 $0xFFFFFD80  }
0x184: {  	_ =	swait.ge [sflag:s13], $0x280  }
0x185: {  	[sflag:s13] =	ssyncset.done $0x0  }
0x186: {  	[sflag:s13] =	ssyncadd.s32 $0xFFFFFD80  }
0x187: {  	_ =	swait.ge [sflag:s13], $0x280  }
0x188: {  	[sflag:s13] =	ssyncset.done $0x0  }
0x189: {  	[sflag:s13] =	ssyncadd.s32 $0xFFFFFD80  }
0x18a: {  	_ =	swait.ge [sflag:s13], $0x280  }
0x18b: {  	[sflag:s13] =	ssyncset.done $0x0  }
0x18c: {  	[sflag:s13] =	ssyncadd.s32 $0xFFFFFD80  }
0x18d: {  	_ =	swait.ge [sflag:s13], $0x280  }
0x18e: {  	s15 =	sadd.s32 $0x1, s15;
	[sflag:s13] =	ssyncset.done $0x0  }
0x18f: {  	p0 =	sne.s32 s15, s8;
	[sflag:s13] =	ssyncadd.s32 $0xFFFFFD80  }
.Ltmp1:
0x190: {  	[bflag:$0x0] =	sbarrier.arrive $0xFFFF;
	(pc) =	sbr.rel @p0 .LBB2_1-.Ltmp1, $4  }
0x191: {  	[hbm:s14], [sflag:s6] =	dma.local [spmem:s9], $0x278  }
0x192: {  	_ =	swait.ge [sflag:s10], $0x278  }
0x193: {  	[sflag:s10] =	ssyncset.done $0x0  }
0x194: {  	[sflag:s10] =	ssyncadd.s32 $0xFFFFFD88  }
0x195: {  	_ =	sfence.sel $0x180000  }
0x196: {  	[bflag:$0x0] =	sbarrier.arrive $0xFFFF  }
0x197: {  	p0 =	sne.s32 s1, $0x0;
	_ =	strace $0x90000047  }
0x198: {  	s0 =	sadd.s32 @!p0 $0x100000, s0;
	[bflag:$0x2] =	sbarrier.arrive $0xFFFF  }
0x199: {  	[sflag:s0] =	ssyncadd.tile.s32 @!p0 $0x1;
	_ =	shalt  }
.Lfunc_end2:
_tile_overlayer_lowered:
.L_overlay_start_2:
0x19a: {  	(tag) =	ssettag $0x2  }
0x19b: {  	s0 =	rddreg [dreg:$0x0];
	s2 =	stileid.u32  }
0x19c: {  	s1 =	rddreg [dreg:$0x1];
	p0 =	sne.s32 s2, $0x0  }
0x19d: {  	s3 =	rddreg [dreg:$0x2];
	[bflag:$0x3] =	sbarrier.arrive $0xFFFF;
	s2 =	simm.s32 @!p0 $0x1C02  }
0x19e: {  	[timem:s3], [sflag:s2] =	dma.local @!p0 [hbm:s0], s1  }
0x19f: {  	s0 =	simm.s32 @!p0 $0x2  }
0x1a0: {  	_ =	swait.ge @!p0 [sflag:s0], s1  }
0x1a1: {  	s1 =	ssub.s32 @!p0 $0x0, s1;
	[sflag:s0] =	ssyncset.done @!p0 $0x0  }
0x1a2: {  	[sflag:s0] =	ssyncadd.s32 @!p0 s1  }
0x1a3: {  	[bflag:$0x3] =	sbarrier.arrive $0xFFFF  }
0x1a4: {  	_ =	shalt  }

</sc_bundles>
